<compile_context>
chip_gen: v7x
topology: tpu7x:2x2x1
jax: 0.10.2.dev20260603
libtpu: 0.0.44.dev20260713+nightly
codegen_flags: <defaults>
</compile_context>

<pallas_src>
import functools

import jax
import jax.numpy as jnp
from jax import lax
from jax.experimental import pallas as pl
from jax.experimental.pallas import tpu as pltpu
from jax.experimental.pallas import tpu_sc as plsc

NC = 2
NS = 16
NW = NC * NS
CHUNK = 128
NBUF = 4

N = 10000
NP = 10240
RPT = NP // NS
E = 320000
CPT = 80
EP = NW * CPT * CHUNK
CPT0 = 156
CPT1 = 4
H = 64
CP = 16

_mesh = plsc.VectorSubcoreMesh(core_axis_name="c", subcore_axis_name="s")
_sc_params = pltpu.CompilerParams(use_tc_tiling_on_sc=False)



@functools.partial(
    pl.kernel,
    out_type=jax.ShapeDtypeStruct((NC, NP), jnp.float32),
    mesh=_mesh,
    scratch_types=[
        pltpu.VMEM((CPT, CHUNK), jnp.int32),
        pltpu.VMEM((CHUNK,), jnp.float32),
        pltpu.VMEM_SHARED((NP,), jnp.float32),
    ],
    compiler_params=_sc_params,
)
def _sc_degree(dst_hbm, zero_hbm, out_hbm, dst_v, ones_v, acc):
    c = lax.axis_index("c")
    s = lax.axis_index("s")
    base = (c * NS + s) * CPT
    pltpu.sync_copy(dst_hbm.at[pl.ds(base, CPT)], dst_v)
    for i in range(CHUNK // 16):
        ones_v[pl.ds(i * 16, 16)] = jnp.ones((16,), jnp.float32)
    pltpu.sync_copy(zero_hbm.at[pl.ds(s * RPT, RPT)],
                    acc.at[pl.ds(s * RPT, RPT)])
    plsc.subcore_barrier()

    def body(j, carry):
        pltpu.sync_copy(ones_v, acc.at[dst_v.at[j]], add=True)
        return carry

    lax.fori_loop(0, CPT, body, 0)
    plsc.subcore_barrier()
    pltpu.sync_copy(acc.at[pl.ds(s * RPT, RPT)],
                    out_hbm.at[c, pl.ds(s * RPT, RPT)])


def _make_sc_agg(w):

    @functools.partial(
        pl.kernel,
        out_type=jax.ShapeDtypeStruct((NC, NP, w), jnp.float32),
        mesh=_mesh,
        scratch_types=[
            pltpu.VMEM((CPT0, CHUNK), jnp.int32),
            pltpu.VMEM((CPT0, CHUNK), jnp.int32),
            pltpu.VMEM((NBUF, CHUNK, w), jnp.float32),
            pltpu.VMEM_SHARED((NP, w), jnp.float32),
        ] + [pltpu.SemaphoreType.DMA] * NBUF,
        compiler_params=_sc_params,
    )
    def k(y_hbm, src_hbm, dst_hbm, zero_hbm, out_hbm,
          src_v, dst_v, bufs, acc, *sems):
        c = lax.axis_index("c")
        s = lax.axis_index("s")

        @pl.when(c == 0)
        def _():
            pltpu.sync_copy(src_hbm.at[pl.ds(s * CPT0, CPT0)], src_v)
            pltpu.sync_copy(dst_hbm.at[pl.ds(s * CPT0, CPT0)], dst_v)

        @pl.when(c == 1)
        def _():
            b1 = NS * CPT0 + s * CPT1
            pltpu.sync_copy(src_hbm.at[pl.ds(b1, CPT1)],
                            src_v.at[pl.ds(0, CPT1)])
            pltpu.sync_copy(dst_hbm.at[pl.ds(b1, CPT1)],
                            dst_v.at[pl.ds(0, CPT1)])

        pltpu.sync_copy(zero_hbm.at[pl.ds(s * RPT, RPT)],
                        acc.at[pl.ds(s * RPT, RPT)])
        plsc.subcore_barrier()

        cnt = jnp.where(c == 0, CPT0, CPT1)

        for q in range(NBUF):
            pltpu.async_copy(y_hbm.at[src_v.at[q]], bufs.at[q], sems[q])

        def body(p, carry):
            for q in range(NBUF):
                j = NBUF * p + q
                pltpu.make_async_copy(y_hbm.at[src_v.at[j]],
                                      bufs.at[q], sems[q]).wait()
                pltpu.sync_copy(bufs.at[q], acc.at[dst_v.at[j]],
                                add=True)

                @pl.when(j + NBUF < cnt)
                def _():
                    pltpu.async_copy(y_hbm.at[src_v.at[j + NBUF]],
                                     bufs.at[q], sems[q])
            return carry

        lax.fori_loop(0, cnt // NBUF, body, 0)
        plsc.subcore_barrier()
        pltpu.sync_copy(acc.at[pl.ds(s * RPT, RPT)],
                        out_hbm.at[c, pl.ds(s * RPT, RPT)])

    return k


_sc_agg_h = _make_sc_agg(H)
_sc_agg_c = _make_sc_agg(CP)



def _tc_prep_body(x_ref, w_ref, deg_ref, y_ref, dinv_ref):
    deg = deg_ref[0, :] + deg_ref[1, :] + 1.0
    dinv = lax.rsqrt(deg)[:, None]
    y_ref[...] = jnp.dot(x_ref[...], w_ref[...],
                         preferred_element_type=jnp.float32) * dinv
    dinv_ref[...] = dinv


def _tc_prep(xp, w0, degp):
    return pl.pallas_call(
        _tc_prep_body,
        out_shape=(jax.ShapeDtypeStruct((NP, H), jnp.float32),
                   jax.ShapeDtypeStruct((NP, 1), jnp.float32)),
    )(xp, w0, degp)


def _tc_mid1_body(y_ref, p_ref, dinv_ref, b_ref, w_ref, y1_ref, h_ref):
    dinv = dinv_ref[...]
    agg = p_ref[0] + p_ref[1] + y_ref[...]
    h = jnp.maximum(dinv * agg + b_ref[...][None, :], 0.0)
    h_ref[...] = h
    y1_ref[...] = jnp.dot(h, w_ref[...],
                          preferred_element_type=jnp.float32) * dinv


def _tc_mid1(y0, p0, dinv, b0, w1):
    return pl.pallas_call(
        _tc_mid1_body,
        out_shape=(jax.ShapeDtypeStruct((NP, H), jnp.float32),
                   jax.ShapeDtypeStruct((NP, H), jnp.float32)),
    )(y0, p0, dinv, b0, w1)


def _tc_mid2_body(y_ref, p_ref, dinv_ref, b_ref, hres_ref, w_ref, y2_ref):
    dinv = dinv_ref[...]
    agg = p_ref[0] + p_ref[1] + y_ref[...]
    h = jnp.maximum(dinv * agg + b_ref[...][None, :], 0.0) + hres_ref[...]
    y2_ref[...] = jnp.dot(h, w_ref[...],
                          preferred_element_type=jnp.float32) * dinv


def _tc_mid2(y1, p1, dinv, b1, h0, w2p):
    return pl.pallas_call(
        _tc_mid2_body,
        out_shape=jax.ShapeDtypeStruct((NP, CP), jnp.float32),
    )(y1, p1, dinv, b1, h0, w2p)


def _tc_final_body(y_ref, p_ref, dinv_ref, b_ref, out_ref):
    dinv = dinv_ref[...]
    o = dinv * (p_ref[0] + p_ref[1] + y_ref[...]) + b_ref[...][None, :]
    logits = o[:N, :7]
    m = jnp.max(logits, axis=1, keepdims=True)
    z = jnp.exp(logits - m)
    lse = jnp.log(jnp.sum(z, axis=1, keepdims=True)) + m
    out_ref[...] = logits - lse


def _tc_final(y2, p2, dinv, b2p):
    return pl.pallas_call(
        _tc_final_body,
        out_shape=jax.ShapeDtypeStruct((N, 7), jnp.float32),
    )(y2, p2, dinv, b2p)



def kernel(x, edge_index, W0, b0, W1, b1, W2, b2):
    src = edge_index[0]
    dst = edge_index[1]
    pad_e = EP - E
    pad_idx = jnp.full((pad_e,), N, jnp.int32)
    srcp = jnp.concatenate([src, pad_idx]).reshape(NW * CPT, CHUNK)
    dstp = jnp.concatenate([dst, pad_idx]).reshape(NW * CPT, CHUNK)
    xp = jnp.pad(x, ((0, NP - N), (0, 0)))
    w2p = jnp.pad(W2, ((0, 0), (0, CP - 7)))
    b2p = jnp.pad(b2, (0, CP - 7))
    z1 = jnp.zeros((NP,), jnp.float32)
    zh = jnp.zeros((NP, H), jnp.float32)
    zc = jnp.zeros((NP, CP), jnp.float32)

    degp = _sc_degree(dstp, z1)
    y0, dinv = _tc_prep(xp, W0, degp)
    p0 = _sc_agg_h(y0, srcp, dstp, zh)
    y1, h0 = _tc_mid1(y0, p0, dinv, b0, W1)
    p1 = _sc_agg_h(y1, srcp, dstp, zh)
    y2 = _tc_mid2(y1, p1, dinv, b1, h0, w2p)
    p2 = _sc_agg_c(y2, srcp, dstp, zc)
    return _tc_final(y2, p2, dinv, b2p)

# --- scband reference (transcript-rebuilt; emitter-appended) ---
"""Pipeline reference for scband-deep-gcn-40699110097665 (READ-ONLY COPY).

The authoritative reference and input builder live on the scoring server;
editing this copy changes nothing except your own understanding.
"""

import jax, jax.numpy as jnp
import numpy as np

N = 10000
E = 320000
F_IN = 128
H = 64
C = 7


def setup_inputs(seed: int = 0) -> dict:
    key = jax.random.key(seed)
    ks = jax.random.split(key, 8)
    x = jax.random.normal(ks[0], (N, F_IN), dtype=jnp.float32)
    edge_index = jax.random.randint(ks[1], (2, E), 0, N, dtype=jnp.int32)
    W0 = jax.random.normal(ks[2], (F_IN, H), dtype=jnp.float32) * (1.0 / np.sqrt(F_IN))
    b0 = jnp.zeros((H,), dtype=jnp.float32)
    W1 = jax.random.normal(ks[3], (H, H), dtype=jnp.float32) * (1.0 / np.sqrt(H))
    b1 = jnp.zeros((H,), dtype=jnp.float32)
    W2 = jax.random.normal(ks[4], (H, C), dtype=jnp.float32) * (1.0 / np.sqrt(H))
    b2 = jnp.zeros((C,), dtype=jnp.float32)
    return {"x": x, "edge_index": edge_index, "W0": W0, "b0": b0, "W1": W1, "b1": b1, "W2": W2, "b2": b2}


def _gcn_conv(x, src, dst, W, b, n):
    # PyG-style GCNConv: D^{-1/2} (A + I) D^{-1/2} X W + b
    xl = x @ W
    loop = jnp.arange(n, dtype=src.dtype)
    s = jnp.concatenate([src, loop])
    d = jnp.concatenate([dst, loop])
    deg = jax.ops.segment_sum(jnp.ones_like(s, dtype=xl.dtype), d, num_segments=n)
    dinv = jax.lax.rsqrt(jnp.maximum(deg, 1.0))
    norm = dinv[s] * dinv[d]
    msg = xl[s] * norm[:, None]
    out = jax.ops.segment_sum(msg, d, num_segments=n)
    return out + b


def reference(x, edge_index, W0, b0, W1, b1, W2, b2):
    src = edge_index[0]
    dst = edge_index[1]
    n = x.shape[0]
    # input conv + relu (dropout is identity in eval mode)
    h = jax.nn.relu(_gcn_conv(x, src, dst, W0, b0, n))
    # one hidden conv (num_layers=3 -> num_layers-2 = 1) with residual
    r = h
    h = jax.nn.relu(_gcn_conv(h, src, dst, W1, b1, n))
    h = h + r
    # output conv
    out = _gcn_conv(h, src, dst, W2, b2, n)
    return jax.nn.log_softmax(out, axis=1)

if __name__ == "__main__":
    import jax
    _d = setup_inputs()
    print(jax.jit(kernel)(*tuple(_d.values())))

</pallas_src>

<mosaic_0001>
#map = affine_map<(d0, d1) -> (0, 0)>
#map1 = affine_map<(d0, d1) -> (0, 0, 0)>
module attributes {stable_mosaic.version = 14 : i64} {
  func.func @k(%arg0: i32, %arg1: i32, %arg2: memref<10240x64xf32, #tpu.memory_space<hbm>>, %arg3: memref<2560x128xi32, #tpu.memory_space<hbm>>, %arg4: memref<2560x128xi32, #tpu.memory_space<hbm>>, %arg5: memref<10240x64xf32, #tpu.memory_space<hbm>>, %arg6: memref<2x10240x64xf32, #tpu.memory_space<hbm>>, %arg7: memref<156x128xi32, #tpu.memory_space<vmem>>, %arg8: memref<156x128xi32, #tpu.memory_space<vmem>>, %arg9: memref<4x128x64xf32, #tpu.memory_space<vmem>>, %arg10: memref<10240x64xf32, #tpu.memory_space<vmem_shared>>, %arg11: memref<!tpu.dma_semaphore, #tpu.memory_space<semaphore_mem>>, %arg12: memref<!tpu.dma_semaphore, #tpu.memory_space<semaphore_mem>>, %arg13: memref<!tpu.dma_semaphore, #tpu.memory_space<semaphore_mem>>, %arg14: memref<!tpu.dma_semaphore, #tpu.memory_space<semaphore_mem>>) attributes {dimension_semantics = [#tpu.dimension_semantics<core_parallel>, #tpu.dimension_semantics<subcore_parallel>], iteration_bounds = array<i64: 2, 16>, scalar_prefetch = 0 : i64, scratch_operands = 8 : i64, tpu.core_type = #tpu.core_type<sc_vector_subcore>, window_params = [{transform_indices = #map}, {transform_indices = #map}, {transform_indices = #map}, {transform_indices = #map}, {transform_indices = #map1}]} {
    %eq3A = arith.constant 0 : i32
    %eq3A_0 = arith.cmpi eq, %arg0, %eq3A : i32
    %convert_element_type3A = arith.extui %eq3A_0 : i1 to i32
    %cond3A = arith.constant 0 : i32
    %cond3A_1 = arith.cmpi ne, %convert_element_type3A, %cond3A : i32
    scf.if %cond3A_1 {
      %mul3A_92 = arith.constant 156 : i32
      %mul3A_93 = arith.muli %arg1, %mul3A_92 : i32
      "tpu.region"() ({
        %run_scoped3A = tpu.sem_alloc : memref<!tpu.dma_semaphore, #tpu.memory_space<semaphore_mem>>
        %dma_start3A_96 = arith.constant 0 : i32
        %dma_start3A_97 = tpu.memref_slice %arg3[%mul3A_93, %dma_start3A_96] : memref<2560x128xi32, #tpu.memory_space<hbm>> -> memref<156x128xi32, #tpu.memory_space<hbm>>
        %dma_start3A_98 = arith.constant 0 : i32
        %dma_start3A_99 = tpu.memref_slice %arg3[%mul3A_93, %dma_start3A_98] : memref<2560x128xi32, #tpu.memory_space<hbm>> -> memref<156x128xi32, #tpu.memory_space<hbm>>
        tpu.enqueue_dma source(%dma_start3A_99 : memref<156x128xi32, #tpu.memory_space<hbm>>) target(%arg7 : memref<156x128xi32, #tpu.memory_space<vmem>>) target_semaphore(%run_scoped3A : memref<!tpu.dma_semaphore, #tpu.memory_space<semaphore_mem>>)
        %dma_wait3A = arith.constant 0 : i32
        %dma_wait3A_100 = tpu.memref_slice %arg3[%mul3A_93, %dma_wait3A] : memref<2560x128xi32, #tpu.memory_space<hbm>> -> memref<156x128xi32, #tpu.memory_space<hbm>>
        %dma_wait3A_101 = arith.constant 0 : i32
        %dma_wait3A_102 = tpu.memref_slice %arg3[%mul3A_93, %dma_wait3A_101] : memref<2560x128xi32, #tpu.memory_space<hbm>> -> memref<156x128xi32, #tpu.memory_space<hbm>>
        tpu.wait_dma2 semaphore(%run_scoped3A : memref<!tpu.dma_semaphore, #tpu.memory_space<semaphore_mem>>) src(%dma_wait3A_102 : memref<156x128xi32, #tpu.memory_space<hbm>>) dst(%arg7 : memref<156x128xi32, #tpu.memory_space<vmem>>)
        tpu.yield
      }) : () -> ()
      %mul3A_94 = arith.constant 156 : i32
      %mul3A_95 = arith.muli %arg1, %mul3A_94 : i32
      "tpu.region"() ({
        %run_scoped3A = tpu.sem_alloc : memref<!tpu.dma_semaphore, #tpu.memory_space<semaphore_mem>>
        %dma_start3A_96 = arith.constant 0 : i32
        %dma_start3A_97 = tpu.memref_slice %arg4[%mul3A_95, %dma_start3A_96] : memref<2560x128xi32, #tpu.memory_space<hbm>> -> memref<156x128xi32, #tpu.memory_space<hbm>>
        %dma_start3A_98 = arith.constant 0 : i32
        %dma_start3A_99 = tpu.memref_slice %arg4[%mul3A_95, %dma_start3A_98] : memref<2560x128xi32, #tpu.memory_space<hbm>> -> memref<156x128xi32, #tpu.memory_space<hbm>>
        tpu.enqueue_dma source(%dma_start3A_99 : memref<156x128xi32, #tpu.memory_space<hbm>>) target(%arg8 : memref<156x128xi32, #tpu.memory_space<vmem>>) target_semaphore(%run_scoped3A : memref<!tpu.dma_semaphore, #tpu.memory_space<semaphore_mem>>)
        %dma_wait3A = arith.constant 0 : i32
        %dma_wait3A_100 = tpu.memref_slice %arg4[%mul3A_95, %dma_wait3A] : memref<2560x128xi32, #tpu.memory_space<hbm>> -> memref<156x128xi32, #tpu.memory_space<hbm>>
        %dma_wait3A_101 = arith.constant 0 : i32
        %dma_wait3A_102 = tpu.memref_slice %arg4[%mul3A_95, %dma_wait3A_101] : memref<2560x128xi32, #tpu.memory_space<hbm>> -> memref<156x128xi32, #tpu.memory_space<hbm>>
        tpu.wait_dma2 semaphore(%run_scoped3A : memref<!tpu.dma_semaphore, #tpu.memory_space<semaphore_mem>>) src(%dma_wait3A_102 : memref<156x128xi32, #tpu.memory_space<hbm>>) dst(%arg8 : memref<156x128xi32, #tpu.memory_space<vmem>>)
        tpu.yield
      }) : () -> ()
    } else {
    }
    %eq3A_2 = arith.constant 1 : i32
    %eq3A_3 = arith.cmpi eq, %arg0, %eq3A_2 : i32
    %convert_element_type3A_4 = arith.extui %eq3A_3 : i1 to i32
    %cond3A_5 = arith.constant 0 : i32
    %cond3A_6 = arith.cmpi ne, %convert_element_type3A_4, %cond3A_5 : i32
    scf.if %cond3A_6 {
      %mul3A_92 = arith.constant 4 : i32
      %mul3A_93 = arith.muli %arg1, %mul3A_92 : i32
      %add3A = arith.constant 2496 : i32
      %add3A_94 = arith.addi %add3A, %mul3A_93 : i32
      "tpu.region"() ({
        %run_scoped3A = tpu.sem_alloc : memref<!tpu.dma_semaphore, #tpu.memory_space<semaphore_mem>>
        %dma_start3A_95 = arith.constant 0 : i32
        %dma_start3A_96 = arith.constant 0 : i32
        %dma_start3A_97 = tpu.memref_slice %arg7[%dma_start3A_95, %dma_start3A_96] : memref<156x128xi32, #tpu.memory_space<vmem>> -> memref<4x128xi32, #tpu.memory_space<vmem>>
        %dma_start3A_98 = arith.constant 0 : i32
        %dma_start3A_99 = tpu.memref_slice %arg3[%add3A_94, %dma_start3A_98] : memref<2560x128xi32, #tpu.memory_space<hbm>> -> memref<4x128xi32, #tpu.memory_space<hbm>>
        %dma_start3A_100 = arith.constant 0 : i32
        %dma_start3A_101 = arith.constant 0 : i32
        %dma_start3A_102 = tpu.memref_slice %arg7[%dma_start3A_100, %dma_start3A_101] : memref<156x128xi32, #tpu.memory_space<vmem>> -> memref<4x128xi32, #tpu.memory_space<vmem>>
        %dma_start3A_103 = arith.constant 0 : i32
        %dma_start3A_104 = tpu.memref_slice %arg3[%add3A_94, %dma_start3A_103] : memref<2560x128xi32, #tpu.memory_space<hbm>> -> memref<4x128xi32, #tpu.memory_space<hbm>>
        tpu.enqueue_dma source(%dma_start3A_104 : memref<4x128xi32, #tpu.memory_space<hbm>>) target(%dma_start3A_102 : memref<4x128xi32, #tpu.memory_space<vmem>>) target_semaphore(%run_scoped3A : memref<!tpu.dma_semaphore, #tpu.memory_space<semaphore_mem>>)
        %dma_wait3A = arith.constant 0 : i32
        %dma_wait3A_105 = arith.constant 0 : i32
        %dma_wait3A_106 = tpu.memref_slice %arg7[%dma_wait3A, %dma_wait3A_105] : memref<156x128xi32, #tpu.memory_space<vmem>> -> memref<4x128xi32, #tpu.memory_space<vmem>>
        %dma_wait3A_107 = arith.constant 0 : i32
        %dma_wait3A_108 = tpu.memref_slice %arg3[%add3A_94, %dma_wait3A_107] : memref<2560x128xi32, #tpu.memory_space<hbm>> -> memref<4x128xi32, #tpu.memory_space<hbm>>
        %dma_wait3A_109 = arith.constant 0 : i32
        %dma_wait3A_110 = arith.constant 0 : i32
        %dma_wait3A_111 = tpu.memref_slice %arg7[%dma_wait3A_109, %dma_wait3A_110] : memref<156x128xi32, #tpu.memory_space<vmem>> -> memref<4x128xi32, #tpu.memory_space<vmem>>
        %dma_wait3A_112 = arith.constant 0 : i32
        %dma_wait3A_113 = tpu.memref_slice %arg3[%add3A_94, %dma_wait3A_112] : memref<2560x128xi32, #tpu.memory_space<hbm>> -> memref<4x128xi32, #tpu.memory_space<hbm>>
        tpu.wait_dma2 semaphore(%run_scoped3A : memref<!tpu.dma_semaphore, #tpu.memory_space<semaphore_mem>>) src(%dma_wait3A_113 : memref<4x128xi32, #tpu.memory_space<hbm>>) dst(%dma_wait3A_111 : memref<4x128xi32, #tpu.memory_space<vmem>>)
        tpu.yield
      }) : () -> ()
      "tpu.region"() ({
        %run_scoped3A = tpu.sem_alloc : memref<!tpu.dma_semaphore, #tpu.memory_space<semaphore_mem>>
        %dma_start3A_95 = arith.constant 0 : i32
        %dma_start3A_96 = arith.constant 0 : i32
        %dma_start3A_97 = tpu.memref_slice %arg8[%dma_start3A_95, %dma_start3A_96] : memref<156x128xi32, #tpu.memory_space<vmem>> -> memref<4x128xi32, #tpu.memory_space<vmem>>
        %dma_start3A_98 = arith.constant 0 : i32
        %dma_start3A_99 = tpu.memref_slice %arg4[%add3A_94, %dma_start3A_98] : memref<2560x128xi32, #tpu.memory_space<hbm>> -> memref<4x128xi32, #tpu.memory_space<hbm>>
        %dma_start3A_100 = arith.constant 0 : i32
        %dma_start3A_101 = arith.constant 0 : i32
        %dma_start3A_102 = tpu.memref_slice %arg8[%dma_start3A_100, %dma_start3A_101] : memref<156x128xi32, #tpu.memory_space<vmem>> -> memref<4x128xi32, #tpu.memory_space<vmem>>
        %dma_start3A_103 = arith.constant 0 : i32
        %dma_start3A_104 = tpu.memref_slice %arg4[%add3A_94, %dma_start3A_103] : memref<2560x128xi32, #tpu.memory_space<hbm>> -> memref<4x128xi32, #tpu.memory_space<hbm>>
        tpu.enqueue_dma source(%dma_start3A_104 : memref<4x128xi32, #tpu.memory_space<hbm>>) target(%dma_start3A_102 : memref<4x128xi32, #tpu.memory_space<vmem>>) target_semaphore(%run_scoped3A : memref<!tpu.dma_semaphore, #tpu.memory_space<semaphore_mem>>)
        %dma_wait3A = arith.constant 0 : i32
        %dma_wait3A_105 = arith.constant 0 : i32
        %dma_wait3A_106 = tpu.memref_slice %arg8[%dma_wait3A, %dma_wait3A_105] : memref<156x128xi32, #tpu.memory_space<vmem>> -> memref<4x128xi32, #tpu.memory_space<vmem>>
        %dma_wait3A_107 = arith.constant 0 : i32
        %dma_wait3A_108 = tpu.memref_slice %arg4[%add3A_94, %dma_wait3A_107] : memref<2560x128xi32, #tpu.memory_space<hbm>> -> memref<4x128xi32, #tpu.memory_space<hbm>>
        %dma_wait3A_109 = arith.constant 0 : i32
        %dma_wait3A_110 = arith.constant 0 : i32
        %dma_wait3A_111 = tpu.memref_slice %arg8[%dma_wait3A_109, %dma_wait3A_110] : memref<156x128xi32, #tpu.memory_space<vmem>> -> memref<4x128xi32, #tpu.memory_space<vmem>>
        %dma_wait3A_112 = arith.constant 0 : i32
        %dma_wait3A_113 = tpu.memref_slice %arg4[%add3A_94, %dma_wait3A_112] : memref<2560x128xi32, #tpu.memory_space<hbm>> -> memref<4x128xi32, #tpu.memory_space<hbm>>
        tpu.wait_dma2 semaphore(%run_scoped3A : memref<!tpu.dma_semaphore, #tpu.memory_space<semaphore_mem>>) src(%dma_wait3A_113 : memref<4x128xi32, #tpu.memory_space<hbm>>) dst(%dma_wait3A_111 : memref<4x128xi32, #tpu.memory_space<vmem>>)
        tpu.yield
      }) : () -> ()
    } else {
    }
    %mul3A = arith.constant 640 : i32
    %mul3A_7 = arith.muli %arg1, %mul3A : i32
    %mul3A_8 = arith.constant 640 : i32
    %mul3A_9 = arith.muli %arg1, %mul3A_8 : i32
    "tpu.region"() ({
      %run_scoped3A = tpu.sem_alloc : memref<!tpu.dma_semaphore, #tpu.memory_space<semaphore_mem>>
      %dma_start3A_92 = arith.constant 0 : i32
      %dma_start3A_93 = tpu.memref_slice %arg10[%mul3A_9, %dma_start3A_92] : memref<10240x64xf32, #tpu.memory_space<vmem_shared>> -> memref<640x64xf32, #tpu.memory_space<vmem_shared>>
      %dma_start3A_94 = arith.constant 0 : i32
      %dma_start3A_95 = tpu.memref_slice %arg5[%mul3A_7, %dma_start3A_94] : memref<10240x64xf32, #tpu.memory_space<hbm>> -> memref<640x64xf32, #tpu.memory_space<hbm>>
      tpu.enqueue_dma source(%dma_start3A_95 : memref<640x64xf32, #tpu.memory_space<hbm>>) target(%dma_start3A_93 : memref<640x64xf32, #tpu.memory_space<vmem_shared>>) target_semaphore(%run_scoped3A : memref<!tpu.dma_semaphore, #tpu.memory_space<semaphore_mem>>)
      %dma_wait3A = arith.constant 0 : i32
      %dma_wait3A_96 = tpu.memref_slice %arg10[%mul3A_9, %dma_wait3A] : memref<10240x64xf32, #tpu.memory_space<vmem_shared>> -> memref<640x64xf32, #tpu.memory_space<vmem_shared>>
      %dma_wait3A_97 = arith.constant 0 : i32
      %dma_wait3A_98 = tpu.memref_slice %arg5[%mul3A_7, %dma_wait3A_97] : memref<10240x64xf32, #tpu.memory_space<hbm>> -> memref<640x64xf32, #tpu.memory_space<hbm>>
      tpu.wait_dma2 semaphore(%run_scoped3A : memref<!tpu.dma_semaphore, #tpu.memory_space<semaphore_mem>>) src(%dma_wait3A_98 : memref<640x64xf32, #tpu.memory_space<hbm>>) dst(%dma_wait3A_96 : memref<640x64xf32, #tpu.memory_space<vmem_shared>>)
      tpu.yield
    }) : () -> ()
    %barrier3A = arith.constant 0 : index
    tpu.barrier barrier_id(%barrier3A)
    %eq3A_10 = arith.constant 0 : i32
    %eq3A_11 = arith.cmpi eq, %arg0, %eq3A_10 : i32
    %jit3A = arith.constant 156 : i32
    %jit3A_12 = arith.constant 4 : i32
    %select_n3A = arith.select %eq3A_11, %jit3A, %jit3A_12 : i32
    %dma_start3A = arith.constant 0 : i32
    %dma_start3A_13 = arith.constant 0 : i32
    %dma_start3A_14 = arith.constant 0 : i32
    %dma_start3A_15 = arith.constant 0 : i32
    %dma_start3A_16 = tpu.memref_slice %arg9[%dma_start3A_13, %dma_start3A_14, %dma_start3A_15] : memref<4x128x64xf32, #tpu.memory_space<vmem>> -> memref<1x128x64xf32, #tpu.memory_space<vmem>>
    %dma_start3A_17 = tpu.memref_squeeze %dma_start3A_16 : memref<1x128x64xf32, #tpu.memory_space<vmem>> -> memref<128x64xf32, #tpu.memory_space<vmem>>
    %dma_start3A_18 = arith.constant 0 : i32
    %dma_start3A_19 = tpu.memref_slice %arg7[%dma_start3A, %dma_start3A_18] : memref<156x128xi32, #tpu.memory_space<vmem>> -> memref<1x128xi32, #tpu.memory_space<vmem>>
    %dma_start3A_20 = tpu.memref_squeeze %dma_start3A_19 : memref<1x128xi32, #tpu.memory_space<vmem>> -> memref<128xi32, #tpu.memory_space<vmem>>
    %dma_start3A_21 = arith.constant 0 : i32
    %dma_start3A_22 = arith.constant 0 : i32
    %dma_start3A_23 = tpu.memref_slice %arg2[%dma_start3A_21, %dma_start3A_22] : memref<10240x64xf32, #tpu.memory_space<hbm>> -> memref<10240x64xf32, #tpu.memory_space<hbm>>
    tpu.enqueue_indirect_dma source(%dma_start3A_23 : memref<10240x64xf32, #tpu.memory_space<hbm>>) target(%dma_start3A_17 : memref<128x64xf32, #tpu.memory_space<vmem>>) offsets(%dma_start3A_20 : memref<128xi32, #tpu.memory_space<vmem>>) semaphore(%arg11 : memref<!tpu.dma_semaphore, #tpu.memory_space<semaphore_mem>>)
    %dma_start3A_24 = arith.constant 1 : i32
    %dma_start3A_25 = arith.constant 1 : i32
    %dma_start3A_26 = arith.constant 0 : i32
    %dma_start3A_27 = arith.constant 0 : i32
    %dma_start3A_28 = tpu.memref_slice %arg9[%dma_start3A_25, %dma_start3A_26, %dma_start3A_27] : memref<4x128x64xf32, #tpu.memory_space<vmem>> -> memref<1x128x64xf32, #tpu.memory_space<vmem>>
    %dma_start3A_29 = tpu.memref_squeeze %dma_start3A_28 : memref<1x128x64xf32, #tpu.memory_space<vmem>> -> memref<128x64xf32, #tpu.memory_space<vmem>>
    %dma_start3A_30 = arith.constant 0 : i32
    %dma_start3A_31 = tpu.memref_slice %arg7[%dma_start3A_24, %dma_start3A_30] : memref<156x128xi32, #tpu.memory_space<vmem>> -> memref<1x128xi32, #tpu.memory_space<vmem>>
    %dma_start3A_32 = tpu.memref_squeeze %dma_start3A_31 : memref<1x128xi32, #tpu.memory_space<vmem>> -> memref<128xi32, #tpu.memory_space<vmem>>
    %dma_start3A_33 = arith.constant 0 : i32
    %dma_start3A_34 = arith.constant 0 : i32
    %dma_start3A_35 = tpu.memref_slice %arg2[%dma_start3A_33, %dma_start3A_34] : memref<10240x64xf32, #tpu.memory_space<hbm>> -> memref<10240x64xf32, #tpu.memory_space<hbm>>
    tpu.enqueue_indirect_dma source(%dma_start3A_35 : memref<10240x64xf32, #tpu.memory_space<hbm>>) target(%dma_start3A_29 : memref<128x64xf32, #tpu.memory_space<vmem>>) offsets(%dma_start3A_32 : memref<128xi32, #tpu.memory_space<vmem>>) semaphore(%arg12 : memref<!tpu.dma_semaphore, #tpu.memory_space<semaphore_mem>>)
    %dma_start3A_36 = arith.constant 2 : i32
    %dma_start3A_37 = arith.constant 2 : i32
    %dma_start3A_38 = arith.constant 0 : i32
    %dma_start3A_39 = arith.constant 0 : i32
    %dma_start3A_40 = tpu.memref_slice %arg9[%dma_start3A_37, %dma_start3A_38, %dma_start3A_39] : memref<4x128x64xf32, #tpu.memory_space<vmem>> -> memref<1x128x64xf32, #tpu.memory_space<vmem>>
    %dma_start3A_41 = tpu.memref_squeeze %dma_start3A_40 : memref<1x128x64xf32, #tpu.memory_space<vmem>> -> memref<128x64xf32, #tpu.memory_space<vmem>>
    %dma_start3A_42 = arith.constant 0 : i32
    %dma_start3A_43 = tpu.memref_slice %arg7[%dma_start3A_36, %dma_start3A_42] : memref<156x128xi32, #tpu.memory_space<vmem>> -> memref<1x128xi32, #tpu.memory_space<vmem>>
    %dma_start3A_44 = tpu.memref_squeeze %dma_start3A_43 : memref<1x128xi32, #tpu.memory_space<vmem>> -> memref<128xi32, #tpu.memory_space<vmem>>
    %dma_start3A_45 = arith.constant 0 : i32
    %dma_start3A_46 = arith.constant 0 : i32
    %dma_start3A_47 = tpu.memref_slice %arg2[%dma_start3A_45, %dma_start3A_46] : memref<10240x64xf32, #tpu.memory_space<hbm>> -> memref<10240x64xf32, #tpu.memory_space<hbm>>
    tpu.enqueue_indirect_dma source(%dma_start3A_47 : memref<10240x64xf32, #tpu.memory_space<hbm>>) target(%dma_start3A_41 : memref<128x64xf32, #tpu.memory_space<vmem>>) offsets(%dma_start3A_44 : memref<128xi32, #tpu.memory_space<vmem>>) semaphore(%arg13 : memref<!tpu.dma_semaphore, #tpu.memory_space<semaphore_mem>>)
    %dma_start3A_48 = arith.constant 3 : i32
    %dma_start3A_49 = arith.constant 3 : i32
    %dma_start3A_50 = arith.constant 0 : i32
    %dma_start3A_51 = arith.constant 0 : i32
    %dma_start3A_52 = tpu.memref_slice %arg9[%dma_start3A_49, %dma_start3A_50, %dma_start3A_51] : memref<4x128x64xf32, #tpu.memory_space<vmem>> -> memref<1x128x64xf32, #tpu.memory_space<vmem>>
    %dma_start3A_53 = tpu.memref_squeeze %dma_start3A_52 : memref<1x128x64xf32, #tpu.memory_space<vmem>> -> memref<128x64xf32, #tpu.memory_space<vmem>>
    %dma_start3A_54 = arith.constant 0 : i32
    %dma_start3A_55 = tpu.memref_slice %arg7[%dma_start3A_48, %dma_start3A_54] : memref<156x128xi32, #tpu.memory_space<vmem>> -> memref<1x128xi32, #tpu.memory_space<vmem>>
    %dma_start3A_56 = tpu.memref_squeeze %dma_start3A_55 : memref<1x128xi32, #tpu.memory_space<vmem>> -> memref<128xi32, #tpu.memory_space<vmem>>
    %dma_start3A_57 = arith.constant 0 : i32
    %dma_start3A_58 = arith.constant 0 : i32
    %dma_start3A_59 = tpu.memref_slice %arg2[%dma_start3A_57, %dma_start3A_58] : memref<10240x64xf32, #tpu.memory_space<hbm>> -> memref<10240x64xf32, #tpu.memory_space<hbm>>
    tpu.enqueue_indirect_dma source(%dma_start3A_59 : memref<10240x64xf32, #tpu.memory_space<hbm>>) target(%dma_start3A_53 : memref<128x64xf32, #tpu.memory_space<vmem>>) offsets(%dma_start3A_56 : memref<128xi32, #tpu.memory_space<vmem>>) semaphore(%arg14 : memref<!tpu.dma_semaphore, #tpu.memory_space<semaphore_mem>>)
    %jit3A_60 = arith.constant 4 : i32
    %div3A = arith.divsi %select_n3A, %jit3A_60 : i32
    %sign3A = arith.constant 0 : i32
    %sign3A_61 = arith.cmpi sgt, %select_n3A, %sign3A : i32
    %sign3A_62 = arith.extui %sign3A_61 : i1 to i32
    %sign3A_63 = arith.constant 0 : i32
    %sign3A_64 = arith.cmpi slt, %select_n3A, %sign3A_63 : i32
    %sign3A_65 = arith.extui %sign3A_64 : i1 to i32
    %sign3A_66 = arith.subi %sign3A_62, %sign3A_65 : i32
    %sign3A_67 = arith.constant 0 : i32
    %sign3A_68 = arith.cmpi sgt, %jit3A_60, %sign3A_67 : i32
    %sign3A_69 = arith.extui %sign3A_68 : i1 to i32
    %sign3A_70 = arith.constant 0 : i32
    %sign3A_71 = arith.cmpi slt, %jit3A_60, %sign3A_70 : i32
    %sign3A_72 = arith.extui %sign3A_71 : i1 to i32
    %sign3A_73 = arith.subi %sign3A_69, %sign3A_72 : i32
    %ne3A = arith.cmpi ne, %sign3A_66, %sign3A_73 : i32
    %rem3A = arith.remsi %select_n3A, %jit3A_60 : i32
    %ne3A_74 = arith.constant 0 : i32
    %ne3A_75 = arith.cmpi ne, %rem3A, %ne3A_74 : i32
    %and3A = arith.andi %ne3A, %ne3A_75 : i1
    %sub3A = arith.constant 1 : i32
    %sub3A_76 = arith.subi %div3A, %sub3A : i32
    %select_n3A_77 = arith.select %and3A, %sub3A_76, %div3A : i32
    %while3A = arith.constant 0 : i32
    %while3A_78 = arith.constant 0 : i32
    %while3A_79 = arith.subi %select_n3A_77, %while3A_78 : i32
    %while3A_80 = arith.addi %while3A_78, %while3A_79 : i32
    %while3A_81 = arith.constant 1 : i32
    %while3A_82 = arith.divsi %while3A_79, %while3A_81 : i32
    %while3A_83 = arith.muli %while3A_82, %while3A_81 : i32
    %while3A_84 = arith.addi %while3A_78, %while3A_83 : i32
    %while3A_85 = arith.constant 1 : i32
    scf.for %while3A_92 = %while3A_78 to %while3A_84 step %while3A_85  : i32 {
      %mul3A_93 = arith.constant 4 : i32
      %mul3A_94 = arith.muli %mul3A_93, %while3A_92 : i32
      %add3A = arith.constant 0 : i32
      %add3A_95 = arith.addi %mul3A_94, %add3A : i32
      %dma_wait3A = arith.constant 0 : i32
      %dma_wait3A_96 = arith.constant 0 : i32
      %dma_wait3A_97 = arith.constant 0 : i32
      %dma_wait3A_98 = tpu.memref_slice %arg9[%dma_wait3A, %dma_wait3A_96, %dma_wait3A_97] : memref<4x128x64xf32, #tpu.memory_space<vmem>> -> memref<1x128x64xf32, #tpu.memory_space<vmem>>
      %dma_wait3A_99 = tpu.memref_squeeze %dma_wait3A_98 : memref<1x128x64xf32, #tpu.memory_space<vmem>> -> memref<128x64xf32, #tpu.memory_space<vmem>>
      %dma_wait3A_100 = arith.constant 0 : i32
      %dma_wait3A_101 = tpu.memref_slice %arg7[%add3A_95, %dma_wait3A_100] : memref<156x128xi32, #tpu.memory_space<vmem>> -> memref<1x128xi32, #tpu.memory_space<vmem>>
      %dma_wait3A_102 = tpu.memref_squeeze %dma_wait3A_101 : memref<1x128xi32, #tpu.memory_space<vmem>> -> memref<128xi32, #tpu.memory_space<vmem>>
      %dma_wait3A_103 = arith.constant 0 : i32
      %dma_wait3A_104 = arith.constant 0 : i32
      %dma_wait3A_105 = tpu.memref_slice %arg2[%dma_wait3A_103, %dma_wait3A_104] : memref<10240x64xf32, #tpu.memory_space<hbm>> -> memref<10240x64xf32, #tpu.memory_space<hbm>>
      tpu.wait_indirect_dma semaphore(%arg11 : memref<!tpu.dma_semaphore, #tpu.memory_space<semaphore_mem>>) src(%dma_wait3A_105 : memref<10240x64xf32, #tpu.memory_space<hbm>>) dst(%dma_wait3A_99 : memref<128x64xf32, #tpu.memory_space<vmem>>)
      %run_scoped3A = arith.constant 0 : i32
      "tpu.region"() ({
        %run_scoped3A_177 = tpu.sem_alloc : memref<!tpu.dma_semaphore, #tpu.memory_space<semaphore_mem>>
        %dma_start3A_178 = arith.constant 0 : i32
        %dma_start3A_179 = arith.constant 0 : i32
        %dma_start3A_180 = tpu.memref_slice %arg9[%run_scoped3A, %dma_start3A_178, %dma_start3A_179] : memref<4x128x64xf32, #tpu.memory_space<vmem>> -> memref<1x128x64xf32, #tpu.memory_space<vmem>>
        %dma_start3A_181 = tpu.memref_squeeze %dma_start3A_180 : memref<1x128x64xf32, #tpu.memory_space<vmem>> -> memref<128x64xf32, #tpu.memory_space<vmem>>
        %dma_start3A_182 = arith.constant 0 : i32
        %dma_start3A_183 = tpu.memref_slice %arg8[%add3A_95, %dma_start3A_182] : memref<156x128xi32, #tpu.memory_space<vmem>> -> memref<1x128xi32, #tpu.memory_space<vmem>>
        %dma_start3A_184 = tpu.memref_squeeze %dma_start3A_183 : memref<1x128xi32, #tpu.memory_space<vmem>> -> memref<128xi32, #tpu.memory_space<vmem>>
        %dma_start3A_185 = arith.constant 0 : i32
        %dma_start3A_186 = arith.constant 0 : i32
        %dma_start3A_187 = tpu.memref_slice %arg10[%dma_start3A_185, %dma_start3A_186] : memref<10240x64xf32, #tpu.memory_space<vmem_shared>> -> memref<10240x64xf32, #tpu.memory_space<vmem_shared>>
        tpu.enqueue_indirect_dma source(%dma_start3A_181 : memref<128x64xf32, #tpu.memory_space<vmem>>) target(%dma_start3A_187 : memref<10240x64xf32, #tpu.memory_space<vmem_shared>>) offsets(%dma_start3A_184 : memref<128xi32, #tpu.memory_space<vmem>>) semaphore(%run_scoped3A_177 : memref<!tpu.dma_semaphore, #tpu.memory_space<semaphore_mem>>) {add = true}
        %dma_wait3A_188 = arith.constant 0 : i32
        %dma_wait3A_189 = arith.constant 0 : i32
        %dma_wait3A_190 = tpu.memref_slice %arg9[%run_scoped3A, %dma_wait3A_188, %dma_wait3A_189] : memref<4x128x64xf32, #tpu.memory_space<vmem>> -> memref<1x128x64xf32, #tpu.memory_space<vmem>>
        %dma_wait3A_191 = tpu.memref_squeeze %dma_wait3A_190 : memref<1x128x64xf32, #tpu.memory_space<vmem>> -> memref<128x64xf32, #tpu.memory_space<vmem>>
        %dma_wait3A_192 = arith.constant 0 : i32
        %dma_wait3A_193 = tpu.memref_slice %arg8[%add3A_95, %dma_wait3A_192] : memref<156x128xi32, #tpu.memory_space<vmem>> -> memref<1x128xi32, #tpu.memory_space<vmem>>
        %dma_wait3A_194 = tpu.memref_squeeze %dma_wait3A_193 : memref<1x128xi32, #tpu.memory_space<vmem>> -> memref<128xi32, #tpu.memory_space<vmem>>
        %dma_wait3A_195 = arith.constant 0 : i32
        %dma_wait3A_196 = arith.constant 0 : i32
        %dma_wait3A_197 = tpu.memref_slice %arg10[%dma_wait3A_195, %dma_wait3A_196] : memref<10240x64xf32, #tpu.memory_space<vmem_shared>> -> memref<10240x64xf32, #tpu.memory_space<vmem_shared>>
        tpu.wait_indirect_dma semaphore(%run_scoped3A_177 : memref<!tpu.dma_semaphore, #tpu.memory_space<semaphore_mem>>) src(%dma_wait3A_191 : memref<128x64xf32, #tpu.memory_space<vmem>>) dst(%dma_wait3A_197 : memref<10240x64xf32, #tpu.memory_space<vmem_shared>>)
        tpu.yield
      }) : () -> ()
      %add3A_106 = arith.constant 4 : i32
      %add3A_107 = arith.addi %add3A_95, %add3A_106 : i32
      %lt3A = arith.cmpi slt, %add3A_107, %select_n3A : i32
      %convert_element_type3A_108 = arith.extui %lt3A : i1 to i32
      %cond3A_109 = arith.constant 0 : i32
      %cond3A_110 = arith.cmpi ne, %convert_element_type3A_108, %cond3A_109 : i32
      scf.if %cond3A_110 {
        %add3A_177 = arith.constant 4 : i32
        %add3A_178 = arith.addi %add3A_95, %add3A_177 : i32
        %dma_start3A_179 = arith.constant 0 : i32
        %dma_start3A_180 = arith.constant 0 : i32
        %dma_start3A_181 = arith.constant 0 : i32
        %dma_start3A_182 = tpu.memref_slice %arg9[%dma_start3A_179, %dma_start3A_180, %dma_start3A_181] : memref<4x128x64xf32, #tpu.memory_space<vmem>> -> memref<1x128x64xf32, #tpu.memory_space<vmem>>
        %dma_start3A_183 = tpu.memref_squeeze %dma_start3A_182 : memref<1x128x64xf32, #tpu.memory_space<vmem>> -> memref<128x64xf32, #tpu.memory_space<vmem>>
        %dma_start3A_184 = arith.constant 0 : i32
        %dma_start3A_185 = tpu.memref_slice %arg7[%add3A_178, %dma_start3A_184] : memref<156x128xi32, #tpu.memory_space<vmem>> -> memref<1x128xi32, #tpu.memory_space<vmem>>
        %dma_start3A_186 = tpu.memref_squeeze %dma_start3A_185 : memref<1x128xi32, #tpu.memory_space<vmem>> -> memref<128xi32, #tpu.memory_space<vmem>>
        %dma_start3A_187 = arith.constant 0 : i32
        %dma_start3A_188 = arith.constant 0 : i32
        %dma_start3A_189 = tpu.memref_slice %arg2[%dma_start3A_187, %dma_start3A_188] : memref<10240x64xf32, #tpu.memory_space<hbm>> -> memref<10240x64xf32, #tpu.memory_space<hbm>>
        tpu.enqueue_indirect_dma source(%dma_start3A_189 : memref<10240x64xf32, #tpu.memory_space<hbm>>) target(%dma_start3A_183 : memref<128x64xf32, #tpu.memory_space<vmem>>) offsets(%dma_start3A_186 : memref<128xi32, #tpu.memory_space<vmem>>) semaphore(%arg11 : memref<!tpu.dma_semaphore, #tpu.memory_space<semaphore_mem>>)
      } else {
      }
      %mul3A_111 = arith.constant 4 : i32
      %mul3A_112 = arith.muli %mul3A_111, %while3A_92 : i32
      %add3A_113 = arith.constant 1 : i32
      %add3A_114 = arith.addi %mul3A_112, %add3A_113 : i32
      %dma_wait3A_115 = arith.constant 1 : i32
      %dma_wait3A_116 = arith.constant 0 : i32
      %dma_wait3A_117 = arith.constant 0 : i32
      %dma_wait3A_118 = tpu.memref_slice %arg9[%dma_wait3A_115, %dma_wait3A_116, %dma_wait3A_117] : memref<4x128x64xf32, #tpu.memory_space<vmem>> -> memref<1x128x64xf32, #tpu.memory_space<vmem>>
      %dma_wait3A_119 = tpu.memref_squeeze %dma_wait3A_118 : memref<1x128x64xf32, #tpu.memory_space<vmem>> -> memref<128x64xf32, #tpu.memory_space<vmem>>
      %dma_wait3A_120 = arith.constant 0 : i32
      %dma_wait3A_121 = tpu.memref_slice %arg7[%add3A_114, %dma_wait3A_120] : memref<156x128xi32, #tpu.memory_space<vmem>> -> memref<1x128xi32, #tpu.memory_space<vmem>>
      %dma_wait3A_122 = tpu.memref_squeeze %dma_wait3A_121 : memref<1x128xi32, #tpu.memory_space<vmem>> -> memref<128xi32, #tpu.memory_space<vmem>>
      %dma_wait3A_123 = arith.constant 0 : i32
      %dma_wait3A_124 = arith.constant 0 : i32
      %dma_wait3A_125 = tpu.memref_slice %arg2[%dma_wait3A_123, %dma_wait3A_124] : memref<10240x64xf32, #tpu.memory_space<hbm>> -> memref<10240x64xf32, #tpu.memory_space<hbm>>
      tpu.wait_indirect_dma semaphore(%arg12 : memref<!tpu.dma_semaphore, #tpu.memory_space<semaphore_mem>>) src(%dma_wait3A_125 : memref<10240x64xf32, #tpu.memory_space<hbm>>) dst(%dma_wait3A_119 : memref<128x64xf32, #tpu.memory_space<vmem>>)
      %run_scoped3A_126 = arith.constant 1 : i32
      "tpu.region"() ({
        %run_scoped3A_177 = tpu.sem_alloc : memref<!tpu.dma_semaphore, #tpu.memory_space<semaphore_mem>>
        %dma_start3A_178 = arith.constant 0 : i32
        %dma_start3A_179 = arith.constant 0 : i32
        %dma_start3A_180 = tpu.memref_slice %arg9[%run_scoped3A_126, %dma_start3A_178, %dma_start3A_179] : memref<4x128x64xf32, #tpu.memory_space<vmem>> -> memref<1x128x64xf32, #tpu.memory_space<vmem>>
        %dma_start3A_181 = tpu.memref_squeeze %dma_start3A_180 : memref<1x128x64xf32, #tpu.memory_space<vmem>> -> memref<128x64xf32, #tpu.memory_space<vmem>>
        %dma_start3A_182 = arith.constant 0 : i32
        %dma_start3A_183 = tpu.memref_slice %arg8[%add3A_114, %dma_start3A_182] : memref<156x128xi32, #tpu.memory_space<vmem>> -> memref<1x128xi32, #tpu.memory_space<vmem>>
        %dma_start3A_184 = tpu.memref_squeeze %dma_start3A_183 : memref<1x128xi32, #tpu.memory_space<vmem>> -> memref<128xi32, #tpu.memory_space<vmem>>
        %dma_start3A_185 = arith.constant 0 : i32
        %dma_start3A_186 = arith.constant 0 : i32
        %dma_start3A_187 = tpu.memref_slice %arg10[%dma_start3A_185, %dma_start3A_186] : memref<10240x64xf32, #tpu.memory_space<vmem_shared>> -> memref<10240x64xf32, #tpu.memory_space<vmem_shared>>
        tpu.enqueue_indirect_dma source(%dma_start3A_181 : memref<128x64xf32, #tpu.memory_space<vmem>>) target(%dma_start3A_187 : memref<10240x64xf32, #tpu.memory_space<vmem_shared>>) offsets(%dma_start3A_184 : memref<128xi32, #tpu.memory_space<vmem>>) semaphore(%run_scoped3A_177 : memref<!tpu.dma_semaphore, #tpu.memory_space<semaphore_mem>>) {add = true}
        %dma_wait3A_188 = arith.constant 0 : i32
        %dma_wait3A_189 = arith.constant 0 : i32
        %dma_wait3A_190 = tpu.memref_slice %arg9[%run_scoped3A_126, %dma_wait3A_188, %dma_wait3A_189] : memref<4x128x64xf32, #tpu.memory_space<vmem>> -> memref<1x128x64xf32, #tpu.memory_space<vmem>>
        %dma_wait3A_191 = tpu.memref_squeeze %dma_wait3A_190 : memref<1x128x64xf32, #tpu.memory_space<vmem>> -> memref<128x64xf32, #tpu.memory_space<vmem>>
        %dma_wait3A_192 = arith.constant 0 : i32
        %dma_wait3A_193 = tpu.memref_slice %arg8[%add3A_114, %dma_wait3A_192] : memref<156x128xi32, #tpu.memory_space<vmem>> -> memref<1x128xi32, #tpu.memory_space<vmem>>
        %dma_wait3A_194 = tpu.memref_squeeze %dma_wait3A_193 : memref<1x128xi32, #tpu.memory_space<vmem>> -> memref<128xi32, #tpu.memory_space<vmem>>
        %dma_wait3A_195 = arith.constant 0 : i32
        %dma_wait3A_196 = arith.constant 0 : i32
        %dma_wait3A_197 = tpu.memref_slice %arg10[%dma_wait3A_195, %dma_wait3A_196] : memref<10240x64xf32, #tpu.memory_space<vmem_shared>> -> memref<10240x64xf32, #tpu.memory_space<vmem_shared>>
        tpu.wait_indirect_dma semaphore(%run_scoped3A_177 : memref<!tpu.dma_semaphore, #tpu.memory_space<semaphore_mem>>) src(%dma_wait3A_191 : memref<128x64xf32, #tpu.memory_space<vmem>>) dst(%dma_wait3A_197 : memref<10240x64xf32, #tpu.memory_space<vmem_shared>>)
        tpu.yield
      }) : () -> ()
      %add3A_127 = arith.constant 4 : i32
      %add3A_128 = arith.addi %add3A_114, %add3A_127 : i32
      %lt3A_129 = arith.cmpi slt, %add3A_128, %select_n3A : i32
      %convert_element_type3A_130 = arith.extui %lt3A_129 : i1 to i32
      %cond3A_131 = arith.constant 0 : i32
      %cond3A_132 = arith.cmpi ne, %convert_element_type3A_130, %cond3A_131 : i32
      scf.if %cond3A_132 {
        %add3A_177 = arith.constant 4 : i32
        %add3A_178 = arith.addi %add3A_114, %add3A_177 : i32
        %dma_start3A_179 = arith.constant 1 : i32
        %dma_start3A_180 = arith.constant 0 : i32
        %dma_start3A_181 = arith.constant 0 : i32
        %dma_start3A_182 = tpu.memref_slice %arg9[%dma_start3A_179, %dma_start3A_180, %dma_start3A_181] : memref<4x128x64xf32, #tpu.memory_space<vmem>> -> memref<1x128x64xf32, #tpu.memory_space<vmem>>
        %dma_start3A_183 = tpu.memref_squeeze %dma_start3A_182 : memref<1x128x64xf32, #tpu.memory_space<vmem>> -> memref<128x64xf32, #tpu.memory_space<vmem>>
        %dma_start3A_184 = arith.constant 0 : i32
        %dma_start3A_185 = tpu.memref_slice %arg7[%add3A_178, %dma_start3A_184] : memref<156x128xi32, #tpu.memory_space<vmem>> -> memref<1x128xi32, #tpu.memory_space<vmem>>
        %dma_start3A_186 = tpu.memref_squeeze %dma_start3A_185 : memref<1x128xi32, #tpu.memory_space<vmem>> -> memref<128xi32, #tpu.memory_space<vmem>>
        %dma_start3A_187 = arith.constant 0 : i32
        %dma_start3A_188 = arith.constant 0 : i32
        %dma_start3A_189 = tpu.memref_slice %arg2[%dma_start3A_187, %dma_start3A_188] : memref<10240x64xf32, #tpu.memory_space<hbm>> -> memref<10240x64xf32, #tpu.memory_space<hbm>>
        tpu.enqueue_indirect_dma source(%dma_start3A_189 : memref<10240x64xf32, #tpu.memory_space<hbm>>) target(%dma_start3A_183 : memref<128x64xf32, #tpu.memory_space<vmem>>) offsets(%dma_start3A_186 : memref<128xi32, #tpu.memory_space<vmem>>) semaphore(%arg12 : memref<!tpu.dma_semaphore, #tpu.memory_space<semaphore_mem>>)
      } else {
      }
      %mul3A_133 = arith.constant 4 : i32
      %mul3A_134 = arith.muli %mul3A_133, %while3A_92 : i32
      %add3A_135 = arith.constant 2 : i32
      %add3A_136 = arith.addi %mul3A_134, %add3A_135 : i32
      %dma_wait3A_137 = arith.constant 2 : i32
      %dma_wait3A_138 = arith.constant 0 : i32
      %dma_wait3A_139 = arith.constant 0 : i32
      %dma_wait3A_140 = tpu.memref_slice %arg9[%dma_wait3A_137, %dma_wait3A_138, %dma_wait3A_139] : memref<4x128x64xf32, #tpu.memory_space<vmem>> -> memref<1x128x64xf32, #tpu.memory_space<vmem>>
      %dma_wait3A_141 = tpu.memref_squeeze %dma_wait3A_140 : memref<1x128x64xf32, #tpu.memory_space<vmem>> -> memref<128x64xf32, #tpu.memory_space<vmem>>
      %dma_wait3A_142 = arith.constant 0 : i32
      %dma_wait3A_143 = tpu.memref_slice %arg7[%add3A_136, %dma_wait3A_142] : memref<156x128xi32, #tpu.memory_space<vmem>> -> memref<1x128xi32, #tpu.memory_space<vmem>>
      %dma_wait3A_144 = tpu.memref_squeeze %dma_wait3A_143 : memref<1x128xi32, #tpu.memory_space<vmem>> -> memref<128xi32, #tpu.memory_space<vmem>>
      %dma_wait3A_145 = arith.constant 0 : i32
      %dma_wait3A_146 = arith.constant 0 : i32
      %dma_wait3A_147 = tpu.memref_slice %arg2[%dma_wait3A_145, %dma_wait3A_146] : memref<10240x64xf32, #tpu.memory_space<hbm>> -> memref<10240x64xf32, #tpu.memory_space<hbm>>
      tpu.wait_indirect_dma semaphore(%arg13 : memref<!tpu.dma_semaphore, #tpu.memory_space<semaphore_mem>>) src(%dma_wait3A_147 : memref<10240x64xf32, #tpu.memory_space<hbm>>) dst(%dma_wait3A_141 : memref<128x64xf32, #tpu.memory_space<vmem>>)
      %run_scoped3A_148 = arith.constant 2 : i32
      "tpu.region"() ({
        %run_scoped3A_177 = tpu.sem_alloc : memref<!tpu.dma_semaphore, #tpu.memory_space<semaphore_mem>>
        %dma_start3A_178 = arith.constant 0 : i32
        %dma_start3A_179 = arith.constant 0 : i32
        %dma_start3A_180 = tpu.memref_slice %arg9[%run_scoped3A_148, %dma_start3A_178, %dma_start3A_179] : memref<4x128x64xf32, #tpu.memory_space<vmem>> -> memref<1x128x64xf32, #tpu.memory_space<vmem>>
        %dma_start3A_181 = tpu.memref_squeeze %dma_start3A_180 : memref<1x128x64xf32, #tpu.memory_space<vmem>> -> memref<128x64xf32, #tpu.memory_space<vmem>>
        %dma_start3A_182 = arith.constant 0 : i32
        %dma_start3A_183 = tpu.memref_slice %arg8[%add3A_136, %dma_start3A_182] : memref<156x128xi32, #tpu.memory_space<vmem>> -> memref<1x128xi32, #tpu.memory_space<vmem>>
        %dma_start3A_184 = tpu.memref_squeeze %dma_start3A_183 : memref<1x128xi32, #tpu.memory_space<vmem>> -> memref<128xi32, #tpu.memory_space<vmem>>
        %dma_start3A_185 = arith.constant 0 : i32
        %dma_start3A_186 = arith.constant 0 : i32
        %dma_start3A_187 = tpu.memref_slice %arg10[%dma_start3A_185, %dma_start3A_186] : memref<10240x64xf32, #tpu.memory_space<vmem_shared>> -> memref<10240x64xf32, #tpu.memory_space<vmem_shared>>
        tpu.enqueue_indirect_dma source(%dma_start3A_181 : memref<128x64xf32, #tpu.memory_space<vmem>>) target(%dma_start3A_187 : memref<10240x64xf32, #tpu.memory_space<vmem_shared>>) offsets(%dma_start3A_184 : memref<128xi32, #tpu.memory_space<vmem>>) semaphore(%run_scoped3A_177 : memref<!tpu.dma_semaphore, #tpu.memory_space<semaphore_mem>>) {add = true}
        %dma_wait3A_188 = arith.constant 0 : i32
        %dma_wait3A_189 = arith.constant 0 : i32
        %dma_wait3A_190 = tpu.memref_slice %arg9[%run_scoped3A_148, %dma_wait3A_188, %dma_wait3A_189] : memref<4x128x64xf32, #tpu.memory_space<vmem>> -> memref<1x128x64xf32, #tpu.memory_space<vmem>>
        %dma_wait3A_191 = tpu.memref_squeeze %dma_wait3A_190 : memref<1x128x64xf32, #tpu.memory_space<vmem>> -> memref<128x64xf32, #tpu.memory_space<vmem>>
        %dma_wait3A_192 = arith.constant 0 : i32
        %dma_wait3A_193 = tpu.memref_slice %arg8[%add3A_136, %dma_wait3A_192] : memref<156x128xi32, #tpu.memory_space<vmem>> -> memref<1x128xi32, #tpu.memory_space<vmem>>
        %dma_wait3A_194 = tpu.memref_squeeze %dma_wait3A_193 : memref<1x128xi32, #tpu.memory_space<vmem>> -> memref<128xi32, #tpu.memory_space<vmem>>
        %dma_wait3A_195 = arith.constant 0 : i32
        %dma_wait3A_196 = arith.constant 0 : i32
        %dma_wait3A_197 = tpu.memref_slice %arg10[%dma_wait3A_195, %dma_wait3A_196] : memref<10240x64xf32, #tpu.memory_space<vmem_shared>> -> memref<10240x64xf32, #tpu.memory_space<vmem_shared>>
        tpu.wait_indirect_dma semaphore(%run_scoped3A_177 : memref<!tpu.dma_semaphore, #tpu.memory_space<semaphore_mem>>) src(%dma_wait3A_191 : memref<128x64xf32, #tpu.memory_space<vmem>>) dst(%dma_wait3A_197 : memref<10240x64xf32, #tpu.memory_space<vmem_shared>>)
        tpu.yield
      }) : () -> ()
      %add3A_149 = arith.constant 4 : i32
      %add3A_150 = arith.addi %add3A_136, %add3A_149 : i32
      %lt3A_151 = arith.cmpi slt, %add3A_150, %select_n3A : i32
      %convert_element_type3A_152 = arith.extui %lt3A_151 : i1 to i32
      %cond3A_153 = arith.constant 0 : i32
      %cond3A_154 = arith.cmpi ne, %convert_element_type3A_152, %cond3A_153 : i32
      scf.if %cond3A_154 {
        %add3A_177 = arith.constant 4 : i32
        %add3A_178 = arith.addi %add3A_136, %add3A_177 : i32
        %dma_start3A_179 = arith.constant 2 : i32
        %dma_start3A_180 = arith.constant 0 : i32
        %dma_start3A_181 = arith.constant 0 : i32
        %dma_start3A_182 = tpu.memref_slice %arg9[%dma_start3A_179, %dma_start3A_180, %dma_start3A_181] : memref<4x128x64xf32, #tpu.memory_space<vmem>> -> memref<1x128x64xf32, #tpu.memory_space<vmem>>
        %dma_start3A_183 = tpu.memref_squeeze %dma_start3A_182 : memref<1x128x64xf32, #tpu.memory_space<vmem>> -> memref<128x64xf32, #tpu.memory_space<vmem>>
        %dma_start3A_184 = arith.constant 0 : i32
        %dma_start3A_185 = tpu.memref_slice %arg7[%add3A_178, %dma_start3A_184] : memref<156x128xi32, #tpu.memory_space<vmem>> -> memref<1x128xi32, #tpu.memory_space<vmem>>
        %dma_start3A_186 = tpu.memref_squeeze %dma_start3A_185 : memref<1x128xi32, #tpu.memory_space<vmem>> -> memref<128xi32, #tpu.memory_space<vmem>>
        %dma_start3A_187 = arith.constant 0 : i32
        %dma_start3A_188 = arith.constant 0 : i32
        %dma_start3A_189 = tpu.memref_slice %arg2[%dma_start3A_187, %dma_start3A_188] : memref<10240x64xf32, #tpu.memory_space<hbm>> -> memref<10240x64xf32, #tpu.memory_space<hbm>>
        tpu.enqueue_indirect_dma source(%dma_start3A_189 : memref<10240x64xf32, #tpu.memory_space<hbm>>) target(%dma_start3A_183 : memref<128x64xf32, #tpu.memory_space<vmem>>) offsets(%dma_start3A_186 : memref<128xi32, #tpu.memory_space<vmem>>) semaphore(%arg13 : memref<!tpu.dma_semaphore, #tpu.memory_space<semaphore_mem>>)
      } else {
      }
      %mul3A_155 = arith.constant 4 : i32
      %mul3A_156 = arith.muli %mul3A_155, %while3A_92 : i32
      %add3A_157 = arith.constant 3 : i32
      %add3A_158 = arith.addi %mul3A_156, %add3A_157 : i32
      %dma_wait3A_159 = arith.constant 3 : i32
      %dma_wait3A_160 = arith.constant 0 : i32
      %dma_wait3A_161 = arith.constant 0 : i32
      %dma_wait3A_162 = tpu.memref_slice %arg9[%dma_wait3A_159, %dma_wait3A_160, %dma_wait3A_161] : memref<4x128x64xf32, #tpu.memory_space<vmem>> -> memref<1x128x64xf32, #tpu.memory_space<vmem>>
      %dma_wait3A_163 = tpu.memref_squeeze %dma_wait3A_162 : memref<1x128x64xf32, #tpu.memory_space<vmem>> -> memref<128x64xf32, #tpu.memory_space<vmem>>
      %dma_wait3A_164 = arith.constant 0 : i32
      %dma_wait3A_165 = tpu.memref_slice %arg7[%add3A_158, %dma_wait3A_164] : memref<156x128xi32, #tpu.memory_space<vmem>> -> memref<1x128xi32, #tpu.memory_space<vmem>>
      %dma_wait3A_166 = tpu.memref_squeeze %dma_wait3A_165 : memref<1x128xi32, #tpu.memory_space<vmem>> -> memref<128xi32, #tpu.memory_space<vmem>>
      %dma_wait3A_167 = arith.constant 0 : i32
      %dma_wait3A_168 = arith.constant 0 : i32
      %dma_wait3A_169 = tpu.memref_slice %arg2[%dma_wait3A_167, %dma_wait3A_168] : memref<10240x64xf32, #tpu.memory_space<hbm>> -> memref<10240x64xf32, #tpu.memory_space<hbm>>
      tpu.wait_indirect_dma semaphore(%arg14 : memref<!tpu.dma_semaphore, #tpu.memory_space<semaphore_mem>>) src(%dma_wait3A_169 : memref<10240x64xf32, #tpu.memory_space<hbm>>) dst(%dma_wait3A_163 : memref<128x64xf32, #tpu.memory_space<vmem>>)
      %run_scoped3A_170 = arith.constant 3 : i32
      "tpu.region"() ({
        %run_scoped3A_177 = tpu.sem_alloc : memref<!tpu.dma_semaphore, #tpu.memory_space<semaphore_mem>>
        %dma_start3A_178 = arith.constant 0 : i32
        %dma_start3A_179 = arith.constant 0 : i32
        %dma_start3A_180 = tpu.memref_slice %arg9[%run_scoped3A_170, %dma_start3A_178, %dma_start3A_179] : memref<4x128x64xf32, #tpu.memory_space<vmem>> -> memref<1x128x64xf32, #tpu.memory_space<vmem>>
        %dma_start3A_181 = tpu.memref_squeeze %dma_start3A_180 : memref<1x128x64xf32, #tpu.memory_space<vmem>> -> memref<128x64xf32, #tpu.memory_space<vmem>>
        %dma_start3A_182 = arith.constant 0 : i32
        %dma_start3A_183 = tpu.memref_slice %arg8[%add3A_158, %dma_start3A_182] : memref<156x128xi32, #tpu.memory_space<vmem>> -> memref<1x128xi32, #tpu.memory_space<vmem>>
        %dma_start3A_184 = tpu.memref_squeeze %dma_start3A_183 : memref<1x128xi32, #tpu.memory_space<vmem>> -> memref<128xi32, #tpu.memory_space<vmem>>
        %dma_start3A_185 = arith.constant 0 : i32
        %dma_start3A_186 = arith.constant 0 : i32
        %dma_start3A_187 = tpu.memref_slice %arg10[%dma_start3A_185, %dma_start3A_186] : memref<10240x64xf32, #tpu.memory_space<vmem_shared>> -> memref<10240x64xf32, #tpu.memory_space<vmem_shared>>
        tpu.enqueue_indirect_dma source(%dma_start3A_181 : memref<128x64xf32, #tpu.memory_space<vmem>>) target(%dma_start3A_187 : memref<10240x64xf32, #tpu.memory_space<vmem_shared>>) offsets(%dma_start3A_184 : memref<128xi32, #tpu.memory_space<vmem>>) semaphore(%run_scoped3A_177 : memref<!tpu.dma_semaphore, #tpu.memory_space<semaphore_mem>>) {add = true}
        %dma_wait3A_188 = arith.constant 0 : i32
        %dma_wait3A_189 = arith.constant 0 : i32
        %dma_wait3A_190 = tpu.memref_slice %arg9[%run_scoped3A_170, %dma_wait3A_188, %dma_wait3A_189] : memref<4x128x64xf32, #tpu.memory_space<vmem>> -> memref<1x128x64xf32, #tpu.memory_space<vmem>>
        %dma_wait3A_191 = tpu.memref_squeeze %dma_wait3A_190 : memref<1x128x64xf32, #tpu.memory_space<vmem>> -> memref<128x64xf32, #tpu.memory_space<vmem>>
        %dma_wait3A_192 = arith.constant 0 : i32
        %dma_wait3A_193 = tpu.memref_slice %arg8[%add3A_158, %dma_wait3A_192] : memref<156x128xi32, #tpu.memory_space<vmem>> -> memref<1x128xi32, #tpu.memory_space<vmem>>
        %dma_wait3A_194 = tpu.memref_squeeze %dma_wait3A_193 : memref<1x128xi32, #tpu.memory_space<vmem>> -> memref<128xi32, #tpu.memory_space<vmem>>
        %dma_wait3A_195 = arith.constant 0 : i32
        %dma_wait3A_196 = arith.constant 0 : i32
        %dma_wait3A_197 = tpu.memref_slice %arg10[%dma_wait3A_195, %dma_wait3A_196] : memref<10240x64xf32, #tpu.memory_space<vmem_shared>> -> memref<10240x64xf32, #tpu.memory_space<vmem_shared>>
        tpu.wait_indirect_dma semaphore(%run_scoped3A_177 : memref<!tpu.dma_semaphore, #tpu.memory_space<semaphore_mem>>) src(%dma_wait3A_191 : memref<128x64xf32, #tpu.memory_space<vmem>>) dst(%dma_wait3A_197 : memref<10240x64xf32, #tpu.memory_space<vmem_shared>>)
        tpu.yield
      }) : () -> ()
      %add3A_171 = arith.constant 4 : i32
      %add3A_172 = arith.addi %add3A_158, %add3A_171 : i32
      %lt3A_173 = arith.cmpi slt, %add3A_172, %select_n3A : i32
      %convert_element_type3A_174 = arith.extui %lt3A_173 : i1 to i32
      %cond3A_175 = arith.constant 0 : i32
      %cond3A_176 = arith.cmpi ne, %convert_element_type3A_174, %cond3A_175 : i32
      scf.if %cond3A_176 {
        %add3A_177 = arith.constant 4 : i32
        %add3A_178 = arith.addi %add3A_158, %add3A_177 : i32
        %dma_start3A_179 = arith.constant 3 : i32
        %dma_start3A_180 = arith.constant 0 : i32
        %dma_start3A_181 = arith.constant 0 : i32
        %dma_start3A_182 = tpu.memref_slice %arg9[%dma_start3A_179, %dma_start3A_180, %dma_start3A_181] : memref<4x128x64xf32, #tpu.memory_space<vmem>> -> memref<1x128x64xf32, #tpu.memory_space<vmem>>
        %dma_start3A_183 = tpu.memref_squeeze %dma_start3A_182 : memref<1x128x64xf32, #tpu.memory_space<vmem>> -> memref<128x64xf32, #tpu.memory_space<vmem>>
        %dma_start3A_184 = arith.constant 0 : i32
        %dma_start3A_185 = tpu.memref_slice %arg7[%add3A_178, %dma_start3A_184] : memref<156x128xi32, #tpu.memory_space<vmem>> -> memref<1x128xi32, #tpu.memory_space<vmem>>
        %dma_start3A_186 = tpu.memref_squeeze %dma_start3A_185 : memref<1x128xi32, #tpu.memory_space<vmem>> -> memref<128xi32, #tpu.memory_space<vmem>>
        %dma_start3A_187 = arith.constant 0 : i32
        %dma_start3A_188 = arith.constant 0 : i32
        %dma_start3A_189 = tpu.memref_slice %arg2[%dma_start3A_187, %dma_start3A_188] : memref<10240x64xf32, #tpu.memory_space<hbm>> -> memref<10240x64xf32, #tpu.memory_space<hbm>>
        tpu.enqueue_indirect_dma source(%dma_start3A_189 : memref<10240x64xf32, #tpu.memory_space<hbm>>) target(%dma_start3A_183 : memref<128x64xf32, #tpu.memory_space<vmem>>) offsets(%dma_start3A_186 : memref<128xi32, #tpu.memory_space<vmem>>) semaphore(%arg14 : memref<!tpu.dma_semaphore, #tpu.memory_space<semaphore_mem>>)
      } else {
      }
    }
    %while3A_86 = arith.constant 1 : i32
    scf.for %while3A_92 = %while3A_84 to %while3A_80 step %while3A_86  : i32 {
      %mul3A_93 = arith.constant 4 : i32
      %mul3A_94 = arith.muli %mul3A_93, %while3A_92 : i32
      %add3A = arith.constant 0 : i32
      %add3A_95 = arith.addi %mul3A_94, %add3A : i32
      %dma_wait3A = arith.constant 0 : i32
      %dma_wait3A_96 = arith.constant 0 : i32
      %dma_wait3A_97 = arith.constant 0 : i32
      %dma_wait3A_98 = tpu.memref_slice %arg9[%dma_wait3A, %dma_wait3A_96, %dma_wait3A_97] : memref<4x128x64xf32, #tpu.memory_space<vmem>> -> memref<1x128x64xf32, #tpu.memory_space<vmem>>
      %dma_wait3A_99 = tpu.memref_squeeze %dma_wait3A_98 : memref<1x128x64xf32, #tpu.memory_space<vmem>> -> memref<128x64xf32, #tpu.memory_space<vmem>>
      %dma_wait3A_100 = arith.constant 0 : i32
      %dma_wait3A_101 = tpu.memref_slice %arg7[%add3A_95, %dma_wait3A_100] : memref<156x128xi32, #tpu.memory_space<vmem>> -> memref<1x128xi32, #tpu.memory_space<vmem>>
      %dma_wait3A_102 = tpu.memref_squeeze %dma_wait3A_101 : memref<1x128xi32, #tpu.memory_space<vmem>> -> memref<128xi32, #tpu.memory_space<vmem>>
      %dma_wait3A_103 = arith.constant 0 : i32
      %dma_wait3A_104 = arith.constant 0 : i32
      %dma_wait3A_105 = tpu.memref_slice %arg2[%dma_wait3A_103, %dma_wait3A_104] : memref<10240x64xf32, #tpu.memory_space<hbm>> -> memref<10240x64xf32, #tpu.memory_space<hbm>>
      tpu.wait_indirect_dma semaphore(%arg11 : memref<!tpu.dma_semaphore, #tpu.memory_space<semaphore_mem>>) src(%dma_wait3A_105 : memref<10240x64xf32, #tpu.memory_space<hbm>>) dst(%dma_wait3A_99 : memref<128x64xf32, #tpu.memory_space<vmem>>)
      %run_scoped3A = arith.constant 0 : i32
      "tpu.region"() ({
        %run_scoped3A_177 = tpu.sem_alloc : memref<!tpu.dma_semaphore, #tpu.memory_space<semaphore_mem>>
        %dma_start3A_178 = arith.constant 0 : i32
        %dma_start3A_179 = arith.constant 0 : i32
        %dma_start3A_180 = tpu.memref_slice %arg9[%run_scoped3A, %dma_start3A_178, %dma_start3A_179] : memref<4x128x64xf32, #tpu.memory_space<vmem>> -> memref<1x128x64xf32, #tpu.memory_space<vmem>>
        %dma_start3A_181 = tpu.memref_squeeze %dma_start3A_180 : memref<1x128x64xf32, #tpu.memory_space<vmem>> -> memref<128x64xf32, #tpu.memory_space<vmem>>
        %dma_start3A_182 = arith.constant 0 : i32
        %dma_start3A_183 = tpu.memref_slice %arg8[%add3A_95, %dma_start3A_182] : memref<156x128xi32, #tpu.memory_space<vmem>> -> memref<1x128xi32, #tpu.memory_space<vmem>>
        %dma_start3A_184 = tpu.memref_squeeze %dma_start3A_183 : memref<1x128xi32, #tpu.memory_space<vmem>> -> memref<128xi32, #tpu.memory_space<vmem>>
        %dma_start3A_185 = arith.constant 0 : i32
        %dma_start3A_186 = arith.constant 0 : i32
        %dma_start3A_187 = tpu.memref_slice %arg10[%dma_start3A_185, %dma_start3A_186] : memref<10240x64xf32, #tpu.memory_space<vmem_shared>> -> memref<10240x64xf32, #tpu.memory_space<vmem_shared>>
        tpu.enqueue_indirect_dma source(%dma_start3A_181 : memref<128x64xf32, #tpu.memory_space<vmem>>) target(%dma_start3A_187 : memref<10240x64xf32, #tpu.memory_space<vmem_shared>>) offsets(%dma_start3A_184 : memref<128xi32, #tpu.memory_space<vmem>>) semaphore(%run_scoped3A_177 : memref<!tpu.dma_semaphore, #tpu.memory_space<semaphore_mem>>) {add = true}
        %dma_wait3A_188 = arith.constant 0 : i32
        %dma_wait3A_189 = arith.constant 0 : i32
        %dma_wait3A_190 = tpu.memref_slice %arg9[%run_scoped3A, %dma_wait3A_188, %dma_wait3A_189] : memref<4x128x64xf32, #tpu.memory_space<vmem>> -> memref<1x128x64xf32, #tpu.memory_space<vmem>>
        %dma_wait3A_191 = tpu.memref_squeeze %dma_wait3A_190 : memref<1x128x64xf32, #tpu.memory_space<vmem>> -> memref<128x64xf32, #tpu.memory_space<vmem>>
        %dma_wait3A_192 = arith.constant 0 : i32
        %dma_wait3A_193 = tpu.memref_slice %arg8[%add3A_95, %dma_wait3A_192] : memref<156x128xi32, #tpu.memory_space<vmem>> -> memref<1x128xi32, #tpu.memory_space<vmem>>
        %dma_wait3A_194 = tpu.memref_squeeze %dma_wait3A_193 : memref<1x128xi32, #tpu.memory_space<vmem>> -> memref<128xi32, #tpu.memory_space<vmem>>
        %dma_wait3A_195 = arith.constant 0 : i32
        %dma_wait3A_196 = arith.constant 0 : i32
        %dma_wait3A_197 = tpu.memref_slice %arg10[%dma_wait3A_195, %dma_wait3A_196] : memref<10240x64xf32, #tpu.memory_space<vmem_shared>> -> memref<10240x64xf32, #tpu.memory_space<vmem_shared>>
        tpu.wait_indirect_dma semaphore(%run_scoped3A_177 : memref<!tpu.dma_semaphore, #tpu.memory_space<semaphore_mem>>) src(%dma_wait3A_191 : memref<128x64xf32, #tpu.memory_space<vmem>>) dst(%dma_wait3A_197 : memref<10240x64xf32, #tpu.memory_space<vmem_shared>>)
        tpu.yield
      }) : () -> ()
      %add3A_106 = arith.constant 4 : i32
      %add3A_107 = arith.addi %add3A_95, %add3A_106 : i32
      %lt3A = arith.cmpi slt, %add3A_107, %select_n3A : i32
      %convert_element_type3A_108 = arith.extui %lt3A : i1 to i32
      %cond3A_109 = arith.constant 0 : i32
      %cond3A_110 = arith.cmpi ne, %convert_element_type3A_108, %cond3A_109 : i32
      scf.if %cond3A_110 {
        %add3A_177 = arith.constant 4 : i32
        %add3A_178 = arith.addi %add3A_95, %add3A_177 : i32
        %dma_start3A_179 = arith.constant 0 : i32
        %dma_start3A_180 = arith.constant 0 : i32
        %dma_start3A_181 = arith.constant 0 : i32
        %dma_start3A_182 = tpu.memref_slice %arg9[%dma_start3A_179, %dma_start3A_180, %dma_start3A_181] : memref<4x128x64xf32, #tpu.memory_space<vmem>> -> memref<1x128x64xf32, #tpu.memory_space<vmem>>
        %dma_start3A_183 = tpu.memref_squeeze %dma_start3A_182 : memref<1x128x64xf32, #tpu.memory_space<vmem>> -> memref<128x64xf32, #tpu.memory_space<vmem>>
        %dma_start3A_184 = arith.constant 0 : i32
        %dma_start3A_185 = tpu.memref_slice %arg7[%add3A_178, %dma_start3A_184] : memref<156x128xi32, #tpu.memory_space<vmem>> -> memref<1x128xi32, #tpu.memory_space<vmem>>
        %dma_start3A_186 = tpu.memref_squeeze %dma_start3A_185 : memref<1x128xi32, #tpu.memory_space<vmem>> -> memref<128xi32, #tpu.memory_space<vmem>>
        %dma_start3A_187 = arith.constant 0 : i32
        %dma_start3A_188 = arith.constant 0 : i32
        %dma_start3A_189 = tpu.memref_slice %arg2[%dma_start3A_187, %dma_start3A_188] : memref<10240x64xf32, #tpu.memory_space<hbm>> -> memref<10240x64xf32, #tpu.memory_space<hbm>>
        tpu.enqueue_indirect_dma source(%dma_start3A_189 : memref<10240x64xf32, #tpu.memory_space<hbm>>) target(%dma_start3A_183 : memref<128x64xf32, #tpu.memory_space<vmem>>) offsets(%dma_start3A_186 : memref<128xi32, #tpu.memory_space<vmem>>) semaphore(%arg11 : memref<!tpu.dma_semaphore, #tpu.memory_space<semaphore_mem>>)
      } else {
      }
      %mul3A_111 = arith.constant 4 : i32
      %mul3A_112 = arith.muli %mul3A_111, %while3A_92 : i32
      %add3A_113 = arith.constant 1 : i32
      %add3A_114 = arith.addi %mul3A_112, %add3A_113 : i32
      %dma_wait3A_115 = arith.constant 1 : i32
      %dma_wait3A_116 = arith.constant 0 : i32
      %dma_wait3A_117 = arith.constant 0 : i32
      %dma_wait3A_118 = tpu.memref_slice %arg9[%dma_wait3A_115, %dma_wait3A_116, %dma_wait3A_117] : memref<4x128x64xf32, #tpu.memory_space<vmem>> -> memref<1x128x64xf32, #tpu.memory_space<vmem>>
      %dma_wait3A_119 = tpu.memref_squeeze %dma_wait3A_118 : memref<1x128x64xf32, #tpu.memory_space<vmem>> -> memref<128x64xf32, #tpu.memory_space<vmem>>
      %dma_wait3A_120 = arith.constant 0 : i32
      %dma_wait3A_121 = tpu.memref_slice %arg7[%add3A_114, %dma_wait3A_120] : memref<156x128xi32, #tpu.memory_space<vmem>> -> memref<1x128xi32, #tpu.memory_space<vmem>>
      %dma_wait3A_122 = tpu.memref_squeeze %dma_wait3A_121 : memref<1x128xi32, #tpu.memory_space<vmem>> -> memref<128xi32, #tpu.memory_space<vmem>>
      %dma_wait3A_123 = arith.constant 0 : i32
      %dma_wait3A_124 = arith.constant 0 : i32
      %dma_wait3A_125 = tpu.memref_slice %arg2[%dma_wait3A_123, %dma_wait3A_124] : memref<10240x64xf32, #tpu.memory_space<hbm>> -> memref<10240x64xf32, #tpu.memory_space<hbm>>
      tpu.wait_indirect_dma semaphore(%arg12 : memref<!tpu.dma_semaphore, #tpu.memory_space<semaphore_mem>>) src(%dma_wait3A_125 : memref<10240x64xf32, #tpu.memory_space<hbm>>) dst(%dma_wait3A_119 : memref<128x64xf32, #tpu.memory_space<vmem>>)
      %run_scoped3A_126 = arith.constant 1 : i32
      "tpu.region"() ({
        %run_scoped3A_177 = tpu.sem_alloc : memref<!tpu.dma_semaphore, #tpu.memory_space<semaphore_mem>>
        %dma_start3A_178 = arith.constant 0 : i32
        %dma_start3A_179 = arith.constant 0 : i32
        %dma_start3A_180 = tpu.memref_slice %arg9[%run_scoped3A_126, %dma_start3A_178, %dma_start3A_179] : memref<4x128x64xf32, #tpu.memory_space<vmem>> -> memref<1x128x64xf32, #tpu.memory_space<vmem>>
        %dma_start3A_181 = tpu.memref_squeeze %dma_start3A_180 : memref<1x128x64xf32, #tpu.memory_space<vmem>> -> memref<128x64xf32, #tpu.memory_space<vmem>>
        %dma_start3A_182 = arith.constant 0 : i32
        %dma_start3A_183 = tpu.memref_slice %arg8[%add3A_114, %dma_start3A_182] : memref<156x128xi32, #tpu.memory_space<vmem>> -> memref<1x128xi32, #tpu.memory_space<vmem>>
        %dma_start3A_184 = tpu.memref_squeeze %dma_start3A_183 : memref<1x128xi32, #tpu.memory_space<vmem>> -> memref<128xi32, #tpu.memory_space<vmem>>
        %dma_start3A_185 = arith.constant 0 : i32
        %dma_start3A_186 = arith.constant 0 : i32
        %dma_start3A_187 = tpu.memref_slice %arg10[%dma_start3A_185, %dma_start3A_186] : memref<10240x64xf32, #tpu.memory_space<vmem_shared>> -> memref<10240x64xf32, #tpu.memory_space<vmem_shared>>
        tpu.enqueue_indirect_dma source(%dma_start3A_181 : memref<128x64xf32, #tpu.memory_space<vmem>>) target(%dma_start3A_187 : memref<10240x64xf32, #tpu.memory_space<vmem_shared>>) offsets(%dma_start3A_184 : memref<128xi32, #tpu.memory_space<vmem>>) semaphore(%run_scoped3A_177 : memref<!tpu.dma_semaphore, #tpu.memory_space<semaphore_mem>>) {add = true}
        %dma_wait3A_188 = arith.constant 0 : i32
        %dma_wait3A_189 = arith.constant 0 : i32
        %dma_wait3A_190 = tpu.memref_slice %arg9[%run_scoped3A_126, %dma_wait3A_188, %dma_wait3A_189] : memref<4x128x64xf32, #tpu.memory_space<vmem>> -> memref<1x128x64xf32, #tpu.memory_space<vmem>>
        %dma_wait3A_191 = tpu.memref_squeeze %dma_wait3A_190 : memref<1x128x64xf32, #tpu.memory_space<vmem>> -> memref<128x64xf32, #tpu.memory_space<vmem>>
        %dma_wait3A_192 = arith.constant 0 : i32
        %dma_wait3A_193 = tpu.memref_slice %arg8[%add3A_114, %dma_wait3A_192] : memref<156x128xi32, #tpu.memory_space<vmem>> -> memref<1x128xi32, #tpu.memory_space<vmem>>
        %dma_wait3A_194 = tpu.memref_squeeze %dma_wait3A_193 : memref<1x128xi32, #tpu.memory_space<vmem>> -> memref<128xi32, #tpu.memory_space<vmem>>
        %dma_wait3A_195 = arith.constant 0 : i32
        %dma_wait3A_196 = arith.constant 0 : i32
        %dma_wait3A_197 = tpu.memref_slice %arg10[%dma_wait3A_195, %dma_wait3A_196] : memref<10240x64xf32, #tpu.memory_space<vmem_shared>> -> memref<10240x64xf32, #tpu.memory_space<vmem_shared>>
        tpu.wait_indirect_dma semaphore(%run_scoped3A_177 : memref<!tpu.dma_semaphore, #tpu.memory_space<semaphore_mem>>) src(%dma_wait3A_191 : memref<128x64xf32, #tpu.memory_space<vmem>>) dst(%dma_wait3A_197 : memref<10240x64xf32, #tpu.memory_space<vmem_shared>>)
        tpu.yield
      }) : () -> ()
      %add3A_127 = arith.constant 4 : i32
      %add3A_128 = arith.addi %add3A_114, %add3A_127 : i32
      %lt3A_129 = arith.cmpi slt, %add3A_128, %select_n3A : i32
      %convert_element_type3A_130 = arith.extui %lt3A_129 : i1 to i32
      %cond3A_131 = arith.constant 0 : i32
      %cond3A_132 = arith.cmpi ne, %convert_element_type3A_130, %cond3A_131 : i32
      scf.if %cond3A_132 {
        %add3A_177 = arith.constant 4 : i32
        %add3A_178 = arith.addi %add3A_114, %add3A_177 : i32
        %dma_start3A_179 = arith.constant 1 : i32
        %dma_start3A_180 = arith.constant 0 : i32
        %dma_start3A_181 = arith.constant 0 : i32
        %dma_start3A_182 = tpu.memref_slice %arg9[%dma_start3A_179, %dma_start3A_180, %dma_start3A_181] : memref<4x128x64xf32, #tpu.memory_space<vmem>> -> memref<1x128x64xf32, #tpu.memory_space<vmem>>
        %dma_start3A_183 = tpu.memref_squeeze %dma_start3A_182 : memref<1x128x64xf32, #tpu.memory_space<vmem>> -> memref<128x64xf32, #tpu.memory_space<vmem>>
        %dma_start3A_184 = arith.constant 0 : i32
        %dma_start3A_185 = tpu.memref_slice %arg7[%add3A_178, %dma_start3A_184] : memref<156x128xi32, #tpu.memory_space<vmem>> -> memref<1x128xi32, #tpu.memory_space<vmem>>
        %dma_start3A_186 = tpu.memref_squeeze %dma_start3A_185 : memref<1x128xi32, #tpu.memory_space<vmem>> -> memref<128xi32, #tpu.memory_space<vmem>>
        %dma_start3A_187 = arith.constant 0 : i32
        %dma_start3A_188 = arith.constant 0 : i32
        %dma_start3A_189 = tpu.memref_slice %arg2[%dma_start3A_187, %dma_start3A_188] : memref<10240x64xf32, #tpu.memory_space<hbm>> -> memref<10240x64xf32, #tpu.memory_space<hbm>>
        tpu.enqueue_indirect_dma source(%dma_start3A_189 : memref<10240x64xf32, #tpu.memory_space<hbm>>) target(%dma_start3A_183 : memref<128x64xf32, #tpu.memory_space<vmem>>) offsets(%dma_start3A_186 : memref<128xi32, #tpu.memory_space<vmem>>) semaphore(%arg12 : memref<!tpu.dma_semaphore, #tpu.memory_space<semaphore_mem>>)
      } else {
      }
      %mul3A_133 = arith.constant 4 : i32
      %mul3A_134 = arith.muli %mul3A_133, %while3A_92 : i32
      %add3A_135 = arith.constant 2 : i32
      %add3A_136 = arith.addi %mul3A_134, %add3A_135 : i32
      %dma_wait3A_137 = arith.constant 2 : i32
      %dma_wait3A_138 = arith.constant 0 : i32
      %dma_wait3A_139 = arith.constant 0 : i32
      %dma_wait3A_140 = tpu.memref_slice %arg9[%dma_wait3A_137, %dma_wait3A_138, %dma_wait3A_139] : memref<4x128x64xf32, #tpu.memory_space<vmem>> -> memref<1x128x64xf32, #tpu.memory_space<vmem>>
      %dma_wait3A_141 = tpu.memref_squeeze %dma_wait3A_140 : memref<1x128x64xf32, #tpu.memory_space<vmem>> -> memref<128x64xf32, #tpu.memory_space<vmem>>
      %dma_wait3A_142 = arith.constant 0 : i32
      %dma_wait3A_143 = tpu.memref_slice %arg7[%add3A_136, %dma_wait3A_142] : memref<156x128xi32, #tpu.memory_space<vmem>> -> memref<1x128xi32, #tpu.memory_space<vmem>>
      %dma_wait3A_144 = tpu.memref_squeeze %dma_wait3A_143 : memref<1x128xi32, #tpu.memory_space<vmem>> -> memref<128xi32, #tpu.memory_space<vmem>>
      %dma_wait3A_145 = arith.constant 0 : i32
      %dma_wait3A_146 = arith.constant 0 : i32
      %dma_wait3A_147 = tpu.memref_slice %arg2[%dma_wait3A_145, %dma_wait3A_146] : memref<10240x64xf32, #tpu.memory_space<hbm>> -> memref<10240x64xf32, #tpu.memory_space<hbm>>
      tpu.wait_indirect_dma semaphore(%arg13 : memref<!tpu.dma_semaphore, #tpu.memory_space<semaphore_mem>>) src(%dma_wait3A_147 : memref<10240x64xf32, #tpu.memory_space<hbm>>) dst(%dma_wait3A_141 : memref<128x64xf32, #tpu.memory_space<vmem>>)
      %run_scoped3A_148 = arith.constant 2 : i32
      "tpu.region"() ({
        %run_scoped3A_177 = tpu.sem_alloc : memref<!tpu.dma_semaphore, #tpu.memory_space<semaphore_mem>>
        %dma_start3A_178 = arith.constant 0 : i32
        %dma_start3A_179 = arith.constant 0 : i32
        %dma_start3A_180 = tpu.memref_slice %arg9[%run_scoped3A_148, %dma_start3A_178, %dma_start3A_179] : memref<4x128x64xf32, #tpu.memory_space<vmem>> -> memref<1x128x64xf32, #tpu.memory_space<vmem>>
        %dma_start3A_181 = tpu.memref_squeeze %dma_start3A_180 : memref<1x128x64xf32, #tpu.memory_space<vmem>> -> memref<128x64xf32, #tpu.memory_space<vmem>>
        %dma_start3A_182 = arith.constant 0 : i32
        %dma_start3A_183 = tpu.memref_slice %arg8[%add3A_136, %dma_start3A_182] : memref<156x128xi32, #tpu.memory_space<vmem>> -> memref<1x128xi32, #tpu.memory_space<vmem>>
        %dma_start3A_184 = tpu.memref_squeeze %dma_start3A_183 : memref<1x128xi32, #tpu.memory_space<vmem>> -> memref<128xi32, #tpu.memory_space<vmem>>
        %dma_start3A_185 = arith.constant 0 : i32
        %dma_start3A_186 = arith.constant 0 : i32
        %dma_start3A_187 = tpu.memref_slice %arg10[%dma_start3A_185, %dma_start3A_186] : memref<10240x64xf32, #tpu.memory_space<vmem_shared>> -> memref<10240x64xf32, #tpu.memory_space<vmem_shared>>
        tpu.enqueue_indirect_dma source(%dma_start3A_181 : memref<128x64xf32, #tpu.memory_space<vmem>>) target(%dma_start3A_187 : memref<10240x64xf32, #tpu.memory_space<vmem_shared>>) offsets(%dma_start3A_184 : memref<128xi32, #tpu.memory_space<vmem>>) semaphore(%run_scoped3A_177 : memref<!tpu.dma_semaphore, #tpu.memory_space<semaphore_mem>>) {add = true}
        %dma_wait3A_188 = arith.constant 0 : i32
        %dma_wait3A_189 = arith.constant 0 : i32
        %dma_wait3A_190 = tpu.memref_slice %arg9[%run_scoped3A_148, %dma_wait3A_188, %dma_wait3A_189] : memref<4x128x64xf32, #tpu.memory_space<vmem>> -> memref<1x128x64xf32, #tpu.memory_space<vmem>>
        %dma_wait3A_191 = tpu.memref_squeeze %dma_wait3A_190 : memref<1x128x64xf32, #tpu.memory_space<vmem>> -> memref<128x64xf32, #tpu.memory_space<vmem>>
        %dma_wait3A_192 = arith.constant 0 : i32
        %dma_wait3A_193 = tpu.memref_slice %arg8[%add3A_136, %dma_wait3A_192] : memref<156x128xi32, #tpu.memory_space<vmem>> -> memref<1x128xi32, #tpu.memory_space<vmem>>
        %dma_wait3A_194 = tpu.memref_squeeze %dma_wait3A_193 : memref<1x128xi32, #tpu.memory_space<vmem>> -> memref<128xi32, #tpu.memory_space<vmem>>
        %dma_wait3A_195 = arith.constant 0 : i32
        %dma_wait3A_196 = arith.constant 0 : i32
        %dma_wait3A_197 = tpu.memref_slice %arg10[%dma_wait3A_195, %dma_wait3A_196] : memref<10240x64xf32, #tpu.memory_space<vmem_shared>> -> memref<10240x64xf32, #tpu.memory_space<vmem_shared>>
        tpu.wait_indirect_dma semaphore(%run_scoped3A_177 : memref<!tpu.dma_semaphore, #tpu.memory_space<semaphore_mem>>) src(%dma_wait3A_191 : memref<128x64xf32, #tpu.memory_space<vmem>>) dst(%dma_wait3A_197 : memref<10240x64xf32, #tpu.memory_space<vmem_shared>>)
        tpu.yield
      }) : () -> ()
      %add3A_149 = arith.constant 4 : i32
      %add3A_150 = arith.addi %add3A_136, %add3A_149 : i32
      %lt3A_151 = arith.cmpi slt, %add3A_150, %select_n3A : i32
      %convert_element_type3A_152 = arith.extui %lt3A_151 : i1 to i32
      %cond3A_153 = arith.constant 0 : i32
      %cond3A_154 = arith.cmpi ne, %convert_element_type3A_152, %cond3A_153 : i32
      scf.if %cond3A_154 {
        %add3A_177 = arith.constant 4 : i32
        %add3A_178 = arith.addi %add3A_136, %add3A_177 : i32
        %dma_start3A_179 = arith.constant 2 : i32
        %dma_start3A_180 = arith.constant 0 : i32
        %dma_start3A_181 = arith.constant 0 : i32
        %dma_start3A_182 = tpu.memref_slice %arg9[%dma_start3A_179, %dma_start3A_180, %dma_start3A_181] : memref<4x128x64xf32, #tpu.memory_space<vmem>> -> memref<1x128x64xf32, #tpu.memory_space<vmem>>
        %dma_start3A_183 = tpu.memref_squeeze %dma_start3A_182 : memref<1x128x64xf32, #tpu.memory_space<vmem>> -> memref<128x64xf32, #tpu.memory_space<vmem>>
        %dma_start3A_184 = arith.constant 0 : i32
        %dma_start3A_185 = tpu.memref_slice %arg7[%add3A_178, %dma_start3A_184] : memref<156x128xi32, #tpu.memory_space<vmem>> -> memref<1x128xi32, #tpu.memory_space<vmem>>
        %dma_start3A_186 = tpu.memref_squeeze %dma_start3A_185 : memref<1x128xi32, #tpu.memory_space<vmem>> -> memref<128xi32, #tpu.memory_space<vmem>>
        %dma_start3A_187 = arith.constant 0 : i32
        %dma_start3A_188 = arith.constant 0 : i32
        %dma_start3A_189 = tpu.memref_slice %arg2[%dma_start3A_187, %dma_start3A_188] : memref<10240x64xf32, #tpu.memory_space<hbm>> -> memref<10240x64xf32, #tpu.memory_space<hbm>>
        tpu.enqueue_indirect_dma source(%dma_start3A_189 : memref<10240x64xf32, #tpu.memory_space<hbm>>) target(%dma_start3A_183 : memref<128x64xf32, #tpu.memory_space<vmem>>) offsets(%dma_start3A_186 : memref<128xi32, #tpu.memory_space<vmem>>) semaphore(%arg13 : memref<!tpu.dma_semaphore, #tpu.memory_space<semaphore_mem>>)
      } else {
      }
      %mul3A_155 = arith.constant 4 : i32
      %mul3A_156 = arith.muli %mul3A_155, %while3A_92 : i32
      %add3A_157 = arith.constant 3 : i32
      %add3A_158 = arith.addi %mul3A_156, %add3A_157 : i32
      %dma_wait3A_159 = arith.constant 3 : i32
      %dma_wait3A_160 = arith.constant 0 : i32
      %dma_wait3A_161 = arith.constant 0 : i32
      %dma_wait3A_162 = tpu.memref_slice %arg9[%dma_wait3A_159, %dma_wait3A_160, %dma_wait3A_161] : memref<4x128x64xf32, #tpu.memory_space<vmem>> -> memref<1x128x64xf32, #tpu.memory_space<vmem>>
      %dma_wait3A_163 = tpu.memref_squeeze %dma_wait3A_162 : memref<1x128x64xf32, #tpu.memory_space<vmem>> -> memref<128x64xf32, #tpu.memory_space<vmem>>
      %dma_wait3A_164 = arith.constant 0 : i32
      %dma_wait3A_165 = tpu.memref_slice %arg7[%add3A_158, %dma_wait3A_164] : memref<156x128xi32, #tpu.memory_space<vmem>> -> memref<1x128xi32, #tpu.memory_space<vmem>>
      %dma_wait3A_166 = tpu.memref_squeeze %dma_wait3A_165 : memref<1x128xi32, #tpu.memory_space<vmem>> -> memref<128xi32, #tpu.memory_space<vmem>>
      %dma_wait3A_167 = arith.constant 0 : i32
      %dma_wait3A_168 = arith.constant 0 : i32
      %dma_wait3A_169 = tpu.memref_slice %arg2[%dma_wait3A_167, %dma_wait3A_168] : memref<10240x64xf32, #tpu.memory_space<hbm>> -> memref<10240x64xf32, #tpu.memory_space<hbm>>
      tpu.wait_indirect_dma semaphore(%arg14 : memref<!tpu.dma_semaphore, #tpu.memory_space<semaphore_mem>>) src(%dma_wait3A_169 : memref<10240x64xf32, #tpu.memory_space<hbm>>) dst(%dma_wait3A_163 : memref<128x64xf32, #tpu.memory_space<vmem>>)
      %run_scoped3A_170 = arith.constant 3 : i32
      "tpu.region"() ({
        %run_scoped3A_177 = tpu.sem_alloc : memref<!tpu.dma_semaphore, #tpu.memory_space<semaphore_mem>>
        %dma_start3A_178 = arith.constant 0 : i32
        %dma_start3A_179 = arith.constant 0 : i32
        %dma_start3A_180 = tpu.memref_slice %arg9[%run_scoped3A_170, %dma_start3A_178, %dma_start3A_179] : memref<4x128x64xf32, #tpu.memory_space<vmem>> -> memref<1x128x64xf32, #tpu.memory_space<vmem>>
        %dma_start3A_181 = tpu.memref_squeeze %dma_start3A_180 : memref<1x128x64xf32, #tpu.memory_space<vmem>> -> memref<128x64xf32, #tpu.memory_space<vmem>>
        %dma_start3A_182 = arith.constant 0 : i32
        %dma_start3A_183 = tpu.memref_slice %arg8[%add3A_158, %dma_start3A_182] : memref<156x128xi32, #tpu.memory_space<vmem>> -> memref<1x128xi32, #tpu.memory_space<vmem>>
        %dma_start3A_184 = tpu.memref_squeeze %dma_start3A_183 : memref<1x128xi32, #tpu.memory_space<vmem>> -> memref<128xi32, #tpu.memory_space<vmem>>
        %dma_start3A_185 = arith.constant 0 : i32
        %dma_start3A_186 = arith.constant 0 : i32
        %dma_start3A_187 = tpu.memref_slice %arg10[%dma_start3A_185, %dma_start3A_186] : memref<10240x64xf32, #tpu.memory_space<vmem_shared>> -> memref<10240x64xf32, #tpu.memory_space<vmem_shared>>
        tpu.enqueue_indirect_dma source(%dma_start3A_181 : memref<128x64xf32, #tpu.memory_space<vmem>>) target(%dma_start3A_187 : memref<10240x64xf32, #tpu.memory_space<vmem_shared>>) offsets(%dma_start3A_184 : memref<128xi32, #tpu.memory_space<vmem>>) semaphore(%run_scoped3A_177 : memref<!tpu.dma_semaphore, #tpu.memory_space<semaphore_mem>>) {add = true}
        %dma_wait3A_188 = arith.constant 0 : i32
        %dma_wait3A_189 = arith.constant 0 : i32
        %dma_wait3A_190 = tpu.memref_slice %arg9[%run_scoped3A_170, %dma_wait3A_188, %dma_wait3A_189] : memref<4x128x64xf32, #tpu.memory_space<vmem>> -> memref<1x128x64xf32, #tpu.memory_space<vmem>>
        %dma_wait3A_191 = tpu.memref_squeeze %dma_wait3A_190 : memref<1x128x64xf32, #tpu.memory_space<vmem>> -> memref<128x64xf32, #tpu.memory_space<vmem>>
        %dma_wait3A_192 = arith.constant 0 : i32
        %dma_wait3A_193 = tpu.memref_slice %arg8[%add3A_158, %dma_wait3A_192] : memref<156x128xi32, #tpu.memory_space<vmem>> -> memref<1x128xi32, #tpu.memory_space<vmem>>
        %dma_wait3A_194 = tpu.memref_squeeze %dma_wait3A_193 : memref<1x128xi32, #tpu.memory_space<vmem>> -> memref<128xi32, #tpu.memory_space<vmem>>
        %dma_wait3A_195 = arith.constant 0 : i32
        %dma_wait3A_196 = arith.constant 0 : i32
        %dma_wait3A_197 = tpu.memref_slice %arg10[%dma_wait3A_195, %dma_wait3A_196] : memref<10240x64xf32, #tpu.memory_space<vmem_shared>> -> memref<10240x64xf32, #tpu.memory_space<vmem_shared>>
        tpu.wait_indirect_dma semaphore(%run_scoped3A_177 : memref<!tpu.dma_semaphore, #tpu.memory_space<semaphore_mem>>) src(%dma_wait3A_191 : memref<128x64xf32, #tpu.memory_space<vmem>>) dst(%dma_wait3A_197 : memref<10240x64xf32, #tpu.memory_space<vmem_shared>>)
        tpu.yield
      }) : () -> ()
      %add3A_171 = arith.constant 4 : i32
      %add3A_172 = arith.addi %add3A_158, %add3A_171 : i32
      %lt3A_173 = arith.cmpi slt, %add3A_172, %select_n3A : i32
      %convert_element_type3A_174 = arith.extui %lt3A_173 : i1 to i32
      %cond3A_175 = arith.constant 0 : i32
      %cond3A_176 = arith.cmpi ne, %convert_element_type3A_174, %cond3A_175 : i32
      scf.if %cond3A_176 {
        %add3A_177 = arith.constant 4 : i32
        %add3A_178 = arith.addi %add3A_158, %add3A_177 : i32
        %dma_start3A_179 = arith.constant 3 : i32
        %dma_start3A_180 = arith.constant 0 : i32
        %dma_start3A_181 = arith.constant 0 : i32
        %dma_start3A_182 = tpu.memref_slice %arg9[%dma_start3A_179, %dma_start3A_180, %dma_start3A_181] : memref<4x128x64xf32, #tpu.memory_space<vmem>> -> memref<1x128x64xf32, #tpu.memory_space<vmem>>
        %dma_start3A_183 = tpu.memref_squeeze %dma_start3A_182 : memref<1x128x64xf32, #tpu.memory_space<vmem>> -> memref<128x64xf32, #tpu.memory_space<vmem>>
        %dma_start3A_184 = arith.constant 0 : i32
        %dma_start3A_185 = tpu.memref_slice %arg7[%add3A_178, %dma_start3A_184] : memref<156x128xi32, #tpu.memory_space<vmem>> -> memref<1x128xi32, #tpu.memory_space<vmem>>
        %dma_start3A_186 = tpu.memref_squeeze %dma_start3A_185 : memref<1x128xi32, #tpu.memory_space<vmem>> -> memref<128xi32, #tpu.memory_space<vmem>>
        %dma_start3A_187 = arith.constant 0 : i32
        %dma_start3A_188 = arith.constant 0 : i32
        %dma_start3A_189 = tpu.memref_slice %arg2[%dma_start3A_187, %dma_start3A_188] : memref<10240x64xf32, #tpu.memory_space<hbm>> -> memref<10240x64xf32, #tpu.memory_space<hbm>>
        tpu.enqueue_indirect_dma source(%dma_start3A_189 : memref<10240x64xf32, #tpu.memory_space<hbm>>) target(%dma_start3A_183 : memref<128x64xf32, #tpu.memory_space<vmem>>) offsets(%dma_start3A_186 : memref<128xi32, #tpu.memory_space<vmem>>) semaphore(%arg14 : memref<!tpu.dma_semaphore, #tpu.memory_space<semaphore_mem>>)
      } else {
      }
    }
    %barrier3A_87 = arith.constant 0 : index
    tpu.barrier barrier_id(%barrier3A_87)
    %mul3A_88 = arith.constant 640 : i32
    %mul3A_89 = arith.muli %arg1, %mul3A_88 : i32
    %mul3A_90 = arith.constant 640 : i32
    %mul3A_91 = arith.muli %arg1, %mul3A_90 : i32
    "tpu.region"() ({
      %run_scoped3A = tpu.sem_alloc : memref<!tpu.dma_semaphore, #tpu.memory_space<semaphore_mem>>
      %dma_start3A_92 = arith.constant 0 : i32
      %dma_start3A_93 = tpu.memref_slice %arg6[%arg0, %mul3A_91, %dma_start3A_92] : memref<2x10240x64xf32, #tpu.memory_space<hbm>> -> memref<1x640x64xf32, #tpu.memory_space<hbm>>
      %dma_start3A_94 = tpu.memref_squeeze %dma_start3A_93 : memref<1x640x64xf32, #tpu.memory_space<hbm>> -> memref<640x64xf32, #tpu.memory_space<hbm>>
      %dma_start3A_95 = arith.constant 0 : i32
      %dma_start3A_96 = tpu.memref_slice %arg10[%mul3A_89, %dma_start3A_95] : memref<10240x64xf32, #tpu.memory_space<vmem_shared>> -> memref<640x64xf32, #tpu.memory_space<vmem_shared>>
      tpu.enqueue_dma source(%dma_start3A_96 : memref<640x64xf32, #tpu.memory_space<vmem_shared>>) target(%dma_start3A_94 : memref<640x64xf32, #tpu.memory_space<hbm>>) target_semaphore(%run_scoped3A : memref<!tpu.dma_semaphore, #tpu.memory_space<semaphore_mem>>)
      %dma_wait3A = arith.constant 0 : i32
      %dma_wait3A_97 = tpu.memref_slice %arg6[%arg0, %mul3A_91, %dma_wait3A] : memref<2x10240x64xf32, #tpu.memory_space<hbm>> -> memref<1x640x64xf32, #tpu.memory_space<hbm>>
      %dma_wait3A_98 = tpu.memref_squeeze %dma_wait3A_97 : memref<1x640x64xf32, #tpu.memory_space<hbm>> -> memref<640x64xf32, #tpu.memory_space<hbm>>
      %dma_wait3A_99 = arith.constant 0 : i32
      %dma_wait3A_100 = tpu.memref_slice %arg10[%mul3A_89, %dma_wait3A_99] : memref<10240x64xf32, #tpu.memory_space<vmem_shared>> -> memref<640x64xf32, #tpu.memory_space<vmem_shared>>
      tpu.wait_dma2 semaphore(%run_scoped3A : memref<!tpu.dma_semaphore, #tpu.memory_space<semaphore_mem>>) src(%dma_wait3A_100 : memref<640x64xf32, #tpu.memory_space<vmem_shared>>) dst(%dma_wait3A_98 : memref<640x64xf32, #tpu.memory_space<hbm>>)
      tpu.yield
    }) : () -> ()
    return
  }
}

#map = affine_map<(d0, d1) -> (0, 0)>
#map1 = affine_map<(d0, d1) -> (0)>
module attributes {stable_mosaic.version = 14 : i64} {
  func.func @_sc_degree(%arg0: i32, %arg1: i32, %arg2: memref<2560x128xi32, #tpu.memory_space<hbm>>, %arg3: memref<10240xf32, #tpu.memory_space<hbm>>, %arg4: memref<2x10240xf32, #tpu.memory_space<hbm>>, %arg5: memref<80x128xi32, #tpu.memory_space<vmem>>, %arg6: memref<128xf32, #tpu.memory_space<vmem>>, %arg7: memref<10240xf32, #tpu.memory_space<vmem_shared>>) attributes {dimension_semantics = [#tpu.dimension_semantics<core_parallel>, #tpu.dimension_semantics<subcore_parallel>], iteration_bounds = array<i64: 2, 16>, scalar_prefetch = 0 : i64, scratch_operands = 3 : i64, tpu.core_type = #tpu.core_type<sc_vector_subcore>, window_params = [{transform_indices = #map}, {transform_indices = #map1}, {transform_indices = #map}]} {
    %mul3A = arith.constant 16 : i32
    %mul3A_0 = arith.muli %arg0, %mul3A : i32
    %add3A = arith.addi %mul3A_0, %arg1 : i32
    %mul3A_1 = arith.constant 80 : i32
    %mul3A_2 = arith.muli %add3A, %mul3A_1 : i32
    "tpu.region"() ({
      %run_scoped3A = tpu.sem_alloc : memref<!tpu.dma_semaphore, #tpu.memory_space<semaphore_mem>>
      %dma_start3A = arith.constant 0 : i32
      %dma_start3A_63 = tpu.memref_slice %arg2[%mul3A_2, %dma_start3A] : memref<2560x128xi32, #tpu.memory_space<hbm>> -> memref<80x128xi32, #tpu.memory_space<hbm>>
      %dma_start3A_64 = arith.constant 0 : i32
      %dma_start3A_65 = tpu.memref_slice %arg2[%mul3A_2, %dma_start3A_64] : memref<2560x128xi32, #tpu.memory_space<hbm>> -> memref<80x128xi32, #tpu.memory_space<hbm>>
      tpu.enqueue_dma source(%dma_start3A_65 : memref<80x128xi32, #tpu.memory_space<hbm>>) target(%arg5 : memref<80x128xi32, #tpu.memory_space<vmem>>) target_semaphore(%run_scoped3A : memref<!tpu.dma_semaphore, #tpu.memory_space<semaphore_mem>>)
      %dma_wait3A = arith.constant 0 : i32
      %dma_wait3A_66 = tpu.memref_slice %arg2[%mul3A_2, %dma_wait3A] : memref<2560x128xi32, #tpu.memory_space<hbm>> -> memref<80x128xi32, #tpu.memory_space<hbm>>
      %dma_wait3A_67 = arith.constant 0 : i32
      %dma_wait3A_68 = tpu.memref_slice %arg2[%mul3A_2, %dma_wait3A_67] : memref<2560x128xi32, #tpu.memory_space<hbm>> -> memref<80x128xi32, #tpu.memory_space<hbm>>
      tpu.wait_dma2 semaphore(%run_scoped3A : memref<!tpu.dma_semaphore, #tpu.memory_space<semaphore_mem>>) src(%dma_wait3A_68 : memref<80x128xi32, #tpu.memory_space<hbm>>) dst(%arg5 : memref<80x128xi32, #tpu.memory_space<vmem>>)
      tpu.yield
    }) : () -> ()
    %broadcast_in_dim3A = arith.constant 1.000000e+00 : f32
    %broadcast_in_dim3A_3 = vector.broadcast %broadcast_in_dim3A : f32 to vector<16xf32>
    %swap3A = arith.constant 0 : index
    %swap3A_4 = tpu.vector_load %arg6[%swap3A] {strides = array<i32>} : memref<128xf32, #tpu.memory_space<vmem>>, vector<16xf32>,
    %swap3A_5 = vector.shape_cast %swap3A_4 : vector<16xf32> to vector<16xf32>
    %swap3A_6 = vector.shape_cast %broadcast_in_dim3A_3 : vector<16xf32> to vector<16xf32>
    tpu.vector_store %arg6[%swap3A], %swap3A_6 {strides = array<i32>} : memref<128xf32, #tpu.memory_space<vmem>>, vector<16xf32>,
    %broadcast_in_dim3A_7 = arith.constant 1.000000e+00 : f32
    %broadcast_in_dim3A_8 = vector.broadcast %broadcast_in_dim3A_7 : f32 to vector<16xf32>
    %swap3A_9 = arith.constant 16 : index
    %swap3A_10 = tpu.vector_load %arg6[%swap3A_9] {strides = array<i32>} : memref<128xf32, #tpu.memory_space<vmem>>, vector<16xf32>,
    %swap3A_11 = vector.shape_cast %swap3A_10 : vector<16xf32> to vector<16xf32>
    %swap3A_12 = vector.shape_cast %broadcast_in_dim3A_8 : vector<16xf32> to vector<16xf32>
    tpu.vector_store %arg6[%swap3A_9], %swap3A_12 {strides = array<i32>} : memref<128xf32, #tpu.memory_space<vmem>>, vector<16xf32>,
    %broadcast_in_dim3A_13 = arith.constant 1.000000e+00 : f32
    %broadcast_in_dim3A_14 = vector.broadcast %broadcast_in_dim3A_13 : f32 to vector<16xf32>
    %swap3A_15 = arith.constant 32 : index
    %swap3A_16 = tpu.vector_load %arg6[%swap3A_15] {strides = array<i32>} : memref<128xf32, #tpu.memory_space<vmem>>, vector<16xf32>,
    %swap3A_17 = vector.shape_cast %swap3A_16 : vector<16xf32> to vector<16xf32>
    %swap3A_18 = vector.shape_cast %broadcast_in_dim3A_14 : vector<16xf32> to vector<16xf32>
    tpu.vector_store %arg6[%swap3A_15], %swap3A_18 {strides = array<i32>} : memref<128xf32, #tpu.memory_space<vmem>>, vector<16xf32>,
    %broadcast_in_dim3A_19 = arith.constant 1.000000e+00 : f32
    %broadcast_in_dim3A_20 = vector.broadcast %broadcast_in_dim3A_19 : f32 to vector<16xf32>
    %swap3A_21 = arith.constant 48 : index
    %swap3A_22 = tpu.vector_load %arg6[%swap3A_21] {strides = array<i32>} : memref<128xf32, #tpu.memory_space<vmem>>, vector<16xf32>,
    %swap3A_23 = vector.shape_cast %swap3A_22 : vector<16xf32> to vector<16xf32>
    %swap3A_24 = vector.shape_cast %broadcast_in_dim3A_20 : vector<16xf32> to vector<16xf32>
    tpu.vector_store %arg6[%swap3A_21], %swap3A_24 {strides = array<i32>} : memref<128xf32, #tpu.memory_space<vmem>>, vector<16xf32>,
    %broadcast_in_dim3A_25 = arith.constant 1.000000e+00 : f32
    %broadcast_in_dim3A_26 = vector.broadcast %broadcast_in_dim3A_25 : f32 to vector<16xf32>
    %swap3A_27 = arith.constant 64 : index
    %swap3A_28 = tpu.vector_load %arg6[%swap3A_27] {strides = array<i32>} : memref<128xf32, #tpu.memory_space<vmem>>, vector<16xf32>,
    %swap3A_29 = vector.shape_cast %swap3A_28 : vector<16xf32> to vector<16xf32>
    %swap3A_30 = vector.shape_cast %broadcast_in_dim3A_26 : vector<16xf32> to vector<16xf32>
    tpu.vector_store %arg6[%swap3A_27], %swap3A_30 {strides = array<i32>} : memref<128xf32, #tpu.memory_space<vmem>>, vector<16xf32>,
    %broadcast_in_dim3A_31 = arith.constant 1.000000e+00 : f32
    %broadcast_in_dim3A_32 = vector.broadcast %broadcast_in_dim3A_31 : f32 to vector<16xf32>
    %swap3A_33 = arith.constant 80 : index
    %swap3A_34 = tpu.vector_load %arg6[%swap3A_33] {strides = array<i32>} : memref<128xf32, #tpu.memory_space<vmem>>, vector<16xf32>,
    %swap3A_35 = vector.shape_cast %swap3A_34 : vector<16xf32> to vector<16xf32>
    %swap3A_36 = vector.shape_cast %broadcast_in_dim3A_32 : vector<16xf32> to vector<16xf32>
    tpu.vector_store %arg6[%swap3A_33], %swap3A_36 {strides = array<i32>} : memref<128xf32, #tpu.memory_space<vmem>>, vector<16xf32>,
    %broadcast_in_dim3A_37 = arith.constant 1.000000e+00 : f32
    %broadcast_in_dim3A_38 = vector.broadcast %broadcast_in_dim3A_37 : f32 to vector<16xf32>
    %swap3A_39 = arith.constant 96 : index
    %swap3A_40 = tpu.vector_load %arg6[%swap3A_39] {strides = array<i32>} : memref<128xf32, #tpu.memory_space<vmem>>, vector<16xf32>,
    %swap3A_41 = vector.shape_cast %swap3A_40 : vector<16xf32> to vector<16xf32>
    %swap3A_42 = vector.shape_cast %broadcast_in_dim3A_38 : vector<16xf32> to vector<16xf32>
    tpu.vector_store %arg6[%swap3A_39], %swap3A_42 {strides = array<i32>} : memref<128xf32, #tpu.memory_space<vmem>>, vector<16xf32>,
    %broadcast_in_dim3A_43 = arith.constant 1.000000e+00 : f32
    %broadcast_in_dim3A_44 = vector.broadcast %broadcast_in_dim3A_43 : f32 to vector<16xf32>
    %swap3A_45 = arith.constant 112 : index
    %swap3A_46 = tpu.vector_load %arg6[%swap3A_45] {strides = array<i32>} : memref<128xf32, #tpu.memory_space<vmem>>, vector<16xf32>,
    %swap3A_47 = vector.shape_cast %swap3A_46 : vector<16xf32> to vector<16xf32>
    %swap3A_48 = vector.shape_cast %broadcast_in_dim3A_44 : vector<16xf32> to vector<16xf32>
    tpu.vector_store %arg6[%swap3A_45], %swap3A_48 {strides = array<i32>} : memref<128xf32, #tpu.memory_space<vmem>>, vector<16xf32>,
    %mul3A_49 = arith.constant 640 : i32
    %mul3A_50 = arith.muli %arg1, %mul3A_49 : i32
    %mul3A_51 = arith.constant 640 : i32
    %mul3A_52 = arith.muli %arg1, %mul3A_51 : i32
    "tpu.region"() ({
      %run_scoped3A = tpu.sem_alloc : memref<!tpu.dma_semaphore, #tpu.memory_space<semaphore_mem>>
      %dma_start3A = tpu.memref_slice %arg7[%mul3A_52] : memref<10240xf32, #tpu.memory_space<vmem_shared>> -> memref<640xf32, #tpu.memory_space<vmem_shared>>
      %dma_start3A_63 = tpu.memref_slice %arg3[%mul3A_50] : memref<10240xf32, #tpu.memory_space<hbm>> -> memref<640xf32, #tpu.memory_space<hbm>>
      tpu.enqueue_dma source(%dma_start3A_63 : memref<640xf32, #tpu.memory_space<hbm>>) target(%dma_start3A : memref<640xf32, #tpu.memory_space<vmem_shared>>) target_semaphore(%run_scoped3A : memref<!tpu.dma_semaphore, #tpu.memory_space<semaphore_mem>>)
      %dma_wait3A = tpu.memref_slice %arg7[%mul3A_52] : memref<10240xf32, #tpu.memory_space<vmem_shared>> -> memref<640xf32, #tpu.memory_space<vmem_shared>>
      %dma_wait3A_64 = tpu.memref_slice %arg3[%mul3A_50] : memref<10240xf32, #tpu.memory_space<hbm>> -> memref<640xf32, #tpu.memory_space<hbm>>
      tpu.wait_dma2 semaphore(%run_scoped3A : memref<!tpu.dma_semaphore, #tpu.memory_space<semaphore_mem>>) src(%dma_wait3A_64 : memref<640xf32, #tpu.memory_space<hbm>>) dst(%dma_wait3A : memref<640xf32, #tpu.memory_space<vmem_shared>>)
      tpu.yield
    }) : () -> ()
    %barrier3A = arith.constant 0 : index
    tpu.barrier barrier_id(%barrier3A)
    %scan3A = arith.constant 0 : i32
    %scan3A_53 = arith.constant 0 : i32
    %scan3A_54 = arith.constant 80 : i32
    %scan3A_55 = arith.addi %scan3A_53, %scan3A_54 : i32
    %scan3A_56 = arith.constant 1 : i32
    scf.for %scan3A_63 = %scan3A_53 to %scan3A_55 step %scan3A_56  : i32 {
      "tpu.region"() ({
        %run_scoped3A = tpu.sem_alloc : memref<!tpu.dma_semaphore, #tpu.memory_space<semaphore_mem>>
        %dma_start3A = arith.constant 0 : i32
        %dma_start3A_64 = tpu.memref_slice %arg5[%scan3A_63, %dma_start3A] : memref<80x128xi32, #tpu.memory_space<vmem>> -> memref<1x128xi32, #tpu.memory_space<vmem>>
        %dma_start3A_65 = tpu.memref_squeeze %dma_start3A_64 : memref<1x128xi32, #tpu.memory_space<vmem>> -> memref<128xi32, #tpu.memory_space<vmem>>
        %dma_start3A_66 = arith.constant 0 : i32
        %dma_start3A_67 = tpu.memref_slice %arg7[%dma_start3A_66] : memref<10240xf32, #tpu.memory_space<vmem_shared>> -> memref<10240xf32, #tpu.memory_space<vmem_shared>>
        tpu.enqueue_indirect_dma source(%arg6 : memref<128xf32, #tpu.memory_space<vmem>>) target(%dma_start3A_67 : memref<10240xf32, #tpu.memory_space<vmem_shared>>) offsets(%dma_start3A_65 : memref<128xi32, #tpu.memory_space<vmem>>) semaphore(%run_scoped3A : memref<!tpu.dma_semaphore, #tpu.memory_space<semaphore_mem>>) {add = true}
        %dma_wait3A = arith.constant 0 : i32
        %dma_wait3A_68 = tpu.memref_slice %arg5[%scan3A_63, %dma_wait3A] : memref<80x128xi32, #tpu.memory_space<vmem>> -> memref<1x128xi32, #tpu.memory_space<vmem>>
        %dma_wait3A_69 = tpu.memref_squeeze %dma_wait3A_68 : memref<1x128xi32, #tpu.memory_space<vmem>> -> memref<128xi32, #tpu.memory_space<vmem>>
        %dma_wait3A_70 = arith.constant 0 : i32
        %dma_wait3A_71 = tpu.memref_slice %arg7[%dma_wait3A_70] : memref<10240xf32, #tpu.memory_space<vmem_shared>> -> memref<10240xf32, #tpu.memory_space<vmem_shared>>
        tpu.wait_indirect_dma semaphore(%run_scoped3A : memref<!tpu.dma_semaphore, #tpu.memory_space<semaphore_mem>>) src(%arg6 : memref<128xf32, #tpu.memory_space<vmem>>) dst(%dma_wait3A_71 : memref<10240xf32, #tpu.memory_space<vmem_shared>>)
        tpu.yield
      }) : () -> ()
    }
    %scan3A_57 = arith.constant 80 : i32
    %barrier3A_58 = arith.constant 0 : index
    tpu.barrier barrier_id(%barrier3A_58)
    %mul3A_59 = arith.constant 640 : i32
    %mul3A_60 = arith.muli %arg1, %mul3A_59 : i32
    %mul3A_61 = arith.constant 640 : i32
    %mul3A_62 = arith.muli %arg1, %mul3A_61 : i32
    "tpu.region"() ({
      %run_scoped3A = tpu.sem_alloc : memref<!tpu.dma_semaphore, #tpu.memory_space<semaphore_mem>>
      %dma_start3A = tpu.memref_slice %arg4[%arg0, %mul3A_62] : memref<2x10240xf32, #tpu.memory_space<hbm>> -> memref<1x640xf32, #tpu.memory_space<hbm>>
      %dma_start3A_63 = tpu.memref_squeeze %dma_start3A : memref<1x640xf32, #tpu.memory_space<hbm>> -> memref<640xf32, #tpu.memory_space<hbm>>
      %dma_start3A_64 = tpu.memref_slice %arg7[%mul3A_60] : memref<10240xf32, #tpu.memory_space<vmem_shared>> -> memref<640xf32, #tpu.memory_space<vmem_shared>>
      tpu.enqueue_dma source(%dma_start3A_64 : memref<640xf32, #tpu.memory_space<vmem_shared>>) target(%dma_start3A_63 : memref<640xf32, #tpu.memory_space<hbm>>) target_semaphore(%run_scoped3A : memref<!tpu.dma_semaphore, #tpu.memory_space<semaphore_mem>>)
      %dma_wait3A = tpu.memref_slice %arg4[%arg0, %mul3A_62] : memref<2x10240xf32, #tpu.memory_space<hbm>> -> memref<1x640xf32, #tpu.memory_space<hbm>>
      %dma_wait3A_65 = tpu.memref_squeeze %dma_wait3A : memref<1x640xf32, #tpu.memory_space<hbm>> -> memref<640xf32, #tpu.memory_space<hbm>>
      %dma_wait3A_66 = tpu.memref_slice %arg7[%mul3A_60] : memref<10240xf32, #tpu.memory_space<vmem_shared>> -> memref<640xf32, #tpu.memory_space<vmem_shared>>
      tpu.wait_dma2 semaphore(%run_scoped3A : memref<!tpu.dma_semaphore, #tpu.memory_space<semaphore_mem>>) src(%dma_wait3A_66 : memref<640xf32, #tpu.memory_space<vmem_shared>>) dst(%dma_wait3A_65 : memref<640xf32, #tpu.memory_space<hbm>>)
      tpu.yield
    }) : () -> ()
    return
  }
}

#map = affine_map<(d0, d1) -> (0, 0)>
#map1 = affine_map<(d0, d1) -> (0, 0, 0)>
module attributes {stable_mosaic.version = 14 : i64} {
  func.func @k(%arg0: i32, %arg1: i32, %arg2: memref<10240x64xf32, #tpu.memory_space<hbm>>, %arg3: memref<2560x128xi32, #tpu.memory_space<hbm>>, %arg4: memref<2560x128xi32, #tpu.memory_space<hbm>>, %arg5: memref<10240x64xf32, #tpu.memory_space<hbm>>, %arg6: memref<2x10240x64xf32, #tpu.memory_space<hbm>>, %arg7: memref<156x128xi32, #tpu.memory_space<vmem>>, %arg8: memref<156x128xi32, #tpu.memory_space<vmem>>, %arg9: memref<4x128x64xf32, #tpu.memory_space<vmem>>, %arg10: memref<10240x64xf32, #tpu.memory_space<vmem_shared>>, %arg11: memref<!tpu.dma_semaphore, #tpu.memory_space<semaphore_mem>>, %arg12: memref<!tpu.dma_semaphore, #tpu.memory_space<semaphore_mem>>, %arg13: memref<!tpu.dma_semaphore, #tpu.memory_space<semaphore_mem>>, %arg14: memref<!tpu.dma_semaphore, #tpu.memory_space<semaphore_mem>>) attributes {dimension_semantics = [#tpu.dimension_semantics<core_parallel>, #tpu.dimension_semantics<subcore_parallel>], iteration_bounds = array<i64: 2, 16>, scalar_prefetch = 0 : i64, scratch_operands = 8 : i64, tpu.core_type = #tpu.core_type<sc_vector_subcore>, window_params = [{transform_indices = #map}, {transform_indices = #map}, {transform_indices = #map}, {transform_indices = #map}, {transform_indices = #map1}]} {
    %eq3A = arith.constant 0 : i32
    %eq3A_0 = arith.cmpi eq, %arg0, %eq3A : i32
    %convert_element_type3A = arith.extui %eq3A_0 : i1 to i32
    %cond3A = arith.constant 0 : i32
    %cond3A_1 = arith.cmpi ne, %convert_element_type3A, %cond3A : i32
    scf.if %cond3A_1 {
      %mul3A_92 = arith.constant 156 : i32
      %mul3A_93 = arith.muli %arg1, %mul3A_92 : i32
      "tpu.region"() ({
        %run_scoped3A = tpu.sem_alloc : memref<!tpu.dma_semaphore, #tpu.memory_space<semaphore_mem>>
        %dma_start3A_96 = arith.constant 0 : i32
        %dma_start3A_97 = tpu.memref_slice %arg3[%mul3A_93, %dma_start3A_96] : memref<2560x128xi32, #tpu.memory_space<hbm>> -> memref<156x128xi32, #tpu.memory_space<hbm>>
        %dma_start3A_98 = arith.constant 0 : i32
        %dma_start3A_99 = tpu.memref_slice %arg3[%mul3A_93, %dma_start3A_98] : memref<2560x128xi32, #tpu.memory_space<hbm>> -> memref<156x128xi32, #tpu.memory_space<hbm>>
        tpu.enqueue_dma source(%dma_start3A_99 : memref<156x128xi32, #tpu.memory_space<hbm>>) target(%arg7 : memref<156x128xi32, #tpu.memory_space<vmem>>) target_semaphore(%run_scoped3A : memref<!tpu.dma_semaphore, #tpu.memory_space<semaphore_mem>>)
        %dma_wait3A = arith.constant 0 : i32
        %dma_wait3A_100 = tpu.memref_slice %arg3[%mul3A_93, %dma_wait3A] : memref<2560x128xi32, #tpu.memory_space<hbm>> -> memref<156x128xi32, #tpu.memory_space<hbm>>
        %dma_wait3A_101 = arith.constant 0 : i32
        %dma_wait3A_102 = tpu.memref_slice %arg3[%mul3A_93, %dma_wait3A_101] : memref<2560x128xi32, #tpu.memory_space<hbm>> -> memref<156x128xi32, #tpu.memory_space<hbm>>
        tpu.wait_dma2 semaphore(%run_scoped3A : memref<!tpu.dma_semaphore, #tpu.memory_space<semaphore_mem>>) src(%dma_wait3A_102 : memref<156x128xi32, #tpu.memory_space<hbm>>) dst(%arg7 : memref<156x128xi32, #tpu.memory_space<vmem>>)
        tpu.yield
      }) : () -> ()
      %mul3A_94 = arith.constant 156 : i32
      %mul3A_95 = arith.muli %arg1, %mul3A_94 : i32
      "tpu.region"() ({
        %run_scoped3A = tpu.sem_alloc : memref<!tpu.dma_semaphore, #tpu.memory_space<semaphore_mem>>
        %dma_start3A_96 = arith.constant 0 : i32
        %dma_start3A_97 = tpu.memref_slice %arg4[%mul3A_95, %dma_start3A_96] : memref<2560x128xi32, #tpu.memory_space<hbm>> -> memref<156x128xi32, #tpu.memory_space<hbm>>
        %dma_start3A_98 = arith.constant 0 : i32
        %dma_start3A_99 = tpu.memref_slice %arg4[%mul3A_95, %dma_start3A_98] : memref<2560x128xi32, #tpu.memory_space<hbm>> -> memref<156x128xi32, #tpu.memory_space<hbm>>
        tpu.enqueue_dma source(%dma_start3A_99 : memref<156x128xi32, #tpu.memory_space<hbm>>) target(%arg8 : memref<156x128xi32, #tpu.memory_space<vmem>>) target_semaphore(%run_scoped3A : memref<!tpu.dma_semaphore, #tpu.memory_space<semaphore_mem>>)
        %dma_wait3A = arith.constant 0 : i32
        %dma_wait3A_100 = tpu.memref_slice %arg4[%mul3A_95, %dma_wait3A] : memref<2560x128xi32, #tpu.memory_space<hbm>> -> memref<156x128xi32, #tpu.memory_space<hbm>>
        %dma_wait3A_101 = arith.constant 0 : i32
        %dma_wait3A_102 = tpu.memref_slice %arg4[%mul3A_95, %dma_wait3A_101] : memref<2560x128xi32, #tpu.memory_space<hbm>> -> memref<156x128xi32, #tpu.memory_space<hbm>>
        tpu.wait_dma2 semaphore(%run_scoped3A : memref<!tpu.dma_semaphore, #tpu.memory_space<semaphore_mem>>) src(%dma_wait3A_102 : memref<156x128xi32, #tpu.memory_space<hbm>>) dst(%arg8 : memref<156x128xi32, #tpu.memory_space<vmem>>)
        tpu.yield
      }) : () -> ()
    } else {
    }
    %eq3A_2 = arith.constant 1 : i32
    %eq3A_3 = arith.cmpi eq, %arg0, %eq3A_2 : i32
    %convert_element_type3A_4 = arith.extui %eq3A_3 : i1 to i32
    %cond3A_5 = arith.constant 0 : i32
    %cond3A_6 = arith.cmpi ne, %convert_element_type3A_4, %cond3A_5 : i32
    scf.if %cond3A_6 {
      %mul3A_92 = arith.constant 4 : i32
      %mul3A_93 = arith.muli %arg1, %mul3A_92 : i32
      %add3A = arith.constant 2496 : i32
      %add3A_94 = arith.addi %add3A, %mul3A_93 : i32
      "tpu.region"() ({
        %run_scoped3A = tpu.sem_alloc : memref<!tpu.dma_semaphore, #tpu.memory_space<semaphore_mem>>
        %dma_start3A_95 = arith.constant 0 : i32
        %dma_start3A_96 = arith.constant 0 : i32
        %dma_start3A_97 = tpu.memref_slice %arg7[%dma_start3A_95, %dma_start3A_96] : memref<156x128xi32, #tpu.memory_space<vmem>> -> memref<4x128xi32, #tpu.memory_space<vmem>>
        %dma_start3A_98 = arith.constant 0 : i32
        %dma_start3A_99 = tpu.memref_slice %arg3[%add3A_94, %dma_start3A_98] : memref<2560x128xi32, #tpu.memory_space<hbm>> -> memref<4x128xi32, #tpu.memory_space<hbm>>
        %dma_start3A_100 = arith.constant 0 : i32
        %dma_start3A_101 = arith.constant 0 : i32
        %dma_start3A_102 = tpu.memref_slice %arg7[%dma_start3A_100, %dma_start3A_101] : memref<156x128xi32, #tpu.memory_space<vmem>> -> memref<4x128xi32, #tpu.memory_space<vmem>>
        %dma_start3A_103 = arith.constant 0 : i32
        %dma_start3A_104 = tpu.memref_slice %arg3[%add3A_94, %dma_start3A_103] : memref<2560x128xi32, #tpu.memory_space<hbm>> -> memref<4x128xi32, #tpu.memory_space<hbm>>
        tpu.enqueue_dma source(%dma_start3A_104 : memref<4x128xi32, #tpu.memory_space<hbm>>) target(%dma_start3A_102 : memref<4x128xi32, #tpu.memory_space<vmem>>) target_semaphore(%run_scoped3A : memref<!tpu.dma_semaphore, #tpu.memory_space<semaphore_mem>>)
        %dma_wait3A = arith.constant 0 : i32
        %dma_wait3A_105 = arith.constant 0 : i32
        %dma_wait3A_106 = tpu.memref_slice %arg7[%dma_wait3A, %dma_wait3A_105] : memref<156x128xi32, #tpu.memory_space<vmem>> -> memref<4x128xi32, #tpu.memory_space<vmem>>
        %dma_wait3A_107 = arith.constant 0 : i32
        %dma_wait3A_108 = tpu.memref_slice %arg3[%add3A_94, %dma_wait3A_107] : memref<2560x128xi32, #tpu.memory_space<hbm>> -> memref<4x128xi32, #tpu.memory_space<hbm>>
        %dma_wait3A_109 = arith.constant 0 : i32
        %dma_wait3A_110 = arith.constant 0 : i32
        %dma_wait3A_111 = tpu.memref_slice %arg7[%dma_wait3A_109, %dma_wait3A_110] : memref<156x128xi32, #tpu.memory_space<vmem>> -> memref<4x128xi32, #tpu.memory_space<vmem>>
        %dma_wait3A_112 = arith.constant 0 : i32
        %dma_wait3A_113 = tpu.memref_slice %arg3[%add3A_94, %dma_wait3A_112] : memref<2560x128xi32, #tpu.memory_space<hbm>> -> memref<4x128xi32, #tpu.memory_space<hbm>>
        tpu.wait_dma2 semaphore(%run_scoped3A : memref<!tpu.dma_semaphore, #tpu.memory_space<semaphore_mem>>) src(%dma_wait3A_113 : memref<4x128xi32, #tpu.memory_space<hbm>>) dst(%dma_wait3A_111 : memref<4x128xi32, #tpu.memory_space<vmem>>)
        tpu.yield
      }) : () -> ()
      "tpu.region"() ({
        %run_scoped3A = tpu.sem_alloc : memref<!tpu.dma_semaphore, #tpu.memory_space<semaphore_mem>>
        %dma_start3A_95 = arith.constant 0 : i32
        %dma_start3A_96 = arith.constant 0 : i32
        %dma_start3A_97 = tpu.memref_slice %arg8[%dma_start3A_95, %dma_start3A_96] : memref<156x128xi32, #tpu.memory_space<vmem>> -> memref<4x128xi32, #tpu.memory_space<vmem>>
        %dma_start3A_98 = arith.constant 0 : i32
        %dma_start3A_99 = tpu.memref_slice %arg4[%add3A_94, %dma_start3A_98] : memref<2560x128xi32, #tpu.memory_space<hbm>> -> memref<4x128xi32, #tpu.memory_space<hbm>>
        %dma_start3A_100 = arith.constant 0 : i32
        %dma_start3A_101 = arith.constant 0 : i32
        %dma_start3A_102 = tpu.memref_slice %arg8[%dma_start3A_100, %dma_start3A_101] : memref<156x128xi32, #tpu.memory_space<vmem>> -> memref<4x128xi32, #tpu.memory_space<vmem>>
        %dma_start3A_103 = arith.constant 0 : i32
        %dma_start3A_104 = tpu.memref_slice %arg4[%add3A_94, %dma_start3A_103] : memref<2560x128xi32, #tpu.memory_space<hbm>> -> memref<4x128xi32, #tpu.memory_space<hbm>>
        tpu.enqueue_dma source(%dma_start3A_104 : memref<4x128xi32, #tpu.memory_space<hbm>>) target(%dma_start3A_102 : memref<4x128xi32, #tpu.memory_space<vmem>>) target_semaphore(%run_scoped3A : memref<!tpu.dma_semaphore, #tpu.memory_space<semaphore_mem>>)
        %dma_wait3A = arith.constant 0 : i32
        %dma_wait3A_105 = arith.constant 0 : i32
        %dma_wait3A_106 = tpu.memref_slice %arg8[%dma_wait3A, %dma_wait3A_105] : memref<156x128xi32, #tpu.memory_space<vmem>> -> memref<4x128xi32, #tpu.memory_space<vmem>>
        %dma_wait3A_107 = arith.constant 0 : i32
        %dma_wait3A_108 = tpu.memref_slice %arg4[%add3A_94, %dma_wait3A_107] : memref<2560x128xi32, #tpu.memory_space<hbm>> -> memref<4x128xi32, #tpu.memory_space<hbm>>
        %dma_wait3A_109 = arith.constant 0 : i32
        %dma_wait3A_110 = arith.constant 0 : i32
        %dma_wait3A_111 = tpu.memref_slice %arg8[%dma_wait3A_109, %dma_wait3A_110] : memref<156x128xi32, #tpu.memory_space<vmem>> -> memref<4x128xi32, #tpu.memory_space<vmem>>
        %dma_wait3A_112 = arith.constant 0 : i32
        %dma_wait3A_113 = tpu.memref_slice %arg4[%add3A_94, %dma_wait3A_112] : memref<2560x128xi32, #tpu.memory_space<hbm>> -> memref<4x128xi32, #tpu.memory_space<hbm>>
        tpu.wait_dma2 semaphore(%run_scoped3A : memref<!tpu.dma_semaphore, #tpu.memory_space<semaphore_mem>>) src(%dma_wait3A_113 : memref<4x128xi32, #tpu.memory_space<hbm>>) dst(%dma_wait3A_111 : memref<4x128xi32, #tpu.memory_space<vmem>>)
        tpu.yield
      }) : () -> ()
    } else {
    }
    %mul3A = arith.constant 640 : i32
    %mul3A_7 = arith.muli %arg1, %mul3A : i32
    %mul3A_8 = arith.constant 640 : i32
    %mul3A_9 = arith.muli %arg1, %mul3A_8 : i32
    "tpu.region"() ({
      %run_scoped3A = tpu.sem_alloc : memref<!tpu.dma_semaphore, #tpu.memory_space<semaphore_mem>>
      %dma_start3A_92 = arith.constant 0 : i32
      %dma_start3A_93 = tpu.memref_slice %arg10[%mul3A_9, %dma_start3A_92] : memref<10240x64xf32, #tpu.memory_space<vmem_shared>> -> memref<640x64xf32, #tpu.memory_space<vmem_shared>>
      %dma_start3A_94 = arith.constant 0 : i32
      %dma_start3A_95 = tpu.memref_slice %arg5[%mul3A_7, %dma_start3A_94] : memref<10240x64xf32, #tpu.memory_space<hbm>> -> memref<640x64xf32, #tpu.memory_space<hbm>>
      tpu.enqueue_dma source(%dma_start3A_95 : memref<640x64xf32, #tpu.memory_space<hbm>>) target(%dma_start3A_93 : memref<640x64xf32, #tpu.memory_space<vmem_shared>>) target_semaphore(%run_scoped3A : memref<!tpu.dma_semaphore, #tpu.memory_space<semaphore_mem>>)
      %dma_wait3A = arith.constant 0 : i32
      %dma_wait3A_96 = tpu.memref_slice %arg10[%mul3A_9, %dma_wait3A] : memref<10240x64xf32, #tpu.memory_space<vmem_shared>> -> memref<640x64xf32, #tpu.memory_space<vmem_shared>>
      %dma_wait3A_97 = arith.constant 0 : i32
      %dma_wait3A_98 = tpu.memref_slice %arg5[%mul3A_7, %dma_wait3A_97] : memref<10240x64xf32, #tpu.memory_space<hbm>> -> memref<640x64xf32, #tpu.memory_space<hbm>>
      tpu.wait_dma2 semaphore(%run_scoped3A : memref<!tpu.dma_semaphore, #tpu.memory_space<semaphore_mem>>) src(%dma_wait3A_98 : memref<640x64xf32, #tpu.memory_space<hbm>>) dst(%dma_wait3A_96 : memref<640x64xf32, #tpu.memory_space<vmem_shared>>)
      tpu.yield
    }) : () -> ()
    %barrier3A = arith.constant 0 : index
    tpu.barrier barrier_id(%barrier3A)
    %eq3A_10 = arith.constant 0 : i32
    %eq3A_11 = arith.cmpi eq, %arg0, %eq3A_10 : i32
    %jit3A = arith.constant 156 : i32
    %jit3A_12 = arith.constant 4 : i32
    %select_n3A = arith.select %eq3A_11, %jit3A, %jit3A_12 : i32
    %dma_start3A = arith.constant 0 : i32
    %dma_start3A_13 = arith.constant 0 : i32
    %dma_start3A_14 = arith.constant 0 : i32
    %dma_start3A_15 = arith.constant 0 : i32
    %dma_start3A_16 = tpu.memref_slice %arg9[%dma_start3A_13, %dma_start3A_14, %dma_start3A_15] : memref<4x128x64xf32, #tpu.memory_space<vmem>> -> memref<1x128x64xf32, #tpu.memory_space<vmem>>
    %dma_start3A_17 = tpu.memref_squeeze %dma_start3A_16 : memref<1x128x64xf32, #tpu.memory_space<vmem>> -> memref<128x64xf32, #tpu.memory_space<vmem>>
    %dma_start3A_18 = arith.constant 0 : i32
    %dma_start3A_19 = tpu.memref_slice %arg7[%dma_start3A, %dma_start3A_18] : memref<156x128xi32, #tpu.memory_space<vmem>> -> memref<1x128xi32, #tpu.memory_space<vmem>>
    %dma_start3A_20 = tpu.memref_squeeze %dma_start3A_19 : memref<1x128xi32, #tpu.memory_space<vmem>> -> memref<128xi32, #tpu.memory_space<vmem>>
    %dma_start3A_21 = arith.constant 0 : i32
    %dma_start3A_22 = arith.constant 0 : i32
    %dma_start3A_23 = tpu.memref_slice %arg2[%dma_start3A_21, %dma_start3A_22] : memref<10240x64xf32, #tpu.memory_space<hbm>> -> memref<10240x64xf32, #tpu.memory_space<hbm>>
    tpu.enqueue_indirect_dma source(%dma_start3A_23 : memref<10240x64xf32, #tpu.memory_space<hbm>>) target(%dma_start3A_17 : memref<128x64xf32, #tpu.memory_space<vmem>>) offsets(%dma_start3A_20 : memref<128xi32, #tpu.memory_space<vmem>>) semaphore(%arg11 : memref<!tpu.dma_semaphore, #tpu.memory_space<semaphore_mem>>)
    %dma_start3A_24 = arith.constant 1 : i32
    %dma_start3A_25 = arith.constant 1 : i32
    %dma_start3A_26 = arith.constant 0 : i32
    %dma_start3A_27 = arith.constant 0 : i32
    %dma_start3A_28 = tpu.memref_slice %arg9[%dma_start3A_25, %dma_start3A_26, %dma_start3A_27] : memref<4x128x64xf32, #tpu.memory_space<vmem>> -> memref<1x128x64xf32, #tpu.memory_space<vmem>>
    %dma_start3A_29 = tpu.memref_squeeze %dma_start3A_28 : memref<1x128x64xf32, #tpu.memory_space<vmem>> -> memref<128x64xf32, #tpu.memory_space<vmem>>
    %dma_start3A_30 = arith.constant 0 : i32
    %dma_start3A_31 = tpu.memref_slice %arg7[%dma_start3A_24, %dma_start3A_30] : memref<156x128xi32, #tpu.memory_space<vmem>> -> memref<1x128xi32, #tpu.memory_space<vmem>>
    %dma_start3A_32 = tpu.memref_squeeze %dma_start3A_31 : memref<1x128xi32, #tpu.memory_space<vmem>> -> memref<128xi32, #tpu.memory_space<vmem>>
    %dma_start3A_33 = arith.constant 0 : i32
    %dma_start3A_34 = arith.constant 0 : i32
    %dma_start3A_35 = tpu.memref_slice %arg2[%dma_start3A_33, %dma_start3A_34] : memref<10240x64xf32, #tpu.memory_space<hbm>> -> memref<10240x64xf32, #tpu.memory_space<hbm>>
    tpu.enqueue_indirect_dma source(%dma_start3A_35 : memref<10240x64xf32, #tpu.memory_space<hbm>>) target(%dma_start3A_29 : memref<128x64xf32, #tpu.memory_space<vmem>>) offsets(%dma_start3A_32 : memref<128xi32, #tpu.memory_space<vmem>>) semaphore(%arg12 : memref<!tpu.dma_semaphore, #tpu.memory_space<semaphore_mem>>)
    %dma_start3A_36 = arith.constant 2 : i32
    %dma_start3A_37 = arith.constant 2 : i32
    %dma_start3A_38 = arith.constant 0 : i32
    %dma_start3A_39 = arith.constant 0 : i32
    %dma_start3A_40 = tpu.memref_slice %arg9[%dma_start3A_37, %dma_start3A_38, %dma_start3A_39] : memref<4x128x64xf32, #tpu.memory_space<vmem>> -> memref<1x128x64xf32, #tpu.memory_space<vmem>>
    %dma_start3A_41 = tpu.memref_squeeze %dma_start3A_40 : memref<1x128x64xf32, #tpu.memory_space<vmem>> -> memref<128x64xf32, #tpu.memory_space<vmem>>
    %dma_start3A_42 = arith.constant 0 : i32
    %dma_start3A_43 = tpu.memref_slice %arg7[%dma_start3A_36, %dma_start3A_42] : memref<156x128xi32, #tpu.memory_space<vmem>> -> memref<1x128xi32, #tpu.memory_space<vmem>>
    %dma_start3A_44 = tpu.memref_squeeze %dma_start3A_43 : memref<1x128xi32, #tpu.memory_space<vmem>> -> memref<128xi32, #tpu.memory_space<vmem>>
    %dma_start3A_45 = arith.constant 0 : i32
    %dma_start3A_46 = arith.constant 0 : i32
    %dma_start3A_47 = tpu.memref_slice %arg2[%dma_start3A_45, %dma_start3A_46] : memref<10240x64xf32, #tpu.memory_space<hbm>> -> memref<10240x64xf32, #tpu.memory_space<hbm>>
    tpu.enqueue_indirect_dma source(%dma_start3A_47 : memref<10240x64xf32, #tpu.memory_space<hbm>>) target(%dma_start3A_41 : memref<128x64xf32, #tpu.memory_space<vmem>>) offsets(%dma_start3A_44 : memref<128xi32, #tpu.memory_space<vmem>>) semaphore(%arg13 : memref<!tpu.dma_semaphore, #tpu.memory_space<semaphore_mem>>)
    %dma_start3A_48 = arith.constant 3 : i32
    %dma_start3A_49 = arith.constant 3 : i32
    %dma_start3A_50 = arith.constant 0 : i32
    %dma_start3A_51 = arith.constant 0 : i32
    %dma_start3A_52 = tpu.memref_slice %arg9[%dma_start3A_49, %dma_start3A_50, %dma_start3A_51] : memref<4x128x64xf32, #tpu.memory_space<vmem>> -> memref<1x128x64xf32, #tpu.memory_space<vmem>>
    %dma_start3A_53 = tpu.memref_squeeze %dma_start3A_52 : memref<1x128x64xf32, #tpu.memory_space<vmem>> -> memref<128x64xf32, #tpu.memory_space<vmem>>
    %dma_start3A_54 = arith.constant 0 : i32
    %dma_start3A_55 = tpu.memref_slice %arg7[%dma_start3A_48, %dma_start3A_54] : memref<156x128xi32, #tpu.memory_space<vmem>> -> memref<1x128xi32, #tpu.memory_space<vmem>>
    %dma_start3A_56 = tpu.memref_squeeze %dma_start3A_55 : memref<1x128xi32, #tpu.memory_space<vmem>> -> memref<128xi32, #tpu.memory_space<vmem>>
    %dma_start3A_57 = arith.constant 0 : i32
    %dma_start3A_58 = arith.constant 0 : i32
    %dma_start3A_59 = tpu.memref_slice %arg2[%dma_start3A_57, %dma_start3A_58] : memref<10240x64xf32, #tpu.memory_space<hbm>> -> memref<10240x64xf32, #tpu.memory_space<hbm>>
    tpu.enqueue_indirect_dma source(%dma_start3A_59 : memref<10240x64xf32, #tpu.memory_space<hbm>>) target(%dma_start3A_53 : memref<128x64xf32, #tpu.memory_space<vmem>>) offsets(%dma_start3A_56 : memref<128xi32, #tpu.memory_space<vmem>>) semaphore(%arg14 : memref<!tpu.dma_semaphore, #tpu.memory_space<semaphore_mem>>)
    %jit3A_60 = arith.constant 4 : i32
    %div3A = arith.divsi %select_n3A, %jit3A_60 : i32
    %sign3A = arith.constant 0 : i32
    %sign3A_61 = arith.cmpi sgt, %select_n3A, %sign3A : i32
    %sign3A_62 = arith.extui %sign3A_61 : i1 to i32
    %sign3A_63 = arith.constant 0 : i32
    %sign3A_64 = arith.cmpi slt, %select_n3A, %sign3A_63 : i32
    %sign3A_65 = arith.extui %sign3A_64 : i1 to i32
    %sign3A_66 = arith.subi %sign3A_62, %sign3A_65 : i32
    %sign3A_67 = arith.constant 0 : i32
    %sign3A_68 = arith.cmpi sgt, %jit3A_60, %sign3A_67 : i32
    %sign3A_69 = arith.extui %sign3A_68 : i1 to i32
    %sign3A_70 = arith.constant 0 : i32
    %sign3A_71 = arith.cmpi slt, %jit3A_60, %sign3A_70 : i32
    %sign3A_72 = arith.extui %sign3A_71 : i1 to i32
    %sign3A_73 = arith.subi %sign3A_69, %sign3A_72 : i32
    %ne3A = arith.cmpi ne, %sign3A_66, %sign3A_73 : i32
    %rem3A = arith.remsi %select_n3A, %jit3A_60 : i32
    %ne3A_74 = arith.constant 0 : i32
    %ne3A_75 = arith.cmpi ne, %rem3A, %ne3A_74 : i32
    %and3A = arith.andi %ne3A, %ne3A_75 : i1
    %sub3A = arith.constant 1 : i32
    %sub3A_76 = arith.subi %div3A, %sub3A : i32
    %select_n3A_77 = arith.select %and3A, %sub3A_76, %div3A : i32
    %while3A = arith.constant 0 : i32
    %while3A_78 = arith.constant 0 : i32
    %while3A_79 = arith.subi %select_n3A_77, %while3A_78 : i32
    %while3A_80 = arith.addi %while3A_78, %while3A_79 : i32
    %while3A_81 = arith.constant 1 : i32
    %while3A_82 = arith.divsi %while3A_79, %while3A_81 : i32
    %while3A_83 = arith.muli %while3A_82, %while3A_81 : i32
    %while3A_84 = arith.addi %while3A_78, %while3A_83 : i32
    %while3A_85 = arith.constant 1 : i32
    scf.for %while3A_92 = %while3A_78 to %while3A_84 step %while3A_85  : i32 {
      %mul3A_93 = arith.constant 4 : i32
      %mul3A_94 = arith.muli %mul3A_93, %while3A_92 : i32
      %add3A = arith.constant 0 : i32
      %add3A_95 = arith.addi %mul3A_94, %add3A : i32
      %dma_wait3A = arith.constant 0 : i32
      %dma_wait3A_96 = arith.constant 0 : i32
      %dma_wait3A_97 = arith.constant 0 : i32
      %dma_wait3A_98 = tpu.memref_slice %arg9[%dma_wait3A, %dma_wait3A_96, %dma_wait3A_97] : memref<4x128x64xf32, #tpu.memory_space<vmem>> -> memref<1x128x64xf32, #tpu.memory_space<vmem>>
      %dma_wait3A_99 = tpu.memref_squeeze %dma_wait3A_98 : memref<1x128x64xf32, #tpu.memory_space<vmem>> -> memref<128x64xf32, #tpu.memory_space<vmem>>
      %dma_wait3A_100 = arith.constant 0 : i32
      %dma_wait3A_101 = tpu.memref_slice %arg7[%add3A_95, %dma_wait3A_100] : memref<156x128xi32, #tpu.memory_space<vmem>> -> memref<1x128xi32, #tpu.memory_space<vmem>>
      %dma_wait3A_102 = tpu.memref_squeeze %dma_wait3A_101 : memref<1x128xi32, #tpu.memory_space<vmem>> -> memref<128xi32, #tpu.memory_space<vmem>>
      %dma_wait3A_103 = arith.constant 0 : i32
      %dma_wait3A_104 = arith.constant 0 : i32
      %dma_wait3A_105 = tpu.memref_slice %arg2[%dma_wait3A_103, %dma_wait3A_104] : memref<10240x64xf32, #tpu.memory_space<hbm>> -> memref<10240x64xf32, #tpu.memory_space<hbm>>
      tpu.wait_indirect_dma semaphore(%arg11 : memref<!tpu.dma_semaphore, #tpu.memory_space<semaphore_mem>>) src(%dma_wait3A_105 : memref<10240x64xf32, #tpu.memory_space<hbm>>) dst(%dma_wait3A_99 : memref<128x64xf32, #tpu.memory_space<vmem>>)
      %run_scoped3A = arith.constant 0 : i32
      "tpu.region"() ({
        %run_scoped3A_177 = tpu.sem_alloc : memref<!tpu.dma_semaphore, #tpu.memory_space<semaphore_mem>>
        %dma_start3A_178 = arith.constant 0 : i32
        %dma_start3A_179 = arith.constant 0 : i32
        %dma_start3A_180 = tpu.memref_slice %arg9[%run_scoped3A, %dma_start3A_178, %dma_start3A_179] : memref<4x128x64xf32, #tpu.memory_space<vmem>> -> memref<1x128x64xf32, #tpu.memory_space<vmem>>
        %dma_start3A_181 = tpu.memref_squeeze %dma_start3A_180 : memref<1x128x64xf32, #tpu.memory_space<vmem>> -> memref<128x64xf32, #tpu.memory_space<vmem>>
        %dma_start3A_182 = arith.constant 0 : i32
        %dma_start3A_183 = tpu.memref_slice %arg8[%add3A_95, %dma_start3A_182] : memref<156x128xi32, #tpu.memory_space<vmem>> -> memref<1x128xi32, #tpu.memory_space<vmem>>
        %dma_start3A_184 = tpu.memref_squeeze %dma_start3A_183 : memref<1x128xi32, #tpu.memory_space<vmem>> -> memref<128xi32, #tpu.memory_space<vmem>>
        %dma_start3A_185 = arith.constant 0 : i32
        %dma_start3A_186 = arith.constant 0 : i32
        %dma_start3A_187 = tpu.memref_slice %arg10[%dma_start3A_185, %dma_start3A_186] : memref<10240x64xf32, #tpu.memory_space<vmem_shared>> -> memref<10240x64xf32, #tpu.memory_space<vmem_shared>>
        tpu.enqueue_indirect_dma source(%dma_start3A_181 : memref<128x64xf32, #tpu.memory_space<vmem>>) target(%dma_start3A_187 : memref<10240x64xf32, #tpu.memory_space<vmem_shared>>) offsets(%dma_start3A_184 : memref<128xi32, #tpu.memory_space<vmem>>) semaphore(%run_scoped3A_177 : memref<!tpu.dma_semaphore, #tpu.memory_space<semaphore_mem>>) {add = true}
        %dma_wait3A_188 = arith.constant 0 : i32
        %dma_wait3A_189 = arith.constant 0 : i32
        %dma_wait3A_190 = tpu.memref_slice %arg9[%run_scoped3A, %dma_wait3A_188, %dma_wait3A_189] : memref<4x128x64xf32, #tpu.memory_space<vmem>> -> memref<1x128x64xf32, #tpu.memory_space<vmem>>
        %dma_wait3A_191 = tpu.memref_squeeze %dma_wait3A_190 : memref<1x128x64xf32, #tpu.memory_space<vmem>> -> memref<128x64xf32, #tpu.memory_space<vmem>>
        %dma_wait3A_192 = arith.constant 0 : i32
        %dma_wait3A_193 = tpu.memref_slice %arg8[%add3A_95, %dma_wait3A_192] : memref<156x128xi32, #tpu.memory_space<vmem>> -> memref<1x128xi32, #tpu.memory_space<vmem>>
        %dma_wait3A_194 = tpu.memref_squeeze %dma_wait3A_193 : memref<1x128xi32, #tpu.memory_space<vmem>> -> memref<128xi32, #tpu.memory_space<vmem>>
        %dma_wait3A_195 = arith.constant 0 : i32
        %dma_wait3A_196 = arith.constant 0 : i32
        %dma_wait3A_197 = tpu.memref_slice %arg10[%dma_wait3A_195, %dma_wait3A_196] : memref<10240x64xf32, #tpu.memory_space<vmem_shared>> -> memref<10240x64xf32, #tpu.memory_space<vmem_shared>>
        tpu.wait_indirect_dma semaphore(%run_scoped3A_177 : memref<!tpu.dma_semaphore, #tpu.memory_space<semaphore_mem>>) src(%dma_wait3A_191 : memref<128x64xf32, #tpu.memory_space<vmem>>) dst(%dma_wait3A_197 : memref<10240x64xf32, #tpu.memory_space<vmem_shared>>)
        tpu.yield
      }) : () -> ()
      %add3A_106 = arith.constant 4 : i32
      %add3A_107 = arith.addi %add3A_95, %add3A_106 : i32
      %lt3A = arith.cmpi slt, %add3A_107, %select_n3A : i32
      %convert_element_type3A_108 = arith.extui %lt3A : i1 to i32
      %cond3A_109 = arith.constant 0 : i32
      %cond3A_110 = arith.cmpi ne, %convert_element_type3A_108, %cond3A_109 : i32
      scf.if %cond3A_110 {
        %add3A_177 = arith.constant 4 : i32
        %add3A_178 = arith.addi %add3A_95, %add3A_177 : i32
        %dma_start3A_179 = arith.constant 0 : i32
        %dma_start3A_180 = arith.constant 0 : i32
        %dma_start3A_181 = arith.constant 0 : i32
        %dma_start3A_182 = tpu.memref_slice %arg9[%dma_start3A_179, %dma_start3A_180, %dma_start3A_181] : memref<4x128x64xf32, #tpu.memory_space<vmem>> -> memref<1x128x64xf32, #tpu.memory_space<vmem>>
        %dma_start3A_183 = tpu.memref_squeeze %dma_start3A_182 : memref<1x128x64xf32, #tpu.memory_space<vmem>> -> memref<128x64xf32, #tpu.memory_space<vmem>>
        %dma_start3A_184 = arith.constant 0 : i32
        %dma_start3A_185 = tpu.memref_slice %arg7[%add3A_178, %dma_start3A_184] : memref<156x128xi32, #tpu.memory_space<vmem>> -> memref<1x128xi32, #tpu.memory_space<vmem>>
        %dma_start3A_186 = tpu.memref_squeeze %dma_start3A_185 : memref<1x128xi32, #tpu.memory_space<vmem>> -> memref<128xi32, #tpu.memory_space<vmem>>
        %dma_start3A_187 = arith.constant 0 : i32
        %dma_start3A_188 = arith.constant 0 : i32
        %dma_start3A_189 = tpu.memref_slice %arg2[%dma_start3A_187, %dma_start3A_188] : memref<10240x64xf32, #tpu.memory_space<hbm>> -> memref<10240x64xf32, #tpu.memory_space<hbm>>
        tpu.enqueue_indirect_dma source(%dma_start3A_189 : memref<10240x64xf32, #tpu.memory_space<hbm>>) target(%dma_start3A_183 : memref<128x64xf32, #tpu.memory_space<vmem>>) offsets(%dma_start3A_186 : memref<128xi32, #tpu.memory_space<vmem>>) semaphore(%arg11 : memref<!tpu.dma_semaphore, #tpu.memory_space<semaphore_mem>>)
      } else {
      }
      %mul3A_111 = arith.constant 4 : i32
      %mul3A_112 = arith.muli %mul3A_111, %while3A_92 : i32
      %add3A_113 = arith.constant 1 : i32
      %add3A_114 = arith.addi %mul3A_112, %add3A_113 : i32
      %dma_wait3A_115 = arith.constant 1 : i32
      %dma_wait3A_116 = arith.constant 0 : i32
      %dma_wait3A_117 = arith.constant 0 : i32
      %dma_wait3A_118 = tpu.memref_slice %arg9[%dma_wait3A_115, %dma_wait3A_116, %dma_wait3A_117] : memref<4x128x64xf32, #tpu.memory_space<vmem>> -> memref<1x128x64xf32, #tpu.memory_space<vmem>>
      %dma_wait3A_119 = tpu.memref_squeeze %dma_wait3A_118 : memref<1x128x64xf32, #tpu.memory_space<vmem>> -> memref<128x64xf32, #tpu.memory_space<vmem>>
      %dma_wait3A_120 = arith.constant 0 : i32
      %dma_wait3A_121 = tpu.memref_slice %arg7[%add3A_114, %dma_wait3A_120] : memref<156x128xi32, #tpu.memory_space<vmem>> -> memref<1x128xi32, #tpu.memory_space<vmem>>
      %dma_wait3A_122 = tpu.memref_squeeze %dma_wait3A_121 : memref<1x128xi32, #tpu.memory_space<vmem>> -> memref<128xi32, #tpu.memory_space<vmem>>
      %dma_wait3A_123 = arith.constant 0 : i32
      %dma_wait3A_124 = arith.constant 0 : i32
      %dma_wait3A_125 = tpu.memref_slice %arg2[%dma_wait3A_123, %dma_wait3A_124] : memref<10240x64xf32, #tpu.memory_space<hbm>> -> memref<10240x64xf32, #tpu.memory_space<hbm>>
      tpu.wait_indirect_dma semaphore(%arg12 : memref<!tpu.dma_semaphore, #tpu.memory_space<semaphore_mem>>) src(%dma_wait3A_125 : memref<10240x64xf32, #tpu.memory_space<hbm>>) dst(%dma_wait3A_119 : memref<128x64xf32, #tpu.memory_space<vmem>>)
      %run_scoped3A_126 = arith.constant 1 : i32
      "tpu.region"() ({
        %run_scoped3A_177 = tpu.sem_alloc : memref<!tpu.dma_semaphore, #tpu.memory_space<semaphore_mem>>
        %dma_start3A_178 = arith.constant 0 : i32
        %dma_start3A_179 = arith.constant 0 : i32
        %dma_start3A_180 = tpu.memref_slice %arg9[%run_scoped3A_126, %dma_start3A_178, %dma_start3A_179] : memref<4x128x64xf32, #tpu.memory_space<vmem>> -> memref<1x128x64xf32, #tpu.memory_space<vmem>>
        %dma_start3A_181 = tpu.memref_squeeze %dma_start3A_180 : memref<1x128x64xf32, #tpu.memory_space<vmem>> -> memref<128x64xf32, #tpu.memory_space<vmem>>
        %dma_start3A_182 = arith.constant 0 : i32
        %dma_start3A_183 = tpu.memref_slice %arg8[%add3A_114, %dma_start3A_182] : memref<156x128xi32, #tpu.memory_space<vmem>> -> memref<1x128xi32, #tpu.memory_space<vmem>>
        %dma_start3A_184 = tpu.memref_squeeze %dma_start3A_183 : memref<1x128xi32, #tpu.memory_space<vmem>> -> memref<128xi32, #tpu.memory_space<vmem>>
        %dma_start3A_185 = arith.constant 0 : i32
        %dma_start3A_186 = arith.constant 0 : i32
        %dma_start3A_187 = tpu.memref_slice %arg10[%dma_start3A_185, %dma_start3A_186] : memref<10240x64xf32, #tpu.memory_space<vmem_shared>> -> memref<10240x64xf32, #tpu.memory_space<vmem_shared>>
        tpu.enqueue_indirect_dma source(%dma_start3A_181 : memref<128x64xf32, #tpu.memory_space<vmem>>) target(%dma_start3A_187 : memref<10240x64xf32, #tpu.memory_space<vmem_shared>>) offsets(%dma_start3A_184 : memref<128xi32, #tpu.memory_space<vmem>>) semaphore(%run_scoped3A_177 : memref<!tpu.dma_semaphore, #tpu.memory_space<semaphore_mem>>) {add = true}
        %dma_wait3A_188 = arith.constant 0 : i32
        %dma_wait3A_189 = arith.constant 0 : i32
        %dma_wait3A_190 = tpu.memref_slice %arg9[%run_scoped3A_126, %dma_wait3A_188, %dma_wait3A_189] : memref<4x128x64xf32, #tpu.memory_space<vmem>> -> memref<1x128x64xf32, #tpu.memory_space<vmem>>
        %dma_wait3A_191 = tpu.memref_squeeze %dma_wait3A_190 : memref<1x128x64xf32, #tpu.memory_space<vmem>> -> memref<128x64xf32, #tpu.memory_space<vmem>>
        %dma_wait3A_192 = arith.constant 0 : i32
        %dma_wait3A_193 = tpu.memref_slice %arg8[%add3A_114, %dma_wait3A_192] : memref<156x128xi32, #tpu.memory_space<vmem>> -> memref<1x128xi32, #tpu.memory_space<vmem>>
        %dma_wait3A_194 = tpu.memref_squeeze %dma_wait3A_193 : memref<1x128xi32, #tpu.memory_space<vmem>> -> memref<128xi32, #tpu.memory_space<vmem>>
        %dma_wait3A_195 = arith.constant 0 : i32
        %dma_wait3A_196 = arith.constant 0 : i32
        %dma_wait3A_197 = tpu.memref_slice %arg10[%dma_wait3A_195, %dma_wait3A_196] : memref<10240x64xf32, #tpu.memory_space<vmem_shared>> -> memref<10240x64xf32, #tpu.memory_space<vmem_shared>>
        tpu.wait_indirect_dma semaphore(%run_scoped3A_177 : memref<!tpu.dma_semaphore, #tpu.memory_space<semaphore_mem>>) src(%dma_wait3A_191 : memref<128x64xf32, #tpu.memory_space<vmem>>) dst(%dma_wait3A_197 : memref<10240x64xf32, #tpu.memory_space<vmem_shared>>)
        tpu.yield
      }) : () -> ()
      %add3A_127 = arith.constant 4 : i32
      %add3A_128 = arith.addi %add3A_114, %add3A_127 : i32
      %lt3A_129 = arith.cmpi slt, %add3A_128, %select_n3A : i32
      %convert_element_type3A_130 = arith.extui %lt3A_129 : i1 to i32
      %cond3A_131 = arith.constant 0 : i32
      %cond3A_132 = arith.cmpi ne, %convert_element_type3A_130, %cond3A_131 : i32
      scf.if %cond3A_132 {
        %add3A_177 = arith.constant 4 : i32
        %add3A_178 = arith.addi %add3A_114, %add3A_177 : i32
        %dma_start3A_179 = arith.constant 1 : i32
        %dma_start3A_180 = arith.constant 0 : i32
        %dma_start3A_181 = arith.constant 0 : i32
        %dma_start3A_182 = tpu.memref_slice %arg9[%dma_start3A_179, %dma_start3A_180, %dma_start3A_181] : memref<4x128x64xf32, #tpu.memory_space<vmem>> -> memref<1x128x64xf32, #tpu.memory_space<vmem>>
        %dma_start3A_183 = tpu.memref_squeeze %dma_start3A_182 : memref<1x128x64xf32, #tpu.memory_space<vmem>> -> memref<128x64xf32, #tpu.memory_space<vmem>>
        %dma_start3A_184 = arith.constant 0 : i32
        %dma_start3A_185 = tpu.memref_slice %arg7[%add3A_178, %dma_start3A_184] : memref<156x128xi32, #tpu.memory_space<vmem>> -> memref<1x128xi32, #tpu.memory_space<vmem>>
        %dma_start3A_186 = tpu.memref_squeeze %dma_start3A_185 : memref<1x128xi32, #tpu.memory_space<vmem>> -> memref<128xi32, #tpu.memory_space<vmem>>
        %dma_start3A_187 = arith.constant 0 : i32
        %dma_start3A_188 = arith.constant 0 : i32
        %dma_start3A_189 = tpu.memref_slice %arg2[%dma_start3A_187, %dma_start3A_188] : memref<10240x64xf32, #tpu.memory_space<hbm>> -> memref<10240x64xf32, #tpu.memory_space<hbm>>
        tpu.enqueue_indirect_dma source(%dma_start3A_189 : memref<10240x64xf32, #tpu.memory_space<hbm>>) target(%dma_start3A_183 : memref<128x64xf32, #tpu.memory_space<vmem>>) offsets(%dma_start3A_186 : memref<128xi32, #tpu.memory_space<vmem>>) semaphore(%arg12 : memref<!tpu.dma_semaphore, #tpu.memory_space<semaphore_mem>>)
      } else {
      }
      %mul3A_133 = arith.constant 4 : i32
      %mul3A_134 = arith.muli %mul3A_133, %while3A_92 : i32
      %add3A_135 = arith.constant 2 : i32
      %add3A_136 = arith.addi %mul3A_134, %add3A_135 : i32
      %dma_wait3A_137 = arith.constant 2 : i32
      %dma_wait3A_138 = arith.constant 0 : i32
      %dma_wait3A_139 = arith.constant 0 : i32
      %dma_wait3A_140 = tpu.memref_slice %arg9[%dma_wait3A_137, %dma_wait3A_138, %dma_wait3A_139] : memref<4x128x64xf32, #tpu.memory_space<vmem>> -> memref<1x128x64xf32, #tpu.memory_space<vmem>>
      %dma_wait3A_141 = tpu.memref_squeeze %dma_wait3A_140 : memref<1x128x64xf32, #tpu.memory_space<vmem>> -> memref<128x64xf32, #tpu.memory_space<vmem>>
      %dma_wait3A_142 = arith.constant 0 : i32
      %dma_wait3A_143 = tpu.memref_slice %arg7[%add3A_136, %dma_wait3A_142] : memref<156x128xi32, #tpu.memory_space<vmem>> -> memref<1x128xi32, #tpu.memory_space<vmem>>
      %dma_wait3A_144 = tpu.memref_squeeze %dma_wait3A_143 : memref<1x128xi32, #tpu.memory_space<vmem>> -> memref<128xi32, #tpu.memory_space<vmem>>
      %dma_wait3A_145 = arith.constant 0 : i32
      %dma_wait3A_146 = arith.constant 0 : i32
      %dma_wait3A_147 = tpu.memref_slice %arg2[%dma_wait3A_145, %dma_wait3A_146] : memref<10240x64xf32, #tpu.memory_space<hbm>> -> memref<10240x64xf32, #tpu.memory_space<hbm>>
      tpu.wait_indirect_dma semaphore(%arg13 : memref<!tpu.dma_semaphore, #tpu.memory_space<semaphore_mem>>) src(%dma_wait3A_147 : memref<10240x64xf32, #tpu.memory_space<hbm>>) dst(%dma_wait3A_141 : memref<128x64xf32, #tpu.memory_space<vmem>>)
      %run_scoped3A_148 = arith.constant 2 : i32
      "tpu.region"() ({
        %run_scoped3A_177 = tpu.sem_alloc : memref<!tpu.dma_semaphore, #tpu.memory_space<semaphore_mem>>
        %dma_start3A_178 = arith.constant 0 : i32
        %dma_start3A_179 = arith.constant 0 : i32
        %dma_start3A_180 = tpu.memref_slice %arg9[%run_scoped3A_148, %dma_start3A_178, %dma_start3A_179] : memref<4x128x64xf32, #tpu.memory_space<vmem>> -> memref<1x128x64xf32, #tpu.memory_space<vmem>>
        %dma_start3A_181 = tpu.memref_squeeze %dma_start3A_180 : memref<1x128x64xf32, #tpu.memory_space<vmem>> -> memref<128x64xf32, #tpu.memory_space<vmem>>
        %dma_start3A_182 = arith.constant 0 : i32
        %dma_start3A_183 = tpu.memref_slice %arg8[%add3A_136, %dma_start3A_182] : memref<156x128xi32, #tpu.memory_space<vmem>> -> memref<1x128xi32, #tpu.memory_space<vmem>>
        %dma_start3A_184 = tpu.memref_squeeze %dma_start3A_183 : memref<1x128xi32, #tpu.memory_space<vmem>> -> memref<128xi32, #tpu.memory_space<vmem>>
        %dma_start3A_185 = arith.constant 0 : i32
        %dma_start3A_186 = arith.constant 0 : i32
        %dma_start3A_187 = tpu.memref_slice %arg10[%dma_start3A_185, %dma_start3A_186] : memref<10240x64xf32, #tpu.memory_space<vmem_shared>> -> memref<10240x64xf32, #tpu.memory_space<vmem_shared>>
        tpu.enqueue_indirect_dma source(%dma_start3A_181 : memref<128x64xf32, #tpu.memory_space<vmem>>) target(%dma_start3A_187 : memref<10240x64xf32, #tpu.memory_space<vmem_shared>>) offsets(%dma_start3A_184 : memref<128xi32, #tpu.memory_space<vmem>>) semaphore(%run_scoped3A_177 : memref<!tpu.dma_semaphore, #tpu.memory_space<semaphore_mem>>) {add = true}
        %dma_wait3A_188 = arith.constant 0 : i32
        %dma_wait3A_189 = arith.constant 0 : i32
        %dma_wait3A_190 = tpu.memref_slice %arg9[%run_scoped3A_148, %dma_wait3A_188, %dma_wait3A_189] : memref<4x128x64xf32, #tpu.memory_space<vmem>> -> memref<1x128x64xf32, #tpu.memory_space<vmem>>
        %dma_wait3A_191 = tpu.memref_squeeze %dma_wait3A_190 : memref<1x128x64xf32, #tpu.memory_space<vmem>> -> memref<128x64xf32, #tpu.memory_space<vmem>>
        %dma_wait3A_192 = arith.constant 0 : i32
        %dma_wait3A_193 = tpu.memref_slice %arg8[%add3A_136, %dma_wait3A_192] : memref<156x128xi32, #tpu.memory_space<vmem>> -> memref<1x128xi32, #tpu.memory_space<vmem>>
        %dma_wait3A_194 = tpu.memref_squeeze %dma_wait3A_193 : memref<1x128xi32, #tpu.memory_space<vmem>> -> memref<128xi32, #tpu.memory_space<vmem>>
        %dma_wait3A_195 = arith.constant 0 : i32
        %dma_wait3A_196 = arith.constant 0 : i32
        %dma_wait3A_197 = tpu.memref_slice %arg10[%dma_wait3A_195, %dma_wait3A_196] : memref<10240x64xf32, #tpu.memory_space<vmem_shared>> -> memref<10240x64xf32, #tpu.memory_space<vmem_shared>>
        tpu.wait_indirect_dma semaphore(%run_scoped3A_177 : memref<!tpu.dma_semaphore, #tpu.memory_space<semaphore_mem>>) src(%dma_wait3A_191 : memref<128x64xf32, #tpu.memory_space<vmem>>) dst(%dma_wait3A_197 : memref<10240x64xf32, #tpu.memory_space<vmem_shared>>)
        tpu.yield
      }) : () -> ()
      %add3A_149 = arith.constant 4 : i32
      %add3A_150 = arith.addi %add3A_136, %add3A_149 : i32
      %lt3A_151 = arith.cmpi slt, %add3A_150, %select_n3A : i32
      %convert_element_type3A_152 = arith.extui %lt3A_151 : i1 to i32
      %cond3A_153 = arith.constant 0 : i32
      %cond3A_154 = arith.cmpi ne, %convert_element_type3A_152, %cond3A_153 : i32
      scf.if %cond3A_154 {
        %add3A_177 = arith.constant 4 : i32
        %add3A_178 = arith.addi %add3A_136, %add3A_177 : i32
        %dma_start3A_179 = arith.constant 2 : i32
        %dma_start3A_180 = arith.constant 0 : i32
        %dma_start3A_181 = arith.constant 0 : i32
        %dma_start3A_182 = tpu.memref_slice %arg9[%dma_start3A_179, %dma_start3A_180, %dma_start3A_181] : memref<4x128x64xf32, #tpu.memory_space<vmem>> -> memref<1x128x64xf32, #tpu.memory_space<vmem>>
        %dma_start3A_183 = tpu.memref_squeeze %dma_start3A_182 : memref<1x128x64xf32, #tpu.memory_space<vmem>> -> memref<128x64xf32, #tpu.memory_space<vmem>>
        %dma_start3A_184 = arith.constant 0 : i32
        %dma_start3A_185 = tpu.memref_slice %arg7[%add3A_178, %dma_start3A_184] : memref<156x128xi32, #tpu.memory_space<vmem>> -> memref<1x128xi32, #tpu.memory_space<vmem>>
        %dma_start3A_186 = tpu.memref_squeeze %dma_start3A_185 : memref<1x128xi32, #tpu.memory_space<vmem>> -> memref<128xi32, #tpu.memory_space<vmem>>
        %dma_start3A_187 = arith.constant 0 : i32
        %dma_start3A_188 = arith.constant 0 : i32
        %dma_start3A_189 = tpu.memref_slice %arg2[%dma_start3A_187, %dma_start3A_188] : memref<10240x64xf32, #tpu.memory_space<hbm>> -> memref<10240x64xf32, #tpu.memory_space<hbm>>
        tpu.enqueue_indirect_dma source(%dma_start3A_189 : memref<10240x64xf32, #tpu.memory_space<hbm>>) target(%dma_start3A_183 : memref<128x64xf32, #tpu.memory_space<vmem>>) offsets(%dma_start3A_186 : memref<128xi32, #tpu.memory_space<vmem>>) semaphore(%arg13 : memref<!tpu.dma_semaphore, #tpu.memory_space<semaphore_mem>>)
      } else {
      }
      %mul3A_155 = arith.constant 4 : i32
      %mul3A_156 = arith.muli %mul3A_155, %while3A_92 : i32
      %add3A_157 = arith.constant 3 : i32
      %add3A_158 = arith.addi %mul3A_156, %add3A_157 : i32
      %dma_wait3A_159 = arith.constant 3 : i32
      %dma_wait3A_160 = arith.constant 0 : i32
      %dma_wait3A_161 = arith.constant 0 : i32
      %dma_wait3A_162 = tpu.memref_slice %arg9[%dma_wait3A_159, %dma_wait3A_160, %dma_wait3A_161] : memref<4x128x64xf32, #tpu.memory_space<vmem>> -> memref<1x128x64xf32, #tpu.memory_space<vmem>>
      %dma_wait3A_163 = tpu.memref_squeeze %dma_wait3A_162 : memref<1x128x64xf32, #tpu.memory_space<vmem>> -> memref<128x64xf32, #tpu.memory_space<vmem>>
      %dma_wait3A_164 = arith.constant 0 : i32
      %dma_wait3A_165 = tpu.memref_slice %arg7[%add3A_158, %dma_wait3A_164] : memref<156x128xi32, #tpu.memory_space<vmem>> -> memref<1x128xi32, #tpu.memory_space<vmem>>
      %dma_wait3A_166 = tpu.memref_squeeze %dma_wait3A_165 : memref<1x128xi32, #tpu.memory_space<vmem>> -> memref<128xi32, #tpu.memory_space<vmem>>
      %dma_wait3A_167 = arith.constant 0 : i32
      %dma_wait3A_168 = arith.constant 0 : i32
      %dma_wait3A_169 = tpu.memref_slice %arg2[%dma_wait3A_167, %dma_wait3A_168] : memref<10240x64xf32, #tpu.memory_space<hbm>> -> memref<10240x64xf32, #tpu.memory_space<hbm>>
      tpu.wait_indirect_dma semaphore(%arg14 : memref<!tpu.dma_semaphore, #tpu.memory_space<semaphore_mem>>) src(%dma_wait3A_169 : memref<10240x64xf32, #tpu.memory_space<hbm>>) dst(%dma_wait3A_163 : memref<128x64xf32, #tpu.memory_space<vmem>>)
      %run_scoped3A_170 = arith.constant 3 : i32
      "tpu.region"() ({
        %run_scoped3A_177 = tpu.sem_alloc : memref<!tpu.dma_semaphore, #tpu.memory_space<semaphore_mem>>
        %dma_start3A_178 = arith.constant 0 : i32
        %dma_start3A_179 = arith.constant 0 : i32
        %dma_start3A_180 = tpu.memref_slice %arg9[%run_scoped3A_170, %dma_start3A_178, %dma_start3A_179] : memref<4x128x64xf32, #tpu.memory_space<vmem>> -> memref<1x128x64xf32, #tpu.memory_space<vmem>>
        %dma_start3A_181 = tpu.memref_squeeze %dma_start3A_180 : memref<1x128x64xf32, #tpu.memory_space<vmem>> -> memref<128x64xf32, #tpu.memory_space<vmem>>
        %dma_start3A_182 = arith.constant 0 : i32
        %dma_start3A_183 = tpu.memref_slice %arg8[%add3A_158, %dma_start3A_182] : memref<156x128xi32, #tpu.memory_space<vmem>> -> memref<1x128xi32, #tpu.memory_space<vmem>>
        %dma_start3A_184 = tpu.memref_squeeze %dma_start3A_183 : memref<1x128xi32, #tpu.memory_space<vmem>> -> memref<128xi32, #tpu.memory_space<vmem>>
        %dma_start3A_185 = arith.constant 0 : i32
        %dma_start3A_186 = arith.constant 0 : i32
        %dma_start3A_187 = tpu.memref_slice %arg10[%dma_start3A_185, %dma_start3A_186] : memref<10240x64xf32, #tpu.memory_space<vmem_shared>> -> memref<10240x64xf32, #tpu.memory_space<vmem_shared>>
        tpu.enqueue_indirect_dma source(%dma_start3A_181 : memref<128x64xf32, #tpu.memory_space<vmem>>) target(%dma_start3A_187 : memref<10240x64xf32, #tpu.memory_space<vmem_shared>>) offsets(%dma_start3A_184 : memref<128xi32, #tpu.memory_space<vmem>>) semaphore(%run_scoped3A_177 : memref<!tpu.dma_semaphore, #tpu.memory_space<semaphore_mem>>) {add = true}
        %dma_wait3A_188 = arith.constant 0 : i32
        %dma_wait3A_189 = arith.constant 0 : i32
        %dma_wait3A_190 = tpu.memref_slice %arg9[%run_scoped3A_170, %dma_wait3A_188, %dma_wait3A_189] : memref<4x128x64xf32, #tpu.memory_space<vmem>> -> memref<1x128x64xf32, #tpu.memory_space<vmem>>
        %dma_wait3A_191 = tpu.memref_squeeze %dma_wait3A_190 : memref<1x128x64xf32, #tpu.memory_space<vmem>> -> memref<128x64xf32, #tpu.memory_space<vmem>>
        %dma_wait3A_192 = arith.constant 0 : i32
        %dma_wait3A_193 = tpu.memref_slice %arg8[%add3A_158, %dma_wait3A_192] : memref<156x128xi32, #tpu.memory_space<vmem>> -> memref<1x128xi32, #tpu.memory_space<vmem>>
        %dma_wait3A_194 = tpu.memref_squeeze %dma_wait3A_193 : memref<1x128xi32, #tpu.memory_space<vmem>> -> memref<128xi32, #tpu.memory_space<vmem>>
        %dma_wait3A_195 = arith.constant 0 : i32
        %dma_wait3A_196 = arith.constant 0 : i32
        %dma_wait3A_197 = tpu.memref_slice %arg10[%dma_wait3A_195, %dma_wait3A_196] : memref<10240x64xf32, #tpu.memory_space<vmem_shared>> -> memref<10240x64xf32, #tpu.memory_space<vmem_shared>>
        tpu.wait_indirect_dma semaphore(%run_scoped3A_177 : memref<!tpu.dma_semaphore, #tpu.memory_space<semaphore_mem>>) src(%dma_wait3A_191 : memref<128x64xf32, #tpu.memory_space<vmem>>) dst(%dma_wait3A_197 : memref<10240x64xf32, #tpu.memory_space<vmem_shared>>)
        tpu.yield
      }) : () -> ()
      %add3A_171 = arith.constant 4 : i32
      %add3A_172 = arith.addi %add3A_158, %add3A_171 : i32
      %lt3A_173 = arith.cmpi slt, %add3A_172, %select_n3A : i32
      %convert_element_type3A_174 = arith.extui %lt3A_173 : i1 to i32
      %cond3A_175 = arith.constant 0 : i32
      %cond3A_176 = arith.cmpi ne, %convert_element_type3A_174, %cond3A_175 : i32
      scf.if %cond3A_176 {
        %add3A_177 = arith.constant 4 : i32
        %add3A_178 = arith.addi %add3A_158, %add3A_177 : i32
        %dma_start3A_179 = arith.constant 3 : i32
        %dma_start3A_180 = arith.constant 0 : i32
        %dma_start3A_181 = arith.constant 0 : i32
        %dma_start3A_182 = tpu.memref_slice %arg9[%dma_start3A_179, %dma_start3A_180, %dma_start3A_181] : memref<4x128x64xf32, #tpu.memory_space<vmem>> -> memref<1x128x64xf32, #tpu.memory_space<vmem>>
        %dma_start3A_183 = tpu.memref_squeeze %dma_start3A_182 : memref<1x128x64xf32, #tpu.memory_space<vmem>> -> memref<128x64xf32, #tpu.memory_space<vmem>>
        %dma_start3A_184 = arith.constant 0 : i32
        %dma_start3A_185 = tpu.memref_slice %arg7[%add3A_178, %dma_start3A_184] : memref<156x128xi32, #tpu.memory_space<vmem>> -> memref<1x128xi32, #tpu.memory_space<vmem>>
        %dma_start3A_186 = tpu.memref_squeeze %dma_start3A_185 : memref<1x128xi32, #tpu.memory_space<vmem>> -> memref<128xi32, #tpu.memory_space<vmem>>
        %dma_start3A_187 = arith.constant 0 : i32
        %dma_start3A_188 = arith.constant 0 : i32
        %dma_start3A_189 = tpu.memref_slice %arg2[%dma_start3A_187, %dma_start3A_188] : memref<10240x64xf32, #tpu.memory_space<hbm>> -> memref<10240x64xf32, #tpu.memory_space<hbm>>
        tpu.enqueue_indirect_dma source(%dma_start3A_189 : memref<10240x64xf32, #tpu.memory_space<hbm>>) target(%dma_start3A_183 : memref<128x64xf32, #tpu.memory_space<vmem>>) offsets(%dma_start3A_186 : memref<128xi32, #tpu.memory_space<vmem>>) semaphore(%arg14 : memref<!tpu.dma_semaphore, #tpu.memory_space<semaphore_mem>>)
      } else {
      }
    }
    %while3A_86 = arith.constant 1 : i32
    scf.for %while3A_92 = %while3A_84 to %while3A_80 step %while3A_86  : i32 {
      %mul3A_93 = arith.constant 4 : i32
      %mul3A_94 = arith.muli %mul3A_93, %while3A_92 : i32
      %add3A = arith.constant 0 : i32
      %add3A_95 = arith.addi %mul3A_94, %add3A : i32
      %dma_wait3A = arith.constant 0 : i32
      %dma_wait3A_96 = arith.constant 0 : i32
      %dma_wait3A_97 = arith.constant 0 : i32
      %dma_wait3A_98 = tpu.memref_slice %arg9[%dma_wait3A, %dma_wait3A_96, %dma_wait3A_97] : memref<4x128x64xf32, #tpu.memory_space<vmem>> -> memref<1x128x64xf32, #tpu.memory_space<vmem>>
      %dma_wait3A_99 = tpu.memref_squeeze %dma_wait3A_98 : memref<1x128x64xf32, #tpu.memory_space<vmem>> -> memref<128x64xf32, #tpu.memory_space<vmem>>
      %dma_wait3A_100 = arith.constant 0 : i32
      %dma_wait3A_101 = tpu.memref_slice %arg7[%add3A_95, %dma_wait3A_100] : memref<156x128xi32, #tpu.memory_space<vmem>> -> memref<1x128xi32, #tpu.memory_space<vmem>>
      %dma_wait3A_102 = tpu.memref_squeeze %dma_wait3A_101 : memref<1x128xi32, #tpu.memory_space<vmem>> -> memref<128xi32, #tpu.memory_space<vmem>>
      %dma_wait3A_103 = arith.constant 0 : i32
      %dma_wait3A_104 = arith.constant 0 : i32
      %dma_wait3A_105 = tpu.memref_slice %arg2[%dma_wait3A_103, %dma_wait3A_104] : memref<10240x64xf32, #tpu.memory_space<hbm>> -> memref<10240x64xf32, #tpu.memory_space<hbm>>
      tpu.wait_indirect_dma semaphore(%arg11 : memref<!tpu.dma_semaphore, #tpu.memory_space<semaphore_mem>>) src(%dma_wait3A_105 : memref<10240x64xf32, #tpu.memory_space<hbm>>) dst(%dma_wait3A_99 : memref<128x64xf32, #tpu.memory_space<vmem>>)
      %run_scoped3A = arith.constant 0 : i32
      "tpu.region"() ({
        %run_scoped3A_177 = tpu.sem_alloc : memref<!tpu.dma_semaphore, #tpu.memory_space<semaphore_mem>>
        %dma_start3A_178 = arith.constant 0 : i32
        %dma_start3A_179 = arith.constant 0 : i32
        %dma_start3A_180 = tpu.memref_slice %arg9[%run_scoped3A, %dma_start3A_178, %dma_start3A_179] : memref<4x128x64xf32, #tpu.memory_space<vmem>> -> memref<1x128x64xf32, #tpu.memory_space<vmem>>
        %dma_start3A_181 = tpu.memref_squeeze %dma_start3A_180 : memref<1x128x64xf32, #tpu.memory_space<vmem>> -> memref<128x64xf32, #tpu.memory_space<vmem>>
        %dma_start3A_182 = arith.constant 0 : i32
        %dma_start3A_183 = tpu.memref_slice %arg8[%add3A_95, %dma_start3A_182] : memref<156x128xi32, #tpu.memory_space<vmem>> -> memref<1x128xi32, #tpu.memory_space<vmem>>
        %dma_start3A_184 = tpu.memref_squeeze %dma_start3A_183 : memref<1x128xi32, #tpu.memory_space<vmem>> -> memref<128xi32, #tpu.memory_space<vmem>>
        %dma_start3A_185 = arith.constant 0 : i32
        %dma_start3A_186 = arith.constant 0 : i32
        %dma_start3A_187 = tpu.memref_slice %arg10[%dma_start3A_185, %dma_start3A_186] : memref<10240x64xf32, #tpu.memory_space<vmem_shared>> -> memref<10240x64xf32, #tpu.memory_space<vmem_shared>>
        tpu.enqueue_indirect_dma source(%dma_start3A_181 : memref<128x64xf32, #tpu.memory_space<vmem>>) target(%dma_start3A_187 : memref<10240x64xf32, #tpu.memory_space<vmem_shared>>) offsets(%dma_start3A_184 : memref<128xi32, #tpu.memory_space<vmem>>) semaphore(%run_scoped3A_177 : memref<!tpu.dma_semaphore, #tpu.memory_space<semaphore_mem>>) {add = true}
        %dma_wait3A_188 = arith.constant 0 : i32
        %dma_wait3A_189 = arith.constant 0 : i32
        %dma_wait3A_190 = tpu.memref_slice %arg9[%run_scoped3A, %dma_wait3A_188, %dma_wait3A_189] : memref<4x128x64xf32, #tpu.memory_space<vmem>> -> memref<1x128x64xf32, #tpu.memory_space<vmem>>
        %dma_wait3A_191 = tpu.memref_squeeze %dma_wait3A_190 : memref<1x128x64xf32, #tpu.memory_space<vmem>> -> memref<128x64xf32, #tpu.memory_space<vmem>>
        %dma_wait3A_192 = arith.constant 0 : i32
        %dma_wait3A_193 = tpu.memref_slice %arg8[%add3A_95, %dma_wait3A_192] : memref<156x128xi32, #tpu.memory_space<vmem>> -> memref<1x128xi32, #tpu.memory_space<vmem>>
        %dma_wait3A_194 = tpu.memref_squeeze %dma_wait3A_193 : memref<1x128xi32, #tpu.memory_space<vmem>> -> memref<128xi32, #tpu.memory_space<vmem>>
        %dma_wait3A_195 = arith.constant 0 : i32
        %dma_wait3A_196 = arith.constant 0 : i32
        %dma_wait3A_197 = tpu.memref_slice %arg10[%dma_wait3A_195, %dma_wait3A_196] : memref<10240x64xf32, #tpu.memory_space<vmem_shared>> -> memref<10240x64xf32, #tpu.memory_space<vmem_shared>>
        tpu.wait_indirect_dma semaphore(%run_scoped3A_177 : memref<!tpu.dma_semaphore, #tpu.memory_space<semaphore_mem>>) src(%dma_wait3A_191 : memref<128x64xf32, #tpu.memory_space<vmem>>) dst(%dma_wait3A_197 : memref<10240x64xf32, #tpu.memory_space<vmem_shared>>)
        tpu.yield
      }) : () -> ()
      %add3A_106 = arith.constant 4 : i32
      %add3A_107 = arith.addi %add3A_95, %add3A_106 : i32
      %lt3A = arith.cmpi slt, %add3A_107, %select_n3A : i32
      %convert_element_type3A_108 = arith.extui %lt3A : i1 to i32
      %cond3A_109 = arith.constant 0 : i32
      %cond3A_110 = arith.cmpi ne, %convert_element_type3A_108, %cond3A_109 : i32
      scf.if %cond3A_110 {
        %add3A_177 = arith.constant 4 : i32
        %add3A_178 = arith.addi %add3A_95, %add3A_177 : i32
        %dma_start3A_179 = arith.constant 0 : i32
        %dma_start3A_180 = arith.constant 0 : i32
        %dma_start3A_181 = arith.constant 0 : i32
        %dma_start3A_182 = tpu.memref_slice %arg9[%dma_start3A_179, %dma_start3A_180, %dma_start3A_181] : memref<4x128x64xf32, #tpu.memory_space<vmem>> -> memref<1x128x64xf32, #tpu.memory_space<vmem>>
        %dma_start3A_183 = tpu.memref_squeeze %dma_start3A_182 : memref<1x128x64xf32, #tpu.memory_space<vmem>> -> memref<128x64xf32, #tpu.memory_space<vmem>>
        %dma_start3A_184 = arith.constant 0 : i32
        %dma_start3A_185 = tpu.memref_slice %arg7[%add3A_178, %dma_start3A_184] : memref<156x128xi32, #tpu.memory_space<vmem>> -> memref<1x128xi32, #tpu.memory_space<vmem>>
        %dma_start3A_186 = tpu.memref_squeeze %dma_start3A_185 : memref<1x128xi32, #tpu.memory_space<vmem>> -> memref<128xi32, #tpu.memory_space<vmem>>
        %dma_start3A_187 = arith.constant 0 : i32
        %dma_start3A_188 = arith.constant 0 : i32
        %dma_start3A_189 = tpu.memref_slice %arg2[%dma_start3A_187, %dma_start3A_188] : memref<10240x64xf32, #tpu.memory_space<hbm>> -> memref<10240x64xf32, #tpu.memory_space<hbm>>
        tpu.enqueue_indirect_dma source(%dma_start3A_189 : memref<10240x64xf32, #tpu.memory_space<hbm>>) target(%dma_start3A_183 : memref<128x64xf32, #tpu.memory_space<vmem>>) offsets(%dma_start3A_186 : memref<128xi32, #tpu.memory_space<vmem>>) semaphore(%arg11 : memref<!tpu.dma_semaphore, #tpu.memory_space<semaphore_mem>>)
      } else {
      }
      %mul3A_111 = arith.constant 4 : i32
      %mul3A_112 = arith.muli %mul3A_111, %while3A_92 : i32
      %add3A_113 = arith.constant 1 : i32
      %add3A_114 = arith.addi %mul3A_112, %add3A_113 : i32
      %dma_wait3A_115 = arith.constant 1 : i32
      %dma_wait3A_116 = arith.constant 0 : i32
      %dma_wait3A_117 = arith.constant 0 : i32
      %dma_wait3A_118 = tpu.memref_slice %arg9[%dma_wait3A_115, %dma_wait3A_116, %dma_wait3A_117] : memref<4x128x64xf32, #tpu.memory_space<vmem>> -> memref<1x128x64xf32, #tpu.memory_space<vmem>>
      %dma_wait3A_119 = tpu.memref_squeeze %dma_wait3A_118 : memref<1x128x64xf32, #tpu.memory_space<vmem>> -> memref<128x64xf32, #tpu.memory_space<vmem>>
      %dma_wait3A_120 = arith.constant 0 : i32
      %dma_wait3A_121 = tpu.memref_slice %arg7[%add3A_114, %dma_wait3A_120] : memref<156x128xi32, #tpu.memory_space<vmem>> -> memref<1x128xi32, #tpu.memory_space<vmem>>
      %dma_wait3A_122 = tpu.memref_squeeze %dma_wait3A_121 : memref<1x128xi32, #tpu.memory_space<vmem>> -> memref<128xi32, #tpu.memory_space<vmem>>
      %dma_wait3A_123 = arith.constant 0 : i32
      %dma_wait3A_124 = arith.constant 0 : i32
      %dma_wait3A_125 = tpu.memref_slice %arg2[%dma_wait3A_123, %dma_wait3A_124] : memref<10240x64xf32, #tpu.memory_space<hbm>> -> memref<10240x64xf32, #tpu.memory_space<hbm>>
      tpu.wait_indirect_dma semaphore(%arg12 : memref<!tpu.dma_semaphore, #tpu.memory_space<semaphore_mem>>) src(%dma_wait3A_125 : memref<10240x64xf32, #tpu.memory_space<hbm>>) dst(%dma_wait3A_119 : memref<128x64xf32, #tpu.memory_space<vmem>>)
      %run_scoped3A_126 = arith.constant 1 : i32
      "tpu.region"() ({
        %run_scoped3A_177 = tpu.sem_alloc : memref<!tpu.dma_semaphore, #tpu.memory_space<semaphore_mem>>
        %dma_start3A_178 = arith.constant 0 : i32
        %dma_start3A_179 = arith.constant 0 : i32
        %dma_start3A_180 = tpu.memref_slice %arg9[%run_scoped3A_126, %dma_start3A_178, %dma_start3A_179] : memref<4x128x64xf32, #tpu.memory_space<vmem>> -> memref<1x128x64xf32, #tpu.memory_space<vmem>>
        %dma_start3A_181 = tpu.memref_squeeze %dma_start3A_180 : memref<1x128x64xf32, #tpu.memory_space<vmem>> -> memref<128x64xf32, #tpu.memory_space<vmem>>
        %dma_start3A_182 = arith.constant 0 : i32
        %dma_start3A_183 = tpu.memref_slice %arg8[%add3A_114, %dma_start3A_182] : memref<156x128xi32, #tpu.memory_space<vmem>> -> memref<1x128xi32, #tpu.memory_space<vmem>>
        %dma_start3A_184 = tpu.memref_squeeze %dma_start3A_183 : memref<1x128xi32, #tpu.memory_space<vmem>> -> memref<128xi32, #tpu.memory_space<vmem>>
        %dma_start3A_185 = arith.constant 0 : i32
        %dma_start3A_186 = arith.constant 0 : i32
        %dma_start3A_187 = tpu.memref_slice %arg10[%dma_start3A_185, %dma_start3A_186] : memref<10240x64xf32, #tpu.memory_space<vmem_shared>> -> memref<10240x64xf32, #tpu.memory_space<vmem_shared>>
        tpu.enqueue_indirect_dma source(%dma_start3A_181 : memref<128x64xf32, #tpu.memory_space<vmem>>) target(%dma_start3A_187 : memref<10240x64xf32, #tpu.memory_space<vmem_shared>>) offsets(%dma_start3A_184 : memref<128xi32, #tpu.memory_space<vmem>>) semaphore(%run_scoped3A_177 : memref<!tpu.dma_semaphore, #tpu.memory_space<semaphore_mem>>) {add = true}
        %dma_wait3A_188 = arith.constant 0 : i32
        %dma_wait3A_189 = arith.constant 0 : i32
        %dma_wait3A_190 = tpu.memref_slice %arg9[%run_scoped3A_126, %dma_wait3A_188, %dma_wait3A_189] : memref<4x128x64xf32, #tpu.memory_space<vmem>> -> memref<1x128x64xf32, #tpu.memory_space<vmem>>
        %dma_wait3A_191 = tpu.memref_squeeze %dma_wait3A_190 : memref<1x128x64xf32, #tpu.memory_space<vmem>> -> memref<128x64xf32, #tpu.memory_space<vmem>>
        %dma_wait3A_192 = arith.constant 0 : i32
        %dma_wait3A_193 = tpu.memref_slice %arg8[%add3A_114, %dma_wait3A_192] : memref<156x128xi32, #tpu.memory_space<vmem>> -> memref<1x128xi32, #tpu.memory_space<vmem>>
        %dma_wait3A_194 = tpu.memref_squeeze %dma_wait3A_193 : memref<1x128xi32, #tpu.memory_space<vmem>> -> memref<128xi32, #tpu.memory_space<vmem>>
        %dma_wait3A_195 = arith.constant 0 : i32
        %dma_wait3A_196 = arith.constant 0 : i32
        %dma_wait3A_197 = tpu.memref_slice %arg10[%dma_wait3A_195, %dma_wait3A_196] : memref<10240x64xf32, #tpu.memory_space<vmem_shared>> -> memref<10240x64xf32, #tpu.memory_space<vmem_shared>>
        tpu.wait_indirect_dma semaphore(%run_scoped3A_177 : memref<!tpu.dma_semaphore, #tpu.memory_space<semaphore_mem>>) src(%dma_wait3A_191 : memref<128x64xf32, #tpu.memory_space<vmem>>) dst(%dma_wait3A_197 : memref<10240x64xf32, #tpu.memory_space<vmem_shared>>)
        tpu.yield
      }) : () -> ()
      %add3A_127 = arith.constant 4 : i32
      %add3A_128 = arith.addi %add3A_114, %add3A_127 : i32
      %lt3A_129 = arith.cmpi slt, %add3A_128, %select_n3A : i32
      %convert_element_type3A_130 = arith.extui %lt3A_129 : i1 to i32
      %cond3A_131 = arith.constant 0 : i32
      %cond3A_132 = arith.cmpi ne, %convert_element_type3A_130, %cond3A_131 : i32
      scf.if %cond3A_132 {
        %add3A_177 = arith.constant 4 : i32
        %add3A_178 = arith.addi %add3A_114, %add3A_177 : i32
        %dma_start3A_179 = arith.constant 1 : i32
        %dma_start3A_180 = arith.constant 0 : i32
        %dma_start3A_181 = arith.constant 0 : i32
        %dma_start3A_182 = tpu.memref_slice %arg9[%dma_start3A_179, %dma_start3A_180, %dma_start3A_181] : memref<4x128x64xf32, #tpu.memory_space<vmem>> -> memref<1x128x64xf32, #tpu.memory_space<vmem>>
        %dma_start3A_183 = tpu.memref_squeeze %dma_start3A_182 : memref<1x128x64xf32, #tpu.memory_space<vmem>> -> memref<128x64xf32, #tpu.memory_space<vmem>>
        %dma_start3A_184 = arith.constant 0 : i32
        %dma_start3A_185 = tpu.memref_slice %arg7[%add3A_178, %dma_start3A_184] : memref<156x128xi32, #tpu.memory_space<vmem>> -> memref<1x128xi32, #tpu.memory_space<vmem>>
        %dma_start3A_186 = tpu.memref_squeeze %dma_start3A_185 : memref<1x128xi32, #tpu.memory_space<vmem>> -> memref<128xi32, #tpu.memory_space<vmem>>
        %dma_start3A_187 = arith.constant 0 : i32
        %dma_start3A_188 = arith.constant 0 : i32
        %dma_start3A_189 = tpu.memref_slice %arg2[%dma_start3A_187, %dma_start3A_188] : memref<10240x64xf32, #tpu.memory_space<hbm>> -> memref<10240x64xf32, #tpu.memory_space<hbm>>
        tpu.enqueue_indirect_dma source(%dma_start3A_189 : memref<10240x64xf32, #tpu.memory_space<hbm>>) target(%dma_start3A_183 : memref<128x64xf32, #tpu.memory_space<vmem>>) offsets(%dma_start3A_186 : memref<128xi32, #tpu.memory_space<vmem>>) semaphore(%arg12 : memref<!tpu.dma_semaphore, #tpu.memory_space<semaphore_mem>>)
      } else {
      }
      %mul3A_133 = arith.constant 4 : i32
      %mul3A_134 = arith.muli %mul3A_133, %while3A_92 : i32
      %add3A_135 = arith.constant 2 : i32
      %add3A_136 = arith.addi %mul3A_134, %add3A_135 : i32
      %dma_wait3A_137 = arith.constant 2 : i32
      %dma_wait3A_138 = arith.constant 0 : i32
      %dma_wait3A_139 = arith.constant 0 : i32
      %dma_wait3A_140 = tpu.memref_slice %arg9[%dma_wait3A_137, %dma_wait3A_138, %dma_wait3A_139] : memref<4x128x64xf32, #tpu.memory_space<vmem>> -> memref<1x128x64xf32, #tpu.memory_space<vmem>>
      %dma_wait3A_141 = tpu.memref_squeeze %dma_wait3A_140 : memref<1x128x64xf32, #tpu.memory_space<vmem>> -> memref<128x64xf32, #tpu.memory_space<vmem>>
      %dma_wait3A_142 = arith.constant 0 : i32
      %dma_wait3A_143 = tpu.memref_slice %arg7[%add3A_136, %dma_wait3A_142] : memref<156x128xi32, #tpu.memory_space<vmem>> -> memref<1x128xi32, #tpu.memory_space<vmem>>
      %dma_wait3A_144 = tpu.memref_squeeze %dma_wait3A_143 : memref<1x128xi32, #tpu.memory_space<vmem>> -> memref<128xi32, #tpu.memory_space<vmem>>
      %dma_wait3A_145 = arith.constant 0 : i32
      %dma_wait3A_146 = arith.constant 0 : i32
      %dma_wait3A_147 = tpu.memref_slice %arg2[%dma_wait3A_145, %dma_wait3A_146] : memref<10240x64xf32, #tpu.memory_space<hbm>> -> memref<10240x64xf32, #tpu.memory_space<hbm>>
      tpu.wait_indirect_dma semaphore(%arg13 : memref<!tpu.dma_semaphore, #tpu.memory_space<semaphore_mem>>) src(%dma_wait3A_147 : memref<10240x64xf32, #tpu.memory_space<hbm>>) dst(%dma_wait3A_141 : memref<128x64xf32, #tpu.memory_space<vmem>>)
      %run_scoped3A_148 = arith.constant 2 : i32
      "tpu.region"() ({
        %run_scoped3A_177 = tpu.sem_alloc : memref<!tpu.dma_semaphore, #tpu.memory_space<semaphore_mem>>
        %dma_start3A_178 = arith.constant 0 : i32
        %dma_start3A_179 = arith.constant 0 : i32
        %dma_start3A_180 = tpu.memref_slice %arg9[%run_scoped3A_148, %dma_start3A_178, %dma_start3A_179] : memref<4x128x64xf32, #tpu.memory_space<vmem>> -> memref<1x128x64xf32, #tpu.memory_space<vmem>>
        %dma_start3A_181 = tpu.memref_squeeze %dma_start3A_180 : memref<1x128x64xf32, #tpu.memory_space<vmem>> -> memref<128x64xf32, #tpu.memory_space<vmem>>
        %dma_start3A_182 = arith.constant 0 : i32
        %dma_start3A_183 = tpu.memref_slice %arg8[%add3A_136, %dma_start3A_182] : memref<156x128xi32, #tpu.memory_space<vmem>> -> memref<1x128xi32, #tpu.memory_space<vmem>>
        %dma_start3A_184 = tpu.memref_squeeze %dma_start3A_183 : memref<1x128xi32, #tpu.memory_space<vmem>> -> memref<128xi32, #tpu.memory_space<vmem>>
        %dma_start3A_185 = arith.constant 0 : i32
        %dma_start3A_186 = arith.constant 0 : i32
        %dma_start3A_187 = tpu.memref_slice %arg10[%dma_start3A_185, %dma_start3A_186] : memref<10240x64xf32, #tpu.memory_space<vmem_shared>> -> memref<10240x64xf32, #tpu.memory_space<vmem_shared>>
        tpu.enqueue_indirect_dma source(%dma_start3A_181 : memref<128x64xf32, #tpu.memory_space<vmem>>) target(%dma_start3A_187 : memref<10240x64xf32, #tpu.memory_space<vmem_shared>>) offsets(%dma_start3A_184 : memref<128xi32, #tpu.memory_space<vmem>>) semaphore(%run_scoped3A_177 : memref<!tpu.dma_semaphore, #tpu.memory_space<semaphore_mem>>) {add = true}
        %dma_wait3A_188 = arith.constant 0 : i32
        %dma_wait3A_189 = arith.constant 0 : i32
        %dma_wait3A_190 = tpu.memref_slice %arg9[%run_scoped3A_148, %dma_wait3A_188, %dma_wait3A_189] : memref<4x128x64xf32, #tpu.memory_space<vmem>> -> memref<1x128x64xf32, #tpu.memory_space<vmem>>
        %dma_wait3A_191 = tpu.memref_squeeze %dma_wait3A_190 : memref<1x128x64xf32, #tpu.memory_space<vmem>> -> memref<128x64xf32, #tpu.memory_space<vmem>>
        %dma_wait3A_192 = arith.constant 0 : i32
        %dma_wait3A_193 = tpu.memref_slice %arg8[%add3A_136, %dma_wait3A_192] : memref<156x128xi32, #tpu.memory_space<vmem>> -> memref<1x128xi32, #tpu.memory_space<vmem>>
        %dma_wait3A_194 = tpu.memref_squeeze %dma_wait3A_193 : memref<1x128xi32, #tpu.memory_space<vmem>> -> memref<128xi32, #tpu.memory_space<vmem>>
        %dma_wait3A_195 = arith.constant 0 : i32
        %dma_wait3A_196 = arith.constant 0 : i32
        %dma_wait3A_197 = tpu.memref_slice %arg10[%dma_wait3A_195, %dma_wait3A_196] : memref<10240x64xf32, #tpu.memory_space<vmem_shared>> -> memref<10240x64xf32, #tpu.memory_space<vmem_shared>>
        tpu.wait_indirect_dma semaphore(%run_scoped3A_177 : memref<!tpu.dma_semaphore, #tpu.memory_space<semaphore_mem>>) src(%dma_wait3A_191 : memref<128x64xf32, #tpu.memory_space<vmem>>) dst(%dma_wait3A_197 : memref<10240x64xf32, #tpu.memory_space<vmem_shared>>)
        tpu.yield
      }) : () -> ()
      %add3A_149 = arith.constant 4 : i32
      %add3A_150 = arith.addi %add3A_136, %add3A_149 : i32
      %lt3A_151 = arith.cmpi slt, %add3A_150, %select_n3A : i32
      %convert_element_type3A_152 = arith.extui %lt3A_151 : i1 to i32
      %cond3A_153 = arith.constant 0 : i32
      %cond3A_154 = arith.cmpi ne, %convert_element_type3A_152, %cond3A_153 : i32
      scf.if %cond3A_154 {
        %add3A_177 = arith.constant 4 : i32
        %add3A_178 = arith.addi %add3A_136, %add3A_177 : i32
        %dma_start3A_179 = arith.constant 2 : i32
        %dma_start3A_180 = arith.constant 0 : i32
        %dma_start3A_181 = arith.constant 0 : i32
        %dma_start3A_182 = tpu.memref_slice %arg9[%dma_start3A_179, %dma_start3A_180, %dma_start3A_181] : memref<4x128x64xf32, #tpu.memory_space<vmem>> -> memref<1x128x64xf32, #tpu.memory_space<vmem>>
        %dma_start3A_183 = tpu.memref_squeeze %dma_start3A_182 : memref<1x128x64xf32, #tpu.memory_space<vmem>> -> memref<128x64xf32, #tpu.memory_space<vmem>>
        %dma_start3A_184 = arith.constant 0 : i32
        %dma_start3A_185 = tpu.memref_slice %arg7[%add3A_178, %dma_start3A_184] : memref<156x128xi32, #tpu.memory_space<vmem>> -> memref<1x128xi32, #tpu.memory_space<vmem>>
        %dma_start3A_186 = tpu.memref_squeeze %dma_start3A_185 : memref<1x128xi32, #tpu.memory_space<vmem>> -> memref<128xi32, #tpu.memory_space<vmem>>
        %dma_start3A_187 = arith.constant 0 : i32
        %dma_start3A_188 = arith.constant 0 : i32
        %dma_start3A_189 = tpu.memref_slice %arg2[%dma_start3A_187, %dma_start3A_188] : memref<10240x64xf32, #tpu.memory_space<hbm>> -> memref<10240x64xf32, #tpu.memory_space<hbm>>
        tpu.enqueue_indirect_dma source(%dma_start3A_189 : memref<10240x64xf32, #tpu.memory_space<hbm>>) target(%dma_start3A_183 : memref<128x64xf32, #tpu.memory_space<vmem>>) offsets(%dma_start3A_186 : memref<128xi32, #tpu.memory_space<vmem>>) semaphore(%arg13 : memref<!tpu.dma_semaphore, #tpu.memory_space<semaphore_mem>>)
      } else {
      }
      %mul3A_155 = arith.constant 4 : i32
      %mul3A_156 = arith.muli %mul3A_155, %while3A_92 : i32
      %add3A_157 = arith.constant 3 : i32
      %add3A_158 = arith.addi %mul3A_156, %add3A_157 : i32
      %dma_wait3A_159 = arith.constant 3 : i32
      %dma_wait3A_160 = arith.constant 0 : i32
      %dma_wait3A_161 = arith.constant 0 : i32
      %dma_wait3A_162 = tpu.memref_slice %arg9[%dma_wait3A_159, %dma_wait3A_160, %dma_wait3A_161] : memref<4x128x64xf32, #tpu.memory_space<vmem>> -> memref<1x128x64xf32, #tpu.memory_space<vmem>>
      %dma_wait3A_163 = tpu.memref_squeeze %dma_wait3A_162 : memref<1x128x64xf32, #tpu.memory_space<vmem>> -> memref<128x64xf32, #tpu.memory_space<vmem>>
      %dma_wait3A_164 = arith.constant 0 : i32
      %dma_wait3A_165 = tpu.memref_slice %arg7[%add3A_158, %dma_wait3A_164] : memref<156x128xi32, #tpu.memory_space<vmem>> -> memref<1x128xi32, #tpu.memory_space<vmem>>
      %dma_wait3A_166 = tpu.memref_squeeze %dma_wait3A_165 : memref<1x128xi32, #tpu.memory_space<vmem>> -> memref<128xi32, #tpu.memory_space<vmem>>
      %dma_wait3A_167 = arith.constant 0 : i32
      %dma_wait3A_168 = arith.constant 0 : i32
      %dma_wait3A_169 = tpu.memref_slice %arg2[%dma_wait3A_167, %dma_wait3A_168] : memref<10240x64xf32, #tpu.memory_space<hbm>> -> memref<10240x64xf32, #tpu.memory_space<hbm>>
      tpu.wait_indirect_dma semaphore(%arg14 : memref<!tpu.dma_semaphore, #tpu.memory_space<semaphore_mem>>) src(%dma_wait3A_169 : memref<10240x64xf32, #tpu.memory_space<hbm>>) dst(%dma_wait3A_163 : memref<128x64xf32, #tpu.memory_space<vmem>>)
      %run_scoped3A_170 = arith.constant 3 : i32
      "tpu.region"() ({
        %run_scoped3A_177 = tpu.sem_alloc : memref<!tpu.dma_semaphore, #tpu.memory_space<semaphore_mem>>
        %dma_start3A_178 = arith.constant 0 : i32
        %dma_start3A_179 = arith.constant 0 : i32
        %dma_start3A_180 = tpu.memref_slice %arg9[%run_scoped3A_170, %dma_start3A_178, %dma_start3A_179] : memref<4x128x64xf32, #tpu.memory_space<vmem>> -> memref<1x128x64xf32, #tpu.memory_space<vmem>>
        %dma_start3A_181 = tpu.memref_squeeze %dma_start3A_180 : memref<1x128x64xf32, #tpu.memory_space<vmem>> -> memref<128x64xf32, #tpu.memory_space<vmem>>
        %dma_start3A_182 = arith.constant 0 : i32
        %dma_start3A_183 = tpu.memref_slice %arg8[%add3A_158, %dma_start3A_182] : memref<156x128xi32, #tpu.memory_space<vmem>> -> memref<1x128xi32, #tpu.memory_space<vmem>>
        %dma_start3A_184 = tpu.memref_squeeze %dma_start3A_183 : memref<1x128xi32, #tpu.memory_space<vmem>> -> memref<128xi32, #tpu.memory_space<vmem>>
        %dma_start3A_185 = arith.constant 0 : i32
        %dma_start3A_186 = arith.constant 0 : i32
        %dma_start3A_187 = tpu.memref_slice %arg10[%dma_start3A_185, %dma_start3A_186] : memref<10240x64xf32, #tpu.memory_space<vmem_shared>> -> memref<10240x64xf32, #tpu.memory_space<vmem_shared>>
        tpu.enqueue_indirect_dma source(%dma_start3A_181 : memref<128x64xf32, #tpu.memory_space<vmem>>) target(%dma_start3A_187 : memref<10240x64xf32, #tpu.memory_space<vmem_shared>>) offsets(%dma_start3A_184 : memref<128xi32, #tpu.memory_space<vmem>>) semaphore(%run_scoped3A_177 : memref<!tpu.dma_semaphore, #tpu.memory_space<semaphore_mem>>) {add = true}
        %dma_wait3A_188 = arith.constant 0 : i32
        %dma_wait3A_189 = arith.constant 0 : i32
        %dma_wait3A_190 = tpu.memref_slice %arg9[%run_scoped3A_170, %dma_wait3A_188, %dma_wait3A_189] : memref<4x128x64xf32, #tpu.memory_space<vmem>> -> memref<1x128x64xf32, #tpu.memory_space<vmem>>
        %dma_wait3A_191 = tpu.memref_squeeze %dma_wait3A_190 : memref<1x128x64xf32, #tpu.memory_space<vmem>> -> memref<128x64xf32, #tpu.memory_space<vmem>>
        %dma_wait3A_192 = arith.constant 0 : i32
        %dma_wait3A_193 = tpu.memref_slice %arg8[%add3A_158, %dma_wait3A_192] : memref<156x128xi32, #tpu.memory_space<vmem>> -> memref<1x128xi32, #tpu.memory_space<vmem>>
        %dma_wait3A_194 = tpu.memref_squeeze %dma_wait3A_193 : memref<1x128xi32, #tpu.memory_space<vmem>> -> memref<128xi32, #tpu.memory_space<vmem>>
        %dma_wait3A_195 = arith.constant 0 : i32
        %dma_wait3A_196 = arith.constant 0 : i32
        %dma_wait3A_197 = tpu.memref_slice %arg10[%dma_wait3A_195, %dma_wait3A_196] : memref<10240x64xf32, #tpu.memory_space<vmem_shared>> -> memref<10240x64xf32, #tpu.memory_space<vmem_shared>>
        tpu.wait_indirect_dma semaphore(%run_scoped3A_177 : memref<!tpu.dma_semaphore, #tpu.memory_space<semaphore_mem>>) src(%dma_wait3A_191 : memref<128x64xf32, #tpu.memory_space<vmem>>) dst(%dma_wait3A_197 : memref<10240x64xf32, #tpu.memory_space<vmem_shared>>)
        tpu.yield
      }) : () -> ()
      %add3A_171 = arith.constant 4 : i32
      %add3A_172 = arith.addi %add3A_158, %add3A_171 : i32
      %lt3A_173 = arith.cmpi slt, %add3A_172, %select_n3A : i32
      %convert_element_type3A_174 = arith.extui %lt3A_173 : i1 to i32
      %cond3A_175 = arith.constant 0 : i32
      %cond3A_176 = arith.cmpi ne, %convert_element_type3A_174, %cond3A_175 : i32
      scf.if %cond3A_176 {
        %add3A_177 = arith.constant 4 : i32
        %add3A_178 = arith.addi %add3A_158, %add3A_177 : i32
        %dma_start3A_179 = arith.constant 3 : i32
        %dma_start3A_180 = arith.constant 0 : i32
        %dma_start3A_181 = arith.constant 0 : i32
        %dma_start3A_182 = tpu.memref_slice %arg9[%dma_start3A_179, %dma_start3A_180, %dma_start3A_181] : memref<4x128x64xf32, #tpu.memory_space<vmem>> -> memref<1x128x64xf32, #tpu.memory_space<vmem>>
        %dma_start3A_183 = tpu.memref_squeeze %dma_start3A_182 : memref<1x128x64xf32, #tpu.memory_space<vmem>> -> memref<128x64xf32, #tpu.memory_space<vmem>>
        %dma_start3A_184 = arith.constant 0 : i32
        %dma_start3A_185 = tpu.memref_slice %arg7[%add3A_178, %dma_start3A_184] : memref<156x128xi32, #tpu.memory_space<vmem>> -> memref<1x128xi32, #tpu.memory_space<vmem>>
        %dma_start3A_186 = tpu.memref_squeeze %dma_start3A_185 : memref<1x128xi32, #tpu.memory_space<vmem>> -> memref<128xi32, #tpu.memory_space<vmem>>
        %dma_start3A_187 = arith.constant 0 : i32
        %dma_start3A_188 = arith.constant 0 : i32
        %dma_start3A_189 = tpu.memref_slice %arg2[%dma_start3A_187, %dma_start3A_188] : memref<10240x64xf32, #tpu.memory_space<hbm>> -> memref<10240x64xf32, #tpu.memory_space<hbm>>
        tpu.enqueue_indirect_dma source(%dma_start3A_189 : memref<10240x64xf32, #tpu.memory_space<hbm>>) target(%dma_start3A_183 : memref<128x64xf32, #tpu.memory_space<vmem>>) offsets(%dma_start3A_186 : memref<128xi32, #tpu.memory_space<vmem>>) semaphore(%arg14 : memref<!tpu.dma_semaphore, #tpu.memory_space<semaphore_mem>>)
      } else {
      }
    }
    %barrier3A_87 = arith.constant 0 : index
    tpu.barrier barrier_id(%barrier3A_87)
    %mul3A_88 = arith.constant 640 : i32
    %mul3A_89 = arith.muli %arg1, %mul3A_88 : i32
    %mul3A_90 = arith.constant 640 : i32
    %mul3A_91 = arith.muli %arg1, %mul3A_90 : i32
    "tpu.region"() ({
      %run_scoped3A = tpu.sem_alloc : memref<!tpu.dma_semaphore, #tpu.memory_space<semaphore_mem>>
      %dma_start3A_92 = arith.constant 0 : i32
      %dma_start3A_93 = tpu.memref_slice %arg6[%arg0, %mul3A_91, %dma_start3A_92] : memref<2x10240x64xf32, #tpu.memory_space<hbm>> -> memref<1x640x64xf32, #tpu.memory_space<hbm>>
      %dma_start3A_94 = tpu.memref_squeeze %dma_start3A_93 : memref<1x640x64xf32, #tpu.memory_space<hbm>> -> memref<640x64xf32, #tpu.memory_space<hbm>>
      %dma_start3A_95 = arith.constant 0 : i32
      %dma_start3A_96 = tpu.memref_slice %arg10[%mul3A_89, %dma_start3A_95] : memref<10240x64xf32, #tpu.memory_space<vmem_shared>> -> memref<640x64xf32, #tpu.memory_space<vmem_shared>>
      tpu.enqueue_dma source(%dma_start3A_96 : memref<640x64xf32, #tpu.memory_space<vmem_shared>>) target(%dma_start3A_94 : memref<640x64xf32, #tpu.memory_space<hbm>>) target_semaphore(%run_scoped3A : memref<!tpu.dma_semaphore, #tpu.memory_space<semaphore_mem>>)
      %dma_wait3A = arith.constant 0 : i32
      %dma_wait3A_97 = tpu.memref_slice %arg6[%arg0, %mul3A_91, %dma_wait3A] : memref<2x10240x64xf32, #tpu.memory_space<hbm>> -> memref<1x640x64xf32, #tpu.memory_space<hbm>>
      %dma_wait3A_98 = tpu.memref_squeeze %dma_wait3A_97 : memref<1x640x64xf32, #tpu.memory_space<hbm>> -> memref<640x64xf32, #tpu.memory_space<hbm>>
      %dma_wait3A_99 = arith.constant 0 : i32
      %dma_wait3A_100 = tpu.memref_slice %arg10[%mul3A_89, %dma_wait3A_99] : memref<10240x64xf32, #tpu.memory_space<vmem_shared>> -> memref<640x64xf32, #tpu.memory_space<vmem_shared>>
      tpu.wait_dma2 semaphore(%run_scoped3A : memref<!tpu.dma_semaphore, #tpu.memory_space<semaphore_mem>>) src(%dma_wait3A_100 : memref<640x64xf32, #tpu.memory_space<vmem_shared>>) dst(%dma_wait3A_98 : memref<640x64xf32, #tpu.memory_space<hbm>>)
      tpu.yield
    }) : () -> ()
    return
  }
}

#map = affine_map<(d0, d1) -> (0, 0)>
#map1 = affine_map<(d0, d1) -> (0, 0, 0)>
module attributes {stable_mosaic.version = 14 : i64} {
  func.func @k(%arg0: i32, %arg1: i32, %arg2: memref<10240x16xf32, #tpu.memory_space<hbm>>, %arg3: memref<2560x128xi32, #tpu.memory_space<hbm>>, %arg4: memref<2560x128xi32, #tpu.memory_space<hbm>>, %arg5: memref<10240x16xf32, #tpu.memory_space<hbm>>, %arg6: memref<2x10240x16xf32, #tpu.memory_space<hbm>>, %arg7: memref<156x128xi32, #tpu.memory_space<vmem>>, %arg8: memref<156x128xi32, #tpu.memory_space<vmem>>, %arg9: memref<4x128x16xf32, #tpu.memory_space<vmem>>, %arg10: memref<10240x16xf32, #tpu.memory_space<vmem_shared>>, %arg11: memref<!tpu.dma_semaphore, #tpu.memory_space<semaphore_mem>>, %arg12: memref<!tpu.dma_semaphore, #tpu.memory_space<semaphore_mem>>, %arg13: memref<!tpu.dma_semaphore, #tpu.memory_space<semaphore_mem>>, %arg14: memref<!tpu.dma_semaphore, #tpu.memory_space<semaphore_mem>>) attributes {dimension_semantics = [#tpu.dimension_semantics<core_parallel>, #tpu.dimension_semantics<subcore_parallel>], iteration_bounds = array<i64: 2, 16>, scalar_prefetch = 0 : i64, scratch_operands = 8 : i64, tpu.core_type = #tpu.core_type<sc_vector_subcore>, window_params = [{transform_indices = #map}, {transform_indices = #map}, {transform_indices = #map}, {transform_indices = #map}, {transform_indices = #map1}]} {
    %eq3A = arith.constant 0 : i32
    %eq3A_0 = arith.cmpi eq, %arg0, %eq3A : i32
    %convert_element_type3A = arith.extui %eq3A_0 : i1 to i32
    %cond3A = arith.constant 0 : i32
    %cond3A_1 = arith.cmpi ne, %convert_element_type3A, %cond3A : i32
    scf.if %cond3A_1 {
      %mul3A_92 = arith.constant 156 : i32
      %mul3A_93 = arith.muli %arg1, %mul3A_92 : i32
      "tpu.region"() ({
        %run_scoped3A = tpu.sem_alloc : memref<!tpu.dma_semaphore, #tpu.memory_space<semaphore_mem>>
        %dma_start3A_96 = arith.constant 0 : i32
        %dma_start3A_97 = tpu.memref_slice %arg3[%mul3A_93, %dma_start3A_96] : memref<2560x128xi32, #tpu.memory_space<hbm>> -> memref<156x128xi32, #tpu.memory_space<hbm>>
        %dma_start3A_98 = arith.constant 0 : i32
        %dma_start3A_99 = tpu.memref_slice %arg3[%mul3A_93, %dma_start3A_98] : memref<2560x128xi32, #tpu.memory_space<hbm>> -> memref<156x128xi32, #tpu.memory_space<hbm>>
        tpu.enqueue_dma source(%dma_start3A_99 : memref<156x128xi32, #tpu.memory_space<hbm>>) target(%arg7 : memref<156x128xi32, #tpu.memory_space<vmem>>) target_semaphore(%run_scoped3A : memref<!tpu.dma_semaphore, #tpu.memory_space<semaphore_mem>>)
        %dma_wait3A = arith.constant 0 : i32
        %dma_wait3A_100 = tpu.memref_slice %arg3[%mul3A_93, %dma_wait3A] : memref<2560x128xi32, #tpu.memory_space<hbm>> -> memref<156x128xi32, #tpu.memory_space<hbm>>
        %dma_wait3A_101 = arith.constant 0 : i32
        %dma_wait3A_102 = tpu.memref_slice %arg3[%mul3A_93, %dma_wait3A_101] : memref<2560x128xi32, #tpu.memory_space<hbm>> -> memref<156x128xi32, #tpu.memory_space<hbm>>
        tpu.wait_dma2 semaphore(%run_scoped3A : memref<!tpu.dma_semaphore, #tpu.memory_space<semaphore_mem>>) src(%dma_wait3A_102 : memref<156x128xi32, #tpu.memory_space<hbm>>) dst(%arg7 : memref<156x128xi32, #tpu.memory_space<vmem>>)
        tpu.yield
      }) : () -> ()
      %mul3A_94 = arith.constant 156 : i32
      %mul3A_95 = arith.muli %arg1, %mul3A_94 : i32
      "tpu.region"() ({
        %run_scoped3A = tpu.sem_alloc : memref<!tpu.dma_semaphore, #tpu.memory_space<semaphore_mem>>
        %dma_start3A_96 = arith.constant 0 : i32
        %dma_start3A_97 = tpu.memref_slice %arg4[%mul3A_95, %dma_start3A_96] : memref<2560x128xi32, #tpu.memory_space<hbm>> -> memref<156x128xi32, #tpu.memory_space<hbm>>
        %dma_start3A_98 = arith.constant 0 : i32
        %dma_start3A_99 = tpu.memref_slice %arg4[%mul3A_95, %dma_start3A_98] : memref<2560x128xi32, #tpu.memory_space<hbm>> -> memref<156x128xi32, #tpu.memory_space<hbm>>
        tpu.enqueue_dma source(%dma_start3A_99 : memref<156x128xi32, #tpu.memory_space<hbm>>) target(%arg8 : memref<156x128xi32, #tpu.memory_space<vmem>>) target_semaphore(%run_scoped3A : memref<!tpu.dma_semaphore, #tpu.memory_space<semaphore_mem>>)
        %dma_wait3A = arith.constant 0 : i32
        %dma_wait3A_100 = tpu.memref_slice %arg4[%mul3A_95, %dma_wait3A] : memref<2560x128xi32, #tpu.memory_space<hbm>> -> memref<156x128xi32, #tpu.memory_space<hbm>>
        %dma_wait3A_101 = arith.constant 0 : i32
        %dma_wait3A_102 = tpu.memref_slice %arg4[%mul3A_95, %dma_wait3A_101] : memref<2560x128xi32, #tpu.memory_space<hbm>> -> memref<156x128xi32, #tpu.memory_space<hbm>>
        tpu.wait_dma2 semaphore(%run_scoped3A : memref<!tpu.dma_semaphore, #tpu.memory_space<semaphore_mem>>) src(%dma_wait3A_102 : memref<156x128xi32, #tpu.memory_space<hbm>>) dst(%arg8 : memref<156x128xi32, #tpu.memory_space<vmem>>)
        tpu.yield
      }) : () -> ()
    } else {
    }
    %eq3A_2 = arith.constant 1 : i32
    %eq3A_3 = arith.cmpi eq, %arg0, %eq3A_2 : i32
    %convert_element_type3A_4 = arith.extui %eq3A_3 : i1 to i32
    %cond3A_5 = arith.constant 0 : i32
    %cond3A_6 = arith.cmpi ne, %convert_element_type3A_4, %cond3A_5 : i32
    scf.if %cond3A_6 {
      %mul3A_92 = arith.constant 4 : i32
      %mul3A_93 = arith.muli %arg1, %mul3A_92 : i32
      %add3A = arith.constant 2496 : i32
      %add3A_94 = arith.addi %add3A, %mul3A_93 : i32
      "tpu.region"() ({
        %run_scoped3A = tpu.sem_alloc : memref<!tpu.dma_semaphore, #tpu.memory_space<semaphore_mem>>
        %dma_start3A_95 = arith.constant 0 : i32
        %dma_start3A_96 = arith.constant 0 : i32
        %dma_start3A_97 = tpu.memref_slice %arg7[%dma_start3A_95, %dma_start3A_96] : memref<156x128xi32, #tpu.memory_space<vmem>> -> memref<4x128xi32, #tpu.memory_space<vmem>>
        %dma_start3A_98 = arith.constant 0 : i32
        %dma_start3A_99 = tpu.memref_slice %arg3[%add3A_94, %dma_start3A_98] : memref<2560x128xi32, #tpu.memory_space<hbm>> -> memref<4x128xi32, #tpu.memory_space<hbm>>
        %dma_start3A_100 = arith.constant 0 : i32
        %dma_start3A_101 = arith.constant 0 : i32
        %dma_start3A_102 = tpu.memref_slice %arg7[%dma_start3A_100, %dma_start3A_101] : memref<156x128xi32, #tpu.memory_space<vmem>> -> memref<4x128xi32, #tpu.memory_space<vmem>>
        %dma_start3A_103 = arith.constant 0 : i32
        %dma_start3A_104 = tpu.memref_slice %arg3[%add3A_94, %dma_start3A_103] : memref<2560x128xi32, #tpu.memory_space<hbm>> -> memref<4x128xi32, #tpu.memory_space<hbm>>
        tpu.enqueue_dma source(%dma_start3A_104 : memref<4x128xi32, #tpu.memory_space<hbm>>) target(%dma_start3A_102 : memref<4x128xi32, #tpu.memory_space<vmem>>) target_semaphore(%run_scoped3A : memref<!tpu.dma_semaphore, #tpu.memory_space<semaphore_mem>>)
        %dma_wait3A = arith.constant 0 : i32
        %dma_wait3A_105 = arith.constant 0 : i32
        %dma_wait3A_106 = tpu.memref_slice %arg7[%dma_wait3A, %dma_wait3A_105] : memref<156x128xi32, #tpu.memory_space<vmem>> -> memref<4x128xi32, #tpu.memory_space<vmem>>
        %dma_wait3A_107 = arith.constant 0 : i32
        %dma_wait3A_108 = tpu.memref_slice %arg3[%add3A_94, %dma_wait3A_107] : memref<2560x128xi32, #tpu.memory_space<hbm>> -> memref<4x128xi32, #tpu.memory_space<hbm>>
        %dma_wait3A_109 = arith.constant 0 : i32
        %dma_wait3A_110 = arith.constant 0 : i32
        %dma_wait3A_111 = tpu.memref_slice %arg7[%dma_wait3A_109, %dma_wait3A_110] : memref<156x128xi32, #tpu.memory_space<vmem>> -> memref<4x128xi32, #tpu.memory_space<vmem>>
        %dma_wait3A_112 = arith.constant 0 : i32
        %dma_wait3A_113 = tpu.memref_slice %arg3[%add3A_94, %dma_wait3A_112] : memref<2560x128xi32, #tpu.memory_space<hbm>> -> memref<4x128xi32, #tpu.memory_space<hbm>>
        tpu.wait_dma2 semaphore(%run_scoped3A : memref<!tpu.dma_semaphore, #tpu.memory_space<semaphore_mem>>) src(%dma_wait3A_113 : memref<4x128xi32, #tpu.memory_space<hbm>>) dst(%dma_wait3A_111 : memref<4x128xi32, #tpu.memory_space<vmem>>)
        tpu.yield
      }) : () -> ()
      "tpu.region"() ({
        %run_scoped3A = tpu.sem_alloc : memref<!tpu.dma_semaphore, #tpu.memory_space<semaphore_mem>>
        %dma_start3A_95 = arith.constant 0 : i32
        %dma_start3A_96 = arith.constant 0 : i32
        %dma_start3A_97 = tpu.memref_slice %arg8[%dma_start3A_95, %dma_start3A_96] : memref<156x128xi32, #tpu.memory_space<vmem>> -> memref<4x128xi32, #tpu.memory_space<vmem>>
        %dma_start3A_98 = arith.constant 0 : i32
        %dma_start3A_99 = tpu.memref_slice %arg4[%add3A_94, %dma_start3A_98] : memref<2560x128xi32, #tpu.memory_space<hbm>> -> memref<4x128xi32, #tpu.memory_space<hbm>>
        %dma_start3A_100 = arith.constant 0 : i32
        %dma_start3A_101 = arith.constant 0 : i32
        %dma_start3A_102 = tpu.memref_slice %arg8[%dma_start3A_100, %dma_start3A_101] : memref<156x128xi32, #tpu.memory_space<vmem>> -> memref<4x128xi32, #tpu.memory_space<vmem>>
        %dma_start3A_103 = arith.constant 0 : i32
        %dma_start3A_104 = tpu.memref_slice %arg4[%add3A_94, %dma_start3A_103] : memref<2560x128xi32, #tpu.memory_space<hbm>> -> memref<4x128xi32, #tpu.memory_space<hbm>>
        tpu.enqueue_dma source(%dma_start3A_104 : memref<4x128xi32, #tpu.memory_space<hbm>>) target(%dma_start3A_102 : memref<4x128xi32, #tpu.memory_space<vmem>>) target_semaphore(%run_scoped3A : memref<!tpu.dma_semaphore, #tpu.memory_space<semaphore_mem>>)
        %dma_wait3A = arith.constant 0 : i32
        %dma_wait3A_105 = arith.constant 0 : i32
        %dma_wait3A_106 = tpu.memref_slice %arg8[%dma_wait3A, %dma_wait3A_105] : memref<156x128xi32, #tpu.memory_space<vmem>> -> memref<4x128xi32, #tpu.memory_space<vmem>>
        %dma_wait3A_107 = arith.constant 0 : i32
        %dma_wait3A_108 = tpu.memref_slice %arg4[%add3A_94, %dma_wait3A_107] : memref<2560x128xi32, #tpu.memory_space<hbm>> -> memref<4x128xi32, #tpu.memory_space<hbm>>
        %dma_wait3A_109 = arith.constant 0 : i32
        %dma_wait3A_110 = arith.constant 0 : i32
        %dma_wait3A_111 = tpu.memref_slice %arg8[%dma_wait3A_109, %dma_wait3A_110] : memref<156x128xi32, #tpu.memory_space<vmem>> -> memref<4x128xi32, #tpu.memory_space<vmem>>
        %dma_wait3A_112 = arith.constant 0 : i32
        %dma_wait3A_113 = tpu.memref_slice %arg4[%add3A_94, %dma_wait3A_112] : memref<2560x128xi32, #tpu.memory_space<hbm>> -> memref<4x128xi32, #tpu.memory_space<hbm>>
        tpu.wait_dma2 semaphore(%run_scoped3A : memref<!tpu.dma_semaphore, #tpu.memory_space<semaphore_mem>>) src(%dma_wait3A_113 : memref<4x128xi32, #tpu.memory_space<hbm>>) dst(%dma_wait3A_111 : memref<4x128xi32, #tpu.memory_space<vmem>>)
        tpu.yield
      }) : () -> ()
    } else {
    }
    %mul3A = arith.constant 640 : i32
    %mul3A_7 = arith.muli %arg1, %mul3A : i32
    %mul3A_8 = arith.constant 640 : i32
    %mul3A_9 = arith.muli %arg1, %mul3A_8 : i32
    "tpu.region"() ({
      %run_scoped3A = tpu.sem_alloc : memref<!tpu.dma_semaphore, #tpu.memory_space<semaphore_mem>>
      %dma_start3A_92 = arith.constant 0 : i32
      %dma_start3A_93 = tpu.memref_slice %arg10[%mul3A_9, %dma_start3A_92] : memref<10240x16xf32, #tpu.memory_space<vmem_shared>> -> memref<640x16xf32, #tpu.memory_space<vmem_shared>>
      %dma_start3A_94 = arith.constant 0 : i32
      %dma_start3A_95 = tpu.memref_slice %arg5[%mul3A_7, %dma_start3A_94] : memref<10240x16xf32, #tpu.memory_space<hbm>> -> memref<640x16xf32, #tpu.memory_space<hbm>>
      tpu.enqueue_dma source(%dma_start3A_95 : memref<640x16xf32, #tpu.memory_space<hbm>>) target(%dma_start3A_93 : memref<640x16xf32, #tpu.memory_space<vmem_shared>>) target_semaphore(%run_scoped3A : memref<!tpu.dma_semaphore, #tpu.memory_space<semaphore_mem>>)
      %dma_wait3A = arith.constant 0 : i32
      %dma_wait3A_96 = tpu.memref_slice %arg10[%mul3A_9, %dma_wait3A] : memref<10240x16xf32, #tpu.memory_space<vmem_shared>> -> memref<640x16xf32, #tpu.memory_space<vmem_shared>>
      %dma_wait3A_97 = arith.constant 0 : i32
      %dma_wait3A_98 = tpu.memref_slice %arg5[%mul3A_7, %dma_wait3A_97] : memref<10240x16xf32, #tpu.memory_space<hbm>> -> memref<640x16xf32, #tpu.memory_space<hbm>>
      tpu.wait_dma2 semaphore(%run_scoped3A : memref<!tpu.dma_semaphore, #tpu.memory_space<semaphore_mem>>) src(%dma_wait3A_98 : memref<640x16xf32, #tpu.memory_space<hbm>>) dst(%dma_wait3A_96 : memref<640x16xf32, #tpu.memory_space<vmem_shared>>)
      tpu.yield
    }) : () -> ()
    %barrier3A = arith.constant 0 : index
    tpu.barrier barrier_id(%barrier3A)
    %eq3A_10 = arith.constant 0 : i32
    %eq3A_11 = arith.cmpi eq, %arg0, %eq3A_10 : i32
    %jit3A = arith.constant 156 : i32
    %jit3A_12 = arith.constant 4 : i32
    %select_n3A = arith.select %eq3A_11, %jit3A, %jit3A_12 : i32
    %dma_start3A = arith.constant 0 : i32
    %dma_start3A_13 = arith.constant 0 : i32
    %dma_start3A_14 = arith.constant 0 : i32
    %dma_start3A_15 = arith.constant 0 : i32
    %dma_start3A_16 = tpu.memref_slice %arg9[%dma_start3A_13, %dma_start3A_14, %dma_start3A_15] : memref<4x128x16xf32, #tpu.memory_space<vmem>> -> memref<1x128x16xf32, #tpu.memory_space<vmem>>
    %dma_start3A_17 = tpu.memref_squeeze %dma_start3A_16 : memref<1x128x16xf32, #tpu.memory_space<vmem>> -> memref<128x16xf32, #tpu.memory_space<vmem>>
    %dma_start3A_18 = arith.constant 0 : i32
    %dma_start3A_19 = tpu.memref_slice %arg7[%dma_start3A, %dma_start3A_18] : memref<156x128xi32, #tpu.memory_space<vmem>> -> memref<1x128xi32, #tpu.memory_space<vmem>>
    %dma_start3A_20 = tpu.memref_squeeze %dma_start3A_19 : memref<1x128xi32, #tpu.memory_space<vmem>> -> memref<128xi32, #tpu.memory_space<vmem>>
    %dma_start3A_21 = arith.constant 0 : i32
    %dma_start3A_22 = arith.constant 0 : i32
    %dma_start3A_23 = tpu.memref_slice %arg2[%dma_start3A_21, %dma_start3A_22] : memref<10240x16xf32, #tpu.memory_space<hbm>> -> memref<10240x16xf32, #tpu.memory_space<hbm>>
    tpu.enqueue_indirect_dma source(%dma_start3A_23 : memref<10240x16xf32, #tpu.memory_space<hbm>>) target(%dma_start3A_17 : memref<128x16xf32, #tpu.memory_space<vmem>>) offsets(%dma_start3A_20 : memref<128xi32, #tpu.memory_space<vmem>>) semaphore(%arg11 : memref<!tpu.dma_semaphore, #tpu.memory_space<semaphore_mem>>)
    %dma_start3A_24 = arith.constant 1 : i32
    %dma_start3A_25 = arith.constant 1 : i32
    %dma_start3A_26 = arith.constant 0 : i32
    %dma_start3A_27 = arith.constant 0 : i32
    %dma_start3A_28 = tpu.memref_slice %arg9[%dma_start3A_25, %dma_start3A_26, %dma_start3A_27] : memref<4x128x16xf32, #tpu.memory_space<vmem>> -> memref<1x128x16xf32, #tpu.memory_space<vmem>>
    %dma_start3A_29 = tpu.memref_squeeze %dma_start3A_28 : memref<1x128x16xf32, #tpu.memory_space<vmem>> -> memref<128x16xf32, #tpu.memory_space<vmem>>
    %dma_start3A_30 = arith.constant 0 : i32
    %dma_start3A_31 = tpu.memref_slice %arg7[%dma_start3A_24, %dma_start3A_30] : memref<156x128xi32, #tpu.memory_space<vmem>> -> memref<1x128xi32, #tpu.memory_space<vmem>>
    %dma_start3A_32 = tpu.memref_squeeze %dma_start3A_31 : memref<1x128xi32, #tpu.memory_space<vmem>> -> memref<128xi32, #tpu.memory_space<vmem>>
    %dma_start3A_33 = arith.constant 0 : i32
    %dma_start3A_34 = arith.constant 0 : i32
    %dma_start3A_35 = tpu.memref_slice %arg2[%dma_start3A_33, %dma_start3A_34] : memref<10240x16xf32, #tpu.memory_space<hbm>> -> memref<10240x16xf32, #tpu.memory_space<hbm>>
    tpu.enqueue_indirect_dma source(%dma_start3A_35 : memref<10240x16xf32, #tpu.memory_space<hbm>>) target(%dma_start3A_29 : memref<128x16xf32, #tpu.memory_space<vmem>>) offsets(%dma_start3A_32 : memref<128xi32, #tpu.memory_space<vmem>>) semaphore(%arg12 : memref<!tpu.dma_semaphore, #tpu.memory_space<semaphore_mem>>)
    %dma_start3A_36 = arith.constant 2 : i32
    %dma_start3A_37 = arith.constant 2 : i32
    %dma_start3A_38 = arith.constant 0 : i32
    %dma_start3A_39 = arith.constant 0 : i32
    %dma_start3A_40 = tpu.memref_slice %arg9[%dma_start3A_37, %dma_start3A_38, %dma_start3A_39] : memref<4x128x16xf32, #tpu.memory_space<vmem>> -> memref<1x128x16xf32, #tpu.memory_space<vmem>>
    %dma_start3A_41 = tpu.memref_squeeze %dma_start3A_40 : memref<1x128x16xf32, #tpu.memory_space<vmem>> -> memref<128x16xf32, #tpu.memory_space<vmem>>
    %dma_start3A_42 = arith.constant 0 : i32
    %dma_start3A_43 = tpu.memref_slice %arg7[%dma_start3A_36, %dma_start3A_42] : memref<156x128xi32, #tpu.memory_space<vmem>> -> memref<1x128xi32, #tpu.memory_space<vmem>>
    %dma_start3A_44 = tpu.memref_squeeze %dma_start3A_43 : memref<1x128xi32, #tpu.memory_space<vmem>> -> memref<128xi32, #tpu.memory_space<vmem>>
    %dma_start3A_45 = arith.constant 0 : i32
    %dma_start3A_46 = arith.constant 0 : i32
    %dma_start3A_47 = tpu.memref_slice %arg2[%dma_start3A_45, %dma_start3A_46] : memref<10240x16xf32, #tpu.memory_space<hbm>> -> memref<10240x16xf32, #tpu.memory_space<hbm>>
    tpu.enqueue_indirect_dma source(%dma_start3A_47 : memref<10240x16xf32, #tpu.memory_space<hbm>>) target(%dma_start3A_41 : memref<128x16xf32, #tpu.memory_space<vmem>>) offsets(%dma_start3A_44 : memref<128xi32, #tpu.memory_space<vmem>>) semaphore(%arg13 : memref<!tpu.dma_semaphore, #tpu.memory_space<semaphore_mem>>)
    %dma_start3A_48 = arith.constant 3 : i32
    %dma_start3A_49 = arith.constant 3 : i32
    %dma_start3A_50 = arith.constant 0 : i32
    %dma_start3A_51 = arith.constant 0 : i32
    %dma_start3A_52 = tpu.memref_slice %arg9[%dma_start3A_49, %dma_start3A_50, %dma_start3A_51] : memref<4x128x16xf32, #tpu.memory_space<vmem>> -> memref<1x128x16xf32, #tpu.memory_space<vmem>>
    %dma_start3A_53 = tpu.memref_squeeze %dma_start3A_52 : memref<1x128x16xf32, #tpu.memory_space<vmem>> -> memref<128x16xf32, #tpu.memory_space<vmem>>
    %dma_start3A_54 = arith.constant 0 : i32
    %dma_start3A_55 = tpu.memref_slice %arg7[%dma_start3A_48, %dma_start3A_54] : memref<156x128xi32, #tpu.memory_space<vmem>> -> memref<1x128xi32, #tpu.memory_space<vmem>>
    %dma_start3A_56 = tpu.memref_squeeze %dma_start3A_55 : memref<1x128xi32, #tpu.memory_space<vmem>> -> memref<128xi32, #tpu.memory_space<vmem>>
    %dma_start3A_57 = arith.constant 0 : i32
    %dma_start3A_58 = arith.constant 0 : i32
    %dma_start3A_59 = tpu.memref_slice %arg2[%dma_start3A_57, %dma_start3A_58] : memref<10240x16xf32, #tpu.memory_space<hbm>> -> memref<10240x16xf32, #tpu.memory_space<hbm>>
    tpu.enqueue_indirect_dma source(%dma_start3A_59 : memref<10240x16xf32, #tpu.memory_space<hbm>>) target(%dma_start3A_53 : memref<128x16xf32, #tpu.memory_space<vmem>>) offsets(%dma_start3A_56 : memref<128xi32, #tpu.memory_space<vmem>>) semaphore(%arg14 : memref<!tpu.dma_semaphore, #tpu.memory_space<semaphore_mem>>)
    %jit3A_60 = arith.constant 4 : i32
    %div3A = arith.divsi %select_n3A, %jit3A_60 : i32
    %sign3A = arith.constant 0 : i32
    %sign3A_61 = arith.cmpi sgt, %select_n3A, %sign3A : i32
    %sign3A_62 = arith.extui %sign3A_61 : i1 to i32
    %sign3A_63 = arith.constant 0 : i32
    %sign3A_64 = arith.cmpi slt, %select_n3A, %sign3A_63 : i32
    %sign3A_65 = arith.extui %sign3A_64 : i1 to i32
    %sign3A_66 = arith.subi %sign3A_62, %sign3A_65 : i32
    %sign3A_67 = arith.constant 0 : i32
    %sign3A_68 = arith.cmpi sgt, %jit3A_60, %sign3A_67 : i32
    %sign3A_69 = arith.extui %sign3A_68 : i1 to i32
    %sign3A_70 = arith.constant 0 : i32
    %sign3A_71 = arith.cmpi slt, %jit3A_60, %sign3A_70 : i32
    %sign3A_72 = arith.extui %sign3A_71 : i1 to i32
    %sign3A_73 = arith.subi %sign3A_69, %sign3A_72 : i32
    %ne3A = arith.cmpi ne, %sign3A_66, %sign3A_73 : i32
    %rem3A = arith.remsi %select_n3A, %jit3A_60 : i32
    %ne3A_74 = arith.constant 0 : i32
    %ne3A_75 = arith.cmpi ne, %rem3A, %ne3A_74 : i32
    %and3A = arith.andi %ne3A, %ne3A_75 : i1
    %sub3A = arith.constant 1 : i32
    %sub3A_76 = arith.subi %div3A, %sub3A : i32
    %select_n3A_77 = arith.select %and3A, %sub3A_76, %div3A : i32
    %while3A = arith.constant 0 : i32
    %while3A_78 = arith.constant 0 : i32
    %while3A_79 = arith.subi %select_n3A_77, %while3A_78 : i32
    %while3A_80 = arith.addi %while3A_78, %while3A_79 : i32
    %while3A_81 = arith.constant 1 : i32
    %while3A_82 = arith.divsi %while3A_79, %while3A_81 : i32
    %while3A_83 = arith.muli %while3A_82, %while3A_81 : i32
    %while3A_84 = arith.addi %while3A_78, %while3A_83 : i32
    %while3A_85 = arith.constant 1 : i32
    scf.for %while3A_92 = %while3A_78 to %while3A_84 step %while3A_85  : i32 {
      %mul3A_93 = arith.constant 4 : i32
      %mul3A_94 = arith.muli %mul3A_93, %while3A_92 : i32
      %add3A = arith.constant 0 : i32
      %add3A_95 = arith.addi %mul3A_94, %add3A : i32
      %dma_wait3A = arith.constant 0 : i32
      %dma_wait3A_96 = arith.constant 0 : i32
      %dma_wait3A_97 = arith.constant 0 : i32
      %dma_wait3A_98 = tpu.memref_slice %arg9[%dma_wait3A, %dma_wait3A_96, %dma_wait3A_97] : memref<4x128x16xf32, #tpu.memory_space<vmem>> -> memref<1x128x16xf32, #tpu.memory_space<vmem>>
      %dma_wait3A_99 = tpu.memref_squeeze %dma_wait3A_98 : memref<1x128x16xf32, #tpu.memory_space<vmem>> -> memref<128x16xf32, #tpu.memory_space<vmem>>
      %dma_wait3A_100 = arith.constant 0 : i32
      %dma_wait3A_101 = tpu.memref_slice %arg7[%add3A_95, %dma_wait3A_100] : memref<156x128xi32, #tpu.memory_space<vmem>> -> memref<1x128xi32, #tpu.memory_space<vmem>>
      %dma_wait3A_102 = tpu.memref_squeeze %dma_wait3A_101 : memref<1x128xi32, #tpu.memory_space<vmem>> -> memref<128xi32, #tpu.memory_space<vmem>>
      %dma_wait3A_103 = arith.constant 0 : i32
      %dma_wait3A_104 = arith.constant 0 : i32
      %dma_wait3A_105 = tpu.memref_slice %arg2[%dma_wait3A_103, %dma_wait3A_104] : memref<10240x16xf32, #tpu.memory_space<hbm>> -> memref<10240x16xf32, #tpu.memory_space<hbm>>
      tpu.wait_indirect_dma semaphore(%arg11 : memref<!tpu.dma_semaphore, #tpu.memory_space<semaphore_mem>>) src(%dma_wait3A_105 : memref<10240x16xf32, #tpu.memory_space<hbm>>) dst(%dma_wait3A_99 : memref<128x16xf32, #tpu.memory_space<vmem>>)
      %run_scoped3A = arith.constant 0 : i32
      "tpu.region"() ({
        %run_scoped3A_177 = tpu.sem_alloc : memref<!tpu.dma_semaphore, #tpu.memory_space<semaphore_mem>>
        %dma_start3A_178 = arith.constant 0 : i32
        %dma_start3A_179 = arith.constant 0 : i32
        %dma_start3A_180 = tpu.memref_slice %arg9[%run_scoped3A, %dma_start3A_178, %dma_start3A_179] : memref<4x128x16xf32, #tpu.memory_space<vmem>> -> memref<1x128x16xf32, #tpu.memory_space<vmem>>
        %dma_start3A_181 = tpu.memref_squeeze %dma_start3A_180 : memref<1x128x16xf32, #tpu.memory_space<vmem>> -> memref<128x16xf32, #tpu.memory_space<vmem>>
        %dma_start3A_182 = arith.constant 0 : i32
        %dma_start3A_183 = tpu.memref_slice %arg8[%add3A_95, %dma_start3A_182] : memref<156x128xi32, #tpu.memory_space<vmem>> -> memref<1x128xi32, #tpu.memory_space<vmem>>
        %dma_start3A_184 = tpu.memref_squeeze %dma_start3A_183 : memref<1x128xi32, #tpu.memory_space<vmem>> -> memref<128xi32, #tpu.memory_space<vmem>>
        %dma_start3A_185 = arith.constant 0 : i32
        %dma_start3A_186 = arith.constant 0 : i32
        %dma_start3A_187 = tpu.memref_slice %arg10[%dma_start3A_185, %dma_start3A_186] : memref<10240x16xf32, #tpu.memory_space<vmem_shared>> -> memref<10240x16xf32, #tpu.memory_space<vmem_shared>>
        tpu.enqueue_indirect_dma source(%dma_start3A_181 : memref<128x16xf32, #tpu.memory_space<vmem>>) target(%dma_start3A_187 : memref<10240x16xf32, #tpu.memory_space<vmem_shared>>) offsets(%dma_start3A_184 : memref<128xi32, #tpu.memory_space<vmem>>) semaphore(%run_scoped3A_177 : memref<!tpu.dma_semaphore, #tpu.memory_space<semaphore_mem>>) {add = true}
        %dma_wait3A_188 = arith.constant 0 : i32
        %dma_wait3A_189 = arith.constant 0 : i32
        %dma_wait3A_190 = tpu.memref_slice %arg9[%run_scoped3A, %dma_wait3A_188, %dma_wait3A_189] : memref<4x128x16xf32, #tpu.memory_space<vmem>> -> memref<1x128x16xf32, #tpu.memory_space<vmem>>
        %dma_wait3A_191 = tpu.memref_squeeze %dma_wait3A_190 : memref<1x128x16xf32, #tpu.memory_space<vmem>> -> memref<128x16xf32, #tpu.memory_space<vmem>>
        %dma_wait3A_192 = arith.constant 0 : i32
        %dma_wait3A_193 = tpu.memref_slice %arg8[%add3A_95, %dma_wait3A_192] : memref<156x128xi32, #tpu.memory_space<vmem>> -> memref<1x128xi32, #tpu.memory_space<vmem>>
        %dma_wait3A_194 = tpu.memref_squeeze %dma_wait3A_193 : memref<1x128xi32, #tpu.memory_space<vmem>> -> memref<128xi32, #tpu.memory_space<vmem>>
        %dma_wait3A_195 = arith.constant 0 : i32
        %dma_wait3A_196 = arith.constant 0 : i32
        %dma_wait3A_197 = tpu.memref_slice %arg10[%dma_wait3A_195, %dma_wait3A_196] : memref<10240x16xf32, #tpu.memory_space<vmem_shared>> -> memref<10240x16xf32, #tpu.memory_space<vmem_shared>>
        tpu.wait_indirect_dma semaphore(%run_scoped3A_177 : memref<!tpu.dma_semaphore, #tpu.memory_space<semaphore_mem>>) src(%dma_wait3A_191 : memref<128x16xf32, #tpu.memory_space<vmem>>) dst(%dma_wait3A_197 : memref<10240x16xf32, #tpu.memory_space<vmem_shared>>)
        tpu.yield
      }) : () -> ()
      %add3A_106 = arith.constant 4 : i32
      %add3A_107 = arith.addi %add3A_95, %add3A_106 : i32
      %lt3A = arith.cmpi slt, %add3A_107, %select_n3A : i32
      %convert_element_type3A_108 = arith.extui %lt3A : i1 to i32
      %cond3A_109 = arith.constant 0 : i32
      %cond3A_110 = arith.cmpi ne, %convert_element_type3A_108, %cond3A_109 : i32
      scf.if %cond3A_110 {
        %add3A_177 = arith.constant 4 : i32
        %add3A_178 = arith.addi %add3A_95, %add3A_177 : i32
        %dma_start3A_179 = arith.constant 0 : i32
        %dma_start3A_180 = arith.constant 0 : i32
        %dma_start3A_181 = arith.constant 0 : i32
        %dma_start3A_182 = tpu.memref_slice %arg9[%dma_start3A_179, %dma_start3A_180, %dma_start3A_181] : memref<4x128x16xf32, #tpu.memory_space<vmem>> -> memref<1x128x16xf32, #tpu.memory_space<vmem>>
        %dma_start3A_183 = tpu.memref_squeeze %dma_start3A_182 : memref<1x128x16xf32, #tpu.memory_space<vmem>> -> memref<128x16xf32, #tpu.memory_space<vmem>>
        %dma_start3A_184 = arith.constant 0 : i32
        %dma_start3A_185 = tpu.memref_slice %arg7[%add3A_178, %dma_start3A_184] : memref<156x128xi32, #tpu.memory_space<vmem>> -> memref<1x128xi32, #tpu.memory_space<vmem>>
        %dma_start3A_186 = tpu.memref_squeeze %dma_start3A_185 : memref<1x128xi32, #tpu.memory_space<vmem>> -> memref<128xi32, #tpu.memory_space<vmem>>
        %dma_start3A_187 = arith.constant 0 : i32
        %dma_start3A_188 = arith.constant 0 : i32
        %dma_start3A_189 = tpu.memref_slice %arg2[%dma_start3A_187, %dma_start3A_188] : memref<10240x16xf32, #tpu.memory_space<hbm>> -> memref<10240x16xf32, #tpu.memory_space<hbm>>
        tpu.enqueue_indirect_dma source(%dma_start3A_189 : memref<10240x16xf32, #tpu.memory_space<hbm>>) target(%dma_start3A_183 : memref<128x16xf32, #tpu.memory_space<vmem>>) offsets(%dma_start3A_186 : memref<128xi32, #tpu.memory_space<vmem>>) semaphore(%arg11 : memref<!tpu.dma_semaphore, #tpu.memory_space<semaphore_mem>>)
      } else {
      }
      %mul3A_111 = arith.constant 4 : i32
      %mul3A_112 = arith.muli %mul3A_111, %while3A_92 : i32
      %add3A_113 = arith.constant 1 : i32
      %add3A_114 = arith.addi %mul3A_112, %add3A_113 : i32
      %dma_wait3A_115 = arith.constant 1 : i32
      %dma_wait3A_116 = arith.constant 0 : i32
      %dma_wait3A_117 = arith.constant 0 : i32
      %dma_wait3A_118 = tpu.memref_slice %arg9[%dma_wait3A_115, %dma_wait3A_116, %dma_wait3A_117] : memref<4x128x16xf32, #tpu.memory_space<vmem>> -> memref<1x128x16xf32, #tpu.memory_space<vmem>>
      %dma_wait3A_119 = tpu.memref_squeeze %dma_wait3A_118 : memref<1x128x16xf32, #tpu.memory_space<vmem>> -> memref<128x16xf32, #tpu.memory_space<vmem>>
      %dma_wait3A_120 = arith.constant 0 : i32
      %dma_wait3A_121 = tpu.memref_slice %arg7[%add3A_114, %dma_wait3A_120] : memref<156x128xi32, #tpu.memory_space<vmem>> -> memref<1x128xi32, #tpu.memory_space<vmem>>
      %dma_wait3A_122 = tpu.memref_squeeze %dma_wait3A_121 : memref<1x128xi32, #tpu.memory_space<vmem>> -> memref<128xi32, #tpu.memory_space<vmem>>
      %dma_wait3A_123 = arith.constant 0 : i32
      %dma_wait3A_124 = arith.constant 0 : i32
      %dma_wait3A_125 = tpu.memref_slice %arg2[%dma_wait3A_123, %dma_wait3A_124] : memref<10240x16xf32, #tpu.memory_space<hbm>> -> memref<10240x16xf32, #tpu.memory_space<hbm>>
      tpu.wait_indirect_dma semaphore(%arg12 : memref<!tpu.dma_semaphore, #tpu.memory_space<semaphore_mem>>) src(%dma_wait3A_125 : memref<10240x16xf32, #tpu.memory_space<hbm>>) dst(%dma_wait3A_119 : memref<128x16xf32, #tpu.memory_space<vmem>>)
      %run_scoped3A_126 = arith.constant 1 : i32
      "tpu.region"() ({
        %run_scoped3A_177 = tpu.sem_alloc : memref<!tpu.dma_semaphore, #tpu.memory_space<semaphore_mem>>
        %dma_start3A_178 = arith.constant 0 : i32
        %dma_start3A_179 = arith.constant 0 : i32
        %dma_start3A_180 = tpu.memref_slice %arg9[%run_scoped3A_126, %dma_start3A_178, %dma_start3A_179] : memref<4x128x16xf32, #tpu.memory_space<vmem>> -> memref<1x128x16xf32, #tpu.memory_space<vmem>>
        %dma_start3A_181 = tpu.memref_squeeze %dma_start3A_180 : memref<1x128x16xf32, #tpu.memory_space<vmem>> -> memref<128x16xf32, #tpu.memory_space<vmem>>
        %dma_start3A_182 = arith.constant 0 : i32
        %dma_start3A_183 = tpu.memref_slice %arg8[%add3A_114, %dma_start3A_182] : memref<156x128xi32, #tpu.memory_space<vmem>> -> memref<1x128xi32, #tpu.memory_space<vmem>>
        %dma_start3A_184 = tpu.memref_squeeze %dma_start3A_183 : memref<1x128xi32, #tpu.memory_space<vmem>> -> memref<128xi32, #tpu.memory_space<vmem>>
        %dma_start3A_185 = arith.constant 0 : i32
        %dma_start3A_186 = arith.constant 0 : i32
        %dma_start3A_187 = tpu.memref_slice %arg10[%dma_start3A_185, %dma_start3A_186] : memref<10240x16xf32, #tpu.memory_space<vmem_shared>> -> memref<10240x16xf32, #tpu.memory_space<vmem_shared>>
        tpu.enqueue_indirect_dma source(%dma_start3A_181 : memref<128x16xf32, #tpu.memory_space<vmem>>) target(%dma_start3A_187 : memref<10240x16xf32, #tpu.memory_space<vmem_shared>>) offsets(%dma_start3A_184 : memref<128xi32, #tpu.memory_space<vmem>>) semaphore(%run_scoped3A_177 : memref<!tpu.dma_semaphore, #tpu.memory_space<semaphore_mem>>) {add = true}
        %dma_wait3A_188 = arith.constant 0 : i32
        %dma_wait3A_189 = arith.constant 0 : i32
        %dma_wait3A_190 = tpu.memref_slice %arg9[%run_scoped3A_126, %dma_wait3A_188, %dma_wait3A_189] : memref<4x128x16xf32, #tpu.memory_space<vmem>> -> memref<1x128x16xf32, #tpu.memory_space<vmem>>
        %dma_wait3A_191 = tpu.memref_squeeze %dma_wait3A_190 : memref<1x128x16xf32, #tpu.memory_space<vmem>> -> memref<128x16xf32, #tpu.memory_space<vmem>>
        %dma_wait3A_192 = arith.constant 0 : i32
        %dma_wait3A_193 = tpu.memref_slice %arg8[%add3A_114, %dma_wait3A_192] : memref<156x128xi32, #tpu.memory_space<vmem>> -> memref<1x128xi32, #tpu.memory_space<vmem>>
        %dma_wait3A_194 = tpu.memref_squeeze %dma_wait3A_193 : memref<1x128xi32, #tpu.memory_space<vmem>> -> memref<128xi32, #tpu.memory_space<vmem>>
        %dma_wait3A_195 = arith.constant 0 : i32
        %dma_wait3A_196 = arith.constant 0 : i32
        %dma_wait3A_197 = tpu.memref_slice %arg10[%dma_wait3A_195, %dma_wait3A_196] : memref<10240x16xf32, #tpu.memory_space<vmem_shared>> -> memref<10240x16xf32, #tpu.memory_space<vmem_shared>>
        tpu.wait_indirect_dma semaphore(%run_scoped3A_177 : memref<!tpu.dma_semaphore, #tpu.memory_space<semaphore_mem>>) src(%dma_wait3A_191 : memref<128x16xf32, #tpu.memory_space<vmem>>) dst(%dma_wait3A_197 : memref<10240x16xf32, #tpu.memory_space<vmem_shared>>)
        tpu.yield
      }) : () -> ()
      %add3A_127 = arith.constant 4 : i32
      %add3A_128 = arith.addi %add3A_114, %add3A_127 : i32
      %lt3A_129 = arith.cmpi slt, %add3A_128, %select_n3A : i32
      %convert_element_type3A_130 = arith.extui %lt3A_129 : i1 to i32
      %cond3A_131 = arith.constant 0 : i32
      %cond3A_132 = arith.cmpi ne, %convert_element_type3A_130, %cond3A_131 : i32
      scf.if %cond3A_132 {
        %add3A_177 = arith.constant 4 : i32
        %add3A_178 = arith.addi %add3A_114, %add3A_177 : i32
        %dma_start3A_179 = arith.constant 1 : i32
        %dma_start3A_180 = arith.constant 0 : i32
        %dma_start3A_181 = arith.constant 0 : i32
        %dma_start3A_182 = tpu.memref_slice %arg9[%dma_start3A_179, %dma_start3A_180, %dma_start3A_181] : memref<4x128x16xf32, #tpu.memory_space<vmem>> -> memref<1x128x16xf32, #tpu.memory_space<vmem>>
        %dma_start3A_183 = tpu.memref_squeeze %dma_start3A_182 : memref<1x128x16xf32, #tpu.memory_space<vmem>> -> memref<128x16xf32, #tpu.memory_space<vmem>>
        %dma_start3A_184 = arith.constant 0 : i32
        %dma_start3A_185 = tpu.memref_slice %arg7[%add3A_178, %dma_start3A_184] : memref<156x128xi32, #tpu.memory_space<vmem>> -> memref<1x128xi32, #tpu.memory_space<vmem>>
        %dma_start3A_186 = tpu.memref_squeeze %dma_start3A_185 : memref<1x128xi32, #tpu.memory_space<vmem>> -> memref<128xi32, #tpu.memory_space<vmem>>
        %dma_start3A_187 = arith.constant 0 : i32
        %dma_start3A_188 = arith.constant 0 : i32
        %dma_start3A_189 = tpu.memref_slice %arg2[%dma_start3A_187, %dma_start3A_188] : memref<10240x16xf32, #tpu.memory_space<hbm>> -> memref<10240x16xf32, #tpu.memory_space<hbm>>
        tpu.enqueue_indirect_dma source(%dma_start3A_189 : memref<10240x16xf32, #tpu.memory_space<hbm>>) target(%dma_start3A_183 : memref<128x16xf32, #tpu.memory_space<vmem>>) offsets(%dma_start3A_186 : memref<128xi32, #tpu.memory_space<vmem>>) semaphore(%arg12 : memref<!tpu.dma_semaphore, #tpu.memory_space<semaphore_mem>>)
      } else {
      }
      %mul3A_133 = arith.constant 4 : i32
      %mul3A_134 = arith.muli %mul3A_133, %while3A_92 : i32
      %add3A_135 = arith.constant 2 : i32
      %add3A_136 = arith.addi %mul3A_134, %add3A_135 : i32
      %dma_wait3A_137 = arith.constant 2 : i32
      %dma_wait3A_138 = arith.constant 0 : i32
      %dma_wait3A_139 = arith.constant 0 : i32
      %dma_wait3A_140 = tpu.memref_slice %arg9[%dma_wait3A_137, %dma_wait3A_138, %dma_wait3A_139] : memref<4x128x16xf32, #tpu.memory_space<vmem>> -> memref<1x128x16xf32, #tpu.memory_space<vmem>>
      %dma_wait3A_141 = tpu.memref_squeeze %dma_wait3A_140 : memref<1x128x16xf32, #tpu.memory_space<vmem>> -> memref<128x16xf32, #tpu.memory_space<vmem>>
      %dma_wait3A_142 = arith.constant 0 : i32
      %dma_wait3A_143 = tpu.memref_slice %arg7[%add3A_136, %dma_wait3A_142] : memref<156x128xi32, #tpu.memory_space<vmem>> -> memref<1x128xi32, #tpu.memory_space<vmem>>
      %dma_wait3A_144 = tpu.memref_squeeze %dma_wait3A_143 : memref<1x128xi32, #tpu.memory_space<vmem>> -> memref<128xi32, #tpu.memory_space<vmem>>
      %dma_wait3A_145 = arith.constant 0 : i32
      %dma_wait3A_146 = arith.constant 0 : i32
      %dma_wait3A_147 = tpu.memref_slice %arg2[%dma_wait3A_145, %dma_wait3A_146] : memref<10240x16xf32, #tpu.memory_space<hbm>> -> memref<10240x16xf32, #tpu.memory_space<hbm>>
      tpu.wait_indirect_dma semaphore(%arg13 : memref<!tpu.dma_semaphore, #tpu.memory_space<semaphore_mem>>) src(%dma_wait3A_147 : memref<10240x16xf32, #tpu.memory_space<hbm>>) dst(%dma_wait3A_141 : memref<128x16xf32, #tpu.memory_space<vmem>>)
      %run_scoped3A_148 = arith.constant 2 : i32
      "tpu.region"() ({
        %run_scoped3A_177 = tpu.sem_alloc : memref<!tpu.dma_semaphore, #tpu.memory_space<semaphore_mem>>
        %dma_start3A_178 = arith.constant 0 : i32
        %dma_start3A_179 = arith.constant 0 : i32
        %dma_start3A_180 = tpu.memref_slice %arg9[%run_scoped3A_148, %dma_start3A_178, %dma_start3A_179] : memref<4x128x16xf32, #tpu.memory_space<vmem>> -> memref<1x128x16xf32, #tpu.memory_space<vmem>>
        %dma_start3A_181 = tpu.memref_squeeze %dma_start3A_180 : memref<1x128x16xf32, #tpu.memory_space<vmem>> -> memref<128x16xf32, #tpu.memory_space<vmem>>
        %dma_start3A_182 = arith.constant 0 : i32
        %dma_start3A_183 = tpu.memref_slice %arg8[%add3A_136, %dma_start3A_182] : memref<156x128xi32, #tpu.memory_space<vmem>> -> memref<1x128xi32, #tpu.memory_space<vmem>>
        %dma_start3A_184 = tpu.memref_squeeze %dma_start3A_183 : memref<1x128xi32, #tpu.memory_space<vmem>> -> memref<128xi32, #tpu.memory_space<vmem>>
        %dma_start3A_185 = arith.constant 0 : i32
        %dma_start3A_186 = arith.constant 0 : i32
        %dma_start3A_187 = tpu.memref_slice %arg10[%dma_start3A_185, %dma_start3A_186] : memref<10240x16xf32, #tpu.memory_space<vmem_shared>> -> memref<10240x16xf32, #tpu.memory_space<vmem_shared>>
        tpu.enqueue_indirect_dma source(%dma_start3A_181 : memref<128x16xf32, #tpu.memory_space<vmem>>) target(%dma_start3A_187 : memref<10240x16xf32, #tpu.memory_space<vmem_shared>>) offsets(%dma_start3A_184 : memref<128xi32, #tpu.memory_space<vmem>>) semaphore(%run_scoped3A_177 : memref<!tpu.dma_semaphore, #tpu.memory_space<semaphore_mem>>) {add = true}
        %dma_wait3A_188 = arith.constant 0 : i32
        %dma_wait3A_189 = arith.constant 0 : i32
        %dma_wait3A_190 = tpu.memref_slice %arg9[%run_scoped3A_148, %dma_wait3A_188, %dma_wait3A_189] : memref<4x128x16xf32, #tpu.memory_space<vmem>> -> memref<1x128x16xf32, #tpu.memory_space<vmem>>
        %dma_wait3A_191 = tpu.memref_squeeze %dma_wait3A_190 : memref<1x128x16xf32, #tpu.memory_space<vmem>> -> memref<128x16xf32, #tpu.memory_space<vmem>>
        %dma_wait3A_192 = arith.constant 0 : i32
        %dma_wait3A_193 = tpu.memref_slice %arg8[%add3A_136, %dma_wait3A_192] : memref<156x128xi32, #tpu.memory_space<vmem>> -> memref<1x128xi32, #tpu.memory_space<vmem>>
        %dma_wait3A_194 = tpu.memref_squeeze %dma_wait3A_193 : memref<1x128xi32, #tpu.memory_space<vmem>> -> memref<128xi32, #tpu.memory_space<vmem>>
        %dma_wait3A_195 = arith.constant 0 : i32
        %dma_wait3A_196 = arith.constant 0 : i32
        %dma_wait3A_197 = tpu.memref_slice %arg10[%dma_wait3A_195, %dma_wait3A_196] : memref<10240x16xf32, #tpu.memory_space<vmem_shared>> -> memref<10240x16xf32, #tpu.memory_space<vmem_shared>>
        tpu.wait_indirect_dma semaphore(%run_scoped3A_177 : memref<!tpu.dma_semaphore, #tpu.memory_space<semaphore_mem>>) src(%dma_wait3A_191 : memref<128x16xf32, #tpu.memory_space<vmem>>) dst(%dma_wait3A_197 : memref<10240x16xf32, #tpu.memory_space<vmem_shared>>)
        tpu.yield
      }) : () -> ()
      %add3A_149 = arith.constant 4 : i32
      %add3A_150 = arith.addi %add3A_136, %add3A_149 : i32
      %lt3A_151 = arith.cmpi slt, %add3A_150, %select_n3A : i32
      %convert_element_type3A_152 = arith.extui %lt3A_151 : i1 to i32
      %cond3A_153 = arith.constant 0 : i32
      %cond3A_154 = arith.cmpi ne, %convert_element_type3A_152, %cond3A_153 : i32
      scf.if %cond3A_154 {
        %add3A_177 = arith.constant 4 : i32
        %add3A_178 = arith.addi %add3A_136, %add3A_177 : i32
        %dma_start3A_179 = arith.constant 2 : i32
        %dma_start3A_180 = arith.constant 0 : i32
        %dma_start3A_181 = arith.constant 0 : i32
        %dma_start3A_182 = tpu.memref_slice %arg9[%dma_start3A_179, %dma_start3A_180, %dma_start3A_181] : memref<4x128x16xf32, #tpu.memory_space<vmem>> -> memref<1x128x16xf32, #tpu.memory_space<vmem>>
        %dma_start3A_183 = tpu.memref_squeeze %dma_start3A_182 : memref<1x128x16xf32, #tpu.memory_space<vmem>> -> memref<128x16xf32, #tpu.memory_space<vmem>>
        %dma_start3A_184 = arith.constant 0 : i32
        %dma_start3A_185 = tpu.memref_slice %arg7[%add3A_178, %dma_start3A_184] : memref<156x128xi32, #tpu.memory_space<vmem>> -> memref<1x128xi32, #tpu.memory_space<vmem>>
        %dma_start3A_186 = tpu.memref_squeeze %dma_start3A_185 : memref<1x128xi32, #tpu.memory_space<vmem>> -> memref<128xi32, #tpu.memory_space<vmem>>
        %dma_start3A_187 = arith.constant 0 : i32
        %dma_start3A_188 = arith.constant 0 : i32
        %dma_start3A_189 = tpu.memref_slice %arg2[%dma_start3A_187, %dma_start3A_188] : memref<10240x16xf32, #tpu.memory_space<hbm>> -> memref<10240x16xf32, #tpu.memory_space<hbm>>
        tpu.enqueue_indirect_dma source(%dma_start3A_189 : memref<10240x16xf32, #tpu.memory_space<hbm>>) target(%dma_start3A_183 : memref<128x16xf32, #tpu.memory_space<vmem>>) offsets(%dma_start3A_186 : memref<128xi32, #tpu.memory_space<vmem>>) semaphore(%arg13 : memref<!tpu.dma_semaphore, #tpu.memory_space<semaphore_mem>>)
      } else {
      }
      %mul3A_155 = arith.constant 4 : i32
      %mul3A_156 = arith.muli %mul3A_155, %while3A_92 : i32
      %add3A_157 = arith.constant 3 : i32
      %add3A_158 = arith.addi %mul3A_156, %add3A_157 : i32
      %dma_wait3A_159 = arith.constant 3 : i32
      %dma_wait3A_160 = arith.constant 0 : i32
      %dma_wait3A_161 = arith.constant 0 : i32
      %dma_wait3A_162 = tpu.memref_slice %arg9[%dma_wait3A_159, %dma_wait3A_160, %dma_wait3A_161] : memref<4x128x16xf32, #tpu.memory_space<vmem>> -> memref<1x128x16xf32, #tpu.memory_space<vmem>>
      %dma_wait3A_163 = tpu.memref_squeeze %dma_wait3A_162 : memref<1x128x16xf32, #tpu.memory_space<vmem>> -> memref<128x16xf32, #tpu.memory_space<vmem>>
      %dma_wait3A_164 = arith.constant 0 : i32
      %dma_wait3A_165 = tpu.memref_slice %arg7[%add3A_158, %dma_wait3A_164] : memref<156x128xi32, #tpu.memory_space<vmem>> -> memref<1x128xi32, #tpu.memory_space<vmem>>
      %dma_wait3A_166 = tpu.memref_squeeze %dma_wait3A_165 : memref<1x128xi32, #tpu.memory_space<vmem>> -> memref<128xi32, #tpu.memory_space<vmem>>
      %dma_wait3A_167 = arith.constant 0 : i32
      %dma_wait3A_168 = arith.constant 0 : i32
      %dma_wait3A_169 = tpu.memref_slice %arg2[%dma_wait3A_167, %dma_wait3A_168] : memref<10240x16xf32, #tpu.memory_space<hbm>> -> memref<10240x16xf32, #tpu.memory_space<hbm>>
      tpu.wait_indirect_dma semaphore(%arg14 : memref<!tpu.dma_semaphore, #tpu.memory_space<semaphore_mem>>) src(%dma_wait3A_169 : memref<10240x16xf32, #tpu.memory_space<hbm>>) dst(%dma_wait3A_163 : memref<128x16xf32, #tpu.memory_space<vmem>>)
      %run_scoped3A_170 = arith.constant 3 : i32
      "tpu.region"() ({
        %run_scoped3A_177 = tpu.sem_alloc : memref<!tpu.dma_semaphore, #tpu.memory_space<semaphore_mem>>
        %dma_start3A_178 = arith.constant 0 : i32
        %dma_start3A_179 = arith.constant 0 : i32
        %dma_start3A_180 = tpu.memref_slice %arg9[%run_scoped3A_170, %dma_start3A_178, %dma_start3A_179] : memref<4x128x16xf32, #tpu.memory_space<vmem>> -> memref<1x128x16xf32, #tpu.memory_space<vmem>>
        %dma_start3A_181 = tpu.memref_squeeze %dma_start3A_180 : memref<1x128x16xf32, #tpu.memory_space<vmem>> -> memref<128x16xf32, #tpu.memory_space<vmem>>
        %dma_start3A_182 = arith.constant 0 : i32
        %dma_start3A_183 = tpu.memref_slice %arg8[%add3A_158, %dma_start3A_182] : memref<156x128xi32, #tpu.memory_space<vmem>> -> memref<1x128xi32, #tpu.memory_space<vmem>>
        %dma_start3A_184 = tpu.memref_squeeze %dma_start3A_183 : memref<1x128xi32, #tpu.memory_space<vmem>> -> memref<128xi32, #tpu.memory_space<vmem>>
        %dma_start3A_185 = arith.constant 0 : i32
        %dma_start3A_186 = arith.constant 0 : i32
        %dma_start3A_187 = tpu.memref_slice %arg10[%dma_start3A_185, %dma_start3A_186] : memref<10240x16xf32, #tpu.memory_space<vmem_shared>> -> memref<10240x16xf32, #tpu.memory_space<vmem_shared>>
        tpu.enqueue_indirect_dma source(%dma_start3A_181 : memref<128x16xf32, #tpu.memory_space<vmem>>) target(%dma_start3A_187 : memref<10240x16xf32, #tpu.memory_space<vmem_shared>>) offsets(%dma_start3A_184 : memref<128xi32, #tpu.memory_space<vmem>>) semaphore(%run_scoped3A_177 : memref<!tpu.dma_semaphore, #tpu.memory_space<semaphore_mem>>) {add = true}
        %dma_wait3A_188 = arith.constant 0 : i32
        %dma_wait3A_189 = arith.constant 0 : i32
        %dma_wait3A_190 = tpu.memref_slice %arg9[%run_scoped3A_170, %dma_wait3A_188, %dma_wait3A_189] : memref<4x128x16xf32, #tpu.memory_space<vmem>> -> memref<1x128x16xf32, #tpu.memory_space<vmem>>
        %dma_wait3A_191 = tpu.memref_squeeze %dma_wait3A_190 : memref<1x128x16xf32, #tpu.memory_space<vmem>> -> memref<128x16xf32, #tpu.memory_space<vmem>>
        %dma_wait3A_192 = arith.constant 0 : i32
        %dma_wait3A_193 = tpu.memref_slice %arg8[%add3A_158, %dma_wait3A_192] : memref<156x128xi32, #tpu.memory_space<vmem>> -> memref<1x128xi32, #tpu.memory_space<vmem>>
        %dma_wait3A_194 = tpu.memref_squeeze %dma_wait3A_193 : memref<1x128xi32, #tpu.memory_space<vmem>> -> memref<128xi32, #tpu.memory_space<vmem>>
        %dma_wait3A_195 = arith.constant 0 : i32
        %dma_wait3A_196 = arith.constant 0 : i32
        %dma_wait3A_197 = tpu.memref_slice %arg10[%dma_wait3A_195, %dma_wait3A_196] : memref<10240x16xf32, #tpu.memory_space<vmem_shared>> -> memref<10240x16xf32, #tpu.memory_space<vmem_shared>>
        tpu.wait_indirect_dma semaphore(%run_scoped3A_177 : memref<!tpu.dma_semaphore, #tpu.memory_space<semaphore_mem>>) src(%dma_wait3A_191 : memref<128x16xf32, #tpu.memory_space<vmem>>) dst(%dma_wait3A_197 : memref<10240x16xf32, #tpu.memory_space<vmem_shared>>)
        tpu.yield
      }) : () -> ()
      %add3A_171 = arith.constant 4 : i32
      %add3A_172 = arith.addi %add3A_158, %add3A_171 : i32
      %lt3A_173 = arith.cmpi slt, %add3A_172, %select_n3A : i32
      %convert_element_type3A_174 = arith.extui %lt3A_173 : i1 to i32
      %cond3A_175 = arith.constant 0 : i32
      %cond3A_176 = arith.cmpi ne, %convert_element_type3A_174, %cond3A_175 : i32
      scf.if %cond3A_176 {
        %add3A_177 = arith.constant 4 : i32
        %add3A_178 = arith.addi %add3A_158, %add3A_177 : i32
        %dma_start3A_179 = arith.constant 3 : i32
        %dma_start3A_180 = arith.constant 0 : i32
        %dma_start3A_181 = arith.constant 0 : i32
        %dma_start3A_182 = tpu.memref_slice %arg9[%dma_start3A_179, %dma_start3A_180, %dma_start3A_181] : memref<4x128x16xf32, #tpu.memory_space<vmem>> -> memref<1x128x16xf32, #tpu.memory_space<vmem>>
        %dma_start3A_183 = tpu.memref_squeeze %dma_start3A_182 : memref<1x128x16xf32, #tpu.memory_space<vmem>> -> memref<128x16xf32, #tpu.memory_space<vmem>>
        %dma_start3A_184 = arith.constant 0 : i32
        %dma_start3A_185 = tpu.memref_slice %arg7[%add3A_178, %dma_start3A_184] : memref<156x128xi32, #tpu.memory_space<vmem>> -> memref<1x128xi32, #tpu.memory_space<vmem>>
        %dma_start3A_186 = tpu.memref_squeeze %dma_start3A_185 : memref<1x128xi32, #tpu.memory_space<vmem>> -> memref<128xi32, #tpu.memory_space<vmem>>
        %dma_start3A_187 = arith.constant 0 : i32
        %dma_start3A_188 = arith.constant 0 : i32
        %dma_start3A_189 = tpu.memref_slice %arg2[%dma_start3A_187, %dma_start3A_188] : memref<10240x16xf32, #tpu.memory_space<hbm>> -> memref<10240x16xf32, #tpu.memory_space<hbm>>
        tpu.enqueue_indirect_dma source(%dma_start3A_189 : memref<10240x16xf32, #tpu.memory_space<hbm>>) target(%dma_start3A_183 : memref<128x16xf32, #tpu.memory_space<vmem>>) offsets(%dma_start3A_186 : memref<128xi32, #tpu.memory_space<vmem>>) semaphore(%arg14 : memref<!tpu.dma_semaphore, #tpu.memory_space<semaphore_mem>>)
      } else {
      }
    }
    %while3A_86 = arith.constant 1 : i32
    scf.for %while3A_92 = %while3A_84 to %while3A_80 step %while3A_86  : i32 {
      %mul3A_93 = arith.constant 4 : i32
      %mul3A_94 = arith.muli %mul3A_93, %while3A_92 : i32
      %add3A = arith.constant 0 : i32
      %add3A_95 = arith.addi %mul3A_94, %add3A : i32
      %dma_wait3A = arith.constant 0 : i32
      %dma_wait3A_96 = arith.constant 0 : i32
      %dma_wait3A_97 = arith.constant 0 : i32
      %dma_wait3A_98 = tpu.memref_slice %arg9[%dma_wait3A, %dma_wait3A_96, %dma_wait3A_97] : memref<4x128x16xf32, #tpu.memory_space<vmem>> -> memref<1x128x16xf32, #tpu.memory_space<vmem>>
      %dma_wait3A_99 = tpu.memref_squeeze %dma_wait3A_98 : memref<1x128x16xf32, #tpu.memory_space<vmem>> -> memref<128x16xf32, #tpu.memory_space<vmem>>
      %dma_wait3A_100 = arith.constant 0 : i32
      %dma_wait3A_101 = tpu.memref_slice %arg7[%add3A_95, %dma_wait3A_100] : memref<156x128xi32, #tpu.memory_space<vmem>> -> memref<1x128xi32, #tpu.memory_space<vmem>>
      %dma_wait3A_102 = tpu.memref_squeeze %dma_wait3A_101 : memref<1x128xi32, #tpu.memory_space<vmem>> -> memref<128xi32, #tpu.memory_space<vmem>>
      %dma_wait3A_103 = arith.constant 0 : i32
      %dma_wait3A_104 = arith.constant 0 : i32
      %dma_wait3A_105 = tpu.memref_slice %arg2[%dma_wait3A_103, %dma_wait3A_104] : memref<10240x16xf32, #tpu.memory_space<hbm>> -> memref<10240x16xf32, #tpu.memory_space<hbm>>
      tpu.wait_indirect_dma semaphore(%arg11 : memref<!tpu.dma_semaphore, #tpu.memory_space<semaphore_mem>>) src(%dma_wait3A_105 : memref<10240x16xf32, #tpu.memory_space<hbm>>) dst(%dma_wait3A_99 : memref<128x16xf32, #tpu.memory_space<vmem>>)
      %run_scoped3A = arith.constant 0 : i32
      "tpu.region"() ({
        %run_scoped3A_177 = tpu.sem_alloc : memref<!tpu.dma_semaphore, #tpu.memory_space<semaphore_mem>>
        %dma_start3A_178 = arith.constant 0 : i32
        %dma_start3A_179 = arith.constant 0 : i32
        %dma_start3A_180 = tpu.memref_slice %arg9[%run_scoped3A, %dma_start3A_178, %dma_start3A_179] : memref<4x128x16xf32, #tpu.memory_space<vmem>> -> memref<1x128x16xf32, #tpu.memory_space<vmem>>
        %dma_start3A_181 = tpu.memref_squeeze %dma_start3A_180 : memref<1x128x16xf32, #tpu.memory_space<vmem>> -> memref<128x16xf32, #tpu.memory_space<vmem>>
        %dma_start3A_182 = arith.constant 0 : i32
        %dma_start3A_183 = tpu.memref_slice %arg8[%add3A_95, %dma_start3A_182] : memref<156x128xi32, #tpu.memory_space<vmem>> -> memref<1x128xi32, #tpu.memory_space<vmem>>
        %dma_start3A_184 = tpu.memref_squeeze %dma_start3A_183 : memref<1x128xi32, #tpu.memory_space<vmem>> -> memref<128xi32, #tpu.memory_space<vmem>>
        %dma_start3A_185 = arith.constant 0 : i32
        %dma_start3A_186 = arith.constant 0 : i32
        %dma_start3A_187 = tpu.memref_slice %arg10[%dma_start3A_185, %dma_start3A_186] : memref<10240x16xf32, #tpu.memory_space<vmem_shared>> -> memref<10240x16xf32, #tpu.memory_space<vmem_shared>>
        tpu.enqueue_indirect_dma source(%dma_start3A_181 : memref<128x16xf32, #tpu.memory_space<vmem>>) target(%dma_start3A_187 : memref<10240x16xf32, #tpu.memory_space<vmem_shared>>) offsets(%dma_start3A_184 : memref<128xi32, #tpu.memory_space<vmem>>) semaphore(%run_scoped3A_177 : memref<!tpu.dma_semaphore, #tpu.memory_space<semaphore_mem>>) {add = true}
        %dma_wait3A_188 = arith.constant 0 : i32
        %dma_wait3A_189 = arith.constant 0 : i32
        %dma_wait3A_190 = tpu.memref_slice %arg9[%run_scoped3A, %dma_wait3A_188, %dma_wait3A_189] : memref<4x128x16xf32, #tpu.memory_space<vmem>> -> memref<1x128x16xf32, #tpu.memory_space<vmem>>
        %dma_wait3A_191 = tpu.memref_squeeze %dma_wait3A_190 : memref<1x128x16xf32, #tpu.memory_space<vmem>> -> memref<128x16xf32, #tpu.memory_space<vmem>>
        %dma_wait3A_192 = arith.constant 0 : i32
        %dma_wait3A_193 = tpu.memref_slice %arg8[%add3A_95, %dma_wait3A_192] : memref<156x128xi32, #tpu.memory_space<vmem>> -> memref<1x128xi32, #tpu.memory_space<vmem>>
        %dma_wait3A_194 = tpu.memref_squeeze %dma_wait3A_193 : memref<1x128xi32, #tpu.memory_space<vmem>> -> memref<128xi32, #tpu.memory_space<vmem>>
        %dma_wait3A_195 = arith.constant 0 : i32
        %dma_wait3A_196 = arith.constant 0 : i32
        %dma_wait3A_197 = tpu.memref_slice %arg10[%dma_wait3A_195, %dma_wait3A_196] : memref<10240x16xf32, #tpu.memory_space<vmem_shared>> -> memref<10240x16xf32, #tpu.memory_space<vmem_shared>>
        tpu.wait_indirect_dma semaphore(%run_scoped3A_177 : memref<!tpu.dma_semaphore, #tpu.memory_space<semaphore_mem>>) src(%dma_wait3A_191 : memref<128x16xf32, #tpu.memory_space<vmem>>) dst(%dma_wait3A_197 : memref<10240x16xf32, #tpu.memory_space<vmem_shared>>)
        tpu.yield
      }) : () -> ()
      %add3A_106 = arith.constant 4 : i32
      %add3A_107 = arith.addi %add3A_95, %add3A_106 : i32
      %lt3A = arith.cmpi slt, %add3A_107, %select_n3A : i32
      %convert_element_type3A_108 = arith.extui %lt3A : i1 to i32
      %cond3A_109 = arith.constant 0 : i32
      %cond3A_110 = arith.cmpi ne, %convert_element_type3A_108, %cond3A_109 : i32
      scf.if %cond3A_110 {
        %add3A_177 = arith.constant 4 : i32
        %add3A_178 = arith.addi %add3A_95, %add3A_177 : i32
        %dma_start3A_179 = arith.constant 0 : i32
        %dma_start3A_180 = arith.constant 0 : i32
        %dma_start3A_181 = arith.constant 0 : i32
        %dma_start3A_182 = tpu.memref_slice %arg9[%dma_start3A_179, %dma_start3A_180, %dma_start3A_181] : memref<4x128x16xf32, #tpu.memory_space<vmem>> -> memref<1x128x16xf32, #tpu.memory_space<vmem>>
        %dma_start3A_183 = tpu.memref_squeeze %dma_start3A_182 : memref<1x128x16xf32, #tpu.memory_space<vmem>> -> memref<128x16xf32, #tpu.memory_space<vmem>>
        %dma_start3A_184 = arith.constant 0 : i32
        %dma_start3A_185 = tpu.memref_slice %arg7[%add3A_178, %dma_start3A_184] : memref<156x128xi32, #tpu.memory_space<vmem>> -> memref<1x128xi32, #tpu.memory_space<vmem>>
        %dma_start3A_186 = tpu.memref_squeeze %dma_start3A_185 : memref<1x128xi32, #tpu.memory_space<vmem>> -> memref<128xi32, #tpu.memory_space<vmem>>
        %dma_start3A_187 = arith.constant 0 : i32
        %dma_start3A_188 = arith.constant 0 : i32
        %dma_start3A_189 = tpu.memref_slice %arg2[%dma_start3A_187, %dma_start3A_188] : memref<10240x16xf32, #tpu.memory_space<hbm>> -> memref<10240x16xf32, #tpu.memory_space<hbm>>
        tpu.enqueue_indirect_dma source(%dma_start3A_189 : memref<10240x16xf32, #tpu.memory_space<hbm>>) target(%dma_start3A_183 : memref<128x16xf32, #tpu.memory_space<vmem>>) offsets(%dma_start3A_186 : memref<128xi32, #tpu.memory_space<vmem>>) semaphore(%arg11 : memref<!tpu.dma_semaphore, #tpu.memory_space<semaphore_mem>>)
      } else {
      }
      %mul3A_111 = arith.constant 4 : i32
      %mul3A_112 = arith.muli %mul3A_111, %while3A_92 : i32
      %add3A_113 = arith.constant 1 : i32
      %add3A_114 = arith.addi %mul3A_112, %add3A_113 : i32
      %dma_wait3A_115 = arith.constant 1 : i32
      %dma_wait3A_116 = arith.constant 0 : i32
      %dma_wait3A_117 = arith.constant 0 : i32
      %dma_wait3A_118 = tpu.memref_slice %arg9[%dma_wait3A_115, %dma_wait3A_116, %dma_wait3A_117] : memref<4x128x16xf32, #tpu.memory_space<vmem>> -> memref<1x128x16xf32, #tpu.memory_space<vmem>>
      %dma_wait3A_119 = tpu.memref_squeeze %dma_wait3A_118 : memref<1x128x16xf32, #tpu.memory_space<vmem>> -> memref<128x16xf32, #tpu.memory_space<vmem>>
      %dma_wait3A_120 = arith.constant 0 : i32
      %dma_wait3A_121 = tpu.memref_slice %arg7[%add3A_114, %dma_wait3A_120] : memref<156x128xi32, #tpu.memory_space<vmem>> -> memref<1x128xi32, #tpu.memory_space<vmem>>
      %dma_wait3A_122 = tpu.memref_squeeze %dma_wait3A_121 : memref<1x128xi32, #tpu.memory_space<vmem>> -> memref<128xi32, #tpu.memory_space<vmem>>
      %dma_wait3A_123 = arith.constant 0 : i32
      %dma_wait3A_124 = arith.constant 0 : i32
      %dma_wait3A_125 = tpu.memref_slice %arg2[%dma_wait3A_123, %dma_wait3A_124] : memref<10240x16xf32, #tpu.memory_space<hbm>> -> memref<10240x16xf32, #tpu.memory_space<hbm>>
      tpu.wait_indirect_dma semaphore(%arg12 : memref<!tpu.dma_semaphore, #tpu.memory_space<semaphore_mem>>) src(%dma_wait3A_125 : memref<10240x16xf32, #tpu.memory_space<hbm>>) dst(%dma_wait3A_119 : memref<128x16xf32, #tpu.memory_space<vmem>>)
      %run_scoped3A_126 = arith.constant 1 : i32
      "tpu.region"() ({
        %run_scoped3A_177 = tpu.sem_alloc : memref<!tpu.dma_semaphore, #tpu.memory_space<semaphore_mem>>
        %dma_start3A_178 = arith.constant 0 : i32
        %dma_start3A_179 = arith.constant 0 : i32
        %dma_start3A_180 = tpu.memref_slice %arg9[%run_scoped3A_126, %dma_start3A_178, %dma_start3A_179] : memref<4x128x16xf32, #tpu.memory_space<vmem>> -> memref<1x128x16xf32, #tpu.memory_space<vmem>>
        %dma_start3A_181 = tpu.memref_squeeze %dma_start3A_180 : memref<1x128x16xf32, #tpu.memory_space<vmem>> -> memref<128x16xf32, #tpu.memory_space<vmem>>
        %dma_start3A_182 = arith.constant 0 : i32
        %dma_start3A_183 = tpu.memref_slice %arg8[%add3A_114, %dma_start3A_182] : memref<156x128xi32, #tpu.memory_space<vmem>> -> memref<1x128xi32, #tpu.memory_space<vmem>>
        %dma_start3A_184 = tpu.memref_squeeze %dma_start3A_183 : memref<1x128xi32, #tpu.memory_space<vmem>> -> memref<128xi32, #tpu.memory_space<vmem>>
        %dma_start3A_185 = arith.constant 0 : i32
        %dma_start3A_186 = arith.constant 0 : i32
        %dma_start3A_187 = tpu.memref_slice %arg10[%dma_start3A_185, %dma_start3A_186] : memref<10240x16xf32, #tpu.memory_space<vmem_shared>> -> memref<10240x16xf32, #tpu.memory_space<vmem_shared>>
        tpu.enqueue_indirect_dma source(%dma_start3A_181 : memref<128x16xf32, #tpu.memory_space<vmem>>) target(%dma_start3A_187 : memref<10240x16xf32, #tpu.memory_space<vmem_shared>>) offsets(%dma_start3A_184 : memref<128xi32, #tpu.memory_space<vmem>>) semaphore(%run_scoped3A_177 : memref<!tpu.dma_semaphore, #tpu.memory_space<semaphore_mem>>) {add = true}
        %dma_wait3A_188 = arith.constant 0 : i32
        %dma_wait3A_189 = arith.constant 0 : i32
        %dma_wait3A_190 = tpu.memref_slice %arg9[%run_scoped3A_126, %dma_wait3A_188, %dma_wait3A_189] : memref<4x128x16xf32, #tpu.memory_space<vmem>> -> memref<1x128x16xf32, #tpu.memory_space<vmem>>
        %dma_wait3A_191 = tpu.memref_squeeze %dma_wait3A_190 : memref<1x128x16xf32, #tpu.memory_space<vmem>> -> memref<128x16xf32, #tpu.memory_space<vmem>>
        %dma_wait3A_192 = arith.constant 0 : i32
        %dma_wait3A_193 = tpu.memref_slice %arg8[%add3A_114, %dma_wait3A_192] : memref<156x128xi32, #tpu.memory_space<vmem>> -> memref<1x128xi32, #tpu.memory_space<vmem>>
        %dma_wait3A_194 = tpu.memref_squeeze %dma_wait3A_193 : memref<1x128xi32, #tpu.memory_space<vmem>> -> memref<128xi32, #tpu.memory_space<vmem>>
        %dma_wait3A_195 = arith.constant 0 : i32
        %dma_wait3A_196 = arith.constant 0 : i32
        %dma_wait3A_197 = tpu.memref_slice %arg10[%dma_wait3A_195, %dma_wait3A_196] : memref<10240x16xf32, #tpu.memory_space<vmem_shared>> -> memref<10240x16xf32, #tpu.memory_space<vmem_shared>>
        tpu.wait_indirect_dma semaphore(%run_scoped3A_177 : memref<!tpu.dma_semaphore, #tpu.memory_space<semaphore_mem>>) src(%dma_wait3A_191 : memref<128x16xf32, #tpu.memory_space<vmem>>) dst(%dma_wait3A_197 : memref<10240x16xf32, #tpu.memory_space<vmem_shared>>)
        tpu.yield
      }) : () -> ()
      %add3A_127 = arith.constant 4 : i32
      %add3A_128 = arith.addi %add3A_114, %add3A_127 : i32
      %lt3A_129 = arith.cmpi slt, %add3A_128, %select_n3A : i32
      %convert_element_type3A_130 = arith.extui %lt3A_129 : i1 to i32
      %cond3A_131 = arith.constant 0 : i32
      %cond3A_132 = arith.cmpi ne, %convert_element_type3A_130, %cond3A_131 : i32
      scf.if %cond3A_132 {
        %add3A_177 = arith.constant 4 : i32
        %add3A_178 = arith.addi %add3A_114, %add3A_177 : i32
        %dma_start3A_179 = arith.constant 1 : i32
        %dma_start3A_180 = arith.constant 0 : i32
        %dma_start3A_181 = arith.constant 0 : i32
        %dma_start3A_182 = tpu.memref_slice %arg9[%dma_start3A_179, %dma_start3A_180, %dma_start3A_181] : memref<4x128x16xf32, #tpu.memory_space<vmem>> -> memref<1x128x16xf32, #tpu.memory_space<vmem>>
        %dma_start3A_183 = tpu.memref_squeeze %dma_start3A_182 : memref<1x128x16xf32, #tpu.memory_space<vmem>> -> memref<128x16xf32, #tpu.memory_space<vmem>>
        %dma_start3A_184 = arith.constant 0 : i32
        %dma_start3A_185 = tpu.memref_slice %arg7[%add3A_178, %dma_start3A_184] : memref<156x128xi32, #tpu.memory_space<vmem>> -> memref<1x128xi32, #tpu.memory_space<vmem>>
        %dma_start3A_186 = tpu.memref_squeeze %dma_start3A_185 : memref<1x128xi32, #tpu.memory_space<vmem>> -> memref<128xi32, #tpu.memory_space<vmem>>
        %dma_start3A_187 = arith.constant 0 : i32
        %dma_start3A_188 = arith.constant 0 : i32
        %dma_start3A_189 = tpu.memref_slice %arg2[%dma_start3A_187, %dma_start3A_188] : memref<10240x16xf32, #tpu.memory_space<hbm>> -> memref<10240x16xf32, #tpu.memory_space<hbm>>
        tpu.enqueue_indirect_dma source(%dma_start3A_189 : memref<10240x16xf32, #tpu.memory_space<hbm>>) target(%dma_start3A_183 : memref<128x16xf32, #tpu.memory_space<vmem>>) offsets(%dma_start3A_186 : memref<128xi32, #tpu.memory_space<vmem>>) semaphore(%arg12 : memref<!tpu.dma_semaphore, #tpu.memory_space<semaphore_mem>>)
      } else {
      }
      %mul3A_133 = arith.constant 4 : i32
      %mul3A_134 = arith.muli %mul3A_133, %while3A_92 : i32
      %add3A_135 = arith.constant 2 : i32
      %add3A_136 = arith.addi %mul3A_134, %add3A_135 : i32
      %dma_wait3A_137 = arith.constant 2 : i32
      %dma_wait3A_138 = arith.constant 0 : i32
      %dma_wait3A_139 = arith.constant 0 : i32
      %dma_wait3A_140 = tpu.memref_slice %arg9[%dma_wait3A_137, %dma_wait3A_138, %dma_wait3A_139] : memref<4x128x16xf32, #tpu.memory_space<vmem>> -> memref<1x128x16xf32, #tpu.memory_space<vmem>>
      %dma_wait3A_141 = tpu.memref_squeeze %dma_wait3A_140 : memref<1x128x16xf32, #tpu.memory_space<vmem>> -> memref<128x16xf32, #tpu.memory_space<vmem>>
      %dma_wait3A_142 = arith.constant 0 : i32
      %dma_wait3A_143 = tpu.memref_slice %arg7[%add3A_136, %dma_wait3A_142] : memref<156x128xi32, #tpu.memory_space<vmem>> -> memref<1x128xi32, #tpu.memory_space<vmem>>
      %dma_wait3A_144 = tpu.memref_squeeze %dma_wait3A_143 : memref<1x128xi32, #tpu.memory_space<vmem>> -> memref<128xi32, #tpu.memory_space<vmem>>
      %dma_wait3A_145 = arith.constant 0 : i32
      %dma_wait3A_146 = arith.constant 0 : i32
      %dma_wait3A_147 = tpu.memref_slice %arg2[%dma_wait3A_145, %dma_wait3A_146] : memref<10240x16xf32, #tpu.memory_space<hbm>> -> memref<10240x16xf32, #tpu.memory_space<hbm>>
      tpu.wait_indirect_dma semaphore(%arg13 : memref<!tpu.dma_semaphore, #tpu.memory_space<semaphore_mem>>) src(%dma_wait3A_147 : memref<10240x16xf32, #tpu.memory_space<hbm>>) dst(%dma_wait3A_141 : memref<128x16xf32, #tpu.memory_space<vmem>>)
      %run_scoped3A_148 = arith.constant 2 : i32
      "tpu.region"() ({
        %run_scoped3A_177 = tpu.sem_alloc : memref<!tpu.dma_semaphore, #tpu.memory_space<semaphore_mem>>
        %dma_start3A_178 = arith.constant 0 : i32
        %dma_start3A_179 = arith.constant 0 : i32
        %dma_start3A_180 = tpu.memref_slice %arg9[%run_scoped3A_148, %dma_start3A_178, %dma_start3A_179] : memref<4x128x16xf32, #tpu.memory_space<vmem>> -> memref<1x128x16xf32, #tpu.memory_space<vmem>>
        %dma_start3A_181 = tpu.memref_squeeze %dma_start3A_180 : memref<1x128x16xf32, #tpu.memory_space<vmem>> -> memref<128x16xf32, #tpu.memory_space<vmem>>
        %dma_start3A_182 = arith.constant 0 : i32
        %dma_start3A_183 = tpu.memref_slice %arg8[%add3A_136, %dma_start3A_182] : memref<156x128xi32, #tpu.memory_space<vmem>> -> memref<1x128xi32, #tpu.memory_space<vmem>>
        %dma_start3A_184 = tpu.memref_squeeze %dma_start3A_183 : memref<1x128xi32, #tpu.memory_space<vmem>> -> memref<128xi32, #tpu.memory_space<vmem>>
        %dma_start3A_185 = arith.constant 0 : i32
        %dma_start3A_186 = arith.constant 0 : i32
        %dma_start3A_187 = tpu.memref_slice %arg10[%dma_start3A_185, %dma_start3A_186] : memref<10240x16xf32, #tpu.memory_space<vmem_shared>> -> memref<10240x16xf32, #tpu.memory_space<vmem_shared>>
        tpu.enqueue_indirect_dma source(%dma_start3A_181 : memref<128x16xf32, #tpu.memory_space<vmem>>) target(%dma_start3A_187 : memref<10240x16xf32, #tpu.memory_space<vmem_shared>>) offsets(%dma_start3A_184 : memref<128xi32, #tpu.memory_space<vmem>>) semaphore(%run_scoped3A_177 : memref<!tpu.dma_semaphore, #tpu.memory_space<semaphore_mem>>) {add = true}
        %dma_wait3A_188 = arith.constant 0 : i32
        %dma_wait3A_189 = arith.constant 0 : i32
        %dma_wait3A_190 = tpu.memref_slice %arg9[%run_scoped3A_148, %dma_wait3A_188, %dma_wait3A_189] : memref<4x128x16xf32, #tpu.memory_space<vmem>> -> memref<1x128x16xf32, #tpu.memory_space<vmem>>
        %dma_wait3A_191 = tpu.memref_squeeze %dma_wait3A_190 : memref<1x128x16xf32, #tpu.memory_space<vmem>> -> memref<128x16xf32, #tpu.memory_space<vmem>>
        %dma_wait3A_192 = arith.constant 0 : i32
        %dma_wait3A_193 = tpu.memref_slice %arg8[%add3A_136, %dma_wait3A_192] : memref<156x128xi32, #tpu.memory_space<vmem>> -> memref<1x128xi32, #tpu.memory_space<vmem>>
        %dma_wait3A_194 = tpu.memref_squeeze %dma_wait3A_193 : memref<1x128xi32, #tpu.memory_space<vmem>> -> memref<128xi32, #tpu.memory_space<vmem>>
        %dma_wait3A_195 = arith.constant 0 : i32
        %dma_wait3A_196 = arith.constant 0 : i32
        %dma_wait3A_197 = tpu.memref_slice %arg10[%dma_wait3A_195, %dma_wait3A_196] : memref<10240x16xf32, #tpu.memory_space<vmem_shared>> -> memref<10240x16xf32, #tpu.memory_space<vmem_shared>>
        tpu.wait_indirect_dma semaphore(%run_scoped3A_177 : memref<!tpu.dma_semaphore, #tpu.memory_space<semaphore_mem>>) src(%dma_wait3A_191 : memref<128x16xf32, #tpu.memory_space<vmem>>) dst(%dma_wait3A_197 : memref<10240x16xf32, #tpu.memory_space<vmem_shared>>)
        tpu.yield
      }) : () -> ()
      %add3A_149 = arith.constant 4 : i32
      %add3A_150 = arith.addi %add3A_136, %add3A_149 : i32
      %lt3A_151 = arith.cmpi slt, %add3A_150, %select_n3A : i32
      %convert_element_type3A_152 = arith.extui %lt3A_151 : i1 to i32
      %cond3A_153 = arith.constant 0 : i32
      %cond3A_154 = arith.cmpi ne, %convert_element_type3A_152, %cond3A_153 : i32
      scf.if %cond3A_154 {
        %add3A_177 = arith.constant 4 : i32
        %add3A_178 = arith.addi %add3A_136, %add3A_177 : i32
        %dma_start3A_179 = arith.constant 2 : i32
        %dma_start3A_180 = arith.constant 0 : i32
        %dma_start3A_181 = arith.constant 0 : i32
        %dma_start3A_182 = tpu.memref_slice %arg9[%dma_start3A_179, %dma_start3A_180, %dma_start3A_181] : memref<4x128x16xf32, #tpu.memory_space<vmem>> -> memref<1x128x16xf32, #tpu.memory_space<vmem>>
        %dma_start3A_183 = tpu.memref_squeeze %dma_start3A_182 : memref<1x128x16xf32, #tpu.memory_space<vmem>> -> memref<128x16xf32, #tpu.memory_space<vmem>>
        %dma_start3A_184 = arith.constant 0 : i32
        %dma_start3A_185 = tpu.memref_slice %arg7[%add3A_178, %dma_start3A_184] : memref<156x128xi32, #tpu.memory_space<vmem>> -> memref<1x128xi32, #tpu.memory_space<vmem>>
        %dma_start3A_186 = tpu.memref_squeeze %dma_start3A_185 : memref<1x128xi32, #tpu.memory_space<vmem>> -> memref<128xi32, #tpu.memory_space<vmem>>
        %dma_start3A_187 = arith.constant 0 : i32
        %dma_start3A_188 = arith.constant 0 : i32
        %dma_start3A_189 = tpu.memref_slice %arg2[%dma_start3A_187, %dma_start3A_188] : memref<10240x16xf32, #tpu.memory_space<hbm>> -> memref<10240x16xf32, #tpu.memory_space<hbm>>
        tpu.enqueue_indirect_dma source(%dma_start3A_189 : memref<10240x16xf32, #tpu.memory_space<hbm>>) target(%dma_start3A_183 : memref<128x16xf32, #tpu.memory_space<vmem>>) offsets(%dma_start3A_186 : memref<128xi32, #tpu.memory_space<vmem>>) semaphore(%arg13 : memref<!tpu.dma_semaphore, #tpu.memory_space<semaphore_mem>>)
      } else {
      }
      %mul3A_155 = arith.constant 4 : i32
      %mul3A_156 = arith.muli %mul3A_155, %while3A_92 : i32
      %add3A_157 = arith.constant 3 : i32
      %add3A_158 = arith.addi %mul3A_156, %add3A_157 : i32
      %dma_wait3A_159 = arith.constant 3 : i32
      %dma_wait3A_160 = arith.constant 0 : i32
      %dma_wait3A_161 = arith.constant 0 : i32
      %dma_wait3A_162 = tpu.memref_slice %arg9[%dma_wait3A_159, %dma_wait3A_160, %dma_wait3A_161] : memref<4x128x16xf32, #tpu.memory_space<vmem>> -> memref<1x128x16xf32, #tpu.memory_space<vmem>>
      %dma_wait3A_163 = tpu.memref_squeeze %dma_wait3A_162 : memref<1x128x16xf32, #tpu.memory_space<vmem>> -> memref<128x16xf32, #tpu.memory_space<vmem>>
      %dma_wait3A_164 = arith.constant 0 : i32
      %dma_wait3A_165 = tpu.memref_slice %arg7[%add3A_158, %dma_wait3A_164] : memref<156x128xi32, #tpu.memory_space<vmem>> -> memref<1x128xi32, #tpu.memory_space<vmem>>
      %dma_wait3A_166 = tpu.memref_squeeze %dma_wait3A_165 : memref<1x128xi32, #tpu.memory_space<vmem>> -> memref<128xi32, #tpu.memory_space<vmem>>
      %dma_wait3A_167 = arith.constant 0 : i32
      %dma_wait3A_168 = arith.constant 0 : i32
      %dma_wait3A_169 = tpu.memref_slice %arg2[%dma_wait3A_167, %dma_wait3A_168] : memref<10240x16xf32, #tpu.memory_space<hbm>> -> memref<10240x16xf32, #tpu.memory_space<hbm>>
      tpu.wait_indirect_dma semaphore(%arg14 : memref<!tpu.dma_semaphore, #tpu.memory_space<semaphore_mem>>) src(%dma_wait3A_169 : memref<10240x16xf32, #tpu.memory_space<hbm>>) dst(%dma_wait3A_163 : memref<128x16xf32, #tpu.memory_space<vmem>>)
      %run_scoped3A_170 = arith.constant 3 : i32
      "tpu.region"() ({
        %run_scoped3A_177 = tpu.sem_alloc : memref<!tpu.dma_semaphore, #tpu.memory_space<semaphore_mem>>
        %dma_start3A_178 = arith.constant 0 : i32
        %dma_start3A_179 = arith.constant 0 : i32
        %dma_start3A_180 = tpu.memref_slice %arg9[%run_scoped3A_170, %dma_start3A_178, %dma_start3A_179] : memref<4x128x16xf32, #tpu.memory_space<vmem>> -> memref<1x128x16xf32, #tpu.memory_space<vmem>>
        %dma_start3A_181 = tpu.memref_squeeze %dma_start3A_180 : memref<1x128x16xf32, #tpu.memory_space<vmem>> -> memref<128x16xf32, #tpu.memory_space<vmem>>
        %dma_start3A_182 = arith.constant 0 : i32
        %dma_start3A_183 = tpu.memref_slice %arg8[%add3A_158, %dma_start3A_182] : memref<156x128xi32, #tpu.memory_space<vmem>> -> memref<1x128xi32, #tpu.memory_space<vmem>>
        %dma_start3A_184 = tpu.memref_squeeze %dma_start3A_183 : memref<1x128xi32, #tpu.memory_space<vmem>> -> memref<128xi32, #tpu.memory_space<vmem>>
        %dma_start3A_185 = arith.constant 0 : i32
        %dma_start3A_186 = arith.constant 0 : i32
        %dma_start3A_187 = tpu.memref_slice %arg10[%dma_start3A_185, %dma_start3A_186] : memref<10240x16xf32, #tpu.memory_space<vmem_shared>> -> memref<10240x16xf32, #tpu.memory_space<vmem_shared>>
        tpu.enqueue_indirect_dma source(%dma_start3A_181 : memref<128x16xf32, #tpu.memory_space<vmem>>) target(%dma_start3A_187 : memref<10240x16xf32, #tpu.memory_space<vmem_shared>>) offsets(%dma_start3A_184 : memref<128xi32, #tpu.memory_space<vmem>>) semaphore(%run_scoped3A_177 : memref<!tpu.dma_semaphore, #tpu.memory_space<semaphore_mem>>) {add = true}
        %dma_wait3A_188 = arith.constant 0 : i32
        %dma_wait3A_189 = arith.constant 0 : i32
        %dma_wait3A_190 = tpu.memref_slice %arg9[%run_scoped3A_170, %dma_wait3A_188, %dma_wait3A_189] : memref<4x128x16xf32, #tpu.memory_space<vmem>> -> memref<1x128x16xf32, #tpu.memory_space<vmem>>
        %dma_wait3A_191 = tpu.memref_squeeze %dma_wait3A_190 : memref<1x128x16xf32, #tpu.memory_space<vmem>> -> memref<128x16xf32, #tpu.memory_space<vmem>>
        %dma_wait3A_192 = arith.constant 0 : i32
        %dma_wait3A_193 = tpu.memref_slice %arg8[%add3A_158, %dma_wait3A_192] : memref<156x128xi32, #tpu.memory_space<vmem>> -> memref<1x128xi32, #tpu.memory_space<vmem>>
        %dma_wait3A_194 = tpu.memref_squeeze %dma_wait3A_193 : memref<1x128xi32, #tpu.memory_space<vmem>> -> memref<128xi32, #tpu.memory_space<vmem>>
        %dma_wait3A_195 = arith.constant 0 : i32
        %dma_wait3A_196 = arith.constant 0 : i32
        %dma_wait3A_197 = tpu.memref_slice %arg10[%dma_wait3A_195, %dma_wait3A_196] : memref<10240x16xf32, #tpu.memory_space<vmem_shared>> -> memref<10240x16xf32, #tpu.memory_space<vmem_shared>>
        tpu.wait_indirect_dma semaphore(%run_scoped3A_177 : memref<!tpu.dma_semaphore, #tpu.memory_space<semaphore_mem>>) src(%dma_wait3A_191 : memref<128x16xf32, #tpu.memory_space<vmem>>) dst(%dma_wait3A_197 : memref<10240x16xf32, #tpu.memory_space<vmem_shared>>)
        tpu.yield
      }) : () -> ()
      %add3A_171 = arith.constant 4 : i32
      %add3A_172 = arith.addi %add3A_158, %add3A_171 : i32
      %lt3A_173 = arith.cmpi slt, %add3A_172, %select_n3A : i32
      %convert_element_type3A_174 = arith.extui %lt3A_173 : i1 to i32
      %cond3A_175 = arith.constant 0 : i32
      %cond3A_176 = arith.cmpi ne, %convert_element_type3A_174, %cond3A_175 : i32
      scf.if %cond3A_176 {
        %add3A_177 = arith.constant 4 : i32
        %add3A_178 = arith.addi %add3A_158, %add3A_177 : i32
        %dma_start3A_179 = arith.constant 3 : i32
        %dma_start3A_180 = arith.constant 0 : i32
        %dma_start3A_181 = arith.constant 0 : i32
        %dma_start3A_182 = tpu.memref_slice %arg9[%dma_start3A_179, %dma_start3A_180, %dma_start3A_181] : memref<4x128x16xf32, #tpu.memory_space<vmem>> -> memref<1x128x16xf32, #tpu.memory_space<vmem>>
        %dma_start3A_183 = tpu.memref_squeeze %dma_start3A_182 : memref<1x128x16xf32, #tpu.memory_space<vmem>> -> memref<128x16xf32, #tpu.memory_space<vmem>>
        %dma_start3A_184 = arith.constant 0 : i32
        %dma_start3A_185 = tpu.memref_slice %arg7[%add3A_178, %dma_start3A_184] : memref<156x128xi32, #tpu.memory_space<vmem>> -> memref<1x128xi32, #tpu.memory_space<vmem>>
        %dma_start3A_186 = tpu.memref_squeeze %dma_start3A_185 : memref<1x128xi32, #tpu.memory_space<vmem>> -> memref<128xi32, #tpu.memory_space<vmem>>
        %dma_start3A_187 = arith.constant 0 : i32
        %dma_start3A_188 = arith.constant 0 : i32
        %dma_start3A_189 = tpu.memref_slice %arg2[%dma_start3A_187, %dma_start3A_188] : memref<10240x16xf32, #tpu.memory_space<hbm>> -> memref<10240x16xf32, #tpu.memory_space<hbm>>
        tpu.enqueue_indirect_dma source(%dma_start3A_189 : memref<10240x16xf32, #tpu.memory_space<hbm>>) target(%dma_start3A_183 : memref<128x16xf32, #tpu.memory_space<vmem>>) offsets(%dma_start3A_186 : memref<128xi32, #tpu.memory_space<vmem>>) semaphore(%arg14 : memref<!tpu.dma_semaphore, #tpu.memory_space<semaphore_mem>>)
      } else {
      }
    }
    %barrier3A_87 = arith.constant 0 : index
    tpu.barrier barrier_id(%barrier3A_87)
    %mul3A_88 = arith.constant 640 : i32
    %mul3A_89 = arith.muli %arg1, %mul3A_88 : i32
    %mul3A_90 = arith.constant 640 : i32
    %mul3A_91 = arith.muli %arg1, %mul3A_90 : i32
    "tpu.region"() ({
      %run_scoped3A = tpu.sem_alloc : memref<!tpu.dma_semaphore, #tpu.memory_space<semaphore_mem>>
      %dma_start3A_92 = arith.constant 0 : i32
      %dma_start3A_93 = tpu.memref_slice %arg6[%arg0, %mul3A_91, %dma_start3A_92] : memref<2x10240x16xf32, #tpu.memory_space<hbm>> -> memref<1x640x16xf32, #tpu.memory_space<hbm>>
      %dma_start3A_94 = tpu.memref_squeeze %dma_start3A_93 : memref<1x640x16xf32, #tpu.memory_space<hbm>> -> memref<640x16xf32, #tpu.memory_space<hbm>>
      %dma_start3A_95 = arith.constant 0 : i32
      %dma_start3A_96 = tpu.memref_slice %arg10[%mul3A_89, %dma_start3A_95] : memref<10240x16xf32, #tpu.memory_space<vmem_shared>> -> memref<640x16xf32, #tpu.memory_space<vmem_shared>>
      tpu.enqueue_dma source(%dma_start3A_96 : memref<640x16xf32, #tpu.memory_space<vmem_shared>>) target(%dma_start3A_94 : memref<640x16xf32, #tpu.memory_space<hbm>>) target_semaphore(%run_scoped3A : memref<!tpu.dma_semaphore, #tpu.memory_space<semaphore_mem>>)
      %dma_wait3A = arith.constant 0 : i32
      %dma_wait3A_97 = tpu.memref_slice %arg6[%arg0, %mul3A_91, %dma_wait3A] : memref<2x10240x16xf32, #tpu.memory_space<hbm>> -> memref<1x640x16xf32, #tpu.memory_space<hbm>>
      %dma_wait3A_98 = tpu.memref_squeeze %dma_wait3A_97 : memref<1x640x16xf32, #tpu.memory_space<hbm>> -> memref<640x16xf32, #tpu.memory_space<hbm>>
      %dma_wait3A_99 = arith.constant 0 : i32
      %dma_wait3A_100 = tpu.memref_slice %arg10[%mul3A_89, %dma_wait3A_99] : memref<10240x16xf32, #tpu.memory_space<vmem_shared>> -> memref<640x16xf32, #tpu.memory_space<vmem_shared>>
      tpu.wait_dma2 semaphore(%run_scoped3A : memref<!tpu.dma_semaphore, #tpu.memory_space<semaphore_mem>>) src(%dma_wait3A_100 : memref<640x16xf32, #tpu.memory_space<vmem_shared>>) dst(%dma_wait3A_98 : memref<640x16xf32, #tpu.memory_space<hbm>>)
      tpu.yield
    }) : () -> ()
    return
  }
}

module attributes {stable_mosaic.version = 14 : i64} {
  func.func @_tc_prep_body(%arg0: memref<10240x128xf32, #tpu.memory_space<vmem>>, %arg1: memref<128x64xf32, #tpu.memory_space<vmem>>, %arg2: memref<2x10240xf32, #tpu.memory_space<vmem>>, %arg3: memref<10240x64xf32, #tpu.memory_space<vmem>>, %arg4: memref<10240x1xf32, #tpu.memory_space<vmem>>) attributes {dimension_semantics = [], scalar_prefetch = 0 : i64, scratch_operands = 0 : i64, tpu.core_type = #tpu.core_type<tc>} {
    %get3A = arith.constant 0 : index
    %get3A_0 = arith.constant 0 : index
    %get3A_1 = vector.load %arg2[%get3A, %get3A_0] : memref<2x10240xf32, #tpu.memory_space<vmem>>, vector<1x10240xf32>
    %get3A_2 = vector.shape_cast %get3A_1 : vector<1x10240xf32> to vector<10240xf32>
    %get3A_3 = arith.constant 1 : index
    %get3A_4 = arith.constant 0 : index
    %get3A_5 = vector.load %arg2[%get3A_3, %get3A_4] : memref<2x10240xf32, #tpu.memory_space<vmem>>, vector<1x10240xf32>
    %get3A_6 = vector.shape_cast %get3A_5 : vector<1x10240xf32> to vector<10240xf32>
    %add3A = arith.addf %get3A_2, %get3A_6 : vector<10240xf32>
    %add3A_7 = arith.constant 1.000000e+00 : f32
    %add3A_8 = vector.broadcast %add3A_7 : f32 to vector<10240xf32>
    %add3A_9 = arith.addf %add3A, %add3A_8 : vector<10240xf32>
    %rsqrt3A = math.rsqrt %add3A_9 : vector<10240xf32>
    %broadcast_in_dim3A = vector.shape_cast %rsqrt3A : vector<10240xf32> to vector<10240x1xf32>
    %get3A_10 = arith.constant 0 : index
    %get3A_11 = arith.constant 0 : index
    %get3A_12 = vector.load %arg0[%get3A_10, %get3A_11] : memref<10240x128xf32, #tpu.memory_space<vmem>>, vector<10240x128xf32>
    %get3A_13 = arith.constant 0 : index
    %get3A_14 = arith.constant 0 : index
    %get3A_15 = vector.load %arg1[%get3A_13, %get3A_14] : memref<128x64xf32, #tpu.memory_space<vmem>>, vector<128x64xf32>
    %dot_general3A = arith.constant dense<0.000000e+00> : vector<10240x64xf32>
    %dot_general3A_16 = tpu.matmul %get3A_12, %get3A_15, %dot_general3A {dimension_numbers = #tpu.dot_dimension_numbers<[1], [0], [0], [1], [0, 0, 1, 1], [], []>, transpose_lhs_hint = false} : vector<10240x128xf32>, vector<128x64xf32>, vector<10240x64xf32> -> vector<10240x64xf32>
    %mul3A = vector.broadcast %broadcast_in_dim3A : vector<10240x1xf32> to vector<10240x64xf32>
    %mul3A_17 = arith.mulf %dot_general3A_16, %mul3A : vector<10240x64xf32>
    %swap3A = arith.constant 0 : index
    %swap3A_18 = arith.constant 0 : index
    %swap3A_19 = vector.load %arg3[%swap3A, %swap3A_18] : memref<10240x64xf32, #tpu.memory_space<vmem>>, vector<10240x64xf32>
    tpu.vector_store %arg3[%swap3A, %swap3A_18], %mul3A_17 {strides = array<i32>} : memref<10240x64xf32, #tpu.memory_space<vmem>>, vector<10240x64xf32>,
    %swap3A_20 = arith.constant 0 : index
    %swap3A_21 = arith.constant 0 : index
    %swap3A_22 = vector.load %arg4[%swap3A_20, %swap3A_21] : memref<10240x1xf32, #tpu.memory_space<vmem>>, vector<10240x1xf32>
    tpu.vector_store %arg4[%swap3A_20, %swap3A_21], %broadcast_in_dim3A {strides = array<i32>} : memref<10240x1xf32, #tpu.memory_space<vmem>>, vector<10240x1xf32>,
    return
  }
}

module attributes {stable_mosaic.version = 14 : i64} {
  func.func @_tc_mid1_body(%arg0: memref<10240x64xf32, #tpu.memory_space<vmem>>, %arg1: memref<2x10240x64xf32, #tpu.memory_space<vmem>>, %arg2: memref<10240x1xf32, #tpu.memory_space<vmem>>, %arg3: memref<64xf32, #tpu.memory_space<vmem>>, %arg4: memref<64x64xf32, #tpu.memory_space<vmem>>, %arg5: memref<10240x64xf32, #tpu.memory_space<vmem>>, %arg6: memref<10240x64xf32, #tpu.memory_space<vmem>>) attributes {dimension_semantics = [], scalar_prefetch = 0 : i64, scratch_operands = 0 : i64, tpu.core_type = #tpu.core_type<tc>} {
    %get3A = arith.constant 0 : index
    %get3A_0 = arith.constant 0 : index
    %get3A_1 = vector.load %arg2[%get3A, %get3A_0] : memref<10240x1xf32, #tpu.memory_space<vmem>>, vector<10240x1xf32>
    %get3A_2 = arith.constant 0 : index
    %get3A_3 = arith.constant 0 : index
    %get3A_4 = arith.constant 0 : index
    %get3A_5 = vector.load %arg1[%get3A_2, %get3A_3, %get3A_4] : memref<2x10240x64xf32, #tpu.memory_space<vmem>>, vector<1x10240x64xf32>
    %get3A_6 = vector.shape_cast %get3A_5 : vector<1x10240x64xf32> to vector<10240x64xf32>
    %get3A_7 = arith.constant 1 : index
    %get3A_8 = arith.constant 0 : index
    %get3A_9 = arith.constant 0 : index
    %get3A_10 = vector.load %arg1[%get3A_7, %get3A_8, %get3A_9] : memref<2x10240x64xf32, #tpu.memory_space<vmem>>, vector<1x10240x64xf32>
    %get3A_11 = vector.shape_cast %get3A_10 : vector<1x10240x64xf32> to vector<10240x64xf32>
    %add3A = arith.addf %get3A_6, %get3A_11 : vector<10240x64xf32>
    %get3A_12 = arith.constant 0 : index
    %get3A_13 = arith.constant 0 : index
    %get3A_14 = vector.load %arg0[%get3A_12, %get3A_13] : memref<10240x64xf32, #tpu.memory_space<vmem>>, vector<10240x64xf32>
    %add3A_15 = arith.addf %add3A, %get3A_14 : vector<10240x64xf32>
    %mul3A = vector.broadcast %get3A_1 : vector<10240x1xf32> to vector<10240x64xf32>
    %mul3A_16 = arith.mulf %mul3A, %add3A_15 : vector<10240x64xf32>
    %get3A_17 = arith.constant 0 : index
    %get3A_18 = vector.load %arg3[%get3A_17] : memref<64xf32, #tpu.memory_space<vmem>>, vector<64xf32>
    %broadcast_in_dim3A = vector.shape_cast %get3A_18 : vector<64xf32> to vector<1x64xf32>
    %add3A_19 = vector.broadcast %broadcast_in_dim3A : vector<1x64xf32> to vector<10240x64xf32>
    %add3A_20 = arith.addf %mul3A_16, %add3A_19 : vector<10240x64xf32>
    %max3A = arith.constant 0.000000e+00 : f32
    %max3A_21 = vector.broadcast %max3A : f32 to vector<10240x64xf32>
    %max3A_22 = arith.maximumf %add3A_20, %max3A_21 : vector<10240x64xf32>
    %swap3A = arith.constant 0 : index
    %swap3A_23 = arith.constant 0 : index
    %swap3A_24 = vector.load %arg6[%swap3A, %swap3A_23] : memref<10240x64xf32, #tpu.memory_space<vmem>>, vector<10240x64xf32>
    tpu.vector_store %arg6[%swap3A, %swap3A_23], %max3A_22 {strides = array<i32>} : memref<10240x64xf32, #tpu.memory_space<vmem>>, vector<10240x64xf32>,
    %get3A_25 = arith.constant 0 : index
    %get3A_26 = arith.constant 0 : index
    %get3A_27 = vector.load %arg4[%get3A_25, %get3A_26] : memref<64x64xf32, #tpu.memory_space<vmem>>, vector<64x64xf32>
    %dot_general3A = arith.constant dense<0.000000e+00> : vector<10240x64xf32>
    %dot_general3A_28 = tpu.matmul %max3A_22, %get3A_27, %dot_general3A {dimension_numbers = #tpu.dot_dimension_numbers<[1], [0], [0], [1], [0, 0, 1, 1], [], []>, transpose_lhs_hint = false} : vector<10240x64xf32>, vector<64x64xf32>, vector<10240x64xf32> -> vector<10240x64xf32>
    %mul3A_29 = vector.broadcast %get3A_1 : vector<10240x1xf32> to vector<10240x64xf32>
    %mul3A_30 = arith.mulf %dot_general3A_28, %mul3A_29 : vector<10240x64xf32>
    %swap3A_31 = arith.constant 0 : index
    %swap3A_32 = arith.constant 0 : index
    %swap3A_33 = vector.load %arg5[%swap3A_31, %swap3A_32] : memref<10240x64xf32, #tpu.memory_space<vmem>>, vector<10240x64xf32>
    tpu.vector_store %arg5[%swap3A_31, %swap3A_32], %mul3A_30 {strides = array<i32>} : memref<10240x64xf32, #tpu.memory_space<vmem>>, vector<10240x64xf32>,
    return
  }
}

module attributes {stable_mosaic.version = 14 : i64} {
  func.func @_tc_mid2_body(%arg0: memref<10240x64xf32, #tpu.memory_space<vmem>>, %arg1: memref<2x10240x64xf32, #tpu.memory_space<vmem>>, %arg2: memref<10240x1xf32, #tpu.memory_space<vmem>>, %arg3: memref<64xf32, #tpu.memory_space<vmem>>, %arg4: memref<10240x64xf32, #tpu.memory_space<vmem>>, %arg5: memref<64x16xf32, #tpu.memory_space<vmem>>, %arg6: memref<10240x16xf32, #tpu.memory_space<vmem>>) attributes {dimension_semantics = [], scalar_prefetch = 0 : i64, scratch_operands = 0 : i64, tpu.core_type = #tpu.core_type<tc>} {
    %get3A = arith.constant 0 : index
    %get3A_0 = arith.constant 0 : index
    %get3A_1 = vector.load %arg2[%get3A, %get3A_0] : memref<10240x1xf32, #tpu.memory_space<vmem>>, vector<10240x1xf32>
    %get3A_2 = arith.constant 0 : index
    %get3A_3 = arith.constant 0 : index
    %get3A_4 = arith.constant 0 : index
    %get3A_5 = vector.load %arg1[%get3A_2, %get3A_3, %get3A_4] : memref<2x10240x64xf32, #tpu.memory_space<vmem>>, vector<1x10240x64xf32>
    %get3A_6 = vector.shape_cast %get3A_5 : vector<1x10240x64xf32> to vector<10240x64xf32>
    %get3A_7 = arith.constant 1 : index
    %get3A_8 = arith.constant 0 : index
    %get3A_9 = arith.constant 0 : index
    %get3A_10 = vector.load %arg1[%get3A_7, %get3A_8, %get3A_9] : memref<2x10240x64xf32, #tpu.memory_space<vmem>>, vector<1x10240x64xf32>
    %get3A_11 = vector.shape_cast %get3A_10 : vector<1x10240x64xf32> to vector<10240x64xf32>
    %add3A = arith.addf %get3A_6, %get3A_11 : vector<10240x64xf32>
    %get3A_12 = arith.constant 0 : index
    %get3A_13 = arith.constant 0 : index
    %get3A_14 = vector.load %arg0[%get3A_12, %get3A_13] : memref<10240x64xf32, #tpu.memory_space<vmem>>, vector<10240x64xf32>
    %add3A_15 = arith.addf %add3A, %get3A_14 : vector<10240x64xf32>
    %mul3A = vector.broadcast %get3A_1 : vector<10240x1xf32> to vector<10240x64xf32>
    %mul3A_16 = arith.mulf %mul3A, %add3A_15 : vector<10240x64xf32>
    %get3A_17 = arith.constant 0 : index
    %get3A_18 = vector.load %arg3[%get3A_17] : memref<64xf32, #tpu.memory_space<vmem>>, vector<64xf32>
    %broadcast_in_dim3A = vector.shape_cast %get3A_18 : vector<64xf32> to vector<1x64xf32>
    %add3A_19 = vector.broadcast %broadcast_in_dim3A : vector<1x64xf32> to vector<10240x64xf32>
    %add3A_20 = arith.addf %mul3A_16, %add3A_19 : vector<10240x64xf32>
    %max3A = arith.constant 0.000000e+00 : f32
    %max3A_21 = vector.broadcast %max3A : f32 to vector<10240x64xf32>
    %max3A_22 = arith.maximumf %add3A_20, %max3A_21 : vector<10240x64xf32>
    %get3A_23 = arith.constant 0 : index
    %get3A_24 = arith.constant 0 : index
    %get3A_25 = vector.load %arg4[%get3A_23, %get3A_24] : memref<10240x64xf32, #tpu.memory_space<vmem>>, vector<10240x64xf32>
    %add3A_26 = arith.addf %max3A_22, %get3A_25 : vector<10240x64xf32>
    %get3A_27 = arith.constant 0 : index
    %get3A_28 = arith.constant 0 : index
    %get3A_29 = vector.load %arg5[%get3A_27, %get3A_28] : memref<64x16xf32, #tpu.memory_space<vmem>>, vector<64x16xf32>
    %dot_general3A = arith.constant dense<0.000000e+00> : vector<10240x16xf32>
    %dot_general3A_30 = tpu.matmul %add3A_26, %get3A_29, %dot_general3A {dimension_numbers = #tpu.dot_dimension_numbers<[1], [0], [0], [1], [0, 0, 1, 1], [], []>, transpose_lhs_hint = false} : vector<10240x64xf32>, vector<64x16xf32>, vector<10240x16xf32> -> vector<10240x16xf32>
    %mul3A_31 = vector.broadcast %get3A_1 : vector<10240x1xf32> to vector<10240x16xf32>
    %mul3A_32 = arith.mulf %dot_general3A_30, %mul3A_31 : vector<10240x16xf32>
    %swap3A = arith.constant 0 : index
    %swap3A_33 = arith.constant 0 : index
    %swap3A_34 = vector.load %arg6[%swap3A, %swap3A_33] : memref<10240x16xf32, #tpu.memory_space<vmem>>, vector<10240x16xf32>
    tpu.vector_store %arg6[%swap3A, %swap3A_33], %mul3A_32 {strides = array<i32>} : memref<10240x16xf32, #tpu.memory_space<vmem>>, vector<10240x16xf32>,
    return
  }
}

module attributes {stable_mosaic.version = 14 : i64} {
  func.func @_tc_final_body(%arg0: memref<10240x16xf32, #tpu.memory_space<vmem>>, %arg1: memref<2x10240x16xf32, #tpu.memory_space<vmem>>, %arg2: memref<10240x1xf32, #tpu.memory_space<vmem>>, %arg3: memref<16xf32, #tpu.memory_space<vmem>>, %arg4: memref<10000x7xf32, #tpu.memory_space<vmem>>) attributes {dimension_semantics = [], scalar_prefetch = 0 : i64, scratch_operands = 0 : i64, tpu.core_type = #tpu.core_type<tc>} {
    %get3A = arith.constant 0 : index
    %get3A_0 = arith.constant 0 : index
    %get3A_1 = vector.load %arg2[%get3A, %get3A_0] : memref<10240x1xf32, #tpu.memory_space<vmem>>, vector<10240x1xf32>
    %get3A_2 = arith.constant 0 : index
    %get3A_3 = arith.constant 0 : index
    %get3A_4 = arith.constant 0 : index
    %get3A_5 = vector.load %arg1[%get3A_2, %get3A_3, %get3A_4] : memref<2x10240x16xf32, #tpu.memory_space<vmem>>, vector<1x10240x16xf32>
    %get3A_6 = vector.shape_cast %get3A_5 : vector<1x10240x16xf32> to vector<10240x16xf32>
    %get3A_7 = arith.constant 1 : index
    %get3A_8 = arith.constant 0 : index
    %get3A_9 = arith.constant 0 : index
    %get3A_10 = vector.load %arg1[%get3A_7, %get3A_8, %get3A_9] : memref<2x10240x16xf32, #tpu.memory_space<vmem>>, vector<1x10240x16xf32>
    %get3A_11 = vector.shape_cast %get3A_10 : vector<1x10240x16xf32> to vector<10240x16xf32>
    %add3A = arith.addf %get3A_6, %get3A_11 : vector<10240x16xf32>
    %get3A_12 = arith.constant 0 : index
    %get3A_13 = arith.constant 0 : index
    %get3A_14 = vector.load %arg0[%get3A_12, %get3A_13] : memref<10240x16xf32, #tpu.memory_space<vmem>>, vector<10240x16xf32>
    %add3A_15 = arith.addf %add3A, %get3A_14 : vector<10240x16xf32>
    %mul3A = vector.broadcast %get3A_1 : vector<10240x1xf32> to vector<10240x16xf32>
    %mul3A_16 = arith.mulf %mul3A, %add3A_15 : vector<10240x16xf32>
    %get3A_17 = arith.constant 0 : index
    %get3A_18 = vector.load %arg3[%get3A_17] : memref<16xf32, #tpu.memory_space<vmem>>, vector<16xf32>
    %broadcast_in_dim3A = vector.shape_cast %get3A_18 : vector<16xf32> to vector<1x16xf32>
    %add3A_19 = vector.broadcast %broadcast_in_dim3A : vector<1x16xf32> to vector<10240x16xf32>
    %add3A_20 = arith.addf %mul3A_16, %add3A_19 : vector<10240x16xf32>
    %slice3A = vector.extract_strided_slice %add3A_20 {offsets = [0, 0], sizes = [10000, 7], strides = [1, 1]} : vector<10240x16xf32> to vector<10000x7xf32>
    %reduce_max3A = arith.constant dense<0xFF800000> : vector<10000xf32>
    %reduce_max3A_21 = vector.multi_reduction <maximumf>, %slice3A, %reduce_max3A [1] : vector<10000x7xf32> to vector<10000xf32>
    %broadcast_in_dim3A_22 = vector.shape_cast %reduce_max3A_21 : vector<10000xf32> to vector<10000x1xf32>
    %sub3A = vector.broadcast %broadcast_in_dim3A_22 : vector<10000x1xf32> to vector<10000x7xf32>
    %sub3A_23 = arith.subf %slice3A, %sub3A : vector<10000x7xf32>
    %exp3A = math.exp %sub3A_23 : vector<10000x7xf32>
    %reduce_sum3A = arith.constant dense<0.000000e+00> : vector<10000xf32>
    %reduce_sum3A_24 = vector.multi_reduction <add>, %exp3A, %reduce_sum3A [1] : vector<10000x7xf32> to vector<10000xf32>
    %broadcast_in_dim3A_25 = vector.shape_cast %reduce_sum3A_24 : vector<10000xf32> to vector<10000x1xf32>
    %log3A = math.log %broadcast_in_dim3A_25 : vector<10000x1xf32>
    %add3A_26 = arith.addf %log3A, %broadcast_in_dim3A_22 : vector<10000x1xf32>
    %sub3A_27 = vector.broadcast %add3A_26 : vector<10000x1xf32> to vector<10000x7xf32>
    %sub3A_28 = arith.subf %slice3A, %sub3A_27 : vector<10000x7xf32>
    %swap3A = arith.constant 0 : index
    %swap3A_29 = arith.constant 0 : index
    %swap3A_30 = vector.load %arg4[%swap3A, %swap3A_29] : memref<10000x7xf32, #tpu.memory_space<vmem>>, vector<10000x7xf32>
    tpu.vector_store %arg4[%swap3A, %swap3A_29], %sub3A_28 {strides = array<i32>} : memref<10000x7xf32, #tpu.memory_space<vmem>>, vector<10000x7xf32>,
    return
  }
}

</mosaic_0001>

<sc_bundles>
// kernel: kernel.10.cloned.1.call-start
scs
__scs_entry_jumppad:
0x0: {  	(pc) =	sbr.rel $0x88, $3  }
0x1: {  	(tag) =	ssettag $0x0;
	lr =	simm.s32 $0x1  }
0x2: {  	[smem:$0x3F99] =	sst lr;
	_ =	strace $0xD0000000  }
0x3: {  	_ = 	snop  }
0x4: {  	_ = 	snop  }
0x5: {  	_ = 	snop  }
0x6: {  	_ = 	snop  }
0x7: {  	_ = 	snop  }
__scs_overlays_trampoline_lowered:
0x8: {  	[smem:$0x3FA8] =	sst s0  }
0x9: {  	[smem:$0x3FA9] =	sst s1  }
0xa: {  	[smem:$0x3FAA] =	sst s2  }
0xb: {  	[smem:$0x3FAB] =	sst s3  }
0xc: {  	[smem:$0x3FAC] =	sst s4  }
0xd: {  	[smem:$0x3FAD] =	sst s5  }
0xe: {  	[smem:$0x3FAE] =	sst s6  }
0xf: {  	[smem:$0x3FAF] =	sst s7  }
0x10: {  	[smem:$0x3FB0] =	sst s8  }
0x11: {  	[smem:$0x3FB1] =	sst s9;
	s0 =	simm.s32 @!p0 $0x0  }
0x12: {  	s1 =	sld [smem:$0x3F97];
	s0 =	simm.s32 @p0 $0x1  }
0x13: {  	[smem:$0x3FB2] =	sst s0;
	s0 =	simm.s32 @!p1 $0x0  }
0x14: {  	s2 =	sld [smem:$0x3F96];
	s0 =	simm.s32 @p1 $0x1  }
0x15: {  	[smem:$0x3FB3] =	sst s0;
	s0 =	simm.s32 @!p2 $0x0  }
0x16: {  	s3 =	sld [smem:$0x3FDB];
	s0 =	simm.s32 @p2 $0x1  }
0x17: {  	s4 =	simm.s32 $0x1BF5;
	[smem:$0x3FB5] =	sst s0  }
0x18: {  	s0 =	sld [smem:$0x3F98];
	_ =	swait.ge [sflag:s4], $0x0  }
0x19: {  	s7 =	sld [smem:$0x3F99]  }
0x1a: {  	s8 =	sadd.s32 $0xFFFFE003, lr  }
0x1b: {  	s9 =	sadd.s32 $0xFFFFFEF7, lr;
	s5 =	simm.s32 $0xFFFFFFFF;
	p2 =	slt.u32 s8, $0xFFFFF086  }
0x1c: {  	p1 =	slt.u32 s9, $0xF7A;
	s5 =	simm.s32 @!p2 $0x0  }
0x1d: {  	s5 =	simm.s32 @p1 $0x1;
	p0 =	seq.s32 s7, s2  }
0x1e: {  	s7 =	smul.u32 @!p0 $0xF7A, s2;
	p2 =	seq.s32 @!p0 s5, $0x0  }
0x1f: {  	s9 =	smul.u32 $0xF7A, s1;
	s8 =	simm.s32 @!p0 $0x1BF5;
	p2 =	por !p2, p0  }
0x20: {  	[sflag:s8] =	ssyncset.s32 @!p0 $0xFFFFF086;
	s6 =	sadd.s32 @!p0 s3, s7;
	s7 =	simm.s32 @!p0 $0x108  }
0x21: {  	s3 =	sadd.s32 s3, s9;
	s6 =	sadd.s32 @!p0 $0x88, s6;
	s7 =	simm.s32 @p2 $0x1082  }
0x22: {  	[simem:s7], [sflag:s8] =	dma.local @!p0 [hbm:s6], $0xF7A  }
0x23: {  	s9 =	sor.u32 $0xD0000000, s2;
	s6 =	simm.s32 $0x108;
	_ =	swait.ge @!p0 [sflag:s8], $0x0  }
0x24: {  	s3 =	sadd.s32 $0x88, s3;
	s6 =	simm.s32 @!p1 $0x1082;
	[sflag:s4] =	ssyncset.s32 $0xFFFFF086  }
0x25: {  	[simem:s6], [sflag:s4] =	dma.local [hbm:s3], $0xF7A  }
0x26: {  	[smem:$0x3F99] =	sst s1;
	(tag) =	ssettag s2;
	_ =	strace s9  }
0x27: {  	s1 =	sld [smem:$0x3FA9]  }
0x28: {  	s2 =	sld [smem:$0x3FAA]  }
0x29: {  	s4 =	sld [smem:$0x3FAC]  }
0x2a: {  	p0 =	seq.s32 s5, $0x0;
	s5 =	sld [smem:$0x3FAD]  }
0x2b: {  	s6 =	sld [smem:$0x3FAE]  }
0x2c: {  	s7 =	sld [smem:$0x3FAF]  }
0x2d: {  	s3 =	simm.s32 $0x108;
	s8 =	sld [smem:$0x3FB0]  }
0x2e: {  	s3 =	simm.s32 @!p0 $0x1082;
	s9 =	sld [smem:$0x3FB1]  }
0x2f: {  	lr =	sadd.s32 s0, s3;
	s0 =	sld [smem:$0x3FA8]  }
0x30: {  	s3 =	sld [smem:$0x3FAB]  }
0x31: {  	[smem:$0x3FB4] =	sst s10  }
0x32: {  	s10 =	sld [smem:$0x3FB2];
	_ =	sdelay $0x3  }
0x33: {  	p0 =	seq.s32 s10, $0x1;
	s10 =	sld [smem:$0x3FB4];
	_ =	sdelay $0x3  }
0x34: {  	[smem:$0x3FB4] =	sst s10  }
0x35: {  	s10 =	sld [smem:$0x3FB3];
	_ =	sdelay $0x3  }
0x36: {  	p1 =	seq.s32 s10, $0x1;
	s10 =	sld [smem:$0x3FB4];
	_ =	sdelay $0x3  }
0x37: {  	[smem:$0x3FB4] =	sst s10  }
0x38: {  	s10 =	sld [smem:$0x3FB5]  }
0x39: {  	_ = 	snop;
	(pc) =	sbr.ind lr, $3  }
0x3a: {  	_ = 	snop  }
0x3b: {  	_ = 	snop  }
0x3c: {  	p2 =	seq.s32 s10, $0x1;
	s10 =	sld [smem:$0x3FB4]  }
0x3d: {  	_ =	shalt  }
0x3e: {  	_ =	shalt  }
0x3f: {  	_ =	shalt  }
0x40: {  	_ =	shalt  }
0x41: {  	_ =	shalt  }
0x42: {  	_ =	shalt  }
0x43: {  	_ =	shalt  }
0x44: {  	_ =	shalt  }
0x45: {  	_ =	shalt  }
0x46: {  	_ =	shalt  }
0x47: {  	_ =	shalt  }
0x48: {  	_ =	shalt  }
0x49: {  	_ =	shalt  }
0x4a: {  	_ =	shalt  }
0x4b: {  	_ =	shalt  }
0x4c: {  	_ =	shalt  }
0x4d: {  	_ =	shalt  }
0x4e: {  	_ =	shalt  }
0x4f: {  	_ =	shalt  }
0x50: {  	_ =	shalt  }
0x51: {  	_ =	shalt  }
0x52: {  	_ =	shalt  }
0x53: {  	_ =	shalt  }
0x54: {  	_ =	shalt  }
0x55: {  	_ =	shalt  }
0x56: {  	_ =	shalt  }
0x57: {  	_ =	shalt  }
0x58: {  	_ =	shalt  }
0x59: {  	_ =	shalt  }
0x5a: {  	_ =	shalt  }
0x5b: {  	_ =	shalt  }
0x5c: {  	_ =	shalt  }
0x5d: {  	_ =	shalt  }
0x5e: {  	_ =	shalt  }
0x5f: {  	_ =	shalt  }
0x60: {  	_ =	shalt  }
0x61: {  	_ =	shalt  }
0x62: {  	_ =	shalt  }
0x63: {  	_ =	shalt  }
0x64: {  	_ =	shalt  }
0x65: {  	_ =	shalt  }
0x66: {  	_ =	shalt  }
0x67: {  	_ =	shalt  }
0x68: {  	_ =	shalt  }
0x69: {  	_ =	shalt  }
0x6a: {  	_ =	shalt  }
0x6b: {  	_ =	shalt  }
0x6c: {  	_ =	shalt  }
0x6d: {  	_ =	shalt  }
0x6e: {  	_ =	shalt  }
0x6f: {  	_ =	shalt  }
0x70: {  	_ =	shalt  }
0x71: {  	_ =	shalt  }
0x72: {  	_ =	shalt  }
0x73: {  	_ =	shalt  }
0x74: {  	_ =	shalt  }
0x75: {  	_ =	shalt  }
0x76: {  	_ =	shalt  }
0x77: {  	_ =	shalt  }
0x78: {  	_ =	shalt  }
0x79: {  	_ =	shalt  }
0x7a: {  	_ =	shalt  }
0x7b: {  	_ =	shalt  }
0x7c: {  	_ =	shalt  }
0x7d: {  	_ =	shalt  }
0x7e: {  	_ =	shalt  }
0x7f: {  	_ =	shalt  }
0x80: {  	_ =	shalt  }
0x81: {  	_ =	shalt  }
0x82: {  	_ =	shalt  }
0x83: {  	_ =	shalt  }
0x84: {  	_ =	shalt  }
0x85: {  	_ =	shalt  }
0x86: {  	_ =	shalt  }
0x87: {  	_ =	shalt  }
.Lfunc_end0:
.L_simem_size_0:
called_computation_lowered:
.L_overlay_start_0:
0x88: {  	s2 =	sld [smem:$0x3FD9]  }
0x89: {  	s3 =	sld [smem:$0x3FFE];
	_ =	sdelay $0x1  }
0x8a: {  	s1 =	srdreg.scid  }
0x8b: {  	s0 =	sand.u32 $0x1, s1  }
0x8c: {  	s17 =	sshll.u32 s0, $0xA;
	s2 =	sadd.s32 s3, s2  }
0x8d: {  	s2 =	sadd.s32 s2, s17  }
0x8e: {  	[smem:$0x3FC0] =	sst s2  }
0x8f: {  	_ = 	snop  }
0x90: {  	s2 =	sld [smem:$0x3FD0];
	(tm) =	ssettm $0x1  }
0x91: {  	s18 =	sld [smem:$0x3FFB];
	_ =	sdelay $0x3  }
0x92: {  	_ =	strace s18  }
0x93: {  	s3 =	sld [smem:$0x3FFC];
	_ =	sdelay $0x3  }
0x94: {  	_ =	strace s3  }
0x95: {  	s3 =	sld [smem:$0x3FFD];
	_ =	sdelay $0x3  }
0x96: {  	_ =	strace s3  }
0x97: {  	_ =	strace $0x8FFFFFFF  }
0x98: {  	s19 =	sld [smem:$0x3FDB];
	_ =	sdelay $0x1  }
0x99: {  	s4 =	simm.s32 $_scs_section_size  }
0x9a: {  	s5 =	simm.s32 $_size__tile_overlayer_lowered;
	s6 =	simm.s32 $_tile_overlayer_lowered  }
0x9b: {  	s22 =	simm.s32 $0x1BFF;
	s21 =	sshll.u32 s6, $0x1;
	s3 =	sadd.s32 s4, s19  }
0x9c: {  	s7 =	simm.s32 $0x0;
	s20 =	sshll.u32 s5, $0x1;
	s5 =	sadd.s32 s21, s3  }
0x9d: {  	[timem:s7], [sflag:s22] =	dma.local [hbm:s5], s20  }
0x9e: {  	_ =	swait.ge [sflag:s22], s20  }
0x9f: {  	s4 =	ssub.s32 $0x0, s20;
	[sflag:s22] =	ssyncset.done $0x0  }
0xa0: {  	[sflag:s22] =	ssyncadd.s32 s4;
	_ =	sdelay $0x1  }
0xa1: {  	s23 =	simm.s32 $0x1B8B  }
0xa2: {  	_ =	swait.ge [sflag:s23], $0x1  }
0xa3: {  	[sflag:s23] =	ssyncset.done $0x0  }
0xa4: {  	s25 =	simm.s32 $0x1B8E;
	s24 =	sld [smem:$0x3FFE];
	[sflag:s23] =	ssyncadd.s32 $0xFFFFFFFF  }
0xa5: {  	s26 =	simm.s32 $execute0_lowered;
	[smem:$0x3FD2] =	sst s25  }
0xa6: {  	s5 =	sshll.u32 s26, $0x1;
	_ =	strace $0x80000046;
	[dreg:$0x1] =	wrdreg $0xFFFFFFFF  }
0xa7: {  	s28 =	simm.s32 $_size_execute0_lowered;
	s3 =	sadd.s32 s3, s5;
	[dreg:$0x0] =	wrdreg $0x0  }
0xa8: {  	s5 =	sshll.u32 s28, $0x1;
	[dreg:$0x2] =	wrdreg s3  }
0xa9: {  	[dreg:$0x3] =	wrdreg s5  }
0xaa: {  	[dreg:$0x4] =	wrdreg $0xC0  }
0xab: {  	_ =	task [dreg:s7], $0x5FFFF  }
0xac: {  	[dreg:$0x1] =	wrdreg $0xFFFFFFFF  }
0xad: {  	[dreg:$0x0] =	wrdreg $0x60  }
0xae: {  	[dreg:$0x2] =	wrdreg s24  }
0xaf: {  	[dreg:$0x3] =	wrdreg s2  }
0xb0: {  	[dreg:$0x4] =	wrdreg $0x28800  }
0xb1: {  	[dreg:$0x5] =	wrdreg $0x9  }
0xb2: {  	_ =	task.clear_ibuf [dreg:s7], $0x6FFFF;
	_ =	strace $0x90000046  }
0xb3: {  	s29 =	simm.s32 $0x9;
	_ =	strace $0x80000048  }
0xb4: {  	_ =	swait.ge [sflag:s29], $0x1  }
0xb5: {  	[sflag:s29] =	ssyncadd.s32 $0xFFFFFFFF  }
0xb6: {  	_ =	strace $0x90000048  }
0xb7: {  	_ =	sfence  }
0xb8: {  	s30 =	sld [smem:$0x0];
	_ =	sdelay $0x2  }
0xb9: {  	s31 =	sshll.u32 s1, $0xD;
	s1 =	sshrl.u32 s1, $0x2  }
0xba: {  	s3 =	sand.u32 $0x4000, s31;
	s1 =	sadd.s32 s1, s30  }
0xbb: {  	s0 =	sor.u32 s3, s0;
	s1 =	sshll.u32 s1, $0x11  }
0xbc: {  	s0 =	sor.u32 s1, s0  }
0xbd: {  	s0 =	sadd.s32 $0x8F2B, s0  }
0xbe: {  	[sflag:s0] =	ssyncadd.remote.s32 $0x1  }
0xbf: {  	_ =	sfence.sel $0xFFFF  }
0xc0: {  	[dreg:$0x0] =	wrdreg $0xFFFFFFFF;
	(pc) =	sbr.abs _section_cstart, $3  }
0xc1: {  	[dreg:$0x1] =	wrdreg $0xFFFFFFFF  }
0xc2: {  	_ =	task.clear_ibuf [dreg:s7], $0x2FFFF;
	_ =	strace $0x9FFFFFFF  }
0xc3: {  	(tm) =	ssettm $0x7FFFFFFF  }
tec
execute0_lowered:
.L_overlay_start_1:
0x0: {  	(tag) =	ssettag $0x1  }
0x1: {  	s4 =	rddreg [dreg:$0x0]  }
0x2: {  	s6 =	rddreg [dreg:$0x1]  }
0x3: {  	s1 =	rddreg [dreg:$0x2]  }
0x4: {  	s2 =	srdreg.scid;
	s0 =	rddreg [dreg:$0x3]  }
0x5: {  	s3 =	simm.s32 $0x0;
	s12 =	simm.s32 $0x2800;
	s13 =	simm.s32 $0x0  }
0x6: {  	s5 =	sand.u32 $0x1, s2;
	s2 =	stileid.u32;
	[smem:$0x7FF] =	sst s3  }
0x7: {  	s7 =	sshll.u32 s5, $0x4;
	s8 =	smul.u32 $0x280, s2;
	_ =	strace $0x80000047  }
0x8: {  	s10 =	ssub.s32 $0x2, s5;
	s5 =	smul.u32 $0x2800, s5;
	s7 =	sor.u32 s2, s7  }
0x9: {  	s31 =	sshll.u32 s2, $0x6;
	s29 =	sshrl.u32 s10, $0x1;
	s7 =	smul.u32 $0x500, s7  }
0xa: {  	s9 =	sshrl.u32 s8, $0x3;
	s10 =	ssub.s32 s10, s29;
	s30 =	sadd.s32 s8, s5  }
0xb: {  	s11 =	sadd.s32 s8, s1;
	s8 =	simm.s32 $0x1;
	s7 =	sadd.s32 s7, s4  }
0xc: {  	s9 =	sadd.s32 s9, s4;
	s4 =	sadd.s32 $0x1A00, s7;
	s7 =	sshrl.u32 s30, $0x3  }
0xd: {  	s5 =	sadd.s32 $0xBA00, s9;
	s9 =	sor.u32 $0x1C01, s31;
	s6 =	sadd.s32 s6, s7  }
0xe: {  	v0 =	vimm.f32 $1.000000000e+00;
	s7 =	smax.u32 s10, $0x1;
	s10 =	sshrl.u32 s11, $0x3;
	s11 =	simm.s32 $0x80  }
.LBB2_1:
0xf: {  	[tilespmem:s3], [sflag:$0x1] =	stream.linear.gather [hbm4b:s4+s3], $0x2800, $0x38;
	[tilespmem:$0x2B00] =	vst v63  }
0x10: {  	_ =	swait.ge [sflag:s8], $0x2800  }
0x11: {  	[sflag:s8] =	ssyncset.done $0x0  }
0x12: {  	[sflag:s8] =	ssyncadd.s32 $0xFFFFD800  }
0x13: {  	[tilespmem:$0x2800] =	vst v0  }
0x14: {  	[tilespmem:$0x2810] =	vst v0  }
0x15: {  	[tilespmem:$0x2820] =	vst v0  }
0x16: {  	[tilespmem:$0x2830] =	vst v0  }
0x17: {  	[tilespmem:$0x2840] =	vst v0  }
0x18: {  	[tilespmem:$0x2850] =	vst v0  }
0x19: {  	[tilespmem:$0x2860] =	vst v0  }
0x1a: {  	[tilespmem:$0x2870] =	vst v0  }
0x1b: {  	[spmem:s10], [sflag:s9] =	dma.local [hbm:s5], $0x50  }
0x1c: {  	_ =	swait.ge [sflag:s8], $0x50  }
0x1d: {  	[sflag:s8] =	ssyncset.done $0x0  }
0x1e: {  	[sflag:s8] =	ssyncadd.s32 $0xFFFFFFB0  }
0x1f: {  	s14 =	simm.s32 $0x0;
	[bflag:$0x0] =	sbarrier.arrive $0xFFFF  }
0x20: {  	[spmem:s1] =	stream.indirect.scatter.add.f32 [tilespmem:s12], [sflag:$0x1], $0x1, s14, s11, $0xb8;
	[tilespmem:$0x2B00] =	vst v63  }
0x21: {  	_ =	swait.ge [sflag:s8], $0x80  }
0x22: {  	s14 =	simm.s32 $0x200;
	[sflag:s8] =	ssyncset.done $0x0  }
.LBB2_2:
0x23: {  	s15 =	sshra.s32 s14, $0x2;
	[sflag:s8] =	ssyncadd.s32 $0xFFFFFF80;
	p0 =	sne.s32 s14, $0x9E00  }
0x24: {  	[spmem:s1] =	stream.indirect.scatter.add.f32 [tilespmem:s12], [sflag:$0x1], $0x1, s15, s11, $0xb8;
	[tilespmem:$0x2B00] =	vst v63  }
.Ltmp0:
0x25: {  	_ = 	snop;
	(pc) =	sbr.rel @p0 .LBB2_2-.Ltmp0, $4  }
0x26: {  	_ = 	snop  }
0x27: {  	s14 =	sadd.s32 $0x200, s14  }
0x28: {  	_ =	swait.ge [sflag:s8], $0x80  }
0x29: {  	[sflag:s8] =	ssyncset.done $0x0  }
0x2a: {  	s13 =	sadd.s32 $0x1, s13  }
0x2b: {  	[sflag:s8] =	ssyncadd.s32 $0xFFFFFF80;
	p0 =	sne.s32 s13, s7  }
.Ltmp1:
0x2c: {  	[bflag:$0x0] =	sbarrier.arrive $0xFFFF;
	(pc) =	sbr.rel @p0 .LBB2_1-.Ltmp1, $4  }
0x2d: {  	[hbm:s6], [sflag:s9] =	dma.local [spmem:s10], $0x50  }
0x2e: {  	_ =	swait.ge [sflag:s8], $0x50  }
0x2f: {  	[sflag:s8] =	ssyncset.done $0x0  }
0x30: {  	[sflag:s8] =	ssyncadd.s32 $0xFFFFFFB0  }
0x31: {  	_ =	sfence.sel $0x180000  }
0x32: {  	[bflag:$0x0] =	sbarrier.arrive $0xFFFF  }
0x33: {  	p0 =	sne.s32 s2, $0x0;
	_ =	strace $0x90000047  }
0x34: {  	s0 =	sadd.s32 @!p0 $0x100000, s0;
	[bflag:$0x2] =	sbarrier.arrive $0xFFFF  }
0x35: {  	[sflag:s0] =	ssyncadd.tile.s32 @!p0 $0x1;
	_ =	shalt  }
.Lfunc_end2:
_tile_overlayer_lowered:
.L_overlay_start_2:
0x36: {  	(tag) =	ssettag $0x2  }
0x37: {  	s0 =	rddreg [dreg:$0x0];
	s2 =	stileid.u32  }
0x38: {  	s1 =	rddreg [dreg:$0x1];
	p0 =	sne.s32 s2, $0x0  }
0x39: {  	s3 =	rddreg [dreg:$0x2];
	[bflag:$0x3] =	sbarrier.arrive $0xFFFF;
	s2 =	simm.s32 @!p0 $0x1C01  }
0x3a: {  	[timem:s3], [sflag:s2] =	dma.local @!p0 [hbm:s0], s1  }
0x3b: {  	s0 =	simm.s32 @!p0 $0x1  }
0x3c: {  	_ =	swait.ge @!p0 [sflag:s0], s1  }
0x3d: {  	s1 =	ssub.s32 @!p0 $0x0, s1;
	[sflag:s0] =	ssyncset.done @!p0 $0x0  }
0x3e: {  	[sflag:s0] =	ssyncadd.s32 @!p0 s1  }
0x3f: {  	[bflag:$0x3] =	sbarrier.arrive $0xFFFF  }
0x40: {  	_ =	shalt  }

// kernel: kernel.13.cloned.1.call-start
scs
__scs_entry_jumppad:
0x0: {  	(pc) =	sbr.rel $0x88, $3  }
0x1: {  	(tag) =	ssettag $0x0;
	lr =	simm.s32 $0x1  }
0x2: {  	[smem:$0x3F99] =	sst lr;
	_ =	strace $0xD0000000  }
0x3: {  	_ = 	snop  }
0x4: {  	_ = 	snop  }
0x5: {  	_ = 	snop  }
0x6: {  	_ = 	snop  }
0x7: {  	_ = 	snop  }
__scs_overlays_trampoline_lowered:
0x8: {  	[smem:$0x3FA8] =	sst s0  }
0x9: {  	[smem:$0x3FA9] =	sst s1  }
0xa: {  	[smem:$0x3FAA] =	sst s2  }
0xb: {  	[smem:$0x3FAB] =	sst s3  }
0xc: {  	[smem:$0x3FAC] =	sst s4  }
0xd: {  	[smem:$0x3FAD] =	sst s5  }
0xe: {  	[smem:$0x3FAE] =	sst s6  }
0xf: {  	[smem:$0x3FAF] =	sst s7  }
0x10: {  	[smem:$0x3FB0] =	sst s8  }
0x11: {  	[smem:$0x3FB1] =	sst s9;
	s0 =	simm.s32 @!p0 $0x0  }
0x12: {  	s1 =	sld [smem:$0x3F97];
	s0 =	simm.s32 @p0 $0x1  }
0x13: {  	[smem:$0x3FB2] =	sst s0;
	s0 =	simm.s32 @!p1 $0x0  }
0x14: {  	s2 =	sld [smem:$0x3F96];
	s0 =	simm.s32 @p1 $0x1  }
0x15: {  	[smem:$0x3FB3] =	sst s0;
	s0 =	simm.s32 @!p2 $0x0  }
0x16: {  	s3 =	sld [smem:$0x3FDB];
	s0 =	simm.s32 @p2 $0x1  }
0x17: {  	s4 =	simm.s32 $0x1BF5;
	[smem:$0x3FB5] =	sst s0  }
0x18: {  	s0 =	sld [smem:$0x3F98];
	_ =	swait.ge [sflag:s4], $0x0  }
0x19: {  	s7 =	sld [smem:$0x3F99]  }
0x1a: {  	s8 =	sadd.s32 $0xFFFFE003, lr  }
0x1b: {  	s9 =	sadd.s32 $0xFFFFFEF7, lr;
	s5 =	simm.s32 $0xFFFFFFFF;
	p2 =	slt.u32 s8, $0xFFFFF086  }
0x1c: {  	p1 =	slt.u32 s9, $0xF7A;
	s5 =	simm.s32 @!p2 $0x0  }
0x1d: {  	s5 =	simm.s32 @p1 $0x1;
	p0 =	seq.s32 s7, s2  }
0x1e: {  	s7 =	smul.u32 @!p0 $0xF7A, s2;
	p2 =	seq.s32 @!p0 s5, $0x0  }
0x1f: {  	s9 =	smul.u32 $0xF7A, s1;
	s8 =	simm.s32 @!p0 $0x1BF5;
	p2 =	por !p2, p0  }
0x20: {  	[sflag:s8] =	ssyncset.s32 @!p0 $0xFFFFF086;
	s6 =	sadd.s32 @!p0 s3, s7;
	s7 =	simm.s32 @!p0 $0x108  }
0x21: {  	s3 =	sadd.s32 s3, s9;
	s6 =	sadd.s32 @!p0 $0x88, s6;
	s7 =	simm.s32 @p2 $0x1082  }
0x22: {  	[simem:s7], [sflag:s8] =	dma.local @!p0 [hbm:s6], $0xF7A  }
0x23: {  	s9 =	sor.u32 $0xD0000000, s2;
	s6 =	simm.s32 $0x108;
	_ =	swait.ge @!p0 [sflag:s8], $0x0  }
0x24: {  	s3 =	sadd.s32 $0x88, s3;
	s6 =	simm.s32 @!p1 $0x1082;
	[sflag:s4] =	ssyncset.s32 $0xFFFFF086  }
0x25: {  	[simem:s6], [sflag:s4] =	dma.local [hbm:s3], $0xF7A  }
0x26: {  	[smem:$0x3F99] =	sst s1;
	(tag) =	ssettag s2;
	_ =	strace s9  }
0x27: {  	s1 =	sld [smem:$0x3FA9]  }
0x28: {  	s2 =	sld [smem:$0x3FAA]  }
0x29: {  	s4 =	sld [smem:$0x3FAC]  }
0x2a: {  	p0 =	seq.s32 s5, $0x0;
	s5 =	sld [smem:$0x3FAD]  }
0x2b: {  	s6 =	sld [smem:$0x3FAE]  }
0x2c: {  	s7 =	sld [smem:$0x3FAF]  }
0x2d: {  	s3 =	simm.s32 $0x108;
	s8 =	sld [smem:$0x3FB0]  }
0x2e: {  	s3 =	simm.s32 @!p0 $0x1082;
	s9 =	sld [smem:$0x3FB1]  }
0x2f: {  	lr =	sadd.s32 s0, s3;
	s0 =	sld [smem:$0x3FA8]  }
0x30: {  	s3 =	sld [smem:$0x3FAB]  }
0x31: {  	[smem:$0x3FB4] =	sst s10  }
0x32: {  	s10 =	sld [smem:$0x3FB2];
	_ =	sdelay $0x3  }
0x33: {  	p0 =	seq.s32 s10, $0x1;
	s10 =	sld [smem:$0x3FB4];
	_ =	sdelay $0x3  }
0x34: {  	[smem:$0x3FB4] =	sst s10  }
0x35: {  	s10 =	sld [smem:$0x3FB3];
	_ =	sdelay $0x3  }
0x36: {  	p1 =	seq.s32 s10, $0x1;
	s10 =	sld [smem:$0x3FB4];
	_ =	sdelay $0x3  }
0x37: {  	[smem:$0x3FB4] =	sst s10  }
0x38: {  	s10 =	sld [smem:$0x3FB5]  }
0x39: {  	_ = 	snop;
	(pc) =	sbr.ind lr, $3  }
0x3a: {  	_ = 	snop  }
0x3b: {  	_ = 	snop  }
0x3c: {  	p2 =	seq.s32 s10, $0x1;
	s10 =	sld [smem:$0x3FB4]  }
0x3d: {  	_ =	shalt  }
0x3e: {  	_ =	shalt  }
0x3f: {  	_ =	shalt  }
0x40: {  	_ =	shalt  }
0x41: {  	_ =	shalt  }
0x42: {  	_ =	shalt  }
0x43: {  	_ =	shalt  }
0x44: {  	_ =	shalt  }
0x45: {  	_ =	shalt  }
0x46: {  	_ =	shalt  }
0x47: {  	_ =	shalt  }
0x48: {  	_ =	shalt  }
0x49: {  	_ =	shalt  }
0x4a: {  	_ =	shalt  }
0x4b: {  	_ =	shalt  }
0x4c: {  	_ =	shalt  }
0x4d: {  	_ =	shalt  }
0x4e: {  	_ =	shalt  }
0x4f: {  	_ =	shalt  }
0x50: {  	_ =	shalt  }
0x51: {  	_ =	shalt  }
0x52: {  	_ =	shalt  }
0x53: {  	_ =	shalt  }
0x54: {  	_ =	shalt  }
0x55: {  	_ =	shalt  }
0x56: {  	_ =	shalt  }
0x57: {  	_ =	shalt  }
0x58: {  	_ =	shalt  }
0x59: {  	_ =	shalt  }
0x5a: {  	_ =	shalt  }
0x5b: {  	_ =	shalt  }
0x5c: {  	_ =	shalt  }
0x5d: {  	_ =	shalt  }
0x5e: {  	_ =	shalt  }
0x5f: {  	_ =	shalt  }
0x60: {  	_ =	shalt  }
0x61: {  	_ =	shalt  }
0x62: {  	_ =	shalt  }
0x63: {  	_ =	shalt  }
0x64: {  	_ =	shalt  }
0x65: {  	_ =	shalt  }
0x66: {  	_ =	shalt  }
0x67: {  	_ =	shalt  }
0x68: {  	_ =	shalt  }
0x69: {  	_ =	shalt  }
0x6a: {  	_ =	shalt  }
0x6b: {  	_ =	shalt  }
0x6c: {  	_ =	shalt  }
0x6d: {  	_ =	shalt  }
0x6e: {  	_ =	shalt  }
0x6f: {  	_ =	shalt  }
0x70: {  	_ =	shalt  }
0x71: {  	_ =	shalt  }
0x72: {  	_ =	shalt  }
0x73: {  	_ =	shalt  }
0x74: {  	_ =	shalt  }
0x75: {  	_ =	shalt  }
0x76: {  	_ =	shalt  }
0x77: {  	_ =	shalt  }
0x78: {  	_ =	shalt  }
0x79: {  	_ =	shalt  }
0x7a: {  	_ =	shalt  }
0x7b: {  	_ =	shalt  }
0x7c: {  	_ =	shalt  }
0x7d: {  	_ =	shalt  }
0x7e: {  	_ =	shalt  }
0x7f: {  	_ =	shalt  }
0x80: {  	_ =	shalt  }
0x81: {  	_ =	shalt  }
0x82: {  	_ =	shalt  }
0x83: {  	_ =	shalt  }
0x84: {  	_ =	shalt  }
0x85: {  	_ =	shalt  }
0x86: {  	_ =	shalt  }
0x87: {  	_ =	shalt  }
.Lfunc_end0:
.L_simem_size_0:
called_computation.1_lowered:
.L_overlay_start_0:
0x88: {  	s2 =	sld [smem:$0x3FD9]  }
0x89: {  	s3 =	sld [smem:$0x3FFE];
	_ =	sdelay $0x1  }
0x8a: {  	s1 =	srdreg.scid  }
0x8b: {  	s0 =	sand.u32 $0x1, s1  }
0x8c: {  	s16 =	sshll.u32 s0, $0xA;
	s2 =	sadd.s32 s3, s2  }
0x8d: {  	s2 =	sadd.s32 s2, s16  }
0x8e: {  	[smem:$0x3FC0] =	sst s2  }
0x8f: {  	_ = 	snop  }
0x90: {  	(tm) =	ssettm $0x1  }
0x91: {  	s17 =	sld [smem:$0x3FFB];
	_ =	sdelay $0x3  }
0x92: {  	_ =	strace s17  }
0x93: {  	s2 =	sld [smem:$0x3FFC];
	_ =	sdelay $0x3  }
0x94: {  	_ =	strace s2  }
0x95: {  	s2 =	sld [smem:$0x3FFD];
	_ =	sdelay $0x3  }
0x96: {  	_ =	strace s2  }
0x97: {  	_ =	strace $0x8FFFFFFF  }
0x98: {  	s18 =	sld [smem:$0x3FDB];
	_ =	sdelay $0x1  }
0x99: {  	s19 =	simm.s32 $_scs_section_size  }
0x9a: {  	s4 =	simm.s32 $_size__tile_overlayer_lowered;
	s5 =	simm.s32 $_tile_overlayer_lowered  }
0x9b: {  	s22 =	simm.s32 $0x1BFF;
	s21 =	sshll.u32 s5, $0x1;
	s2 =	sadd.s32 s19, s18  }
0x9c: {  	s6 =	simm.s32 $0x0;
	s20 =	sshll.u32 s4, $0x1;
	s4 =	sadd.s32 s21, s2  }
0x9d: {  	[timem:s6], [sflag:s22] =	dma.local [hbm:s4], s20  }
0x9e: {  	_ =	swait.ge [sflag:s22], s20  }
0x9f: {  	s3 =	ssub.s32 $0x0, s20;
	[sflag:s22] =	ssyncset.done $0x0  }
0xa0: {  	[sflag:s22] =	ssyncadd.s32 s3;
	_ =	sdelay $0x1  }
0xa1: {  	s23 =	simm.s32 $0x1B8B  }
0xa2: {  	_ =	swait.ge [sflag:s23], $0x1  }
0xa3: {  	[sflag:s23] =	ssyncset.done $0x0  }
0xa4: {  	s25 =	simm.s32 $0x1B8E;
	s24 =	sld [smem:$0x3FFE];
	[sflag:s23] =	ssyncadd.s32 $0xFFFFFFFF  }
0xa5: {  	s26 =	simm.s32 $execute0_lowered;
	[smem:$0x3FD2] =	sst s25  }
0xa6: {  	s4 =	sshll.u32 s26, $0x1;
	_ =	strace $0x80000049;
	[dreg:$0x1] =	wrdreg $0xFFFFFFFF  }
0xa7: {  	s28 =	simm.s32 $_size_execute0_lowered;
	s2 =	sadd.s32 s2, s4;
	[dreg:$0x0] =	wrdreg $0x0  }
0xa8: {  	s4 =	sshll.u32 s28, $0x1;
	[dreg:$0x2] =	wrdreg s2  }
0xa9: {  	[dreg:$0x3] =	wrdreg s4  }
0xaa: {  	[dreg:$0x4] =	wrdreg $0xC0  }
0xab: {  	_ =	task [dreg:s6], $0x5FFFF  }
0xac: {  	[dreg:$0x1] =	wrdreg $0xFFFFFFFF  }
0xad: {  	[dreg:$0x0] =	wrdreg $0x60  }
0xae: {  	[dreg:$0x2] =	wrdreg s24  }
0xaf: {  	[dreg:$0x3] =	wrdreg $0x11C000  }
0xb0: {  	[dreg:$0x4] =	wrdreg $0x9  }
0xb1: {  	_ =	task.clear_ibuf [dreg:s6], $0x5FFFF;
	_ =	strace $0x90000049  }
0xb2: {  	s29 =	simm.s32 $0x9;
	_ =	strace $0x8000004B  }
0xb3: {  	_ =	swait.ge [sflag:s29], $0x1  }
0xb4: {  	[sflag:s29] =	ssyncadd.s32 $0xFFFFFFFF  }
0xb5: {  	_ =	strace $0x9000004B  }
0xb6: {  	_ =	sfence  }
0xb7: {  	s30 =	sld [smem:$0x0];
	_ =	sdelay $0x2  }
0xb8: {  	s31 =	sshll.u32 s1, $0xD;
	s1 =	sshrl.u32 s1, $0x2  }
0xb9: {  	s3 =	sand.u32 $0x4000, s31;
	s1 =	sadd.s32 s1, s30  }
0xba: {  	s0 =	sor.u32 s3, s0;
	s1 =	sshll.u32 s1, $0x11  }
0xbb: {  	s0 =	sor.u32 s1, s0  }
0xbc: {  	s0 =	sadd.s32 $0x8F2B, s0  }
0xbd: {  	[sflag:s0] =	ssyncadd.remote.s32 $0x1  }
0xbe: {  	_ =	sfence.sel $0xFFFF  }
0xbf: {  	[dreg:$0x0] =	wrdreg $0xFFFFFFFF;
	(pc) =	sbr.abs _section_cstart, $3  }
0xc0: {  	[dreg:$0x1] =	wrdreg $0xFFFFFFFF  }
0xc1: {  	_ =	task.clear_ibuf [dreg:s6], $0x2FFFF;
	_ =	strace $0x9FFFFFFF  }
0xc2: {  	(tm) =	ssettm $0x7FFFFFFF  }
0xc3: {  	_ =	shalt  }
tec
execute0_lowered:
.L_overlay_start_1:
0x0: {  	(tag) =	ssettag $0x1  }
0x1: {  	s5 =	rddreg [dreg:$0x0]  }
0x2: {  	s2 =	rddreg [dreg:$0x1];
	s0 =	stileid.u32  }
0x3: {  	s4 =	srdreg.scid;
	s1 =	simm.s32 $0x0;
	s17 =	simm.s32 $0xBC00  }
0x4: {  	s18 =	simm.s32 $0x100;
	s19 =	simm.s32 $0xDC00;
	s20 =	simm.s32 $0x180  }
0x5: {  	s21 =	simm.s32 $0xFC00;
	s22 =	simm.s32 $0x1;
	s23 =	simm.s32 $0x2  }
0x6: {  	s24 =	simm.s32 $0x3;
	s25 =	simm.s32 $0x4;
	s26 =	simm.s32 $0x0  }
0x7: {  	s9 =	smul.u32 $0xA000, s0;
	s12 =	sand.u32 $0x1, s4;
	[smem:$0x7FF] =	sst s1  }
0x8: {  	s4 =	sadd.s32 $0x16000, s5;
	s7 =	sadd.s32 $0xC000, s5;
	s15 =	smul.u32 $0x9C0, s0  }
0x9: {  	s8 =	sadd.s32 $0x1A00, s5;
	s14 =	sshll.u32 s0, $0x6;
	s6 =	smul.u32 $0xA0000, s12  }
0xa: {  	_ =	strace $0x8000004A;
	s11 =	ssub.s32 $0x2, s12;
	s30 =	sor.u32 $0x9C00, s14  }
0xb: {  	p0 =	sne.s32 s12, $0x0;
	s12 =	sor.u32 $0x1C05, s14;
	s14 =	simm.s32 $0x5  }
0xc: {  	s10 =	sshrl.u32 s9, $0x3;
	s13 =	sshrl.u32 s11, $0x1;
	s31 =	sadd.s32 s9, s2  }
0xd: {  	s6 =	sadd.s32 s9, s6;
	s10 =	sadd.s32 s10, s5;
	s11 =	ssub.s32 s11, s13  }
0xe: {  	s13 =	sshrl.u32 s31, $0x3;
	s6 =	sshrl.u32 s6, $0x3;
	s9 =	sadd.s32 $0x2A000, s10  }
0xf: {  	s11 =	smax.u32 s11, $0x1;
	s16 =	sadd.s32 s6, s5;
	s5 =	sadd.s32 s7, s30  }
0x10: {  	s6 =	sadd.s32 s8, s30;
	s7 =	sadd.s32 s7, s15;
	s8 =	sadd.s32 s8, s15  }
0x11: {  	s15 =	simm.s32 $0x80;
	s10 =	sadd.s32 $0x3E000, s16;
	s16 =	simm.s32 $0x9C00  }
.LBB2_1:
0x12: {  	s28 =	simm.s32 @p0 $0x0;
	s29 =	simm.s32 @p0 $0x5  }
0x13: {  	[tilespmem:s28], [sflag:$0x5] =	stream.linear.gather @p0 [hbm4b:s5+s28], $0x200, $0x38;
	[tilespmem:$0x1BC00] =	vst v63  }
0x14: {  	_ =	swait.ge @p0 [sflag:s29], $0x200  }
0x15: {  	[sflag:s29] =	ssyncset.done @p0 $0x0  }
0x16: {  	s30 =	simm.s32 @p0 $0x4E00;
	[sflag:s29] =	ssyncadd.s32 @p0 $0xFFFFFE00  }
0x17: {  	[tilespmem:s30], [sflag:$0x5] =	stream.linear.gather @p0 [hbm4b:s6+s28], $0x200, $0x38;
	[tilespmem:$0x1BC00] =	vst v63  }
0x18: {  	_ =	swait.ge @p0 [sflag:s29], $0x200  }
0x19: {  	[sflag:s29] =	ssyncset.done @p0 $0x0  }
0x1a: {  	s28 =	simm.s32 @!p0 $0x0;
	[sflag:s29] =	ssyncadd.s32 @p0 $0xFFFFFE00;
	s29 =	simm.s32 @!p0 $0x5  }
0x1b: {  	[tilespmem:s28], [sflag:$0x5] =	stream.linear.gather @!p0 [hbm4b:s7+s28], $0x4E00, $0x38;
	[tilespmem:$0x1BC00] =	vst v63  }
0x1c: {  	_ =	swait.ge @!p0 [sflag:s29], $0x4E00  }
0x1d: {  	[sflag:s29] =	ssyncset.done @!p0 $0x0  }
0x1e: {  	s30 =	simm.s32 @!p0 $0x4E00;
	[sflag:s29] =	ssyncadd.s32 @!p0 $0xFFFFB200  }
0x1f: {  	[tilespmem:s30], [sflag:$0x5] =	stream.linear.gather @!p0 [hbm4b:s8+s28], $0x4E00, $0x38;
	[tilespmem:$0x1BC00] =	vst v63  }
0x20: {  	_ =	swait.ge @!p0 [sflag:s29], $0x4E00  }
0x21: {  	[sflag:s29] =	ssyncset.done @!p0 $0x0  }
0x22: {  	[sflag:s29] =	ssyncadd.s32 @!p0 $0xFFFFB200  }
0x23: {  	[spmem:s13], [sflag:s12] =	dma.local [hbm:s9], $0x1400  }
0x24: {  	_ =	swait.ge [sflag:s14], $0x1400  }
0x25: {  	[sflag:s14] =	ssyncset.done $0x0  }
0x26: {  	s28 =	simm.s32 @!p0 $0x9C;
	[sflag:s14] =	ssyncadd.s32 $0xFFFFEC00  }
0x27: {  	s0 =	simm.s32 $0x0;
	s28 =	simm.s32 @p0 $0x4;
	[bflag:$0x0] =	sbarrier.arrive $0xFFFF  }
0x28: {  	[tilespmem:s16], [sflag:$0x1] =	stream.indirect.gather [hbm4b:s4+s15], $0x40, s0, s15, $0xb8;
	[tilespmem:$0x1BC00] =	vst v63  }
0x29: {  	s29 =	sshll.u32 s28, $0x9  }
0x2a: {  	[tilespmem:s17], [sflag:$0x2] =	stream.indirect.gather [hbm4b:s4+s15], $0x40, s15, s15, $0xb8;
	[tilespmem:$0x1BC00] =	vst v63  }
0x2b: {  	s29 =	sand.u32 $0x1F800, s29  }
0x2c: {  	[tilespmem:s19], [sflag:$0x3] =	stream.indirect.gather [hbm4b:s4+s15], $0x40, s18, s15, $0xb8;
	[tilespmem:$0x1BC00] =	vst v63  }
0x2d: {  	s30 =	simm.s32 $0x0;
	[dreg:$0x3] =	wrdreg s29;
	s29 =	simm.s32 $0x4  }
0x2e: {  	[tilespmem:s21], [sflag:$0x4] =	stream.indirect.gather [hbm4b:s4+s15], $0x40, s20, s15, $0xb8;
	[tilespmem:$0x1BC00] =	vst v63  }
.LBB2_2:
0x2f: {  	_ =	swait.ge [sflag:s22], $0x2000  }
0x30: {  	s31 =	sshra.s32 s30, $0x2;
	[sflag:s22] =	ssyncset.done $0x0  }
0x31: {  	s0 =	sadd.s32 $0x4E00, s31;
	[sflag:s22] =	ssyncadd.s32 $0xFFFFE000  }
0x32: {  	[spmem:s2] =	stream.indirect.scatter.add.f32 [tilespmem:s16], [sflag:$0x5], $0x40, s0, s15, $0xb8;
	[tilespmem:$0x1BC00] =	vst v63  }
0x33: {  	p1 =	sge.u32 s29, s28;
	_ =	swait.ge [sflag:s14], $0x2000  }
0x34: {  	s1 =	simm.s32 @!p1 $0x80;
	s0 =	sshra.s32 @!p1 s30, $0x2;
	[sflag:s14] =	ssyncset.done $0x0  }
0x35: {  	s3 =	simm.s32 @!p1 $0x9C00;
	s0 =	sadd.s32 @!p1 $0x200, s0;
	[sflag:s14] =	ssyncadd.s32 $0xFFFFE000  }
0x36: {  	[tilespmem:s3], [sflag:$0x1] =	stream.indirect.gather @!p1 [hbm4b:s4+s1], $0x40, s0, s1, $0xb8;
	[tilespmem:$0x1BC00] =	vst v63  }
0x37: {  	_ =	swait.ge [sflag:s23], $0x2000  }
0x38: {  	[sflag:s23] =	ssyncset.done $0x0  }
0x39: {  	s3 =	sadd.s32 $0x4E80, s31;
	s1 =	sadd.s32 $0x1, s29;
	[sflag:s23] =	ssyncadd.s32 $0xFFFFE000  }
0x3a: {  	[spmem:s2] =	stream.indirect.scatter.add.f32 [tilespmem:s17], [sflag:$0x5], $0x40, s3, s15, $0xb8;
	[tilespmem:$0x1BC00] =	vst v63  }
0x3b: {  	p1 =	sge.u32 s1, s28;
	_ =	swait.ge [sflag:s14], $0x2000  }
0x3c: {  	s0 =	sshra.s32 @!p1 s30, $0x2;
	s1 =	simm.s32 @!p1 $0x80;
	[sflag:s14] =	ssyncset.done $0x0  }
0x3d: {  	s0 =	sadd.s32 @!p1 $0x280, s0;
	s3 =	simm.s32 @!p1 $0xBC00;
	[sflag:s14] =	ssyncadd.s32 $0xFFFFE000  }
0x3e: {  	[tilespmem:s3], [sflag:$0x2] =	stream.indirect.gather @!p1 [hbm4b:s4+s1], $0x40, s0, s1, $0xb8;
	[tilespmem:$0x1BC00] =	vst v63  }
0x3f: {  	_ =	swait.ge [sflag:s24], $0x2000  }
0x40: {  	[sflag:s24] =	ssyncset.done $0x0  }
0x41: {  	s3 =	sadd.s32 $0x4F00, s31;
	s1 =	sadd.s32 $0x2, s29;
	[sflag:s24] =	ssyncadd.s32 $0xFFFFE000  }
0x42: {  	[spmem:s2] =	stream.indirect.scatter.add.f32 [tilespmem:s19], [sflag:$0x5], $0x40, s3, s15, $0xb8;
	[tilespmem:$0x1BC00] =	vst v63  }
0x43: {  	p1 =	sge.u32 s1, s28;
	_ =	swait.ge [sflag:s14], $0x2000  }
0x44: {  	s0 =	sshra.s32 @!p1 s30, $0x2;
	s1 =	simm.s32 @!p1 $0x80;
	[sflag:s14] =	ssyncset.done $0x0  }
0x45: {  	s0 =	sadd.s32 @!p1 $0x300, s0;
	s3 =	simm.s32 @!p1 $0xDC00;
	[sflag:s14] =	ssyncadd.s32 $0xFFFFE000  }
0x46: {  	[tilespmem:s3], [sflag:$0x3] =	stream.indirect.gather @!p1 [hbm4b:s4+s1], $0x40, s0, s1, $0xb8;
	[tilespmem:$0x1BC00] =	vst v63  }
0x47: {  	_ =	swait.ge [sflag:s25], $0x2000  }
0x48: {  	s3 =	sadd.s32 $0x4F80, s31;
	s31 =	sadd.s32 $0x3, s29;
	[sflag:s25] =	ssyncset.done $0x0  }
0x49: {  	p1 =	sge.u32 s31, s28;
	[sflag:s25] =	ssyncadd.s32 $0xFFFFE000  }
0x4a: {  	[spmem:s2] =	stream.indirect.scatter.add.f32 [tilespmem:s21], [sflag:$0x5], $0x40, s3, s15, $0xb8;
	[tilespmem:$0x1BC00] =	vst v63  }
0x4b: {  	s0 =	sshra.s32 @!p1 s30, $0x2;
	s1 =	simm.s32 @!p1 $0x80;
	_ =	swait.ge [sflag:s14], $0x2000  }
0x4c: {  	s30 =	sadd.s32 $0x800, s30;
	s0 =	sadd.s32 @!p1 $0x380, s0;
	[sflag:s14] =	ssyncset.done $0x0  }
0x4d: {  	s3 =	simm.s32 @!p1 $0xFC00;
	s31 =	rddreg [dreg:$0x3];
	[sflag:s14] =	ssyncadd.s32 $0xFFFFE000  }
0x4e: {  	[tilespmem:s3], [sflag:$0x4] =	stream.indirect.gather @!p1 [hbm4b:s4+s1], $0x40, s0, s1, $0xb8;
	[tilespmem:$0x1BC00] =	vst v63  }
0x4f: {  	p1 =	sne.s32 s31, s30  }
.Ltmp0:
0x50: {  	_ = 	snop;
	(pc) =	sbr.rel @p1 .LBB2_2-.Ltmp0, $2  }
0x51: {  	_ =	sdelay $0x2  }
0x52: {  	s29 =	sadd.s32 $0x4, s29  }
0x53: {  	s26 =	sadd.s32 $0x1, s26  }
0x54: {  	p1 =	sne.s32 s26, s11  }
.Ltmp1:
0x55: {  	[bflag:$0x0] =	sbarrier.arrive $0xFFFF;
	(pc) =	sbr.rel @p1 .LBB2_1-.Ltmp1, $4  }
0x56: {  	[hbm:s10], [sflag:s12] =	dma.local [spmem:s13], $0x1400  }
0x57: {  	_ =	swait.ge [sflag:s14], $0x1400  }
0x58: {  	[sflag:s14] =	ssyncset.done $0x0  }
0x59: {  	[sflag:s14] =	ssyncadd.s32 $0xFFFFEC00  }
0x5a: {  	_ =	sfence.sel $0x180000  }
0x5b: {  	[bflag:$0x0] =	sbarrier.arrive $0xFFFF  }
0x5c: {  	_ =	strace $0x9000004A  }
0x5d: {  	s0 =	stileid.u32;
	[bflag:$0x2] =	sbarrier.arrive $0xFFFF  }
0x5e: {  	p0 =	sne.s32 s0, $0x0;
	s0 =	rddreg [dreg:$0x2]  }
0x5f: {  	s0 =	sadd.s32 @!p0 $0x100000, s0  }
0x60: {  	[sflag:s0] =	ssyncadd.tile.s32 @!p0 $0x1;
	_ =	shalt  }
.Lfunc_end2:
_tile_overlayer_lowered:
.L_overlay_start_2:
0x61: {  	(tag) =	ssettag $0x2  }
0x62: {  	s0 =	rddreg [dreg:$0x0];
	s2 =	stileid.u32  }
0x63: {  	s1 =	rddreg [dreg:$0x1];
	p0 =	sne.s32 s2, $0x0  }
0x64: {  	s3 =	rddreg [dreg:$0x2];
	[bflag:$0x3] =	sbarrier.arrive $0xFFFF;
	s2 =	simm.s32 @!p0 $0x1C05  }
0x65: {  	[timem:s3], [sflag:s2] =	dma.local @!p0 [hbm:s0], s1  }
0x66: {  	s0 =	simm.s32 @!p0 $0x5  }
0x67: {  	_ =	swait.ge @!p0 [sflag:s0], s1  }
0x68: {  	s1 =	ssub.s32 @!p0 $0x0, s1;
	[sflag:s0] =	ssyncset.done @!p0 $0x0  }
0x69: {  	[sflag:s0] =	ssyncadd.s32 @!p0 s1  }
0x6a: {  	[bflag:$0x3] =	sbarrier.arrive $0xFFFF  }
0x6b: {  	_ =	shalt  }

// kernel: kernel.16.cloned.1.call-start
scs
__scs_entry_jumppad:
0x0: {  	(pc) =	sbr.rel $0x88, $3  }
0x1: {  	(tag) =	ssettag $0x0;
	lr =	simm.s32 $0x1  }
0x2: {  	[smem:$0x3F99] =	sst lr;
	_ =	strace $0xD0000000  }
0x3: {  	_ = 	snop  }
0x4: {  	_ = 	snop  }
0x5: {  	_ = 	snop  }
0x6: {  	_ = 	snop  }
0x7: {  	_ = 	snop  }
__scs_overlays_trampoline_lowered:
0x8: {  	[smem:$0x3FA8] =	sst s0  }
0x9: {  	[smem:$0x3FA9] =	sst s1  }
0xa: {  	[smem:$0x3FAA] =	sst s2  }
0xb: {  	[smem:$0x3FAB] =	sst s3  }
0xc: {  	[smem:$0x3FAC] =	sst s4  }
0xd: {  	[smem:$0x3FAD] =	sst s5  }
0xe: {  	[smem:$0x3FAE] =	sst s6  }
0xf: {  	[smem:$0x3FAF] =	sst s7  }
0x10: {  	[smem:$0x3FB0] =	sst s8  }
0x11: {  	[smem:$0x3FB1] =	sst s9;
	s0 =	simm.s32 @!p0 $0x0  }
0x12: {  	s1 =	sld [smem:$0x3F97];
	s0 =	simm.s32 @p0 $0x1  }
0x13: {  	[smem:$0x3FB2] =	sst s0;
	s0 =	simm.s32 @!p1 $0x0  }
0x14: {  	s2 =	sld [smem:$0x3F96];
	s0 =	simm.s32 @p1 $0x1  }
0x15: {  	[smem:$0x3FB3] =	sst s0;
	s0 =	simm.s32 @!p2 $0x0  }
0x16: {  	s3 =	sld [smem:$0x3FDB];
	s0 =	simm.s32 @p2 $0x1  }
0x17: {  	s4 =	simm.s32 $0x1BF5;
	[smem:$0x3FB5] =	sst s0  }
0x18: {  	s0 =	sld [smem:$0x3F98];
	_ =	swait.ge [sflag:s4], $0x0  }
0x19: {  	s7 =	sld [smem:$0x3F99]  }
0x1a: {  	s8 =	sadd.s32 $0xFFFFE003, lr  }
0x1b: {  	s9 =	sadd.s32 $0xFFFFFEF7, lr;
	s5 =	simm.s32 $0xFFFFFFFF;
	p2 =	slt.u32 s8, $0xFFFFF086  }
0x1c: {  	p1 =	slt.u32 s9, $0xF7A;
	s5 =	simm.s32 @!p2 $0x0  }
0x1d: {  	s5 =	simm.s32 @p1 $0x1;
	p0 =	seq.s32 s7, s2  }
0x1e: {  	s7 =	smul.u32 @!p0 $0xF7A, s2;
	p2 =	seq.s32 @!p0 s5, $0x0  }
0x1f: {  	s9 =	smul.u32 $0xF7A, s1;
	s8 =	simm.s32 @!p0 $0x1BF5;
	p2 =	por !p2, p0  }
0x20: {  	[sflag:s8] =	ssyncset.s32 @!p0 $0xFFFFF086;
	s6 =	sadd.s32 @!p0 s3, s7;
	s7 =	simm.s32 @!p0 $0x108  }
0x21: {  	s3 =	sadd.s32 s3, s9;
	s6 =	sadd.s32 @!p0 $0x88, s6;
	s7 =	simm.s32 @p2 $0x1082  }
0x22: {  	[simem:s7], [sflag:s8] =	dma.local @!p0 [hbm:s6], $0xF7A  }
0x23: {  	s9 =	sor.u32 $0xD0000000, s2;
	s6 =	simm.s32 $0x108;
	_ =	swait.ge @!p0 [sflag:s8], $0x0  }
0x24: {  	s3 =	sadd.s32 $0x88, s3;
	s6 =	simm.s32 @!p1 $0x1082;
	[sflag:s4] =	ssyncset.s32 $0xFFFFF086  }
0x25: {  	[simem:s6], [sflag:s4] =	dma.local [hbm:s3], $0xF7A  }
0x26: {  	[smem:$0x3F99] =	sst s1;
	(tag) =	ssettag s2;
	_ =	strace s9  }
0x27: {  	s1 =	sld [smem:$0x3FA9]  }
0x28: {  	s2 =	sld [smem:$0x3FAA]  }
0x29: {  	s4 =	sld [smem:$0x3FAC]  }
0x2a: {  	p0 =	seq.s32 s5, $0x0;
	s5 =	sld [smem:$0x3FAD]  }
0x2b: {  	s6 =	sld [smem:$0x3FAE]  }
0x2c: {  	s7 =	sld [smem:$0x3FAF]  }
0x2d: {  	s3 =	simm.s32 $0x108;
	s8 =	sld [smem:$0x3FB0]  }
0x2e: {  	s3 =	simm.s32 @!p0 $0x1082;
	s9 =	sld [smem:$0x3FB1]  }
0x2f: {  	lr =	sadd.s32 s0, s3;
	s0 =	sld [smem:$0x3FA8]  }
0x30: {  	s3 =	sld [smem:$0x3FAB]  }
0x31: {  	[smem:$0x3FB4] =	sst s10  }
0x32: {  	s10 =	sld [smem:$0x3FB2];
	_ =	sdelay $0x3  }
0x33: {  	p0 =	seq.s32 s10, $0x1;
	s10 =	sld [smem:$0x3FB4];
	_ =	sdelay $0x3  }
0x34: {  	[smem:$0x3FB4] =	sst s10  }
0x35: {  	s10 =	sld [smem:$0x3FB3];
	_ =	sdelay $0x3  }
0x36: {  	p1 =	seq.s32 s10, $0x1;
	s10 =	sld [smem:$0x3FB4];
	_ =	sdelay $0x3  }
0x37: {  	[smem:$0x3FB4] =	sst s10  }
0x38: {  	s10 =	sld [smem:$0x3FB5]  }
0x39: {  	_ = 	snop;
	(pc) =	sbr.ind lr, $3  }
0x3a: {  	_ = 	snop  }
0x3b: {  	_ = 	snop  }
0x3c: {  	p2 =	seq.s32 s10, $0x1;
	s10 =	sld [smem:$0x3FB4]  }
0x3d: {  	_ =	shalt  }
0x3e: {  	_ =	shalt  }
0x3f: {  	_ =	shalt  }
0x40: {  	_ =	shalt  }
0x41: {  	_ =	shalt  }
0x42: {  	_ =	shalt  }
0x43: {  	_ =	shalt  }
0x44: {  	_ =	shalt  }
0x45: {  	_ =	shalt  }
0x46: {  	_ =	shalt  }
0x47: {  	_ =	shalt  }
0x48: {  	_ =	shalt  }
0x49: {  	_ =	shalt  }
0x4a: {  	_ =	shalt  }
0x4b: {  	_ =	shalt  }
0x4c: {  	_ =	shalt  }
0x4d: {  	_ =	shalt  }
0x4e: {  	_ =	shalt  }
0x4f: {  	_ =	shalt  }
0x50: {  	_ =	shalt  }
0x51: {  	_ =	shalt  }
0x52: {  	_ =	shalt  }
0x53: {  	_ =	shalt  }
0x54: {  	_ =	shalt  }
0x55: {  	_ =	shalt  }
0x56: {  	_ =	shalt  }
0x57: {  	_ =	shalt  }
0x58: {  	_ =	shalt  }
0x59: {  	_ =	shalt  }
0x5a: {  	_ =	shalt  }
0x5b: {  	_ =	shalt  }
0x5c: {  	_ =	shalt  }
0x5d: {  	_ =	shalt  }
0x5e: {  	_ =	shalt  }
0x5f: {  	_ =	shalt  }
0x60: {  	_ =	shalt  }
0x61: {  	_ =	shalt  }
0x62: {  	_ =	shalt  }
0x63: {  	_ =	shalt  }
0x64: {  	_ =	shalt  }
0x65: {  	_ =	shalt  }
0x66: {  	_ =	shalt  }
0x67: {  	_ =	shalt  }
0x68: {  	_ =	shalt  }
0x69: {  	_ =	shalt  }
0x6a: {  	_ =	shalt  }
0x6b: {  	_ =	shalt  }
0x6c: {  	_ =	shalt  }
0x6d: {  	_ =	shalt  }
0x6e: {  	_ =	shalt  }
0x6f: {  	_ =	shalt  }
0x70: {  	_ =	shalt  }
0x71: {  	_ =	shalt  }
0x72: {  	_ =	shalt  }
0x73: {  	_ =	shalt  }
0x74: {  	_ =	shalt  }
0x75: {  	_ =	shalt  }
0x76: {  	_ =	shalt  }
0x77: {  	_ =	shalt  }
0x78: {  	_ =	shalt  }
0x79: {  	_ =	shalt  }
0x7a: {  	_ =	shalt  }
0x7b: {  	_ =	shalt  }
0x7c: {  	_ =	shalt  }
0x7d: {  	_ =	shalt  }
0x7e: {  	_ =	shalt  }
0x7f: {  	_ =	shalt  }
0x80: {  	_ =	shalt  }
0x81: {  	_ =	shalt  }
0x82: {  	_ =	shalt  }
0x83: {  	_ =	shalt  }
0x84: {  	_ =	shalt  }
0x85: {  	_ =	shalt  }
0x86: {  	_ =	shalt  }
0x87: {  	_ =	shalt  }
.Lfunc_end0:
.L_simem_size_0:
called_computation.2_lowered:
.L_overlay_start_0:
0x88: {  	s2 =	sld [smem:$0x3FD9]  }
0x89: {  	s3 =	sld [smem:$0x3FFE];
	_ =	sdelay $0x1  }
0x8a: {  	s1 =	srdreg.scid  }
0x8b: {  	s0 =	sand.u32 $0x1, s1  }
0x8c: {  	s16 =	sshll.u32 s0, $0xA;
	s2 =	sadd.s32 s3, s2  }
0x8d: {  	s2 =	sadd.s32 s2, s16  }
0x8e: {  	[smem:$0x3FC0] =	sst s2  }
0x8f: {  	_ = 	snop  }
0x90: {  	(tm) =	ssettm $0x1  }
0x91: {  	s17 =	sld [smem:$0x3FFB];
	_ =	sdelay $0x3  }
0x92: {  	_ =	strace s17  }
0x93: {  	s2 =	sld [smem:$0x3FFC];
	_ =	sdelay $0x3  }
0x94: {  	_ =	strace s2  }
0x95: {  	s2 =	sld [smem:$0x3FFD];
	_ =	sdelay $0x3  }
0x96: {  	_ =	strace s2  }
0x97: {  	_ =	strace $0x8FFFFFFF  }
0x98: {  	s18 =	sld [smem:$0x3FDB];
	_ =	sdelay $0x1  }
0x99: {  	s19 =	simm.s32 $_scs_section_size  }
0x9a: {  	s4 =	simm.s32 $_size__tile_overlayer_lowered;
	s5 =	simm.s32 $_tile_overlayer_lowered  }
0x9b: {  	s22 =	simm.s32 $0x1BFF;
	s21 =	sshll.u32 s5, $0x1;
	s2 =	sadd.s32 s19, s18  }
0x9c: {  	s6 =	simm.s32 $0x0;
	s20 =	sshll.u32 s4, $0x1;
	s4 =	sadd.s32 s21, s2  }
0x9d: {  	[timem:s6], [sflag:s22] =	dma.local [hbm:s4], s20  }
0x9e: {  	_ =	swait.ge [sflag:s22], s20  }
0x9f: {  	s3 =	ssub.s32 $0x0, s20;
	[sflag:s22] =	ssyncset.done $0x0  }
0xa0: {  	[sflag:s22] =	ssyncadd.s32 s3;
	_ =	sdelay $0x1  }
0xa1: {  	s23 =	simm.s32 $0x1B8B  }
0xa2: {  	_ =	swait.ge [sflag:s23], $0x1  }
0xa3: {  	[sflag:s23] =	ssyncset.done $0x0  }
0xa4: {  	s25 =	simm.s32 $0x1B8E;
	s24 =	sld [smem:$0x3FFE];
	[sflag:s23] =	ssyncadd.s32 $0xFFFFFFFF  }
0xa5: {  	s26 =	simm.s32 $execute0_lowered;
	[smem:$0x3FD2] =	sst s25  }
0xa6: {  	s4 =	sshll.u32 s26, $0x1;
	_ =	strace $0x8000004C;
	[dreg:$0x1] =	wrdreg $0xFFFFFFFF  }
0xa7: {  	s28 =	simm.s32 $_size_execute0_lowered;
	s2 =	sadd.s32 s2, s4;
	[dreg:$0x0] =	wrdreg $0x0  }
0xa8: {  	s4 =	sshll.u32 s28, $0x1;
	[dreg:$0x2] =	wrdreg s2  }
0xa9: {  	[dreg:$0x3] =	wrdreg s4  }
0xaa: {  	[dreg:$0x4] =	wrdreg $0xC0  }
0xab: {  	_ =	task [dreg:s6], $0x5FFFF  }
0xac: {  	[dreg:$0x1] =	wrdreg $0xFFFFFFFF  }
0xad: {  	[dreg:$0x0] =	wrdreg $0x60  }
0xae: {  	[dreg:$0x2] =	wrdreg s24  }
0xaf: {  	[dreg:$0x3] =	wrdreg $0x11C000  }
0xb0: {  	[dreg:$0x4] =	wrdreg $0x9  }
0xb1: {  	_ =	task.clear_ibuf [dreg:s6], $0x5FFFF;
	_ =	strace $0x9000004C  }
0xb2: {  	s29 =	simm.s32 $0x9;
	_ =	strace $0x8000004E  }
0xb3: {  	_ =	swait.ge [sflag:s29], $0x1  }
0xb4: {  	[sflag:s29] =	ssyncadd.s32 $0xFFFFFFFF  }
0xb5: {  	_ =	strace $0x9000004E  }
0xb6: {  	_ =	sfence  }
0xb7: {  	s30 =	sld [smem:$0x0];
	_ =	sdelay $0x2  }
0xb8: {  	s31 =	sshll.u32 s1, $0xD;
	s1 =	sshrl.u32 s1, $0x2  }
0xb9: {  	s3 =	sand.u32 $0x4000, s31;
	s1 =	sadd.s32 s1, s30  }
0xba: {  	s0 =	sor.u32 s3, s0;
	s1 =	sshll.u32 s1, $0x11  }
0xbb: {  	s0 =	sor.u32 s1, s0  }
0xbc: {  	s0 =	sadd.s32 $0x8F2B, s0  }
0xbd: {  	[sflag:s0] =	ssyncadd.remote.s32 $0x1  }
0xbe: {  	_ =	sfence.sel $0xFFFF  }
0xbf: {  	[dreg:$0x0] =	wrdreg $0xFFFFFFFF;
	(pc) =	sbr.abs _section_cstart, $3  }
0xc0: {  	[dreg:$0x1] =	wrdreg $0xFFFFFFFF  }
0xc1: {  	_ =	task.clear_ibuf [dreg:s6], $0x2FFFF;
	_ =	strace $0x9FFFFFFF  }
0xc2: {  	(tm) =	ssettm $0x7FFFFFFF  }
0xc3: {  	_ =	shalt  }
tec
execute0_lowered:
.L_overlay_start_1:
0x0: {  	(tag) =	ssettag $0x1  }
0x1: {  	s5 =	rddreg [dreg:$0x0]  }
0x2: {  	s2 =	rddreg [dreg:$0x1];
	s0 =	stileid.u32  }
0x3: {  	s4 =	srdreg.scid;
	s1 =	simm.s32 $0x0;
	s17 =	simm.s32 $0xBC00  }
0x4: {  	s18 =	simm.s32 $0x100;
	s19 =	simm.s32 $0xDC00;
	s20 =	simm.s32 $0x180  }
0x5: {  	s21 =	simm.s32 $0xFC00;
	s22 =	simm.s32 $0x1;
	s23 =	simm.s32 $0x2  }
0x6: {  	s24 =	simm.s32 $0x3;
	s25 =	simm.s32 $0x4;
	s26 =	simm.s32 $0x0  }
0x7: {  	s9 =	smul.u32 $0xA000, s0;
	s12 =	sand.u32 $0x1, s4;
	[smem:$0x7FF] =	sst s1  }
0x8: {  	s4 =	sadd.s32 $0x16000, s5;
	s7 =	sadd.s32 $0xC000, s5;
	s15 =	smul.u32 $0x9C0, s0  }
0x9: {  	s8 =	sadd.s32 $0x1A00, s5;
	s14 =	sshll.u32 s0, $0x6;
	s6 =	smul.u32 $0xA0000, s12  }
0xa: {  	_ =	strace $0x8000004D;
	s11 =	ssub.s32 $0x2, s12;
	s30 =	sor.u32 $0x9C00, s14  }
0xb: {  	p0 =	sne.s32 s12, $0x0;
	s12 =	sor.u32 $0x1C05, s14;
	s14 =	simm.s32 $0x5  }
0xc: {  	s10 =	sshrl.u32 s9, $0x3;
	s13 =	sshrl.u32 s11, $0x1;
	s31 =	sadd.s32 s9, s2  }
0xd: {  	s6 =	sadd.s32 s9, s6;
	s10 =	sadd.s32 s10, s5;
	s11 =	ssub.s32 s11, s13  }
0xe: {  	s13 =	sshrl.u32 s31, $0x3;
	s6 =	sshrl.u32 s6, $0x3;
	s9 =	sadd.s32 $0x2A000, s10  }
0xf: {  	s11 =	smax.u32 s11, $0x1;
	s16 =	sadd.s32 s6, s5;
	s5 =	sadd.s32 s7, s30  }
0x10: {  	s6 =	sadd.s32 s8, s30;
	s7 =	sadd.s32 s7, s15;
	s8 =	sadd.s32 s8, s15  }
0x11: {  	s15 =	simm.s32 $0x80;
	s10 =	sadd.s32 $0x3E000, s16;
	s16 =	simm.s32 $0x9C00  }
.LBB2_1:
0x12: {  	s28 =	simm.s32 @p0 $0x0;
	s29 =	simm.s32 @p0 $0x5  }
0x13: {  	[tilespmem:s28], [sflag:$0x5] =	stream.linear.gather @p0 [hbm4b:s5+s28], $0x200, $0x38;
	[tilespmem:$0x1BC00] =	vst v63  }
0x14: {  	_ =	swait.ge @p0 [sflag:s29], $0x200  }
0x15: {  	[sflag:s29] =	ssyncset.done @p0 $0x0  }
0x16: {  	s30 =	simm.s32 @p0 $0x4E00;
	[sflag:s29] =	ssyncadd.s32 @p0 $0xFFFFFE00  }
0x17: {  	[tilespmem:s30], [sflag:$0x5] =	stream.linear.gather @p0 [hbm4b:s6+s28], $0x200, $0x38;
	[tilespmem:$0x1BC00] =	vst v63  }
0x18: {  	_ =	swait.ge @p0 [sflag:s29], $0x200  }
0x19: {  	[sflag:s29] =	ssyncset.done @p0 $0x0  }
0x1a: {  	s28 =	simm.s32 @!p0 $0x0;
	[sflag:s29] =	ssyncadd.s32 @p0 $0xFFFFFE00;
	s29 =	simm.s32 @!p0 $0x5  }
0x1b: {  	[tilespmem:s28], [sflag:$0x5] =	stream.linear.gather @!p0 [hbm4b:s7+s28], $0x4E00, $0x38;
	[tilespmem:$0x1BC00] =	vst v63  }
0x1c: {  	_ =	swait.ge @!p0 [sflag:s29], $0x4E00  }
0x1d: {  	[sflag:s29] =	ssyncset.done @!p0 $0x0  }
0x1e: {  	s30 =	simm.s32 @!p0 $0x4E00;
	[sflag:s29] =	ssyncadd.s32 @!p0 $0xFFFFB200  }
0x1f: {  	[tilespmem:s30], [sflag:$0x5] =	stream.linear.gather @!p0 [hbm4b:s8+s28], $0x4E00, $0x38;
	[tilespmem:$0x1BC00] =	vst v63  }
0x20: {  	_ =	swait.ge @!p0 [sflag:s29], $0x4E00  }
0x21: {  	[sflag:s29] =	ssyncset.done @!p0 $0x0  }
0x22: {  	[sflag:s29] =	ssyncadd.s32 @!p0 $0xFFFFB200  }
0x23: {  	[spmem:s13], [sflag:s12] =	dma.local [hbm:s9], $0x1400  }
0x24: {  	_ =	swait.ge [sflag:s14], $0x1400  }
0x25: {  	[sflag:s14] =	ssyncset.done $0x0  }
0x26: {  	s28 =	simm.s32 @!p0 $0x9C;
	[sflag:s14] =	ssyncadd.s32 $0xFFFFEC00  }
0x27: {  	s0 =	simm.s32 $0x0;
	s28 =	simm.s32 @p0 $0x4;
	[bflag:$0x0] =	sbarrier.arrive $0xFFFF  }
0x28: {  	[tilespmem:s16], [sflag:$0x1] =	stream.indirect.gather [hbm4b:s4+s15], $0x40, s0, s15, $0xb8;
	[tilespmem:$0x1BC00] =	vst v63  }
0x29: {  	s29 =	sshll.u32 s28, $0x9  }
0x2a: {  	[tilespmem:s17], [sflag:$0x2] =	stream.indirect.gather [hbm4b:s4+s15], $0x40, s15, s15, $0xb8;
	[tilespmem:$0x1BC00] =	vst v63  }
0x2b: {  	s29 =	sand.u32 $0x1F800, s29  }
0x2c: {  	[tilespmem:s19], [sflag:$0x3] =	stream.indirect.gather [hbm4b:s4+s15], $0x40, s18, s15, $0xb8;
	[tilespmem:$0x1BC00] =	vst v63  }
0x2d: {  	s30 =	simm.s32 $0x0;
	[dreg:$0x3] =	wrdreg s29;
	s29 =	simm.s32 $0x4  }
0x2e: {  	[tilespmem:s21], [sflag:$0x4] =	stream.indirect.gather [hbm4b:s4+s15], $0x40, s20, s15, $0xb8;
	[tilespmem:$0x1BC00] =	vst v63  }
.LBB2_2:
0x2f: {  	_ =	swait.ge [sflag:s22], $0x2000  }
0x30: {  	s31 =	sshra.s32 s30, $0x2;
	[sflag:s22] =	ssyncset.done $0x0  }
0x31: {  	s0 =	sadd.s32 $0x4E00, s31;
	[sflag:s22] =	ssyncadd.s32 $0xFFFFE000  }
0x32: {  	[spmem:s2] =	stream.indirect.scatter.add.f32 [tilespmem:s16], [sflag:$0x5], $0x40, s0, s15, $0xb8;
	[tilespmem:$0x1BC00] =	vst v63  }
0x33: {  	p1 =	sge.u32 s29, s28;
	_ =	swait.ge [sflag:s14], $0x2000  }
0x34: {  	s1 =	simm.s32 @!p1 $0x80;
	s0 =	sshra.s32 @!p1 s30, $0x2;
	[sflag:s14] =	ssyncset.done $0x0  }
0x35: {  	s3 =	simm.s32 @!p1 $0x9C00;
	s0 =	sadd.s32 @!p1 $0x200, s0;
	[sflag:s14] =	ssyncadd.s32 $0xFFFFE000  }
0x36: {  	[tilespmem:s3], [sflag:$0x1] =	stream.indirect.gather @!p1 [hbm4b:s4+s1], $0x40, s0, s1, $0xb8;
	[tilespmem:$0x1BC00] =	vst v63  }
0x37: {  	_ =	swait.ge [sflag:s23], $0x2000  }
0x38: {  	[sflag:s23] =	ssyncset.done $0x0  }
0x39: {  	s3 =	sadd.s32 $0x4E80, s31;
	s1 =	sadd.s32 $0x1, s29;
	[sflag:s23] =	ssyncadd.s32 $0xFFFFE000  }
0x3a: {  	[spmem:s2] =	stream.indirect.scatter.add.f32 [tilespmem:s17], [sflag:$0x5], $0x40, s3, s15, $0xb8;
	[tilespmem:$0x1BC00] =	vst v63  }
0x3b: {  	p1 =	sge.u32 s1, s28;
	_ =	swait.ge [sflag:s14], $0x2000  }
0x3c: {  	s0 =	sshra.s32 @!p1 s30, $0x2;
	s1 =	simm.s32 @!p1 $0x80;
	[sflag:s14] =	ssyncset.done $0x0  }
0x3d: {  	s0 =	sadd.s32 @!p1 $0x280, s0;
	s3 =	simm.s32 @!p1 $0xBC00;
	[sflag:s14] =	ssyncadd.s32 $0xFFFFE000  }
0x3e: {  	[tilespmem:s3], [sflag:$0x2] =	stream.indirect.gather @!p1 [hbm4b:s4+s1], $0x40, s0, s1, $0xb8;
	[tilespmem:$0x1BC00] =	vst v63  }
0x3f: {  	_ =	swait.ge [sflag:s24], $0x2000  }
0x40: {  	[sflag:s24] =	ssyncset.done $0x0  }
0x41: {  	s3 =	sadd.s32 $0x4F00, s31;
	s1 =	sadd.s32 $0x2, s29;
	[sflag:s24] =	ssyncadd.s32 $0xFFFFE000  }
0x42: {  	[spmem:s2] =	stream.indirect.scatter.add.f32 [tilespmem:s19], [sflag:$0x5], $0x40, s3, s15, $0xb8;
	[tilespmem:$0x1BC00] =	vst v63  }
0x43: {  	p1 =	sge.u32 s1, s28;
	_ =	swait.ge [sflag:s14], $0x2000  }
0x44: {  	s0 =	sshra.s32 @!p1 s30, $0x2;
	s1 =	simm.s32 @!p1 $0x80;
	[sflag:s14] =	ssyncset.done $0x0  }
0x45: {  	s0 =	sadd.s32 @!p1 $0x300, s0;
	s3 =	simm.s32 @!p1 $0xDC00;
	[sflag:s14] =	ssyncadd.s32 $0xFFFFE000  }
0x46: {  	[tilespmem:s3], [sflag:$0x3] =	stream.indirect.gather @!p1 [hbm4b:s4+s1], $0x40, s0, s1, $0xb8;
	[tilespmem:$0x1BC00] =	vst v63  }
0x47: {  	_ =	swait.ge [sflag:s25], $0x2000  }
0x48: {  	s3 =	sadd.s32 $0x4F80, s31;
	s31 =	sadd.s32 $0x3, s29;
	[sflag:s25] =	ssyncset.done $0x0  }
0x49: {  	p1 =	sge.u32 s31, s28;
	[sflag:s25] =	ssyncadd.s32 $0xFFFFE000  }
0x4a: {  	[spmem:s2] =	stream.indirect.scatter.add.f32 [tilespmem:s21], [sflag:$0x5], $0x40, s3, s15, $0xb8;
	[tilespmem:$0x1BC00] =	vst v63  }
0x4b: {  	s0 =	sshra.s32 @!p1 s30, $0x2;
	s1 =	simm.s32 @!p1 $0x80;
	_ =	swait.ge [sflag:s14], $0x2000  }
0x4c: {  	s30 =	sadd.s32 $0x800, s30;
	s0 =	sadd.s32 @!p1 $0x380, s0;
	[sflag:s14] =	ssyncset.done $0x0  }
0x4d: {  	s3 =	simm.s32 @!p1 $0xFC00;
	s31 =	rddreg [dreg:$0x3];
	[sflag:s14] =	ssyncadd.s32 $0xFFFFE000  }
0x4e: {  	[tilespmem:s3], [sflag:$0x4] =	stream.indirect.gather @!p1 [hbm4b:s4+s1], $0x40, s0, s1, $0xb8;
	[tilespmem:$0x1BC00] =	vst v63  }
0x4f: {  	p1 =	sne.s32 s31, s30  }
.Ltmp0:
0x50: {  	_ = 	snop;
	(pc) =	sbr.rel @p1 .LBB2_2-.Ltmp0, $2  }
0x51: {  	_ =	sdelay $0x2  }
0x52: {  	s29 =	sadd.s32 $0x4, s29  }
0x53: {  	s26 =	sadd.s32 $0x1, s26  }
0x54: {  	p1 =	sne.s32 s26, s11  }
.Ltmp1:
0x55: {  	[bflag:$0x0] =	sbarrier.arrive $0xFFFF;
	(pc) =	sbr.rel @p1 .LBB2_1-.Ltmp1, $4  }
0x56: {  	[hbm:s10], [sflag:s12] =	dma.local [spmem:s13], $0x1400  }
0x57: {  	_ =	swait.ge [sflag:s14], $0x1400  }
0x58: {  	[sflag:s14] =	ssyncset.done $0x0  }
0x59: {  	[sflag:s14] =	ssyncadd.s32 $0xFFFFEC00  }
0x5a: {  	_ =	sfence.sel $0x180000  }
0x5b: {  	[bflag:$0x0] =	sbarrier.arrive $0xFFFF  }
0x5c: {  	_ =	strace $0x9000004D  }
0x5d: {  	s0 =	stileid.u32;
	[bflag:$0x2] =	sbarrier.arrive $0xFFFF  }
0x5e: {  	p0 =	sne.s32 s0, $0x0;
	s0 =	rddreg [dreg:$0x2]  }
0x5f: {  	s0 =	sadd.s32 @!p0 $0x100000, s0  }
0x60: {  	[sflag:s0] =	ssyncadd.tile.s32 @!p0 $0x1;
	_ =	shalt  }
.Lfunc_end2:
_tile_overlayer_lowered:
.L_overlay_start_2:
0x61: {  	(tag) =	ssettag $0x2  }
0x62: {  	s0 =	rddreg [dreg:$0x0];
	s2 =	stileid.u32  }
0x63: {  	s1 =	rddreg [dreg:$0x1];
	p0 =	sne.s32 s2, $0x0  }
0x64: {  	s3 =	rddreg [dreg:$0x2];
	[bflag:$0x3] =	sbarrier.arrive $0xFFFF;
	s2 =	simm.s32 @!p0 $0x1C05  }
0x65: {  	[timem:s3], [sflag:s2] =	dma.local @!p0 [hbm:s0], s1  }
0x66: {  	s0 =	simm.s32 @!p0 $0x5  }
0x67: {  	_ =	swait.ge @!p0 [sflag:s0], s1  }
0x68: {  	s1 =	ssub.s32 @!p0 $0x0, s1;
	[sflag:s0] =	ssyncset.done @!p0 $0x0  }
0x69: {  	[sflag:s0] =	ssyncadd.s32 @!p0 s1  }
0x6a: {  	[bflag:$0x3] =	sbarrier.arrive $0xFFFF  }
0x6b: {  	_ =	shalt  }

// kernel: kernel.19.cloned.1.call-start
scs
__scs_entry_jumppad:
0x0: {  	(pc) =	sbr.rel $0x88, $3  }
0x1: {  	(tag) =	ssettag $0x0;
	lr =	simm.s32 $0x1  }
0x2: {  	[smem:$0x3F99] =	sst lr;
	_ =	strace $0xD0000000  }
0x3: {  	_ = 	snop  }
0x4: {  	_ = 	snop  }
0x5: {  	_ = 	snop  }
0x6: {  	_ = 	snop  }
0x7: {  	_ = 	snop  }
__scs_overlays_trampoline_lowered:
0x8: {  	[smem:$0x3FA8] =	sst s0  }
0x9: {  	[smem:$0x3FA9] =	sst s1  }
0xa: {  	[smem:$0x3FAA] =	sst s2  }
0xb: {  	[smem:$0x3FAB] =	sst s3  }
0xc: {  	[smem:$0x3FAC] =	sst s4  }
0xd: {  	[smem:$0x3FAD] =	sst s5  }
0xe: {  	[smem:$0x3FAE] =	sst s6  }
0xf: {  	[smem:$0x3FAF] =	sst s7  }
0x10: {  	[smem:$0x3FB0] =	sst s8  }
0x11: {  	[smem:$0x3FB1] =	sst s9;
	s0 =	simm.s32 @!p0 $0x0  }
0x12: {  	s1 =	sld [smem:$0x3F97];
	s0 =	simm.s32 @p0 $0x1  }
0x13: {  	[smem:$0x3FB2] =	sst s0;
	s0 =	simm.s32 @!p1 $0x0  }
0x14: {  	s2 =	sld [smem:$0x3F96];
	s0 =	simm.s32 @p1 $0x1  }
0x15: {  	[smem:$0x3FB3] =	sst s0;
	s0 =	simm.s32 @!p2 $0x0  }
0x16: {  	s3 =	sld [smem:$0x3FDB];
	s0 =	simm.s32 @p2 $0x1  }
0x17: {  	s4 =	simm.s32 $0x1BF5;
	[smem:$0x3FB5] =	sst s0  }
0x18: {  	s0 =	sld [smem:$0x3F98];
	_ =	swait.ge [sflag:s4], $0x0  }
0x19: {  	s7 =	sld [smem:$0x3F99]  }
0x1a: {  	s8 =	sadd.s32 $0xFFFFE003, lr  }
0x1b: {  	s9 =	sadd.s32 $0xFFFFFEF7, lr;
	s5 =	simm.s32 $0xFFFFFFFF;
	p2 =	slt.u32 s8, $0xFFFFF086  }
0x1c: {  	p1 =	slt.u32 s9, $0xF7A;
	s5 =	simm.s32 @!p2 $0x0  }
0x1d: {  	s5 =	simm.s32 @p1 $0x1;
	p0 =	seq.s32 s7, s2  }
0x1e: {  	s7 =	smul.u32 @!p0 $0xF7A, s2;
	p2 =	seq.s32 @!p0 s5, $0x0  }
0x1f: {  	s9 =	smul.u32 $0xF7A, s1;
	s8 =	simm.s32 @!p0 $0x1BF5;
	p2 =	por !p2, p0  }
0x20: {  	[sflag:s8] =	ssyncset.s32 @!p0 $0xFFFFF086;
	s6 =	sadd.s32 @!p0 s3, s7;
	s7 =	simm.s32 @!p0 $0x108  }
0x21: {  	s3 =	sadd.s32 s3, s9;
	s6 =	sadd.s32 @!p0 $0x88, s6;
	s7 =	simm.s32 @p2 $0x1082  }
0x22: {  	[simem:s7], [sflag:s8] =	dma.local @!p0 [hbm:s6], $0xF7A  }
0x23: {  	s9 =	sor.u32 $0xD0000000, s2;
	s6 =	simm.s32 $0x108;
	_ =	swait.ge @!p0 [sflag:s8], $0x0  }
0x24: {  	s3 =	sadd.s32 $0x88, s3;
	s6 =	simm.s32 @!p1 $0x1082;
	[sflag:s4] =	ssyncset.s32 $0xFFFFF086  }
0x25: {  	[simem:s6], [sflag:s4] =	dma.local [hbm:s3], $0xF7A  }
0x26: {  	[smem:$0x3F99] =	sst s1;
	(tag) =	ssettag s2;
	_ =	strace s9  }
0x27: {  	s1 =	sld [smem:$0x3FA9]  }
0x28: {  	s2 =	sld [smem:$0x3FAA]  }
0x29: {  	s4 =	sld [smem:$0x3FAC]  }
0x2a: {  	p0 =	seq.s32 s5, $0x0;
	s5 =	sld [smem:$0x3FAD]  }
0x2b: {  	s6 =	sld [smem:$0x3FAE]  }
0x2c: {  	s7 =	sld [smem:$0x3FAF]  }
0x2d: {  	s3 =	simm.s32 $0x108;
	s8 =	sld [smem:$0x3FB0]  }
0x2e: {  	s3 =	simm.s32 @!p0 $0x1082;
	s9 =	sld [smem:$0x3FB1]  }
0x2f: {  	lr =	sadd.s32 s0, s3;
	s0 =	sld [smem:$0x3FA8]  }
0x30: {  	s3 =	sld [smem:$0x3FAB]  }
0x31: {  	[smem:$0x3FB4] =	sst s10  }
0x32: {  	s10 =	sld [smem:$0x3FB2];
	_ =	sdelay $0x3  }
0x33: {  	p0 =	seq.s32 s10, $0x1;
	s10 =	sld [smem:$0x3FB4];
	_ =	sdelay $0x3  }
0x34: {  	[smem:$0x3FB4] =	sst s10  }
0x35: {  	s10 =	sld [smem:$0x3FB3];
	_ =	sdelay $0x3  }
0x36: {  	p1 =	seq.s32 s10, $0x1;
	s10 =	sld [smem:$0x3FB4];
	_ =	sdelay $0x3  }
0x37: {  	[smem:$0x3FB4] =	sst s10  }
0x38: {  	s10 =	sld [smem:$0x3FB5]  }
0x39: {  	_ = 	snop;
	(pc) =	sbr.ind lr, $3  }
0x3a: {  	_ = 	snop  }
0x3b: {  	_ = 	snop  }
0x3c: {  	p2 =	seq.s32 s10, $0x1;
	s10 =	sld [smem:$0x3FB4]  }
0x3d: {  	_ =	shalt  }
0x3e: {  	_ =	shalt  }
0x3f: {  	_ =	shalt  }
0x40: {  	_ =	shalt  }
0x41: {  	_ =	shalt  }
0x42: {  	_ =	shalt  }
0x43: {  	_ =	shalt  }
0x44: {  	_ =	shalt  }
0x45: {  	_ =	shalt  }
0x46: {  	_ =	shalt  }
0x47: {  	_ =	shalt  }
0x48: {  	_ =	shalt  }
0x49: {  	_ =	shalt  }
0x4a: {  	_ =	shalt  }
0x4b: {  	_ =	shalt  }
0x4c: {  	_ =	shalt  }
0x4d: {  	_ =	shalt  }
0x4e: {  	_ =	shalt  }
0x4f: {  	_ =	shalt  }
0x50: {  	_ =	shalt  }
0x51: {  	_ =	shalt  }
0x52: {  	_ =	shalt  }
0x53: {  	_ =	shalt  }
0x54: {  	_ =	shalt  }
0x55: {  	_ =	shalt  }
0x56: {  	_ =	shalt  }
0x57: {  	_ =	shalt  }
0x58: {  	_ =	shalt  }
0x59: {  	_ =	shalt  }
0x5a: {  	_ =	shalt  }
0x5b: {  	_ =	shalt  }
0x5c: {  	_ =	shalt  }
0x5d: {  	_ =	shalt  }
0x5e: {  	_ =	shalt  }
0x5f: {  	_ =	shalt  }
0x60: {  	_ =	shalt  }
0x61: {  	_ =	shalt  }
0x62: {  	_ =	shalt  }
0x63: {  	_ =	shalt  }
0x64: {  	_ =	shalt  }
0x65: {  	_ =	shalt  }
0x66: {  	_ =	shalt  }
0x67: {  	_ =	shalt  }
0x68: {  	_ =	shalt  }
0x69: {  	_ =	shalt  }
0x6a: {  	_ =	shalt  }
0x6b: {  	_ =	shalt  }
0x6c: {  	_ =	shalt  }
0x6d: {  	_ =	shalt  }
0x6e: {  	_ =	shalt  }
0x6f: {  	_ =	shalt  }
0x70: {  	_ =	shalt  }
0x71: {  	_ =	shalt  }
0x72: {  	_ =	shalt  }
0x73: {  	_ =	shalt  }
0x74: {  	_ =	shalt  }
0x75: {  	_ =	shalt  }
0x76: {  	_ =	shalt  }
0x77: {  	_ =	shalt  }
0x78: {  	_ =	shalt  }
0x79: {  	_ =	shalt  }
0x7a: {  	_ =	shalt  }
0x7b: {  	_ =	shalt  }
0x7c: {  	_ =	shalt  }
0x7d: {  	_ =	shalt  }
0x7e: {  	_ =	shalt  }
0x7f: {  	_ =	shalt  }
0x80: {  	_ =	shalt  }
0x81: {  	_ =	shalt  }
0x82: {  	_ =	shalt  }
0x83: {  	_ =	shalt  }
0x84: {  	_ =	shalt  }
0x85: {  	_ =	shalt  }
0x86: {  	_ =	shalt  }
0x87: {  	_ =	shalt  }
.Lfunc_end0:
.L_simem_size_0:
called_computation.3_lowered:
.L_overlay_start_0:
0x88: {  	s2 =	sld [smem:$0x3FD9]  }
0x89: {  	s3 =	sld [smem:$0x3FFE];
	_ =	sdelay $0x1  }
0x8a: {  	s1 =	srdreg.scid  }
0x8b: {  	s0 =	sand.u32 $0x1, s1  }
0x8c: {  	s16 =	sshll.u32 s0, $0xA;
	s2 =	sadd.s32 s3, s2  }
0x8d: {  	s2 =	sadd.s32 s2, s16  }
0x8e: {  	[smem:$0x3FC0] =	sst s2  }
0x8f: {  	_ = 	snop  }
0x90: {  	(tm) =	ssettm $0x1  }
0x91: {  	s17 =	sld [smem:$0x3FFB];
	_ =	sdelay $0x3  }
0x92: {  	_ =	strace s17  }
0x93: {  	s2 =	sld [smem:$0x3FFC];
	_ =	sdelay $0x3  }
0x94: {  	_ =	strace s2  }
0x95: {  	s2 =	sld [smem:$0x3FFD];
	_ =	sdelay $0x3  }
0x96: {  	_ =	strace s2  }
0x97: {  	_ =	strace $0x8FFFFFFF  }
0x98: {  	s18 =	sld [smem:$0x3FDB];
	_ =	sdelay $0x1  }
0x99: {  	s19 =	simm.s32 $_scs_section_size  }
0x9a: {  	s4 =	simm.s32 $_size__tile_overlayer_lowered;
	s5 =	simm.s32 $_tile_overlayer_lowered  }
0x9b: {  	s22 =	simm.s32 $0x1BFF;
	s21 =	sshll.u32 s5, $0x1;
	s2 =	sadd.s32 s19, s18  }
0x9c: {  	s6 =	simm.s32 $0x0;
	s20 =	sshll.u32 s4, $0x1;
	s4 =	sadd.s32 s21, s2  }
0x9d: {  	[timem:s6], [sflag:s22] =	dma.local [hbm:s4], s20  }
0x9e: {  	_ =	swait.ge [sflag:s22], s20  }
0x9f: {  	s3 =	ssub.s32 $0x0, s20;
	[sflag:s22] =	ssyncset.done $0x0  }
0xa0: {  	[sflag:s22] =	ssyncadd.s32 s3;
	_ =	sdelay $0x1  }
0xa1: {  	s23 =	simm.s32 $0x1B8B  }
0xa2: {  	_ =	swait.ge [sflag:s23], $0x1  }
0xa3: {  	[sflag:s23] =	ssyncset.done $0x0  }
0xa4: {  	s25 =	simm.s32 $0x1B8E;
	s24 =	sld [smem:$0x3FFE];
	[sflag:s23] =	ssyncadd.s32 $0xFFFFFFFF  }
0xa5: {  	s26 =	simm.s32 $execute0_lowered;
	[smem:$0x3FD2] =	sst s25  }
0xa6: {  	s4 =	sshll.u32 s26, $0x1;
	_ =	strace $0x8000004F;
	[dreg:$0x1] =	wrdreg $0xFFFFFFFF  }
0xa7: {  	s28 =	simm.s32 $_size_execute0_lowered;
	s2 =	sadd.s32 s2, s4;
	[dreg:$0x0] =	wrdreg $0x0  }
0xa8: {  	s4 =	sshll.u32 s28, $0x1;
	[dreg:$0x2] =	wrdreg s2  }
0xa9: {  	[dreg:$0x3] =	wrdreg s4  }
0xaa: {  	[dreg:$0x4] =	wrdreg $0xC0  }
0xab: {  	_ =	task [dreg:s6], $0x5FFFF  }
0xac: {  	[dreg:$0x1] =	wrdreg $0xFFFFFFFF  }
0xad: {  	[dreg:$0x0] =	wrdreg $0x60  }
0xae: {  	[dreg:$0x2] =	wrdreg s24  }
0xaf: {  	[dreg:$0x3] =	wrdreg $0xBC000  }
0xb0: {  	[dreg:$0x4] =	wrdreg $0x9  }
0xb1: {  	_ =	task.clear_ibuf [dreg:s6], $0x5FFFF;
	_ =	strace $0x9000004F  }
0xb2: {  	s29 =	simm.s32 $0x9;
	_ =	strace $0x80000051  }
0xb3: {  	_ =	swait.ge [sflag:s29], $0x1  }
0xb4: {  	[sflag:s29] =	ssyncadd.s32 $0xFFFFFFFF  }
0xb5: {  	_ =	strace $0x90000051  }
0xb6: {  	_ =	sfence  }
0xb7: {  	s30 =	sld [smem:$0x0];
	_ =	sdelay $0x2  }
0xb8: {  	s31 =	sshll.u32 s1, $0xD;
	s1 =	sshrl.u32 s1, $0x2  }
0xb9: {  	s3 =	sand.u32 $0x4000, s31;
	s1 =	sadd.s32 s1, s30  }
0xba: {  	s0 =	sor.u32 s3, s0;
	s1 =	sshll.u32 s1, $0x11  }
0xbb: {  	s0 =	sor.u32 s1, s0  }
0xbc: {  	s0 =	sadd.s32 $0x8F2B, s0  }
0xbd: {  	[sflag:s0] =	ssyncadd.remote.s32 $0x1  }
0xbe: {  	_ =	sfence.sel $0xFFFF  }
0xbf: {  	[dreg:$0x0] =	wrdreg $0xFFFFFFFF;
	(pc) =	sbr.abs _section_cstart, $3  }
0xc0: {  	[dreg:$0x1] =	wrdreg $0xFFFFFFFF  }
0xc1: {  	_ =	task.clear_ibuf [dreg:s6], $0x2FFFF;
	_ =	strace $0x9FFFFFFF  }
0xc2: {  	(tm) =	ssettm $0x7FFFFFFF  }
0xc3: {  	_ =	shalt  }
tec
execute0_lowered:
.L_overlay_start_1:
0x0: {  	(tag) =	ssettag $0x1  }
0x1: {  	s5 =	rddreg [dreg:$0x0]  }
0x2: {  	s2 =	rddreg [dreg:$0x1];
	s0 =	stileid.u32  }
0x3: {  	s4 =	srdreg.scid;
	s1 =	simm.s32 $0x0;
	s17 =	simm.s32 $0xA400  }
0x4: {  	s18 =	simm.s32 $0x100;
	s19 =	simm.s32 $0xAC00;
	s20 =	simm.s32 $0x180  }
0x5: {  	s21 =	simm.s32 $0xB400;
	s22 =	simm.s32 $0x1;
	s23 =	simm.s32 $0x2  }
0x6: {  	s24 =	simm.s32 $0x3;
	s25 =	simm.s32 $0x4;
	s26 =	simm.s32 $0x0  }
0x7: {  	s9 =	smul.u32 $0x2800, s0;
	s12 =	sand.u32 $0x1, s4;
	[smem:$0x7FF] =	sst s1  }
0x8: {  	s4 =	sadd.s32 $0x16000, s5;
	s7 =	sadd.s32 $0xC000, s5;
	s15 =	smul.u32 $0x9C0, s0  }
0x9: {  	s8 =	sadd.s32 $0x1A00, s5;
	s14 =	sshll.u32 s0, $0x6;
	s6 =	smul.u32 $0x28000, s12  }
0xa: {  	_ =	strace $0x80000050;
	s11 =	ssub.s32 $0x2, s12;
	s30 =	sor.u32 $0x9C00, s14  }
0xb: {  	p0 =	sne.s32 s12, $0x0;
	s12 =	sor.u32 $0x1C05, s14;
	s14 =	simm.s32 $0x5  }
0xc: {  	s10 =	sshrl.u32 s9, $0x3;
	s13 =	sshrl.u32 s11, $0x1;
	s31 =	sadd.s32 s9, s2  }
0xd: {  	s6 =	sadd.s32 s9, s6;
	s10 =	sadd.s32 s10, s5;
	s11 =	ssub.s32 s11, s13  }
0xe: {  	s13 =	sshrl.u32 s31, $0x3;
	s6 =	sshrl.u32 s6, $0x3;
	s9 =	sadd.s32 $0x1B000, s10  }
0xf: {  	s11 =	smax.u32 s11, $0x1;
	s16 =	sadd.s32 s6, s5;
	s5 =	sadd.s32 s7, s30  }
0x10: {  	s6 =	sadd.s32 s8, s30;
	s7 =	sadd.s32 s7, s15;
	s8 =	sadd.s32 s8, s15  }
0x11: {  	s15 =	simm.s32 $0x80;
	s10 =	sadd.s32 $0x20000, s16;
	s16 =	simm.s32 $0x9C00  }
.LBB2_1:
0x12: {  	s28 =	simm.s32 @p0 $0x0;
	s29 =	simm.s32 @p0 $0x5  }
0x13: {  	[tilespmem:s28], [sflag:$0x5] =	stream.linear.gather @p0 [hbm4b:s5+s28], $0x200, $0x38;
	[tilespmem:$0xE400] =	vst v63  }
0x14: {  	_ =	swait.ge @p0 [sflag:s29], $0x200  }
0x15: {  	[sflag:s29] =	ssyncset.done @p0 $0x0  }
0x16: {  	s30 =	simm.s32 @p0 $0x4E00;
	[sflag:s29] =	ssyncadd.s32 @p0 $0xFFFFFE00  }
0x17: {  	[tilespmem:s30], [sflag:$0x5] =	stream.linear.gather @p0 [hbm4b:s6+s28], $0x200, $0x38;
	[tilespmem:$0xE400] =	vst v63  }
0x18: {  	_ =	swait.ge @p0 [sflag:s29], $0x200  }
0x19: {  	[sflag:s29] =	ssyncset.done @p0 $0x0  }
0x1a: {  	s28 =	simm.s32 @!p0 $0x0;
	[sflag:s29] =	ssyncadd.s32 @p0 $0xFFFFFE00;
	s29 =	simm.s32 @!p0 $0x5  }
0x1b: {  	[tilespmem:s28], [sflag:$0x5] =	stream.linear.gather @!p0 [hbm4b:s7+s28], $0x4E00, $0x38;
	[tilespmem:$0xE400] =	vst v63  }
0x1c: {  	_ =	swait.ge @!p0 [sflag:s29], $0x4E00  }
0x1d: {  	[sflag:s29] =	ssyncset.done @!p0 $0x0  }
0x1e: {  	s30 =	simm.s32 @!p0 $0x4E00;
	[sflag:s29] =	ssyncadd.s32 @!p0 $0xFFFFB200  }
0x1f: {  	[tilespmem:s30], [sflag:$0x5] =	stream.linear.gather @!p0 [hbm4b:s8+s28], $0x4E00, $0x38;
	[tilespmem:$0xE400] =	vst v63  }
0x20: {  	_ =	swait.ge @!p0 [sflag:s29], $0x4E00  }
0x21: {  	[sflag:s29] =	ssyncset.done @!p0 $0x0  }
0x22: {  	[sflag:s29] =	ssyncadd.s32 @!p0 $0xFFFFB200  }
0x23: {  	[spmem:s13], [sflag:s12] =	dma.local [hbm:s9], $0x500  }
0x24: {  	_ =	swait.ge [sflag:s14], $0x500  }
0x25: {  	[sflag:s14] =	ssyncset.done $0x0  }
0x26: {  	s28 =	simm.s32 @!p0 $0x9C;
	[sflag:s14] =	ssyncadd.s32 $0xFFFFFB00  }
0x27: {  	s0 =	simm.s32 $0x0;
	s28 =	simm.s32 @p0 $0x4;
	[bflag:$0x0] =	sbarrier.arrive $0xFFFF  }
0x28: {  	[tilespmem:s16], [sflag:$0x1] =	stream.indirect.gather [hbm4b:s4+s15], $0x10, s0, s15, $0xb8;
	[tilespmem:$0xE400] =	vst v63  }
0x29: {  	s29 =	sshll.u32 s28, $0x9  }
0x2a: {  	[tilespmem:s17], [sflag:$0x2] =	stream.indirect.gather [hbm4b:s4+s15], $0x10, s15, s15, $0xb8;
	[tilespmem:$0xE400] =	vst v63  }
0x2b: {  	s29 =	sand.u32 $0x1F800, s29  }
0x2c: {  	[tilespmem:s19], [sflag:$0x3] =	stream.indirect.gather [hbm4b:s4+s15], $0x10, s18, s15, $0xb8;
	[tilespmem:$0xE400] =	vst v63  }
0x2d: {  	s30 =	simm.s32 $0x0;
	[dreg:$0x3] =	wrdreg s29;
	s29 =	simm.s32 $0x4  }
0x2e: {  	[tilespmem:s21], [sflag:$0x4] =	stream.indirect.gather [hbm4b:s4+s15], $0x10, s20, s15, $0xb8;
	[tilespmem:$0xE400] =	vst v63  }
.LBB2_2:
0x2f: {  	_ =	swait.ge [sflag:s22], $0x800  }
0x30: {  	s31 =	sshra.s32 s30, $0x2;
	[sflag:s22] =	ssyncset.done $0x0  }
0x31: {  	s0 =	sadd.s32 $0x4E00, s31;
	[sflag:s22] =	ssyncadd.s32 $0xFFFFF800  }
0x32: {  	[spmem:s2] =	stream.indirect.scatter.add.f32 [tilespmem:s16], [sflag:$0x5], $0x10, s0, s15, $0xb8;
	[tilespmem:$0xE400] =	vst v63  }
0x33: {  	p1 =	sge.u32 s29, s28;
	_ =	swait.ge [sflag:s14], $0x800  }
0x34: {  	s1 =	simm.s32 @!p1 $0x80;
	s0 =	sshra.s32 @!p1 s30, $0x2;
	[sflag:s14] =	ssyncset.done $0x0  }
0x35: {  	s3 =	simm.s32 @!p1 $0x9C00;
	s0 =	sadd.s32 @!p1 $0x200, s0;
	[sflag:s14] =	ssyncadd.s32 $0xFFFFF800  }
0x36: {  	[tilespmem:s3], [sflag:$0x1] =	stream.indirect.gather @!p1 [hbm4b:s4+s1], $0x10, s0, s1, $0xb8;
	[tilespmem:$0xE400] =	vst v63  }
0x37: {  	_ =	swait.ge [sflag:s23], $0x800  }
0x38: {  	[sflag:s23] =	ssyncset.done $0x0  }
0x39: {  	s3 =	sadd.s32 $0x4E80, s31;
	s1 =	sadd.s32 $0x1, s29;
	[sflag:s23] =	ssyncadd.s32 $0xFFFFF800  }
0x3a: {  	[spmem:s2] =	stream.indirect.scatter.add.f32 [tilespmem:s17], [sflag:$0x5], $0x10, s3, s15, $0xb8;
	[tilespmem:$0xE400] =	vst v63  }
0x3b: {  	p1 =	sge.u32 s1, s28;
	_ =	swait.ge [sflag:s14], $0x800  }
0x3c: {  	s0 =	sshra.s32 @!p1 s30, $0x2;
	s1 =	simm.s32 @!p1 $0x80;
	[sflag:s14] =	ssyncset.done $0x0  }
0x3d: {  	s0 =	sadd.s32 @!p1 $0x280, s0;
	s3 =	simm.s32 @!p1 $0xA400;
	[sflag:s14] =	ssyncadd.s32 $0xFFFFF800  }
0x3e: {  	[tilespmem:s3], [sflag:$0x2] =	stream.indirect.gather @!p1 [hbm4b:s4+s1], $0x10, s0, s1, $0xb8;
	[tilespmem:$0xE400] =	vst v63  }
0x3f: {  	_ =	swait.ge [sflag:s24], $0x800  }
0x40: {  	[sflag:s24] =	ssyncset.done $0x0  }
0x41: {  	s3 =	sadd.s32 $0x4F00, s31;
	s1 =	sadd.s32 $0x2, s29;
	[sflag:s24] =	ssyncadd.s32 $0xFFFFF800  }
0x42: {  	[spmem:s2] =	stream.indirect.scatter.add.f32 [tilespmem:s19], [sflag:$0x5], $0x10, s3, s15, $0xb8;
	[tilespmem:$0xE400] =	vst v63  }
0x43: {  	p1 =	sge.u32 s1, s28;
	_ =	swait.ge [sflag:s14], $0x800  }
0x44: {  	s0 =	sshra.s32 @!p1 s30, $0x2;
	s1 =	simm.s32 @!p1 $0x80;
	[sflag:s14] =	ssyncset.done $0x0  }
0x45: {  	s0 =	sadd.s32 @!p1 $0x300, s0;
	s3 =	simm.s32 @!p1 $0xAC00;
	[sflag:s14] =	ssyncadd.s32 $0xFFFFF800  }
0x46: {  	[tilespmem:s3], [sflag:$0x3] =	stream.indirect.gather @!p1 [hbm4b:s4+s1], $0x10, s0, s1, $0xb8;
	[tilespmem:$0xE400] =	vst v63  }
0x47: {  	_ =	swait.ge [sflag:s25], $0x800  }
0x48: {  	s3 =	sadd.s32 $0x4F80, s31;
	s31 =	sadd.s32 $0x3, s29;
	[sflag:s25] =	ssyncset.done $0x0  }
0x49: {  	p1 =	sge.u32 s31, s28;
	[sflag:s25] =	ssyncadd.s32 $0xFFFFF800  }
0x4a: {  	[spmem:s2] =	stream.indirect.scatter.add.f32 [tilespmem:s21], [sflag:$0x5], $0x10, s3, s15, $0xb8;
	[tilespmem:$0xE400] =	vst v63  }
0x4b: {  	s0 =	sshra.s32 @!p1 s30, $0x2;
	s1 =	simm.s32 @!p1 $0x80;
	_ =	swait.ge [sflag:s14], $0x800  }
0x4c: {  	s30 =	sadd.s32 $0x800, s30;
	s0 =	sadd.s32 @!p1 $0x380, s0;
	[sflag:s14] =	ssyncset.done $0x0  }
0x4d: {  	s3 =	simm.s32 @!p1 $0xB400;
	s31 =	rddreg [dreg:$0x3];
	[sflag:s14] =	ssyncadd.s32 $0xFFFFF800  }
0x4e: {  	[tilespmem:s3], [sflag:$0x4] =	stream.indirect.gather @!p1 [hbm4b:s4+s1], $0x10, s0, s1, $0xb8;
	[tilespmem:$0xE400] =	vst v63  }
0x4f: {  	p1 =	sne.s32 s31, s30  }
.Ltmp0:
0x50: {  	_ = 	snop;
	(pc) =	sbr.rel @p1 .LBB2_2-.Ltmp0, $2  }
0x51: {  	_ =	sdelay $0x2  }
0x52: {  	s29 =	sadd.s32 $0x4, s29  }
0x53: {  	s26 =	sadd.s32 $0x1, s26  }
0x54: {  	p1 =	sne.s32 s26, s11  }
.Ltmp1:
0x55: {  	[bflag:$0x0] =	sbarrier.arrive $0xFFFF;
	(pc) =	sbr.rel @p1 .LBB2_1-.Ltmp1, $4  }
0x56: {  	[hbm:s10], [sflag:s12] =	dma.local [spmem:s13], $0x500  }
0x57: {  	_ =	swait.ge [sflag:s14], $0x500  }
0x58: {  	[sflag:s14] =	ssyncset.done $0x0  }
0x59: {  	[sflag:s14] =	ssyncadd.s32 $0xFFFFFB00  }
0x5a: {  	_ =	sfence.sel $0x180000  }
0x5b: {  	[bflag:$0x0] =	sbarrier.arrive $0xFFFF  }
0x5c: {  	_ =	strace $0x90000050  }
0x5d: {  	s0 =	stileid.u32;
	[bflag:$0x2] =	sbarrier.arrive $0xFFFF  }
0x5e: {  	p0 =	sne.s32 s0, $0x0;
	s0 =	rddreg [dreg:$0x2]  }
0x5f: {  	s0 =	sadd.s32 @!p0 $0x100000, s0  }
0x60: {  	[sflag:s0] =	ssyncadd.tile.s32 @!p0 $0x1;
	_ =	shalt  }
.Lfunc_end2:
_tile_overlayer_lowered:
.L_overlay_start_2:
0x61: {  	(tag) =	ssettag $0x2  }
0x62: {  	s0 =	rddreg [dreg:$0x0];
	s2 =	stileid.u32  }
0x63: {  	s1 =	rddreg [dreg:$0x1];
	p0 =	sne.s32 s2, $0x0  }
0x64: {  	s3 =	rddreg [dreg:$0x2];
	[bflag:$0x3] =	sbarrier.arrive $0xFFFF;
	s2 =	simm.s32 @!p0 $0x1C05  }
0x65: {  	[timem:s3], [sflag:s2] =	dma.local @!p0 [hbm:s0], s1  }
0x66: {  	s0 =	simm.s32 @!p0 $0x5  }
0x67: {  	_ =	swait.ge @!p0 [sflag:s0], s1  }
0x68: {  	s1 =	ssub.s32 @!p0 $0x0, s1;
	[sflag:s0] =	ssyncset.done @!p0 $0x0  }
0x69: {  	[sflag:s0] =	ssyncadd.s32 @!p0 s1  }
0x6a: {  	[bflag:$0x3] =	sbarrier.arrive $0xFFFF  }
0x6b: {  	_ =	shalt  }

</sc_bundles>
